<compile_context>
chip_gen: v7x
topology: tpu7x:2x2x1
jax: 0.10.2.dev20260603
libtpu: 0.0.44.dev20260713+nightly
codegen_flags: <defaults>
</compile_context>

<pallas_src>
import functools

import jax
import jax.numpy as jnp
from jax import lax
from jax.experimental import pallas as pl
from jax.experimental.pallas import tpu as pltpu
from jax.experimental.pallas import tpu_sc as plsc

_PAD = 1
_LANES = 16
_NW = 32
_K = 32


@functools.lru_cache(maxsize=None)
def _build_sc_kernel(B, S, D):
    SPAN = S // _NW
    NCHUNK = SPAN // _K
    mesh = plsc.VectorSubcoreMesh(core_axis_name="c", subcore_axis_name="s")

    @functools.partial(
        pl.kernel,
        out_type=jax.ShapeDtypeStruct((B * S, D), jnp.float32),
        mesh=mesh,
        scratch_types=[
            pltpu.VMEM((S,), jnp.int32),
            pltpu.VMEM((S,), jnp.int32),
            pltpu.VMEM((B * SPAN,), jnp.int32),
            pltpu.VMEM((_K, D), jnp.float32),
            pltpu.VMEM((_K, D), jnp.float32),
            pltpu.VMEM((_K, D), jnp.float32),
            pltpu.SemaphoreType.DMA,
            pltpu.SemaphoreType.DMA,
            pltpu.SemaphoreType.DMA,
            pltpu.SemaphoreType.DMA,
            pltpu.SemaphoreType.DMA,
            pltpu.SemaphoreType.DMA,
        ],
        compiler_params=pltpu.CompilerParams(needs_layout_passes=False),
    )
    def sc_kernel(
        ids_hbm, table_hbm, out_hbm,
        ids0_v, ids1_v, idx_v, bufa0, bufa1, bufb,
        gsem0, gsem1, osem0, osem1, msem, isem,
    ):
        wid = lax.axis_index("s") * 2 + lax.axis_index("c")
        tok0 = wid * SPAN

        one = jnp.full((_LANES,), 1, jnp.int32)
        zero = jnp.full((_LANES,), 0, jnp.int32)
        pad_vec = jnp.full((_LANES,), _PAD, jnp.int32)

        _UNROLL = 8
        pltpu.async_copy(ids_hbm.at[pl.ds(0, S)], ids0_v, isem)
        for r in range(B):
            ids_v = ids0_v if r % 2 == 0 else ids1_v
            nxt_v = ids1_v if r % 2 == 0 else ids0_v
            pltpu.make_async_copy(ids_hbm.at[pl.ds(0, S)], ids_v, isem).wait()
            if r + 1 < B:
                pltpu.async_copy(
                    ids_hbm.at[pl.ds((r + 1) * S, S)], nxt_v, isem
                )

            def _cnt(j, acc, ids_v=ids_v):
                for u in range(_UNROLL):
                    v = ids_v[pl.ds((j * _UNROLL + u) * _LANES, _LANES)]
                    acc = acc + jnp.where(v != _PAD, one, zero)
                return acc
            accv = lax.fori_loop(
                0, wid * (SPAN // (_UNROLL * _LANES)), _cnt, zero
            )
            prefix = jnp.sum(accv)

            def _pos(j, run, ids_v=ids_v, r=r):
                v = ids_v[pl.ds(tok0 + j * _LANES, _LANES)]
                m = v != _PAD
                c = jnp.cumsum(jnp.where(m, one, zero))
                idx_v[pl.ds(r * SPAN + j * _LANES, _LANES)] = jnp.where(
                    m, c + run, pad_vec
                )
                return run + c[_LANES - 1]
            lax.fori_loop(0, SPAN // _LANES, _pos, prefix + jnp.int32(1))
            if r == 0:
                pltpu.async_copy(
                    table_hbm.at[idx_v.at[pl.ds(0, _K)]], bufa0, gsem0
                )

        bufs = (bufa0, bufa1)
        gsems = (gsem0, gsem1)
        osems = (osem0, osem1)
        cnt = [jnp.int32(0)] * 2

        def _drain(bi):
            def _d(_, c2):
                pltpu.make_async_copy(
                    bufs[bi], out_hbm.at[pl.ds(tok0, _K)], osems[bi]
                ).wait()
                return c2
            lax.fori_loop(0, cnt[bi], _d, jnp.int32(0))

        for c in range(NCHUNK):
            bi = c % 2
            ni = (c + 1) % 2
            buf = bufs[bi]
            coff = c * _K
            pltpu.make_async_copy(
                table_hbm.at[idx_v.at[pl.ds(0, _K)]], buf, gsems[bi]
            ).wait()
            if c + 1 < NCHUNK:
                _drain(ni)
                cnt[ni] = jnp.int32(0)
                pltpu.async_copy(
                    table_hbm.at[idx_v.at[pl.ds((c + 1) * _K, _K)]],
                    bufs[ni], gsems[ni],
                )
            pltpu.async_copy(
                buf, out_hbm.at[pl.ds(tok0 + coff, _K)], osems[bi]
            )
            ncopy = jnp.int32(1)
            for r in range(1, B):
                roff = r * SPAN + coff
                d0 = jnp.where(
                    idx_v[pl.ds(roff, _LANES)] == idx_v[pl.ds(coff, _LANES)],
                    zero, one,
                )
                d1 = jnp.where(
                    idx_v[pl.ds(roff + _LANES, _LANES)]
                    == idx_v[pl.ds(coff + _LANES, _LANES)],
                    zero, one,
                )
                same = jnp.sum(d0 + d1) == 0
                dst = out_hbm.at[pl.ds(r * S + tok0 + coff, _K)]

                @pl.when(same)
                def _reuse(buf=buf, dst=dst, bi=bi):
                    pltpu.async_copy(buf, dst, osems[bi])

                @pl.when(jnp.logical_not(same))
                def _regather(roff=roff, dst=dst):
                    pltpu.async_copy(
                        table_hbm.at[idx_v.at[pl.ds(roff, _K)]], bufb, msem
                    ).wait()
                    pltpu.sync_copy(bufb, dst)

                ncopy = ncopy + jnp.where(same, jnp.int32(1), jnp.int32(0))
            cnt[bi] = ncopy
        for bi in range(2):
            _drain(bi)

    return sc_kernel


def kernel(input, weights):
    B, S = input.shape
    _, D = weights.shape
    out = _build_sc_kernel(B, S, D)(input.reshape(-1), weights)
    return out.reshape(B, S, D)

# --- scband reference (transcript-rebuilt; emitter-appended) ---
"""Pipeline reference for scband-sinusoidal-positional-embedding-37898791420086 (READ-ONLY COPY).

The authoritative reference and input builder live on the scoring server;
editing this copy changes nothing except your own understanding.
"""

import jax, jax.numpy as jnp
import numpy as np

PADDING_IDX = 1
EMBEDDING_DIM = 1024
BATCH = 4
SEQ_LEN = 8192


def get_embedding(num_embeddings, embedding_dim, padding_idx):
    half_dim = embedding_dim // 2
    scale = np.log(10000.0) / (half_dim - 1)
    freqs = np.exp(-scale * np.arange(half_dim, dtype=np.float64))
    emb = np.arange(num_embeddings, dtype=np.float64)[:, None] * freqs[None, :]
    emb = np.concatenate([np.sin(emb), np.cos(emb)], axis=1)
    if embedding_dim % 2 == 1:
        emb = np.concatenate([emb, np.zeros((num_embeddings, 1))], axis=1)
    if padding_idx is not None:
        emb[padding_idx, :] = 0.0
    return jnp.asarray(emb, dtype=jnp.float32)


def make_positions(input_ids, padding_idx):
    mask = (input_ids != padding_idx).astype(jnp.int32)
    return jnp.cumsum(mask, axis=1) * mask + padding_idx


def setup_inputs(seed: int = 0) -> dict:
    key = jax.random.key(seed)
    input_ids = jax.random.randint(key, (BATCH, SEQ_LEN), 0, 32000, dtype=jnp.int32)
    # forward rebuilds/uses table of size padding_idx + 1 + seq_len
    weights = get_embedding(PADDING_IDX + 1 + SEQ_LEN, EMBEDDING_DIM, PADDING_IDX)
    return {"input": input_ids, "weights": weights}


def reference(input, weights):
    bsz, seq_len = input.shape
    positions = make_positions(input, PADDING_IDX)
    out = jnp.take(weights, positions.reshape(-1), axis=0)
    return out.reshape(bsz, seq_len, -1)

if __name__ == "__main__":
    import jax
    _d = setup_inputs()
    print(jax.jit(kernel)(*tuple(_d.values())))

</pallas_src>

<mosaic_0001>
#map = affine_map<(d0, d1) -> (0)>
#map1 = affine_map<(d0, d1) -> (0, 0)>
module attributes {stable_mosaic.version = 14 : i64} {
  func.func @sc_kernel(%arg0: i32, %arg1: i32, %arg2: memref<32768xi32, #tpu.memory_space<hbm>>, %arg3: memref<8194x1024xf32, #tpu.memory_space<hbm>>, %arg4: memref<32768x1024xf32, #tpu.memory_space<hbm>>, %arg5: memref<8192xi32, #tpu.memory_space<vmem>>, %arg6: memref<8192xi32, #tpu.memory_space<vmem>>, %arg7: memref<1024xi32, #tpu.memory_space<vmem>>, %arg8: memref<32x1024xf32, #tpu.memory_space<vmem>>, %arg9: memref<32x1024xf32, #tpu.memory_space<vmem>>, %arg10: memref<32x1024xf32, #tpu.memory_space<vmem>>, %arg11: memref<!tpu.dma_semaphore, #tpu.memory_space<semaphore_mem>>, %arg12: memref<!tpu.dma_semaphore, #tpu.memory_space<semaphore_mem>>, %arg13: memref<!tpu.dma_semaphore, #tpu.memory_space<semaphore_mem>>, %arg14: memref<!tpu.dma_semaphore, #tpu.memory_space<semaphore_mem>>, %arg15: memref<!tpu.dma_semaphore, #tpu.memory_space<semaphore_mem>>, %arg16: memref<!tpu.dma_semaphore, #tpu.memory_space<semaphore_mem>>) attributes {dimension_semantics = [#tpu.dimension_semantics<core_parallel>, #tpu.dimension_semantics<subcore_parallel>], iteration_bounds = array<i64: 2, 16>, scalar_prefetch = 0 : i64, scratch_operands = 12 : i64, tpu.core_type = #tpu.core_type<sc_vector_subcore>, window_params = [{transform_indices = #map}, {transform_indices = #map1}, {transform_indices = #map1}]} {
    %mul3A = arith.constant 2 : i32
    %mul3A_0 = arith.muli %arg1, %mul3A : i32
    %add3A = arith.addi %mul3A_0, %arg0 : i32
    %mul3A_1 = arith.constant 256 : i32
    %mul3A_2 = arith.muli %add3A, %mul3A_1 : i32
    %broadcast_in_dim3A = arith.constant 1 : i32
    %broadcast_in_dim3A_3 = vector.broadcast %broadcast_in_dim3A : i32 to vector<16xi32>
    %broadcast_in_dim3A_4 = arith.constant 0 : i32
    %broadcast_in_dim3A_5 = vector.broadcast %broadcast_in_dim3A_4 : i32 to vector<16xi32>
    %broadcast_in_dim3A_6 = arith.constant 1 : i32
    %broadcast_in_dim3A_7 = vector.broadcast %broadcast_in_dim3A_6 : i32 to vector<16xi32>
    %dma_start3A = arith.constant 0 : i32
    %dma_start3A_8 = tpu.memref_slice %arg2[%dma_start3A] : memref<32768xi32, #tpu.memory_space<hbm>> -> memref<8192xi32, #tpu.memory_space<hbm>>
    %dma_start3A_9 = arith.constant 0 : i32
    %dma_start3A_10 = tpu.memref_slice %arg2[%dma_start3A_9] : memref<32768xi32, #tpu.memory_space<hbm>> -> memref<8192xi32, #tpu.memory_space<hbm>>
    tpu.enqueue_dma source(%dma_start3A_10 : memref<8192xi32, #tpu.memory_space<hbm>>) target(%arg5 : memref<8192xi32, #tpu.memory_space<vmem>>) target_semaphore(%arg16 : memref<!tpu.dma_semaphore, #tpu.memory_space<semaphore_mem>>)
    %dma_wait3A = arith.constant 0 : i32
    %dma_wait3A_11 = tpu.memref_slice %arg2[%dma_wait3A] : memref<32768xi32, #tpu.memory_space<hbm>> -> memref<8192xi32, #tpu.memory_space<hbm>>
    %dma_wait3A_12 = arith.constant 0 : i32
    %dma_wait3A_13 = tpu.memref_slice %arg2[%dma_wait3A_12] : memref<32768xi32, #tpu.memory_space<hbm>> -> memref<8192xi32, #tpu.memory_space<hbm>>
    tpu.wait_dma2 semaphore(%arg16 : memref<!tpu.dma_semaphore, #tpu.memory_space<semaphore_mem>>) src(%dma_wait3A_13 : memref<8192xi32, #tpu.memory_space<hbm>>) dst(%arg5 : memref<8192xi32, #tpu.memory_space<vmem>>)
    %dma_start3A_14 = arith.constant 8192 : i32
    %dma_start3A_15 = tpu.memref_slice %arg2[%dma_start3A_14] : memref<32768xi32, #tpu.memory_space<hbm>> -> memref<8192xi32, #tpu.memory_space<hbm>>
    %dma_start3A_16 = arith.constant 8192 : i32
    %dma_start3A_17 = tpu.memref_slice %arg2[%dma_start3A_16] : memref<32768xi32, #tpu.memory_space<hbm>> -> memref<8192xi32, #tpu.memory_space<hbm>>
    tpu.enqueue_dma source(%dma_start3A_17 : memref<8192xi32, #tpu.memory_space<hbm>>) target(%arg6 : memref<8192xi32, #tpu.memory_space<vmem>>) target_semaphore(%arg16 : memref<!tpu.dma_semaphore, #tpu.memory_space<semaphore_mem>>)
    %mul3A_18 = arith.constant 2 : i32
    %mul3A_19 = arith.muli %add3A, %mul3A_18 : i32
    %while3A = arith.constant 0 : i32
    %while3A_20 = arith.subi %mul3A_19, %while3A : i32
    %while3A_21 = arith.addi %while3A, %while3A_20 : i32
    %while3A_22 = arith.constant 1 : i32
    %while3A_23 = arith.divsi %while3A_20, %while3A_22 : i32
    %while3A_24 = arith.muli %while3A_23, %while3A_22 : i32
    %while3A_25 = arith.addi %while3A, %while3A_24 : i32
    %while3A_26 = arith.constant 1 : i32
    %while3A_27 = scf.for %while3A_1195 = %while3A to %while3A_25 step %while3A_26 iter_args(%while3A_1196 = %broadcast_in_dim3A_5) -> (vector<16xi32>)  : i32 {
      %mul3A_1197 = arith.constant 8 : i32
      %mul3A_1198 = arith.muli %while3A_1195, %mul3A_1197 : i32
      %add3A_1199 = arith.constant 0 : i32
      %add3A_1200 = arith.addi %mul3A_1198, %add3A_1199 : i32
      %mul3A_1201 = arith.constant 16 : i32
      %mul3A_1202 = arith.muli %add3A_1200, %mul3A_1201 : i32
      %get3A_1203 = arith.index_cast %mul3A_1202 : i32 to index
      %get3A_1204 = tpu.vector_load %arg5[%get3A_1203] {strides = array<i32>} : memref<8192xi32, #tpu.memory_space<vmem>>, vector<16xi32>,
      %ne3A = arith.constant 1 : i32
      %ne3A_1205 = vector.broadcast %ne3A : i32 to vector<16xi32>
      %ne3A_1206 = arith.cmpi ne, %get3A_1204, %ne3A_1205 : vector<16xi32>
      %select_n3A_1207 = arith.select %ne3A_1206, %broadcast_in_dim3A_3, %broadcast_in_dim3A_5 : vector<16xi1>, vector<16xi32>
      %add3A_1208 = arith.addi %while3A_1196, %select_n3A_1207 : vector<16xi32>
      %mul3A_1209 = arith.constant 8 : i32
      %mul3A_1210 = arith.muli %while3A_1195, %mul3A_1209 : i32
      %add3A_1211 = arith.constant 1 : i32
      %add3A_1212 = arith.addi %mul3A_1210, %add3A_1211 : i32
      %mul3A_1213 = arith.constant 16 : i32
      %mul3A_1214 = arith.muli %add3A_1212, %mul3A_1213 : i32
      %get3A_1215 = arith.index_cast %mul3A_1214 : i32 to index
      %get3A_1216 = tpu.vector_load %arg5[%get3A_1215] {strides = array<i32>} : memref<8192xi32, #tpu.memory_space<vmem>>, vector<16xi32>,
      %ne3A_1217 = arith.constant 1 : i32
      %ne3A_1218 = vector.broadcast %ne3A_1217 : i32 to vector<16xi32>
      %ne3A_1219 = arith.cmpi ne, %get3A_1216, %ne3A_1218 : vector<16xi32>
      %select_n3A_1220 = arith.select %ne3A_1219, %broadcast_in_dim3A_3, %broadcast_in_dim3A_5 : vector<16xi1>, vector<16xi32>
      %add3A_1221 = arith.addi %add3A_1208, %select_n3A_1220 : vector<16xi32>
      %mul3A_1222 = arith.constant 8 : i32
      %mul3A_1223 = arith.muli %while3A_1195, %mul3A_1222 : i32
      %add3A_1224 = arith.constant 2 : i32
      %add3A_1225 = arith.addi %mul3A_1223, %add3A_1224 : i32
      %mul3A_1226 = arith.constant 16 : i32
      %mul3A_1227 = arith.muli %add3A_1225, %mul3A_1226 : i32
      %get3A_1228 = arith.index_cast %mul3A_1227 : i32 to index
      %get3A_1229 = tpu.vector_load %arg5[%get3A_1228] {strides = array<i32>} : memref<8192xi32, #tpu.memory_space<vmem>>, vector<16xi32>,
      %ne3A_1230 = arith.constant 1 : i32
      %ne3A_1231 = vector.broadcast %ne3A_1230 : i32 to vector<16xi32>
      %ne3A_1232 = arith.cmpi ne, %get3A_1229, %ne3A_1231 : vector<16xi32>
      %select_n3A_1233 = arith.select %ne3A_1232, %broadcast_in_dim3A_3, %broadcast_in_dim3A_5 : vector<16xi1>, vector<16xi32>
      %add3A_1234 = arith.addi %add3A_1221, %select_n3A_1233 : vector<16xi32>
      %mul3A_1235 = arith.constant 8 : i32
      %mul3A_1236 = arith.muli %while3A_1195, %mul3A_1235 : i32
      %add3A_1237 = arith.constant 3 : i32
      %add3A_1238 = arith.addi %mul3A_1236, %add3A_1237 : i32
      %mul3A_1239 = arith.constant 16 : i32
      %mul3A_1240 = arith.muli %add3A_1238, %mul3A_1239 : i32
      %get3A_1241 = arith.index_cast %mul3A_1240 : i32 to index
      %get3A_1242 = tpu.vector_load %arg5[%get3A_1241] {strides = array<i32>} : memref<8192xi32, #tpu.memory_space<vmem>>, vector<16xi32>,
      %ne3A_1243 = arith.constant 1 : i32
      %ne3A_1244 = vector.broadcast %ne3A_1243 : i32 to vector<16xi32>
      %ne3A_1245 = arith.cmpi ne, %get3A_1242, %ne3A_1244 : vector<16xi32>
      %select_n3A_1246 = arith.select %ne3A_1245, %broadcast_in_dim3A_3, %broadcast_in_dim3A_5 : vector<16xi1>, vector<16xi32>
      %add3A_1247 = arith.addi %add3A_1234, %select_n3A_1246 : vector<16xi32>
      %mul3A_1248 = arith.constant 8 : i32
      %mul3A_1249 = arith.muli %while3A_1195, %mul3A_1248 : i32
      %add3A_1250 = arith.constant 4 : i32
      %add3A_1251 = arith.addi %mul3A_1249, %add3A_1250 : i32
      %mul3A_1252 = arith.constant 16 : i32
      %mul3A_1253 = arith.muli %add3A_1251, %mul3A_1252 : i32
      %get3A_1254 = arith.index_cast %mul3A_1253 : i32 to index
      %get3A_1255 = tpu.vector_load %arg5[%get3A_1254] {strides = array<i32>} : memref<8192xi32, #tpu.memory_space<vmem>>, vector<16xi32>,
      %ne3A_1256 = arith.constant 1 : i32
      %ne3A_1257 = vector.broadcast %ne3A_1256 : i32 to vector<16xi32>
      %ne3A_1258 = arith.cmpi ne, %get3A_1255, %ne3A_1257 : vector<16xi32>
      %select_n3A_1259 = arith.select %ne3A_1258, %broadcast_in_dim3A_3, %broadcast_in_dim3A_5 : vector<16xi1>, vector<16xi32>
      %add3A_1260 = arith.addi %add3A_1247, %select_n3A_1259 : vector<16xi32>
      %mul3A_1261 = arith.constant 8 : i32
      %mul3A_1262 = arith.muli %while3A_1195, %mul3A_1261 : i32
      %add3A_1263 = arith.constant 5 : i32
      %add3A_1264 = arith.addi %mul3A_1262, %add3A_1263 : i32
      %mul3A_1265 = arith.constant 16 : i32
      %mul3A_1266 = arith.muli %add3A_1264, %mul3A_1265 : i32
      %get3A_1267 = arith.index_cast %mul3A_1266 : i32 to index
      %get3A_1268 = tpu.vector_load %arg5[%get3A_1267] {strides = array<i32>} : memref<8192xi32, #tpu.memory_space<vmem>>, vector<16xi32>,
      %ne3A_1269 = arith.constant 1 : i32
      %ne3A_1270 = vector.broadcast %ne3A_1269 : i32 to vector<16xi32>
      %ne3A_1271 = arith.cmpi ne, %get3A_1268, %ne3A_1270 : vector<16xi32>
      %select_n3A_1272 = arith.select %ne3A_1271, %broadcast_in_dim3A_3, %broadcast_in_dim3A_5 : vector<16xi1>, vector<16xi32>
      %add3A_1273 = arith.addi %add3A_1260, %select_n3A_1272 : vector<16xi32>
      %mul3A_1274 = arith.constant 8 : i32
      %mul3A_1275 = arith.muli %while3A_1195, %mul3A_1274 : i32
      %add3A_1276 = arith.constant 6 : i32
      %add3A_1277 = arith.addi %mul3A_1275, %add3A_1276 : i32
      %mul3A_1278 = arith.constant 16 : i32
      %mul3A_1279 = arith.muli %add3A_1277, %mul3A_1278 : i32
      %get3A_1280 = arith.index_cast %mul3A_1279 : i32 to index
      %get3A_1281 = tpu.vector_load %arg5[%get3A_1280] {strides = array<i32>} : memref<8192xi32, #tpu.memory_space<vmem>>, vector<16xi32>,
      %ne3A_1282 = arith.constant 1 : i32
      %ne3A_1283 = vector.broadcast %ne3A_1282 : i32 to vector<16xi32>
      %ne3A_1284 = arith.cmpi ne, %get3A_1281, %ne3A_1283 : vector<16xi32>
      %select_n3A_1285 = arith.select %ne3A_1284, %broadcast_in_dim3A_3, %broadcast_in_dim3A_5 : vector<16xi1>, vector<16xi32>
      %add3A_1286 = arith.addi %add3A_1273, %select_n3A_1285 : vector<16xi32>
      %mul3A_1287 = arith.constant 8 : i32
      %mul3A_1288 = arith.muli %while3A_1195, %mul3A_1287 : i32
      %add3A_1289 = arith.constant 7 : i32
      %add3A_1290 = arith.addi %mul3A_1288, %add3A_1289 : i32
      %mul3A_1291 = arith.constant 16 : i32
      %mul3A_1292 = arith.muli %add3A_1290, %mul3A_1291 : i32
      %get3A_1293 = arith.index_cast %mul3A_1292 : i32 to index
      %get3A_1294 = tpu.vector_load %arg5[%get3A_1293] {strides = array<i32>} : memref<8192xi32, #tpu.memory_space<vmem>>, vector<16xi32>,
      %ne3A_1295 = arith.constant 1 : i32
      %ne3A_1296 = vector.broadcast %ne3A_1295 : i32 to vector<16xi32>
      %ne3A_1297 = arith.cmpi ne, %get3A_1294, %ne3A_1296 : vector<16xi32>
      %select_n3A_1298 = arith.select %ne3A_1297, %broadcast_in_dim3A_3, %broadcast_in_dim3A_5 : vector<16xi1>, vector<16xi32>
      %add3A_1299 = arith.addi %add3A_1286, %select_n3A_1298 : vector<16xi32>
      scf.yield %add3A_1299 : vector<16xi32>
    }
    %while3A_28 = arith.constant 1 : i32
    %while3A_29 = scf.for %while3A_1195 = %while3A_25 to %while3A_21 step %while3A_28 iter_args(%while3A_1196 = %while3A_27) -> (vector<16xi32>)  : i32 {
      %mul3A_1197 = arith.constant 8 : i32
      %mul3A_1198 = arith.muli %while3A_1195, %mul3A_1197 : i32
      %add3A_1199 = arith.constant 0 : i32
      %add3A_1200 = arith.addi %mul3A_1198, %add3A_1199 : i32
      %mul3A_1201 = arith.constant 16 : i32
      %mul3A_1202 = arith.muli %add3A_1200, %mul3A_1201 : i32
      %get3A_1203 = arith.index_cast %mul3A_1202 : i32 to index
      %get3A_1204 = tpu.vector_load %arg5[%get3A_1203] {strides = array<i32>} : memref<8192xi32, #tpu.memory_space<vmem>>, vector<16xi32>,
      %ne3A = arith.constant 1 : i32
      %ne3A_1205 = vector.broadcast %ne3A : i32 to vector<16xi32>
      %ne3A_1206 = arith.cmpi ne, %get3A_1204, %ne3A_1205 : vector<16xi32>
      %select_n3A_1207 = arith.select %ne3A_1206, %broadcast_in_dim3A_3, %broadcast_in_dim3A_5 : vector<16xi1>, vector<16xi32>
      %add3A_1208 = arith.addi %while3A_1196, %select_n3A_1207 : vector<16xi32>
      %mul3A_1209 = arith.constant 8 : i32
      %mul3A_1210 = arith.muli %while3A_1195, %mul3A_1209 : i32
      %add3A_1211 = arith.constant 1 : i32
      %add3A_1212 = arith.addi %mul3A_1210, %add3A_1211 : i32
      %mul3A_1213 = arith.constant 16 : i32
      %mul3A_1214 = arith.muli %add3A_1212, %mul3A_1213 : i32
      %get3A_1215 = arith.index_cast %mul3A_1214 : i32 to index
      %get3A_1216 = tpu.vector_load %arg5[%get3A_1215] {strides = array<i32>} : memref<8192xi32, #tpu.memory_space<vmem>>, vector<16xi32>,
      %ne3A_1217 = arith.constant 1 : i32
      %ne3A_1218 = vector.broadcast %ne3A_1217 : i32 to vector<16xi32>
      %ne3A_1219 = arith.cmpi ne, %get3A_1216, %ne3A_1218 : vector<16xi32>
      %select_n3A_1220 = arith.select %ne3A_1219, %broadcast_in_dim3A_3, %broadcast_in_dim3A_5 : vector<16xi1>, vector<16xi32>
      %add3A_1221 = arith.addi %add3A_1208, %select_n3A_1220 : vector<16xi32>
      %mul3A_1222 = arith.constant 8 : i32
      %mul3A_1223 = arith.muli %while3A_1195, %mul3A_1222 : i32
      %add3A_1224 = arith.constant 2 : i32
      %add3A_1225 = arith.addi %mul3A_1223, %add3A_1224 : i32
      %mul3A_1226 = arith.constant 16 : i32
      %mul3A_1227 = arith.muli %add3A_1225, %mul3A_1226 : i32
      %get3A_1228 = arith.index_cast %mul3A_1227 : i32 to index
      %get3A_1229 = tpu.vector_load %arg5[%get3A_1228] {strides = array<i32>} : memref<8192xi32, #tpu.memory_space<vmem>>, vector<16xi32>,
      %ne3A_1230 = arith.constant 1 : i32
      %ne3A_1231 = vector.broadcast %ne3A_1230 : i32 to vector<16xi32>
      %ne3A_1232 = arith.cmpi ne, %get3A_1229, %ne3A_1231 : vector<16xi32>
      %select_n3A_1233 = arith.select %ne3A_1232, %broadcast_in_dim3A_3, %broadcast_in_dim3A_5 : vector<16xi1>, vector<16xi32>
      %add3A_1234 = arith.addi %add3A_1221, %select_n3A_1233 : vector<16xi32>
      %mul3A_1235 = arith.constant 8 : i32
      %mul3A_1236 = arith.muli %while3A_1195, %mul3A_1235 : i32
      %add3A_1237 = arith.constant 3 : i32
      %add3A_1238 = arith.addi %mul3A_1236, %add3A_1237 : i32
      %mul3A_1239 = arith.constant 16 : i32
      %mul3A_1240 = arith.muli %add3A_1238, %mul3A_1239 : i32
      %get3A_1241 = arith.index_cast %mul3A_1240 : i32 to index
      %get3A_1242 = tpu.vector_load %arg5[%get3A_1241] {strides = array<i32>} : memref<8192xi32, #tpu.memory_space<vmem>>, vector<16xi32>,
      %ne3A_1243 = arith.constant 1 : i32
      %ne3A_1244 = vector.broadcast %ne3A_1243 : i32 to vector<16xi32>
      %ne3A_1245 = arith.cmpi ne, %get3A_1242, %ne3A_1244 : vector<16xi32>
      %select_n3A_1246 = arith.select %ne3A_1245, %broadcast_in_dim3A_3, %broadcast_in_dim3A_5 : vector<16xi1>, vector<16xi32>
      %add3A_1247 = arith.addi %add3A_1234, %select_n3A_1246 : vector<16xi32>
      %mul3A_1248 = arith.constant 8 : i32
      %mul3A_1249 = arith.muli %while3A_1195, %mul3A_1248 : i32
      %add3A_1250 = arith.constant 4 : i32
      %add3A_1251 = arith.addi %mul3A_1249, %add3A_1250 : i32
      %mul3A_1252 = arith.constant 16 : i32
      %mul3A_1253 = arith.muli %add3A_1251, %mul3A_1252 : i32
      %get3A_1254 = arith.index_cast %mul3A_1253 : i32 to index
      %get3A_1255 = tpu.vector_load %arg5[%get3A_1254] {strides = array<i32>} : memref<8192xi32, #tpu.memory_space<vmem>>, vector<16xi32>,
      %ne3A_1256 = arith.constant 1 : i32
      %ne3A_1257 = vector.broadcast %ne3A_1256 : i32 to vector<16xi32>
      %ne3A_1258 = arith.cmpi ne, %get3A_1255, %ne3A_1257 : vector<16xi32>
      %select_n3A_1259 = arith.select %ne3A_1258, %broadcast_in_dim3A_3, %broadcast_in_dim3A_5 : vector<16xi1>, vector<16xi32>
      %add3A_1260 = arith.addi %add3A_1247, %select_n3A_1259 : vector<16xi32>
      %mul3A_1261 = arith.constant 8 : i32
      %mul3A_1262 = arith.muli %while3A_1195, %mul3A_1261 : i32
      %add3A_1263 = arith.constant 5 : i32
      %add3A_1264 = arith.addi %mul3A_1262, %add3A_1263 : i32
      %mul3A_1265 = arith.constant 16 : i32
      %mul3A_1266 = arith.muli %add3A_1264, %mul3A_1265 : i32
      %get3A_1267 = arith.index_cast %mul3A_1266 : i32 to index
      %get3A_1268 = tpu.vector_load %arg5[%get3A_1267] {strides = array<i32>} : memref<8192xi32, #tpu.memory_space<vmem>>, vector<16xi32>,
      %ne3A_1269 = arith.constant 1 : i32
      %ne3A_1270 = vector.broadcast %ne3A_1269 : i32 to vector<16xi32>
      %ne3A_1271 = arith.cmpi ne, %get3A_1268, %ne3A_1270 : vector<16xi32>
      %select_n3A_1272 = arith.select %ne3A_1271, %broadcast_in_dim3A_3, %broadcast_in_dim3A_5 : vector<16xi1>, vector<16xi32>
      %add3A_1273 = arith.addi %add3A_1260, %select_n3A_1272 : vector<16xi32>
      %mul3A_1274 = arith.constant 8 : i32
      %mul3A_1275 = arith.muli %while3A_1195, %mul3A_1274 : i32
      %add3A_1276 = arith.constant 6 : i32
      %add3A_1277 = arith.addi %mul3A_1275, %add3A_1276 : i32
      %mul3A_1278 = arith.constant 16 : i32
      %mul3A_1279 = arith.muli %add3A_1277, %mul3A_1278 : i32
      %get3A_1280 = arith.index_cast %mul3A_1279 : i32 to index
      %get3A_1281 = tpu.vector_load %arg5[%get3A_1280] {strides = array<i32>} : memref<8192xi32, #tpu.memory_space<vmem>>, vector<16xi32>,
      %ne3A_1282 = arith.constant 1 : i32
      %ne3A_1283 = vector.broadcast %ne3A_1282 : i32 to vector<16xi32>
      %ne3A_1284 = arith.cmpi ne, %get3A_1281, %ne3A_1283 : vector<16xi32>
      %select_n3A_1285 = arith.select %ne3A_1284, %broadcast_in_dim3A_3, %broadcast_in_dim3A_5 : vector<16xi1>, vector<16xi32>
      %add3A_1286 = arith.addi %add3A_1273, %select_n3A_1285 : vector<16xi32>
      %mul3A_1287 = arith.constant 8 : i32
      %mul3A_1288 = arith.muli %while3A_1195, %mul3A_1287 : i32
      %add3A_1289 = arith.constant 7 : i32
      %add3A_1290 = arith.addi %mul3A_1288, %add3A_1289 : i32
      %mul3A_1291 = arith.constant 16 : i32
      %mul3A_1292 = arith.muli %add3A_1290, %mul3A_1291 : i32
      %get3A_1293 = arith.index_cast %mul3A_1292 : i32 to index
      %get3A_1294 = tpu.vector_load %arg5[%get3A_1293] {strides = array<i32>} : memref<8192xi32, #tpu.memory_space<vmem>>, vector<16xi32>,
      %ne3A_1295 = arith.constant 1 : i32
      %ne3A_1296 = vector.broadcast %ne3A_1295 : i32 to vector<16xi32>
      %ne3A_1297 = arith.cmpi ne, %get3A_1294, %ne3A_1296 : vector<16xi32>
      %select_n3A_1298 = arith.select %ne3A_1297, %broadcast_in_dim3A_3, %broadcast_in_dim3A_5 : vector<16xi1>, vector<16xi32>
      %add3A_1299 = arith.addi %add3A_1286, %select_n3A_1298 : vector<16xi32>
      scf.yield %add3A_1299 : vector<16xi32>
    }
    %reduce_sum3A = arith.constant true
    %reduce_sum3A_30 = vector.broadcast %reduce_sum3A : i1 to vector<16xi1>
    %reduce_sum3A_31 = tpu.scan <sum>, %while3A_29 masked %reduce_sum3A_30 : vector<16xi32>, vector<16xi1> -> vector<16xi32>
    %reduce_sum3A_32 = vector.extract %reduce_sum3A_31[15] : i32 from vector<16xi32>
    %add3A_33 = arith.constant 1 : i32
    %add3A_34 = arith.addi %reduce_sum3A_32, %add3A_33 : i32
    %scan3A = arith.constant 0 : i32
    %scan3A_35 = arith.constant 16 : i32
    %scan3A_36 = arith.addi %scan3A, %scan3A_35 : i32
    %scan3A_37 = arith.constant 1 : i32
    %scan3A_38 = scf.for %scan3A_1195 = %scan3A to %scan3A_36 step %scan3A_37 iter_args(%scan3A_1196 = %add3A_34) -> (i32)  : i32 {
      %mul3A_1197 = arith.constant 16 : i32
      %mul3A_1198 = arith.muli %scan3A_1195, %mul3A_1197 : i32
      %add3A_1199 = arith.addi %mul3A_2, %mul3A_1198 : i32
      %get3A_1200 = arith.index_cast %add3A_1199 : i32 to index
      %get3A_1201 = tpu.vector_load %arg5[%get3A_1200] {strides = array<i32>} : memref<8192xi32, #tpu.memory_space<vmem>>, vector<16xi32>,
      %ne3A = arith.constant 1 : i32
      %ne3A_1202 = vector.broadcast %ne3A : i32 to vector<16xi32>
      %ne3A_1203 = arith.cmpi ne, %get3A_1201, %ne3A_1202 : vector<16xi32>
      %select_n3A_1204 = arith.select %ne3A_1203, %broadcast_in_dim3A_3, %broadcast_in_dim3A_5 : vector<16xi1>, vector<16xi32>
      %cumsum3A = arith.constant true
      %cumsum3A_1205 = vector.broadcast %cumsum3A : i1 to vector<16xi1>
      %cumsum3A_1206 = tpu.scan <sum>, %select_n3A_1204 masked %cumsum3A_1205 : vector<16xi32>, vector<16xi1> -> vector<16xi32>
      %add3A_1207 = vector.broadcast %scan3A_1196 : i32 to vector<16xi32>
      %add3A_1208 = arith.addi %cumsum3A_1206, %add3A_1207 : vector<16xi32>
      %select_n3A_1209 = arith.select %ne3A_1203, %add3A_1208, %broadcast_in_dim3A_7 : vector<16xi1>, vector<16xi32>
      %mul3A_1210 = arith.constant 16 : i32
      %mul3A_1211 = arith.muli %scan3A_1195, %mul3A_1210 : i32
      %add3A_1212 = arith.constant 0 : i32
      %add3A_1213 = arith.addi %add3A_1212, %mul3A_1211 : i32
      %swap3A = arith.index_cast %add3A_1213 : i32 to index
      %swap3A_1214 = tpu.vector_load %arg7[%swap3A] {strides = array<i32>} : memref<1024xi32, #tpu.memory_space<vmem>>, vector<16xi32>,
      tpu.vector_store %arg7[%swap3A], %select_n3A_1209 {strides = array<i32>} : memref<1024xi32, #tpu.memory_space<vmem>>, vector<16xi32>,
      %slice3A = vector.extract_strided_slice %cumsum3A_1206 {offsets = [15], sizes = [1], strides = [1]} : vector<16xi32> to vector<1xi32>
      %squeeze3A = vector.extract %slice3A[0] : i32 from vector<1xi32>
      %add3A_1215 = arith.addi %scan3A_1196, %squeeze3A : i32
      scf.yield %add3A_1215 : i32
    }
    %scan3A_39 = arith.constant 16 : i32
    %dma_start3A_40 = arith.constant 0 : i32
    %dma_start3A_41 = tpu.memref_slice %arg7[%dma_start3A_40] : memref<1024xi32, #tpu.memory_space<vmem>> -> memref<32xi32, #tpu.memory_space<vmem>>
    %dma_start3A_42 = arith.constant 0 : i32
    %dma_start3A_43 = arith.constant 0 : i32
    %dma_start3A_44 = tpu.memref_slice %arg3[%dma_start3A_42, %dma_start3A_43] : memref<8194x1024xf32, #tpu.memory_space<hbm>> -> memref<8194x1024xf32, #tpu.memory_space<hbm>>
    tpu.enqueue_indirect_dma source(%dma_start3A_44 : memref<8194x1024xf32, #tpu.memory_space<hbm>>) target(%arg8 : memref<32x1024xf32, #tpu.memory_space<vmem>>) offsets(%dma_start3A_41 : memref<32xi32, #tpu.memory_space<vmem>>) semaphore(%arg11 : memref<!tpu.dma_semaphore, #tpu.memory_space<semaphore_mem>>)
    %dma_wait3A_45 = arith.constant 0 : i32
    %dma_wait3A_46 = tpu.memref_slice %arg2[%dma_wait3A_45] : memref<32768xi32, #tpu.memory_space<hbm>> -> memref<8192xi32, #tpu.memory_space<hbm>>
    %dma_wait3A_47 = arith.constant 0 : i32
    %dma_wait3A_48 = tpu.memref_slice %arg2[%dma_wait3A_47] : memref<32768xi32, #tpu.memory_space<hbm>> -> memref<8192xi32, #tpu.memory_space<hbm>>
    tpu.wait_dma2 semaphore(%arg16 : memref<!tpu.dma_semaphore, #tpu.memory_space<semaphore_mem>>) src(%dma_wait3A_48 : memref<8192xi32, #tpu.memory_space<hbm>>) dst(%arg6 : memref<8192xi32, #tpu.memory_space<vmem>>)
    %dma_start3A_49 = arith.constant 16384 : i32
    %dma_start3A_50 = tpu.memref_slice %arg2[%dma_start3A_49] : memref<32768xi32, #tpu.memory_space<hbm>> -> memref<8192xi32, #tpu.memory_space<hbm>>
    %dma_start3A_51 = arith.constant 16384 : i32
    %dma_start3A_52 = tpu.memref_slice %arg2[%dma_start3A_51] : memref<32768xi32, #tpu.memory_space<hbm>> -> memref<8192xi32, #tpu.memory_space<hbm>>
    tpu.enqueue_dma source(%dma_start3A_52 : memref<8192xi32, #tpu.memory_space<hbm>>) target(%arg5 : memref<8192xi32, #tpu.memory_space<vmem>>) target_semaphore(%arg16 : memref<!tpu.dma_semaphore, #tpu.memory_space<semaphore_mem>>)
    %mul3A_53 = arith.constant 2 : i32
    %mul3A_54 = arith.muli %add3A, %mul3A_53 : i32
    %while3A_55 = arith.constant 0 : i32
    %while3A_56 = arith.subi %mul3A_54, %while3A_55 : i32
    %while3A_57 = arith.addi %while3A_55, %while3A_56 : i32
    %while3A_58 = arith.constant 1 : i32
    %while3A_59 = arith.divsi %while3A_56, %while3A_58 : i32
    %while3A_60 = arith.muli %while3A_59, %while3A_58 : i32
    %while3A_61 = arith.addi %while3A_55, %while3A_60 : i32
    %while3A_62 = arith.constant 1 : i32
    %while3A_63 = scf.for %while3A_1195 = %while3A_55 to %while3A_61 step %while3A_62 iter_args(%while3A_1196 = %broadcast_in_dim3A_5) -> (vector<16xi32>)  : i32 {
      %mul3A_1197 = arith.constant 8 : i32
      %mul3A_1198 = arith.muli %while3A_1195, %mul3A_1197 : i32
      %add3A_1199 = arith.constant 0 : i32
      %add3A_1200 = arith.addi %mul3A_1198, %add3A_1199 : i32
      %mul3A_1201 = arith.constant 16 : i32
      %mul3A_1202 = arith.muli %add3A_1200, %mul3A_1201 : i32
      %get3A_1203 = arith.index_cast %mul3A_1202 : i32 to index
      %get3A_1204 = tpu.vector_load %arg6[%get3A_1203] {strides = array<i32>} : memref<8192xi32, #tpu.memory_space<vmem>>, vector<16xi32>,
      %ne3A = arith.constant 1 : i32
      %ne3A_1205 = vector.broadcast %ne3A : i32 to vector<16xi32>
      %ne3A_1206 = arith.cmpi ne, %get3A_1204, %ne3A_1205 : vector<16xi32>
      %select_n3A_1207 = arith.select %ne3A_1206, %broadcast_in_dim3A_3, %broadcast_in_dim3A_5 : vector<16xi1>, vector<16xi32>
      %add3A_1208 = arith.addi %while3A_1196, %select_n3A_1207 : vector<16xi32>
      %mul3A_1209 = arith.constant 8 : i32
      %mul3A_1210 = arith.muli %while3A_1195, %mul3A_1209 : i32
      %add3A_1211 = arith.constant 1 : i32
      %add3A_1212 = arith.addi %mul3A_1210, %add3A_1211 : i32
      %mul3A_1213 = arith.constant 16 : i32
      %mul3A_1214 = arith.muli %add3A_1212, %mul3A_1213 : i32
      %get3A_1215 = arith.index_cast %mul3A_1214 : i32 to index
      %get3A_1216 = tpu.vector_load %arg6[%get3A_1215] {strides = array<i32>} : memref<8192xi32, #tpu.memory_space<vmem>>, vector<16xi32>,
      %ne3A_1217 = arith.constant 1 : i32
      %ne3A_1218 = vector.broadcast %ne3A_1217 : i32 to vector<16xi32>
      %ne3A_1219 = arith.cmpi ne, %get3A_1216, %ne3A_1218 : vector<16xi32>
      %select_n3A_1220 = arith.select %ne3A_1219, %broadcast_in_dim3A_3, %broadcast_in_dim3A_5 : vector<16xi1>, vector<16xi32>
      %add3A_1221 = arith.addi %add3A_1208, %select_n3A_1220 : vector<16xi32>
      %mul3A_1222 = arith.constant 8 : i32
      %mul3A_1223 = arith.muli %while3A_1195, %mul3A_1222 : i32
      %add3A_1224 = arith.constant 2 : i32
      %add3A_1225 = arith.addi %mul3A_1223, %add3A_1224 : i32
      %mul3A_1226 = arith.constant 16 : i32
      %mul3A_1227 = arith.muli %add3A_1225, %mul3A_1226 : i32
      %get3A_1228 = arith.index_cast %mul3A_1227 : i32 to index
      %get3A_1229 = tpu.vector_load %arg6[%get3A_1228] {strides = array<i32>} : memref<8192xi32, #tpu.memory_space<vmem>>, vector<16xi32>,
      %ne3A_1230 = arith.constant 1 : i32
      %ne3A_1231 = vector.broadcast %ne3A_1230 : i32 to vector<16xi32>
      %ne3A_1232 = arith.cmpi ne, %get3A_1229, %ne3A_1231 : vector<16xi32>
      %select_n3A_1233 = arith.select %ne3A_1232, %broadcast_in_dim3A_3, %broadcast_in_dim3A_5 : vector<16xi1>, vector<16xi32>
      %add3A_1234 = arith.addi %add3A_1221, %select_n3A_1233 : vector<16xi32>
      %mul3A_1235 = arith.constant 8 : i32
      %mul3A_1236 = arith.muli %while3A_1195, %mul3A_1235 : i32
      %add3A_1237 = arith.constant 3 : i32
      %add3A_1238 = arith.addi %mul3A_1236, %add3A_1237 : i32
      %mul3A_1239 = arith.constant 16 : i32
      %mul3A_1240 = arith.muli %add3A_1238, %mul3A_1239 : i32
      %get3A_1241 = arith.index_cast %mul3A_1240 : i32 to index
      %get3A_1242 = tpu.vector_load %arg6[%get3A_1241] {strides = array<i32>} : memref<8192xi32, #tpu.memory_space<vmem>>, vector<16xi32>,
      %ne3A_1243 = arith.constant 1 : i32
      %ne3A_1244 = vector.broadcast %ne3A_1243 : i32 to vector<16xi32>
      %ne3A_1245 = arith.cmpi ne, %get3A_1242, %ne3A_1244 : vector<16xi32>
      %select_n3A_1246 = arith.select %ne3A_1245, %broadcast_in_dim3A_3, %broadcast_in_dim3A_5 : vector<16xi1>, vector<16xi32>
      %add3A_1247 = arith.addi %add3A_1234, %select_n3A_1246 : vector<16xi32>
      %mul3A_1248 = arith.constant 8 : i32
      %mul3A_1249 = arith.muli %while3A_1195, %mul3A_1248 : i32
      %add3A_1250 = arith.constant 4 : i32
      %add3A_1251 = arith.addi %mul3A_1249, %add3A_1250 : i32
      %mul3A_1252 = arith.constant 16 : i32
      %mul3A_1253 = arith.muli %add3A_1251, %mul3A_1252 : i32
      %get3A_1254 = arith.index_cast %mul3A_1253 : i32 to index
      %get3A_1255 = tpu.vector_load %arg6[%get3A_1254] {strides = array<i32>} : memref<8192xi32, #tpu.memory_space<vmem>>, vector<16xi32>,
      %ne3A_1256 = arith.constant 1 : i32
      %ne3A_1257 = vector.broadcast %ne3A_1256 : i32 to vector<16xi32>
      %ne3A_1258 = arith.cmpi ne, %get3A_1255, %ne3A_1257 : vector<16xi32>
      %select_n3A_1259 = arith.select %ne3A_1258, %broadcast_in_dim3A_3, %broadcast_in_dim3A_5 : vector<16xi1>, vector<16xi32>
      %add3A_1260 = arith.addi %add3A_1247, %select_n3A_1259 : vector<16xi32>
      %mul3A_1261 = arith.constant 8 : i32
      %mul3A_1262 = arith.muli %while3A_1195, %mul3A_1261 : i32
      %add3A_1263 = arith.constant 5 : i32
      %add3A_1264 = arith.addi %mul3A_1262, %add3A_1263 : i32
      %mul3A_1265 = arith.constant 16 : i32
      %mul3A_1266 = arith.muli %add3A_1264, %mul3A_1265 : i32
      %get3A_1267 = arith.index_cast %mul3A_1266 : i32 to index
      %get3A_1268 = tpu.vector_load %arg6[%get3A_1267] {strides = array<i32>} : memref<8192xi32, #tpu.memory_space<vmem>>, vector<16xi32>,
      %ne3A_1269 = arith.constant 1 : i32
      %ne3A_1270 = vector.broadcast %ne3A_1269 : i32 to vector<16xi32>
      %ne3A_1271 = arith.cmpi ne, %get3A_1268, %ne3A_1270 : vector<16xi32>
      %select_n3A_1272 = arith.select %ne3A_1271, %broadcast_in_dim3A_3, %broadcast_in_dim3A_5 : vector<16xi1>, vector<16xi32>
      %add3A_1273 = arith.addi %add3A_1260, %select_n3A_1272 : vector<16xi32>
      %mul3A_1274 = arith.constant 8 : i32
      %mul3A_1275 = arith.muli %while3A_1195, %mul3A_1274 : i32
      %add3A_1276 = arith.constant 6 : i32
      %add3A_1277 = arith.addi %mul3A_1275, %add3A_1276 : i32
      %mul3A_1278 = arith.constant 16 : i32
      %mul3A_1279 = arith.muli %add3A_1277, %mul3A_1278 : i32
      %get3A_1280 = arith.index_cast %mul3A_1279 : i32 to index
      %get3A_1281 = tpu.vector_load %arg6[%get3A_1280] {strides = array<i32>} : memref<8192xi32, #tpu.memory_space<vmem>>, vector<16xi32>,
      %ne3A_1282 = arith.constant 1 : i32
      %ne3A_1283 = vector.broadcast %ne3A_1282 : i32 to vector<16xi32>
      %ne3A_1284 = arith.cmpi ne, %get3A_1281, %ne3A_1283 : vector<16xi32>
      %select_n3A_1285 = arith.select %ne3A_1284, %broadcast_in_dim3A_3, %broadcast_in_dim3A_5 : vector<16xi1>, vector<16xi32>
      %add3A_1286 = arith.addi %add3A_1273, %select_n3A_1285 : vector<16xi32>
      %mul3A_1287 = arith.constant 8 : i32
      %mul3A_1288 = arith.muli %while3A_1195, %mul3A_1287 : i32
      %add3A_1289 = arith.constant 7 : i32
      %add3A_1290 = arith.addi %mul3A_1288, %add3A_1289 : i32
      %mul3A_1291 = arith.constant 16 : i32
      %mul3A_1292 = arith.muli %add3A_1290, %mul3A_1291 : i32
      %get3A_1293 = arith.index_cast %mul3A_1292 : i32 to index
      %get3A_1294 = tpu.vector_load %arg6[%get3A_1293] {strides = array<i32>} : memref<8192xi32, #tpu.memory_space<vmem>>, vector<16xi32>,
      %ne3A_1295 = arith.constant 1 : i32
      %ne3A_1296 = vector.broadcast %ne3A_1295 : i32 to vector<16xi32>
      %ne3A_1297 = arith.cmpi ne, %get3A_1294, %ne3A_1296 : vector<16xi32>
      %select_n3A_1298 = arith.select %ne3A_1297, %broadcast_in_dim3A_3, %broadcast_in_dim3A_5 : vector<16xi1>, vector<16xi32>
      %add3A_1299 = arith.addi %add3A_1286, %select_n3A_1298 : vector<16xi32>
      scf.yield %add3A_1299 : vector<16xi32>
    }
    %while3A_64 = arith.constant 1 : i32
    %while3A_65 = scf.for %while3A_1195 = %while3A_61 to %while3A_57 step %while3A_64 iter_args(%while3A_1196 = %while3A_63) -> (vector<16xi32>)  : i32 {
      %mul3A_1197 = arith.constant 8 : i32
      %mul3A_1198 = arith.muli %while3A_1195, %mul3A_1197 : i32
      %add3A_1199 = arith.constant 0 : i32
      %add3A_1200 = arith.addi %mul3A_1198, %add3A_1199 : i32
      %mul3A_1201 = arith.constant 16 : i32
      %mul3A_1202 = arith.muli %add3A_1200, %mul3A_1201 : i32
      %get3A_1203 = arith.index_cast %mul3A_1202 : i32 to index
      %get3A_1204 = tpu.vector_load %arg6[%get3A_1203] {strides = array<i32>} : memref<8192xi32, #tpu.memory_space<vmem>>, vector<16xi32>,
      %ne3A = arith.constant 1 : i32
      %ne3A_1205 = vector.broadcast %ne3A : i32 to vector<16xi32>
      %ne3A_1206 = arith.cmpi ne, %get3A_1204, %ne3A_1205 : vector<16xi32>
      %select_n3A_1207 = arith.select %ne3A_1206, %broadcast_in_dim3A_3, %broadcast_in_dim3A_5 : vector<16xi1>, vector<16xi32>
      %add3A_1208 = arith.addi %while3A_1196, %select_n3A_1207 : vector<16xi32>
      %mul3A_1209 = arith.constant 8 : i32
      %mul3A_1210 = arith.muli %while3A_1195, %mul3A_1209 : i32
      %add3A_1211 = arith.constant 1 : i32
      %add3A_1212 = arith.addi %mul3A_1210, %add3A_1211 : i32
      %mul3A_1213 = arith.constant 16 : i32
      %mul3A_1214 = arith.muli %add3A_1212, %mul3A_1213 : i32
      %get3A_1215 = arith.index_cast %mul3A_1214 : i32 to index
      %get3A_1216 = tpu.vector_load %arg6[%get3A_1215] {strides = array<i32>} : memref<8192xi32, #tpu.memory_space<vmem>>, vector<16xi32>,
      %ne3A_1217 = arith.constant 1 : i32
      %ne3A_1218 = vector.broadcast %ne3A_1217 : i32 to vector<16xi32>
      %ne3A_1219 = arith.cmpi ne, %get3A_1216, %ne3A_1218 : vector<16xi32>
      %select_n3A_1220 = arith.select %ne3A_1219, %broadcast_in_dim3A_3, %broadcast_in_dim3A_5 : vector<16xi1>, vector<16xi32>
      %add3A_1221 = arith.addi %add3A_1208, %select_n3A_1220 : vector<16xi32>
      %mul3A_1222 = arith.constant 8 : i32
      %mul3A_1223 = arith.muli %while3A_1195, %mul3A_1222 : i32
      %add3A_1224 = arith.constant 2 : i32
      %add3A_1225 = arith.addi %mul3A_1223, %add3A_1224 : i32
      %mul3A_1226 = arith.constant 16 : i32
      %mul3A_1227 = arith.muli %add3A_1225, %mul3A_1226 : i32
      %get3A_1228 = arith.index_cast %mul3A_1227 : i32 to index
      %get3A_1229 = tpu.vector_load %arg6[%get3A_1228] {strides = array<i32>} : memref<8192xi32, #tpu.memory_space<vmem>>, vector<16xi32>,
      %ne3A_1230 = arith.constant 1 : i32
      %ne3A_1231 = vector.broadcast %ne3A_1230 : i32 to vector<16xi32>
      %ne3A_1232 = arith.cmpi ne, %get3A_1229, %ne3A_1231 : vector<16xi32>
      %select_n3A_1233 = arith.select %ne3A_1232, %broadcast_in_dim3A_3, %broadcast_in_dim3A_5 : vector<16xi1>, vector<16xi32>
      %add3A_1234 = arith.addi %add3A_1221, %select_n3A_1233 : vector<16xi32>
      %mul3A_1235 = arith.constant 8 : i32
      %mul3A_1236 = arith.muli %while3A_1195, %mul3A_1235 : i32
      %add3A_1237 = arith.constant 3 : i32
      %add3A_1238 = arith.addi %mul3A_1236, %add3A_1237 : i32
      %mul3A_1239 = arith.constant 16 : i32
      %mul3A_1240 = arith.muli %add3A_1238, %mul3A_1239 : i32
      %get3A_1241 = arith.index_cast %mul3A_1240 : i32 to index
      %get3A_1242 = tpu.vector_load %arg6[%get3A_1241] {strides = array<i32>} : memref<8192xi32, #tpu.memory_space<vmem>>, vector<16xi32>,
      %ne3A_1243 = arith.constant 1 : i32
      %ne3A_1244 = vector.broadcast %ne3A_1243 : i32 to vector<16xi32>
      %ne3A_1245 = arith.cmpi ne, %get3A_1242, %ne3A_1244 : vector<16xi32>
      %select_n3A_1246 = arith.select %ne3A_1245, %broadcast_in_dim3A_3, %broadcast_in_dim3A_5 : vector<16xi1>, vector<16xi32>
      %add3A_1247 = arith.addi %add3A_1234, %select_n3A_1246 : vector<16xi32>
      %mul3A_1248 = arith.constant 8 : i32
      %mul3A_1249 = arith.muli %while3A_1195, %mul3A_1248 : i32
      %add3A_1250 = arith.constant 4 : i32
      %add3A_1251 = arith.addi %mul3A_1249, %add3A_1250 : i32
      %mul3A_1252 = arith.constant 16 : i32
      %mul3A_1253 = arith.muli %add3A_1251, %mul3A_1252 : i32
      %get3A_1254 = arith.index_cast %mul3A_1253 : i32 to index
      %get3A_1255 = tpu.vector_load %arg6[%get3A_1254] {strides = array<i32>} : memref<8192xi32, #tpu.memory_space<vmem>>, vector<16xi32>,
      %ne3A_1256 = arith.constant 1 : i32
      %ne3A_1257 = vector.broadcast %ne3A_1256 : i32 to vector<16xi32>
      %ne3A_1258 = arith.cmpi ne, %get3A_1255, %ne3A_1257 : vector<16xi32>
      %select_n3A_1259 = arith.select %ne3A_1258, %broadcast_in_dim3A_3, %broadcast_in_dim3A_5 : vector<16xi1>, vector<16xi32>
      %add3A_1260 = arith.addi %add3A_1247, %select_n3A_1259 : vector<16xi32>
      %mul3A_1261 = arith.constant 8 : i32
      %mul3A_1262 = arith.muli %while3A_1195, %mul3A_1261 : i32
      %add3A_1263 = arith.constant 5 : i32
      %add3A_1264 = arith.addi %mul3A_1262, %add3A_1263 : i32
      %mul3A_1265 = arith.constant 16 : i32
      %mul3A_1266 = arith.muli %add3A_1264, %mul3A_1265 : i32
      %get3A_1267 = arith.index_cast %mul3A_1266 : i32 to index
      %get3A_1268 = tpu.vector_load %arg6[%get3A_1267] {strides = array<i32>} : memref<8192xi32, #tpu.memory_space<vmem>>, vector<16xi32>,
      %ne3A_1269 = arith.constant 1 : i32
      %ne3A_1270 = vector.broadcast %ne3A_1269 : i32 to vector<16xi32>
      %ne3A_1271 = arith.cmpi ne, %get3A_1268, %ne3A_1270 : vector<16xi32>
      %select_n3A_1272 = arith.select %ne3A_1271, %broadcast_in_dim3A_3, %broadcast_in_dim3A_5 : vector<16xi1>, vector<16xi32>
      %add3A_1273 = arith.addi %add3A_1260, %select_n3A_1272 : vector<16xi32>
      %mul3A_1274 = arith.constant 8 : i32
      %mul3A_1275 = arith.muli %while3A_1195, %mul3A_1274 : i32
      %add3A_1276 = arith.constant 6 : i32
      %add3A_1277 = arith.addi %mul3A_1275, %add3A_1276 : i32
      %mul3A_1278 = arith.constant 16 : i32
      %mul3A_1279 = arith.muli %add3A_1277, %mul3A_1278 : i32
      %get3A_1280 = arith.index_cast %mul3A_1279 : i32 to index
      %get3A_1281 = tpu.vector_load %arg6[%get3A_1280] {strides = array<i32>} : memref<8192xi32, #tpu.memory_space<vmem>>, vector<16xi32>,
      %ne3A_1282 = arith.constant 1 : i32
      %ne3A_1283 = vector.broadcast %ne3A_1282 : i32 to vector<16xi32>
      %ne3A_1284 = arith.cmpi ne, %get3A_1281, %ne3A_1283 : vector<16xi32>
      %select_n3A_1285 = arith.select %ne3A_1284, %broadcast_in_dim3A_3, %broadcast_in_dim3A_5 : vector<16xi1>, vector<16xi32>
      %add3A_1286 = arith.addi %add3A_1273, %select_n3A_1285 : vector<16xi32>
      %mul3A_1287 = arith.constant 8 : i32
      %mul3A_1288 = arith.muli %while3A_1195, %mul3A_1287 : i32
      %add3A_1289 = arith.constant 7 : i32
      %add3A_1290 = arith.addi %mul3A_1288, %add3A_1289 : i32
      %mul3A_1291 = arith.constant 16 : i32
      %mul3A_1292 = arith.muli %add3A_1290, %mul3A_1291 : i32
      %get3A_1293 = arith.index_cast %mul3A_1292 : i32 to index
      %get3A_1294 = tpu.vector_load %arg6[%get3A_1293] {strides = array<i32>} : memref<8192xi32, #tpu.memory_space<vmem>>, vector<16xi32>,
      %ne3A_1295 = arith.constant 1 : i32
      %ne3A_1296 = vector.broadcast %ne3A_1295 : i32 to vector<16xi32>
      %ne3A_1297 = arith.cmpi ne, %get3A_1294, %ne3A_1296 : vector<16xi32>
      %select_n3A_1298 = arith.select %ne3A_1297, %broadcast_in_dim3A_3, %broadcast_in_dim3A_5 : vector<16xi1>, vector<16xi32>
      %add3A_1299 = arith.addi %add3A_1286, %select_n3A_1298 : vector<16xi32>
      scf.yield %add3A_1299 : vector<16xi32>
    }
    %reduce_sum3A_66 = arith.constant true
    %reduce_sum3A_67 = vector.broadcast %reduce_sum3A_66 : i1 to vector<16xi1>
    %reduce_sum3A_68 = tpu.scan <sum>, %while3A_65 masked %reduce_sum3A_67 : vector<16xi32>, vector<16xi1> -> vector<16xi32>
    %reduce_sum3A_69 = vector.extract %reduce_sum3A_68[15] : i32 from vector<16xi32>
    %add3A_70 = arith.constant 1 : i32
    %add3A_71 = arith.addi %reduce_sum3A_69, %add3A_70 : i32
    %scan3A_72 = arith.constant 0 : i32
    %scan3A_73 = arith.constant 16 : i32
    %scan3A_74 = arith.addi %scan3A_72, %scan3A_73 : i32
    %scan3A_75 = arith.constant 1 : i32
    %scan3A_76 = scf.for %scan3A_1195 = %scan3A_72 to %scan3A_74 step %scan3A_75 iter_args(%scan3A_1196 = %add3A_71) -> (i32)  : i32 {
      %mul3A_1197 = arith.constant 16 : i32
      %mul3A_1198 = arith.muli %scan3A_1195, %mul3A_1197 : i32
      %add3A_1199 = arith.addi %mul3A_2, %mul3A_1198 : i32
      %get3A_1200 = arith.index_cast %add3A_1199 : i32 to index
      %get3A_1201 = tpu.vector_load %arg6[%get3A_1200] {strides = array<i32>} : memref<8192xi32, #tpu.memory_space<vmem>>, vector<16xi32>,
      %ne3A = arith.constant 1 : i32
      %ne3A_1202 = vector.broadcast %ne3A : i32 to vector<16xi32>
      %ne3A_1203 = arith.cmpi ne, %get3A_1201, %ne3A_1202 : vector<16xi32>
      %select_n3A_1204 = arith.select %ne3A_1203, %broadcast_in_dim3A_3, %broadcast_in_dim3A_5 : vector<16xi1>, vector<16xi32>
      %cumsum3A = arith.constant true
      %cumsum3A_1205 = vector.broadcast %cumsum3A : i1 to vector<16xi1>
      %cumsum3A_1206 = tpu.scan <sum>, %select_n3A_1204 masked %cumsum3A_1205 : vector<16xi32>, vector<16xi1> -> vector<16xi32>
      %add3A_1207 = vector.broadcast %scan3A_1196 : i32 to vector<16xi32>
      %add3A_1208 = arith.addi %cumsum3A_1206, %add3A_1207 : vector<16xi32>
      %select_n3A_1209 = arith.select %ne3A_1203, %add3A_1208, %broadcast_in_dim3A_7 : vector<16xi1>, vector<16xi32>
      %mul3A_1210 = arith.constant 16 : i32
      %mul3A_1211 = arith.muli %scan3A_1195, %mul3A_1210 : i32
      %add3A_1212 = arith.constant 256 : i32
      %add3A_1213 = arith.addi %add3A_1212, %mul3A_1211 : i32
      %swap3A = arith.index_cast %add3A_1213 : i32 to index
      %swap3A_1214 = tpu.vector_load %arg7[%swap3A] {strides = array<i32>} : memref<1024xi32, #tpu.memory_space<vmem>>, vector<16xi32>,
      tpu.vector_store %arg7[%swap3A], %select_n3A_1209 {strides = array<i32>} : memref<1024xi32, #tpu.memory_space<vmem>>, vector<16xi32>,
      %slice3A = vector.extract_strided_slice %cumsum3A_1206 {offsets = [15], sizes = [1], strides = [1]} : vector<16xi32> to vector<1xi32>
      %squeeze3A = vector.extract %slice3A[0] : i32 from vector<1xi32>
      %add3A_1215 = arith.addi %scan3A_1196, %squeeze3A : i32
      scf.yield %add3A_1215 : i32
    }
    %scan3A_77 = arith.constant 16 : i32
    %dma_wait3A_78 = arith.constant 0 : i32
    %dma_wait3A_79 = tpu.memref_slice %arg2[%dma_wait3A_78] : memref<32768xi32, #tpu.memory_space<hbm>> -> memref<8192xi32, #tpu.memory_space<hbm>>
    %dma_wait3A_80 = arith.constant 0 : i32
    %dma_wait3A_81 = tpu.memref_slice %arg2[%dma_wait3A_80] : memref<32768xi32, #tpu.memory_space<hbm>> -> memref<8192xi32, #tpu.memory_space<hbm>>
    tpu.wait_dma2 semaphore(%arg16 : memref<!tpu.dma_semaphore, #tpu.memory_space<semaphore_mem>>) src(%dma_wait3A_81 : memref<8192xi32, #tpu.memory_space<hbm>>) dst(%arg5 : memref<8192xi32, #tpu.memory_space<vmem>>)
    %dma_start3A_82 = arith.constant 24576 : i32
    %dma_start3A_83 = tpu.memref_slice %arg2[%dma_start3A_82] : memref<32768xi32, #tpu.memory_space<hbm>> -> memref<8192xi32, #tpu.memory_space<hbm>>
    %dma_start3A_84 = arith.constant 24576 : i32
    %dma_start3A_85 = tpu.memref_slice %arg2[%dma_start3A_84] : memref<32768xi32, #tpu.memory_space<hbm>> -> memref<8192xi32, #tpu.memory_space<hbm>>
    tpu.enqueue_dma source(%dma_start3A_85 : memref<8192xi32, #tpu.memory_space<hbm>>) target(%arg6 : memref<8192xi32, #tpu.memory_space<vmem>>) target_semaphore(%arg16 : memref<!tpu.dma_semaphore, #tpu.memory_space<semaphore_mem>>)
    %mul3A_86 = arith.constant 2 : i32
    %mul3A_87 = arith.muli %add3A, %mul3A_86 : i32
    %while3A_88 = arith.constant 0 : i32
    %while3A_89 = arith.subi %mul3A_87, %while3A_88 : i32
    %while3A_90 = arith.addi %while3A_88, %while3A_89 : i32
    %while3A_91 = arith.constant 1 : i32
    %while3A_92 = arith.divsi %while3A_89, %while3A_91 : i32
    %while3A_93 = arith.muli %while3A_92, %while3A_91 : i32
    %while3A_94 = arith.addi %while3A_88, %while3A_93 : i32
    %while3A_95 = arith.constant 1 : i32
    %while3A_96 = scf.for %while3A_1195 = %while3A_88 to %while3A_94 step %while3A_95 iter_args(%while3A_1196 = %broadcast_in_dim3A_5) -> (vector<16xi32>)  : i32 {
      %mul3A_1197 = arith.constant 8 : i32
      %mul3A_1198 = arith.muli %while3A_1195, %mul3A_1197 : i32
      %add3A_1199 = arith.constant 0 : i32
      %add3A_1200 = arith.addi %mul3A_1198, %add3A_1199 : i32
      %mul3A_1201 = arith.constant 16 : i32
      %mul3A_1202 = arith.muli %add3A_1200, %mul3A_1201 : i32
      %get3A_1203 = arith.index_cast %mul3A_1202 : i32 to index
      %get3A_1204 = tpu.vector_load %arg5[%get3A_1203] {strides = array<i32>} : memref<8192xi32, #tpu.memory_space<vmem>>, vector<16xi32>,
      %ne3A = arith.constant 1 : i32
      %ne3A_1205 = vector.broadcast %ne3A : i32 to vector<16xi32>
      %ne3A_1206 = arith.cmpi ne, %get3A_1204, %ne3A_1205 : vector<16xi32>
      %select_n3A_1207 = arith.select %ne3A_1206, %broadcast_in_dim3A_3, %broadcast_in_dim3A_5 : vector<16xi1>, vector<16xi32>
      %add3A_1208 = arith.addi %while3A_1196, %select_n3A_1207 : vector<16xi32>
      %mul3A_1209 = arith.constant 8 : i32
      %mul3A_1210 = arith.muli %while3A_1195, %mul3A_1209 : i32
      %add3A_1211 = arith.constant 1 : i32
      %add3A_1212 = arith.addi %mul3A_1210, %add3A_1211 : i32
      %mul3A_1213 = arith.constant 16 : i32
      %mul3A_1214 = arith.muli %add3A_1212, %mul3A_1213 : i32
      %get3A_1215 = arith.index_cast %mul3A_1214 : i32 to index
      %get3A_1216 = tpu.vector_load %arg5[%get3A_1215] {strides = array<i32>} : memref<8192xi32, #tpu.memory_space<vmem>>, vector<16xi32>,
      %ne3A_1217 = arith.constant 1 : i32
      %ne3A_1218 = vector.broadcast %ne3A_1217 : i32 to vector<16xi32>
      %ne3A_1219 = arith.cmpi ne, %get3A_1216, %ne3A_1218 : vector<16xi32>
      %select_n3A_1220 = arith.select %ne3A_1219, %broadcast_in_dim3A_3, %broadcast_in_dim3A_5 : vector<16xi1>, vector<16xi32>
      %add3A_1221 = arith.addi %add3A_1208, %select_n3A_1220 : vector<16xi32>
      %mul3A_1222 = arith.constant 8 : i32
      %mul3A_1223 = arith.muli %while3A_1195, %mul3A_1222 : i32
      %add3A_1224 = arith.constant 2 : i32
      %add3A_1225 = arith.addi %mul3A_1223, %add3A_1224 : i32
      %mul3A_1226 = arith.constant 16 : i32
      %mul3A_1227 = arith.muli %add3A_1225, %mul3A_1226 : i32
      %get3A_1228 = arith.index_cast %mul3A_1227 : i32 to index
      %get3A_1229 = tpu.vector_load %arg5[%get3A_1228] {strides = array<i32>} : memref<8192xi32, #tpu.memory_space<vmem>>, vector<16xi32>,
      %ne3A_1230 = arith.constant 1 : i32
      %ne3A_1231 = vector.broadcast %ne3A_1230 : i32 to vector<16xi32>
      %ne3A_1232 = arith.cmpi ne, %get3A_1229, %ne3A_1231 : vector<16xi32>
      %select_n3A_1233 = arith.select %ne3A_1232, %broadcast_in_dim3A_3, %broadcast_in_dim3A_5 : vector<16xi1>, vector<16xi32>
      %add3A_1234 = arith.addi %add3A_1221, %select_n3A_1233 : vector<16xi32>
      %mul3A_1235 = arith.constant 8 : i32
      %mul3A_1236 = arith.muli %while3A_1195, %mul3A_1235 : i32
      %add3A_1237 = arith.constant 3 : i32
      %add3A_1238 = arith.addi %mul3A_1236, %add3A_1237 : i32
      %mul3A_1239 = arith.constant 16 : i32
      %mul3A_1240 = arith.muli %add3A_1238, %mul3A_1239 : i32
      %get3A_1241 = arith.index_cast %mul3A_1240 : i32 to index
      %get3A_1242 = tpu.vector_load %arg5[%get3A_1241] {strides = array<i32>} : memref<8192xi32, #tpu.memory_space<vmem>>, vector<16xi32>,
      %ne3A_1243 = arith.constant 1 : i32
      %ne3A_1244 = vector.broadcast %ne3A_1243 : i32 to vector<16xi32>
      %ne3A_1245 = arith.cmpi ne, %get3A_1242, %ne3A_1244 : vector<16xi32>
      %select_n3A_1246 = arith.select %ne3A_1245, %broadcast_in_dim3A_3, %broadcast_in_dim3A_5 : vector<16xi1>, vector<16xi32>
      %add3A_1247 = arith.addi %add3A_1234, %select_n3A_1246 : vector<16xi32>
      %mul3A_1248 = arith.constant 8 : i32
      %mul3A_1249 = arith.muli %while3A_1195, %mul3A_1248 : i32
      %add3A_1250 = arith.constant 4 : i32
      %add3A_1251 = arith.addi %mul3A_1249, %add3A_1250 : i32
      %mul3A_1252 = arith.constant 16 : i32
      %mul3A_1253 = arith.muli %add3A_1251, %mul3A_1252 : i32
      %get3A_1254 = arith.index_cast %mul3A_1253 : i32 to index
      %get3A_1255 = tpu.vector_load %arg5[%get3A_1254] {strides = array<i32>} : memref<8192xi32, #tpu.memory_space<vmem>>, vector<16xi32>,
      %ne3A_1256 = arith.constant 1 : i32
      %ne3A_1257 = vector.broadcast %ne3A_1256 : i32 to vector<16xi32>
      %ne3A_1258 = arith.cmpi ne, %get3A_1255, %ne3A_1257 : vector<16xi32>
      %select_n3A_1259 = arith.select %ne3A_1258, %broadcast_in_dim3A_3, %broadcast_in_dim3A_5 : vector<16xi1>, vector<16xi32>
      %add3A_1260 = arith.addi %add3A_1247, %select_n3A_1259 : vector<16xi32>
      %mul3A_1261 = arith.constant 8 : i32
      %mul3A_1262 = arith.muli %while3A_1195, %mul3A_1261 : i32
      %add3A_1263 = arith.constant 5 : i32
      %add3A_1264 = arith.addi %mul3A_1262, %add3A_1263 : i32
      %mul3A_1265 = arith.constant 16 : i32
      %mul3A_1266 = arith.muli %add3A_1264, %mul3A_1265 : i32
      %get3A_1267 = arith.index_cast %mul3A_1266 : i32 to index
      %get3A_1268 = tpu.vector_load %arg5[%get3A_1267] {strides = array<i32>} : memref<8192xi32, #tpu.memory_space<vmem>>, vector<16xi32>,
      %ne3A_1269 = arith.constant 1 : i32
      %ne3A_1270 = vector.broadcast %ne3A_1269 : i32 to vector<16xi32>
      %ne3A_1271 = arith.cmpi ne, %get3A_1268, %ne3A_1270 : vector<16xi32>
      %select_n3A_1272 = arith.select %ne3A_1271, %broadcast_in_dim3A_3, %broadcast_in_dim3A_5 : vector<16xi1>, vector<16xi32>
      %add3A_1273 = arith.addi %add3A_1260, %select_n3A_1272 : vector<16xi32>
      %mul3A_1274 = arith.constant 8 : i32
      %mul3A_1275 = arith.muli %while3A_1195, %mul3A_1274 : i32
      %add3A_1276 = arith.constant 6 : i32
      %add3A_1277 = arith.addi %mul3A_1275, %add3A_1276 : i32
      %mul3A_1278 = arith.constant 16 : i32
      %mul3A_1279 = arith.muli %add3A_1277, %mul3A_1278 : i32
      %get3A_1280 = arith.index_cast %mul3A_1279 : i32 to index
      %get3A_1281 = tpu.vector_load %arg5[%get3A_1280] {strides = array<i32>} : memref<8192xi32, #tpu.memory_space<vmem>>, vector<16xi32>,
      %ne3A_1282 = arith.constant 1 : i32
      %ne3A_1283 = vector.broadcast %ne3A_1282 : i32 to vector<16xi32>
      %ne3A_1284 = arith.cmpi ne, %get3A_1281, %ne3A_1283 : vector<16xi32>
      %select_n3A_1285 = arith.select %ne3A_1284, %broadcast_in_dim3A_3, %broadcast_in_dim3A_5 : vector<16xi1>, vector<16xi32>
      %add3A_1286 = arith.addi %add3A_1273, %select_n3A_1285 : vector<16xi32>
      %mul3A_1287 = arith.constant 8 : i32
      %mul3A_1288 = arith.muli %while3A_1195, %mul3A_1287 : i32
      %add3A_1289 = arith.constant 7 : i32
      %add3A_1290 = arith.addi %mul3A_1288, %add3A_1289 : i32
      %mul3A_1291 = arith.constant 16 : i32
      %mul3A_1292 = arith.muli %add3A_1290, %mul3A_1291 : i32
      %get3A_1293 = arith.index_cast %mul3A_1292 : i32 to index
      %get3A_1294 = tpu.vector_load %arg5[%get3A_1293] {strides = array<i32>} : memref<8192xi32, #tpu.memory_space<vmem>>, vector<16xi32>,
      %ne3A_1295 = arith.constant 1 : i32
      %ne3A_1296 = vector.broadcast %ne3A_1295 : i32 to vector<16xi32>
      %ne3A_1297 = arith.cmpi ne, %get3A_1294, %ne3A_1296 : vector<16xi32>
      %select_n3A_1298 = arith.select %ne3A_1297, %broadcast_in_dim3A_3, %broadcast_in_dim3A_5 : vector<16xi1>, vector<16xi32>
      %add3A_1299 = arith.addi %add3A_1286, %select_n3A_1298 : vector<16xi32>
      scf.yield %add3A_1299 : vector<16xi32>
    }
    %while3A_97 = arith.constant 1 : i32
    %while3A_98 = scf.for %while3A_1195 = %while3A_94 to %while3A_90 step %while3A_97 iter_args(%while3A_1196 = %while3A_96) -> (vector<16xi32>)  : i32 {
      %mul3A_1197 = arith.constant 8 : i32
      %mul3A_1198 = arith.muli %while3A_1195, %mul3A_1197 : i32
      %add3A_1199 = arith.constant 0 : i32
      %add3A_1200 = arith.addi %mul3A_1198, %add3A_1199 : i32
      %mul3A_1201 = arith.constant 16 : i32
      %mul3A_1202 = arith.muli %add3A_1200, %mul3A_1201 : i32
      %get3A_1203 = arith.index_cast %mul3A_1202 : i32 to index
      %get3A_1204 = tpu.vector_load %arg5[%get3A_1203] {strides = array<i32>} : memref<8192xi32, #tpu.memory_space<vmem>>, vector<16xi32>,
      %ne3A = arith.constant 1 : i32
      %ne3A_1205 = vector.broadcast %ne3A : i32 to vector<16xi32>
      %ne3A_1206 = arith.cmpi ne, %get3A_1204, %ne3A_1205 : vector<16xi32>
      %select_n3A_1207 = arith.select %ne3A_1206, %broadcast_in_dim3A_3, %broadcast_in_dim3A_5 : vector<16xi1>, vector<16xi32>
      %add3A_1208 = arith.addi %while3A_1196, %select_n3A_1207 : vector<16xi32>
      %mul3A_1209 = arith.constant 8 : i32
      %mul3A_1210 = arith.muli %while3A_1195, %mul3A_1209 : i32
      %add3A_1211 = arith.constant 1 : i32
      %add3A_1212 = arith.addi %mul3A_1210, %add3A_1211 : i32
      %mul3A_1213 = arith.constant 16 : i32
      %mul3A_1214 = arith.muli %add3A_1212, %mul3A_1213 : i32
      %get3A_1215 = arith.index_cast %mul3A_1214 : i32 to index
      %get3A_1216 = tpu.vector_load %arg5[%get3A_1215] {strides = array<i32>} : memref<8192xi32, #tpu.memory_space<vmem>>, vector<16xi32>,
      %ne3A_1217 = arith.constant 1 : i32
      %ne3A_1218 = vector.broadcast %ne3A_1217 : i32 to vector<16xi32>
      %ne3A_1219 = arith.cmpi ne, %get3A_1216, %ne3A_1218 : vector<16xi32>
      %select_n3A_1220 = arith.select %ne3A_1219, %broadcast_in_dim3A_3, %broadcast_in_dim3A_5 : vector<16xi1>, vector<16xi32>
      %add3A_1221 = arith.addi %add3A_1208, %select_n3A_1220 : vector<16xi32>
      %mul3A_1222 = arith.constant 8 : i32
      %mul3A_1223 = arith.muli %while3A_1195, %mul3A_1222 : i32
      %add3A_1224 = arith.constant 2 : i32
      %add3A_1225 = arith.addi %mul3A_1223, %add3A_1224 : i32
      %mul3A_1226 = arith.constant 16 : i32
      %mul3A_1227 = arith.muli %add3A_1225, %mul3A_1226 : i32
      %get3A_1228 = arith.index_cast %mul3A_1227 : i32 to index
      %get3A_1229 = tpu.vector_load %arg5[%get3A_1228] {strides = array<i32>} : memref<8192xi32, #tpu.memory_space<vmem>>, vector<16xi32>,
      %ne3A_1230 = arith.constant 1 : i32
      %ne3A_1231 = vector.broadcast %ne3A_1230 : i32 to vector<16xi32>
      %ne3A_1232 = arith.cmpi ne, %get3A_1229, %ne3A_1231 : vector<16xi32>
      %select_n3A_1233 = arith.select %ne3A_1232, %broadcast_in_dim3A_3, %broadcast_in_dim3A_5 : vector<16xi1>, vector<16xi32>
      %add3A_1234 = arith.addi %add3A_1221, %select_n3A_1233 : vector<16xi32>
      %mul3A_1235 = arith.constant 8 : i32
      %mul3A_1236 = arith.muli %while3A_1195, %mul3A_1235 : i32
      %add3A_1237 = arith.constant 3 : i32
      %add3A_1238 = arith.addi %mul3A_1236, %add3A_1237 : i32
      %mul3A_1239 = arith.constant 16 : i32
      %mul3A_1240 = arith.muli %add3A_1238, %mul3A_1239 : i32
      %get3A_1241 = arith.index_cast %mul3A_1240 : i32 to index
      %get3A_1242 = tpu.vector_load %arg5[%get3A_1241] {strides = array<i32>} : memref<8192xi32, #tpu.memory_space<vmem>>, vector<16xi32>,
      %ne3A_1243 = arith.constant 1 : i32
      %ne3A_1244 = vector.broadcast %ne3A_1243 : i32 to vector<16xi32>
      %ne3A_1245 = arith.cmpi ne, %get3A_1242, %ne3A_1244 : vector<16xi32>
      %select_n3A_1246 = arith.select %ne3A_1245, %broadcast_in_dim3A_3, %broadcast_in_dim3A_5 : vector<16xi1>, vector<16xi32>
      %add3A_1247 = arith.addi %add3A_1234, %select_n3A_1246 : vector<16xi32>
      %mul3A_1248 = arith.constant 8 : i32
      %mul3A_1249 = arith.muli %while3A_1195, %mul3A_1248 : i32
      %add3A_1250 = arith.constant 4 : i32
      %add3A_1251 = arith.addi %mul3A_1249, %add3A_1250 : i32
      %mul3A_1252 = arith.constant 16 : i32
      %mul3A_1253 = arith.muli %add3A_1251, %mul3A_1252 : i32
      %get3A_1254 = arith.index_cast %mul3A_1253 : i32 to index
      %get3A_1255 = tpu.vector_load %arg5[%get3A_1254] {strides = array<i32>} : memref<8192xi32, #tpu.memory_space<vmem>>, vector<16xi32>,
      %ne3A_1256 = arith.constant 1 : i32
      %ne3A_1257 = vector.broadcast %ne3A_1256 : i32 to vector<16xi32>
      %ne3A_1258 = arith.cmpi ne, %get3A_1255, %ne3A_1257 : vector<16xi32>
      %select_n3A_1259 = arith.select %ne3A_1258, %broadcast_in_dim3A_3, %broadcast_in_dim3A_5 : vector<16xi1>, vector<16xi32>
      %add3A_1260 = arith.addi %add3A_1247, %select_n3A_1259 : vector<16xi32>
      %mul3A_1261 = arith.constant 8 : i32
      %mul3A_1262 = arith.muli %while3A_1195, %mul3A_1261 : i32
      %add3A_1263 = arith.constant 5 : i32
      %add3A_1264 = arith.addi %mul3A_1262, %add3A_1263 : i32
      %mul3A_1265 = arith.constant 16 : i32
      %mul3A_1266 = arith.muli %add3A_1264, %mul3A_1265 : i32
      %get3A_1267 = arith.index_cast %mul3A_1266 : i32 to index
      %get3A_1268 = tpu.vector_load %arg5[%get3A_1267] {strides = array<i32>} : memref<8192xi32, #tpu.memory_space<vmem>>, vector<16xi32>,
      %ne3A_1269 = arith.constant 1 : i32
      %ne3A_1270 = vector.broadcast %ne3A_1269 : i32 to vector<16xi32>
      %ne3A_1271 = arith.cmpi ne, %get3A_1268, %ne3A_1270 : vector<16xi32>
      %select_n3A_1272 = arith.select %ne3A_1271, %broadcast_in_dim3A_3, %broadcast_in_dim3A_5 : vector<16xi1>, vector<16xi32>
      %add3A_1273 = arith.addi %add3A_1260, %select_n3A_1272 : vector<16xi32>
      %mul3A_1274 = arith.constant 8 : i32
      %mul3A_1275 = arith.muli %while3A_1195, %mul3A_1274 : i32
      %add3A_1276 = arith.constant 6 : i32
      %add3A_1277 = arith.addi %mul3A_1275, %add3A_1276 : i32
      %mul3A_1278 = arith.constant 16 : i32
      %mul3A_1279 = arith.muli %add3A_1277, %mul3A_1278 : i32
      %get3A_1280 = arith.index_cast %mul3A_1279 : i32 to index
      %get3A_1281 = tpu.vector_load %arg5[%get3A_1280] {strides = array<i32>} : memref<8192xi32, #tpu.memory_space<vmem>>, vector<16xi32>,
      %ne3A_1282 = arith.constant 1 : i32
      %ne3A_1283 = vector.broadcast %ne3A_1282 : i32 to vector<16xi32>
      %ne3A_1284 = arith.cmpi ne, %get3A_1281, %ne3A_1283 : vector<16xi32>
      %select_n3A_1285 = arith.select %ne3A_1284, %broadcast_in_dim3A_3, %broadcast_in_dim3A_5 : vector<16xi1>, vector<16xi32>
      %add3A_1286 = arith.addi %add3A_1273, %select_n3A_1285 : vector<16xi32>
      %mul3A_1287 = arith.constant 8 : i32
      %mul3A_1288 = arith.muli %while3A_1195, %mul3A_1287 : i32
      %add3A_1289 = arith.constant 7 : i32
      %add3A_1290 = arith.addi %mul3A_1288, %add3A_1289 : i32
      %mul3A_1291 = arith.constant 16 : i32
      %mul3A_1292 = arith.muli %add3A_1290, %mul3A_1291 : i32
      %get3A_1293 = arith.index_cast %mul3A_1292 : i32 to index
      %get3A_1294 = tpu.vector_load %arg5[%get3A_1293] {strides = array<i32>} : memref<8192xi32, #tpu.memory_space<vmem>>, vector<16xi32>,
      %ne3A_1295 = arith.constant 1 : i32
      %ne3A_1296 = vector.broadcast %ne3A_1295 : i32 to vector<16xi32>
      %ne3A_1297 = arith.cmpi ne, %get3A_1294, %ne3A_1296 : vector<16xi32>
      %select_n3A_1298 = arith.select %ne3A_1297, %broadcast_in_dim3A_3, %broadcast_in_dim3A_5 : vector<16xi1>, vector<16xi32>
      %add3A_1299 = arith.addi %add3A_1286, %select_n3A_1298 : vector<16xi32>
      scf.yield %add3A_1299 : vector<16xi32>
    }
    %reduce_sum3A_99 = arith.constant true
    %reduce_sum3A_100 = vector.broadcast %reduce_sum3A_99 : i1 to vector<16xi1>
    %reduce_sum3A_101 = tpu.scan <sum>, %while3A_98 masked %reduce_sum3A_100 : vector<16xi32>, vector<16xi1> -> vector<16xi32>
    %reduce_sum3A_102 = vector.extract %reduce_sum3A_101[15] : i32 from vector<16xi32>
    %add3A_103 = arith.constant 1 : i32
    %add3A_104 = arith.addi %reduce_sum3A_102, %add3A_103 : i32
    %scan3A_105 = arith.constant 0 : i32
    %scan3A_106 = arith.constant 16 : i32
    %scan3A_107 = arith.addi %scan3A_105, %scan3A_106 : i32
    %scan3A_108 = arith.constant 1 : i32
    %scan3A_109 = scf.for %scan3A_1195 = %scan3A_105 to %scan3A_107 step %scan3A_108 iter_args(%scan3A_1196 = %add3A_104) -> (i32)  : i32 {
      %mul3A_1197 = arith.constant 16 : i32
      %mul3A_1198 = arith.muli %scan3A_1195, %mul3A_1197 : i32
      %add3A_1199 = arith.addi %mul3A_2, %mul3A_1198 : i32
      %get3A_1200 = arith.index_cast %add3A_1199 : i32 to index
      %get3A_1201 = tpu.vector_load %arg5[%get3A_1200] {strides = array<i32>} : memref<8192xi32, #tpu.memory_space<vmem>>, vector<16xi32>,
      %ne3A = arith.constant 1 : i32
      %ne3A_1202 = vector.broadcast %ne3A : i32 to vector<16xi32>
      %ne3A_1203 = arith.cmpi ne, %get3A_1201, %ne3A_1202 : vector<16xi32>
      %select_n3A_1204 = arith.select %ne3A_1203, %broadcast_in_dim3A_3, %broadcast_in_dim3A_5 : vector<16xi1>, vector<16xi32>
      %cumsum3A = arith.constant true
      %cumsum3A_1205 = vector.broadcast %cumsum3A : i1 to vector<16xi1>
      %cumsum3A_1206 = tpu.scan <sum>, %select_n3A_1204 masked %cumsum3A_1205 : vector<16xi32>, vector<16xi1> -> vector<16xi32>
      %add3A_1207 = vector.broadcast %scan3A_1196 : i32 to vector<16xi32>
      %add3A_1208 = arith.addi %cumsum3A_1206, %add3A_1207 : vector<16xi32>
      %select_n3A_1209 = arith.select %ne3A_1203, %add3A_1208, %broadcast_in_dim3A_7 : vector<16xi1>, vector<16xi32>
      %mul3A_1210 = arith.constant 16 : i32
      %mul3A_1211 = arith.muli %scan3A_1195, %mul3A_1210 : i32
      %add3A_1212 = arith.constant 512 : i32
      %add3A_1213 = arith.addi %add3A_1212, %mul3A_1211 : i32
      %swap3A = arith.index_cast %add3A_1213 : i32 to index
      %swap3A_1214 = tpu.vector_load %arg7[%swap3A] {strides = array<i32>} : memref<1024xi32, #tpu.memory_space<vmem>>, vector<16xi32>,
      tpu.vector_store %arg7[%swap3A], %select_n3A_1209 {strides = array<i32>} : memref<1024xi32, #tpu.memory_space<vmem>>, vector<16xi32>,
      %slice3A = vector.extract_strided_slice %cumsum3A_1206 {offsets = [15], sizes = [1], strides = [1]} : vector<16xi32> to vector<1xi32>
      %squeeze3A = vector.extract %slice3A[0] : i32 from vector<1xi32>
      %add3A_1215 = arith.addi %scan3A_1196, %squeeze3A : i32
      scf.yield %add3A_1215 : i32
    }
    %scan3A_110 = arith.constant 16 : i32
    %dma_wait3A_111 = arith.constant 0 : i32
    %dma_wait3A_112 = tpu.memref_slice %arg2[%dma_wait3A_111] : memref<32768xi32, #tpu.memory_space<hbm>> -> memref<8192xi32, #tpu.memory_space<hbm>>
    %dma_wait3A_113 = arith.constant 0 : i32
    %dma_wait3A_114 = tpu.memref_slice %arg2[%dma_wait3A_113] : memref<32768xi32, #tpu.memory_space<hbm>> -> memref<8192xi32, #tpu.memory_space<hbm>>
    tpu.wait_dma2 semaphore(%arg16 : memref<!tpu.dma_semaphore, #tpu.memory_space<semaphore_mem>>) src(%dma_wait3A_114 : memref<8192xi32, #tpu.memory_space<hbm>>) dst(%arg6 : memref<8192xi32, #tpu.memory_space<vmem>>)
    %mul3A_115 = arith.constant 2 : i32
    %mul3A_116 = arith.muli %add3A, %mul3A_115 : i32
    %while3A_117 = arith.constant 0 : i32
    %while3A_118 = arith.subi %mul3A_116, %while3A_117 : i32
    %while3A_119 = arith.addi %while3A_117, %while3A_118 : i32
    %while3A_120 = arith.constant 1 : i32
    %while3A_121 = arith.divsi %while3A_118, %while3A_120 : i32
    %while3A_122 = arith.muli %while3A_121, %while3A_120 : i32
    %while3A_123 = arith.addi %while3A_117, %while3A_122 : i32
    %while3A_124 = arith.constant 1 : i32
    %while3A_125 = scf.for %while3A_1195 = %while3A_117 to %while3A_123 step %while3A_124 iter_args(%while3A_1196 = %broadcast_in_dim3A_5) -> (vector<16xi32>)  : i32 {
      %mul3A_1197 = arith.constant 8 : i32
      %mul3A_1198 = arith.muli %while3A_1195, %mul3A_1197 : i32
      %add3A_1199 = arith.constant 0 : i32
      %add3A_1200 = arith.addi %mul3A_1198, %add3A_1199 : i32
      %mul3A_1201 = arith.constant 16 : i32
      %mul3A_1202 = arith.muli %add3A_1200, %mul3A_1201 : i32
      %get3A_1203 = arith.index_cast %mul3A_1202 : i32 to index
      %get3A_1204 = tpu.vector_load %arg6[%get3A_1203] {strides = array<i32>} : memref<8192xi32, #tpu.memory_space<vmem>>, vector<16xi32>,
      %ne3A = arith.constant 1 : i32
      %ne3A_1205 = vector.broadcast %ne3A : i32 to vector<16xi32>
      %ne3A_1206 = arith.cmpi ne, %get3A_1204, %ne3A_1205 : vector<16xi32>
      %select_n3A_1207 = arith.select %ne3A_1206, %broadcast_in_dim3A_3, %broadcast_in_dim3A_5 : vector<16xi1>, vector<16xi32>
      %add3A_1208 = arith.addi %while3A_1196, %select_n3A_1207 : vector<16xi32>
      %mul3A_1209 = arith.constant 8 : i32
      %mul3A_1210 = arith.muli %while3A_1195, %mul3A_1209 : i32
      %add3A_1211 = arith.constant 1 : i32
      %add3A_1212 = arith.addi %mul3A_1210, %add3A_1211 : i32
      %mul3A_1213 = arith.constant 16 : i32
      %mul3A_1214 = arith.muli %add3A_1212, %mul3A_1213 : i32
      %get3A_1215 = arith.index_cast %mul3A_1214 : i32 to index
      %get3A_1216 = tpu.vector_load %arg6[%get3A_1215] {strides = array<i32>} : memref<8192xi32, #tpu.memory_space<vmem>>, vector<16xi32>,
      %ne3A_1217 = arith.constant 1 : i32
      %ne3A_1218 = vector.broadcast %ne3A_1217 : i32 to vector<16xi32>
      %ne3A_1219 = arith.cmpi ne, %get3A_1216, %ne3A_1218 : vector<16xi32>
      %select_n3A_1220 = arith.select %ne3A_1219, %broadcast_in_dim3A_3, %broadcast_in_dim3A_5 : vector<16xi1>, vector<16xi32>
      %add3A_1221 = arith.addi %add3A_1208, %select_n3A_1220 : vector<16xi32>
      %mul3A_1222 = arith.constant 8 : i32
      %mul3A_1223 = arith.muli %while3A_1195, %mul3A_1222 : i32
      %add3A_1224 = arith.constant 2 : i32
      %add3A_1225 = arith.addi %mul3A_1223, %add3A_1224 : i32
      %mul3A_1226 = arith.constant 16 : i32
      %mul3A_1227 = arith.muli %add3A_1225, %mul3A_1226 : i32
      %get3A_1228 = arith.index_cast %mul3A_1227 : i32 to index
      %get3A_1229 = tpu.vector_load %arg6[%get3A_1228] {strides = array<i32>} : memref<8192xi32, #tpu.memory_space<vmem>>, vector<16xi32>,
      %ne3A_1230 = arith.constant 1 : i32
      %ne3A_1231 = vector.broadcast %ne3A_1230 : i32 to vector<16xi32>
      %ne3A_1232 = arith.cmpi ne, %get3A_1229, %ne3A_1231 : vector<16xi32>
      %select_n3A_1233 = arith.select %ne3A_1232, %broadcast_in_dim3A_3, %broadcast_in_dim3A_5 : vector<16xi1>, vector<16xi32>
      %add3A_1234 = arith.addi %add3A_1221, %select_n3A_1233 : vector<16xi32>
      %mul3A_1235 = arith.constant 8 : i32
      %mul3A_1236 = arith.muli %while3A_1195, %mul3A_1235 : i32
      %add3A_1237 = arith.constant 3 : i32
      %add3A_1238 = arith.addi %mul3A_1236, %add3A_1237 : i32
      %mul3A_1239 = arith.constant 16 : i32
      %mul3A_1240 = arith.muli %add3A_1238, %mul3A_1239 : i32
      %get3A_1241 = arith.index_cast %mul3A_1240 : i32 to index
      %get3A_1242 = tpu.vector_load %arg6[%get3A_1241] {strides = array<i32>} : memref<8192xi32, #tpu.memory_space<vmem>>, vector<16xi32>,
      %ne3A_1243 = arith.constant 1 : i32
      %ne3A_1244 = vector.broadcast %ne3A_1243 : i32 to vector<16xi32>
      %ne3A_1245 = arith.cmpi ne, %get3A_1242, %ne3A_1244 : vector<16xi32>
      %select_n3A_1246 = arith.select %ne3A_1245, %broadcast_in_dim3A_3, %broadcast_in_dim3A_5 : vector<16xi1>, vector<16xi32>
      %add3A_1247 = arith.addi %add3A_1234, %select_n3A_1246 : vector<16xi32>
      %mul3A_1248 = arith.constant 8 : i32
      %mul3A_1249 = arith.muli %while3A_1195, %mul3A_1248 : i32
      %add3A_1250 = arith.constant 4 : i32
      %add3A_1251 = arith.addi %mul3A_1249, %add3A_1250 : i32
      %mul3A_1252 = arith.constant 16 : i32
      %mul3A_1253 = arith.muli %add3A_1251, %mul3A_1252 : i32
      %get3A_1254 = arith.index_cast %mul3A_1253 : i32 to index
      %get3A_1255 = tpu.vector_load %arg6[%get3A_1254] {strides = array<i32>} : memref<8192xi32, #tpu.memory_space<vmem>>, vector<16xi32>,
      %ne3A_1256 = arith.constant 1 : i32
      %ne3A_1257 = vector.broadcast %ne3A_1256 : i32 to vector<16xi32>
      %ne3A_1258 = arith.cmpi ne, %get3A_1255, %ne3A_1257 : vector<16xi32>
      %select_n3A_1259 = arith.select %ne3A_1258, %broadcast_in_dim3A_3, %broadcast_in_dim3A_5 : vector<16xi1>, vector<16xi32>
      %add3A_1260 = arith.addi %add3A_1247, %select_n3A_1259 : vector<16xi32>
      %mul3A_1261 = arith.constant 8 : i32
      %mul3A_1262 = arith.muli %while3A_1195, %mul3A_1261 : i32
      %add3A_1263 = arith.constant 5 : i32
      %add3A_1264 = arith.addi %mul3A_1262, %add3A_1263 : i32
      %mul3A_1265 = arith.constant 16 : i32
      %mul3A_1266 = arith.muli %add3A_1264, %mul3A_1265 : i32
      %get3A_1267 = arith.index_cast %mul3A_1266 : i32 to index
      %get3A_1268 = tpu.vector_load %arg6[%get3A_1267] {strides = array<i32>} : memref<8192xi32, #tpu.memory_space<vmem>>, vector<16xi32>,
      %ne3A_1269 = arith.constant 1 : i32
      %ne3A_1270 = vector.broadcast %ne3A_1269 : i32 to vector<16xi32>
      %ne3A_1271 = arith.cmpi ne, %get3A_1268, %ne3A_1270 : vector<16xi32>
      %select_n3A_1272 = arith.select %ne3A_1271, %broadcast_in_dim3A_3, %broadcast_in_dim3A_5 : vector<16xi1>, vector<16xi32>
      %add3A_1273 = arith.addi %add3A_1260, %select_n3A_1272 : vector<16xi32>
      %mul3A_1274 = arith.constant 8 : i32
      %mul3A_1275 = arith.muli %while3A_1195, %mul3A_1274 : i32
      %add3A_1276 = arith.constant 6 : i32
      %add3A_1277 = arith.addi %mul3A_1275, %add3A_1276 : i32
      %mul3A_1278 = arith.constant 16 : i32
      %mul3A_1279 = arith.muli %add3A_1277, %mul3A_1278 : i32
      %get3A_1280 = arith.index_cast %mul3A_1279 : i32 to index
      %get3A_1281 = tpu.vector_load %arg6[%get3A_1280] {strides = array<i32>} : memref<8192xi32, #tpu.memory_space<vmem>>, vector<16xi32>,
      %ne3A_1282 = arith.constant 1 : i32
      %ne3A_1283 = vector.broadcast %ne3A_1282 : i32 to vector<16xi32>
      %ne3A_1284 = arith.cmpi ne, %get3A_1281, %ne3A_1283 : vector<16xi32>
      %select_n3A_1285 = arith.select %ne3A_1284, %broadcast_in_dim3A_3, %broadcast_in_dim3A_5 : vector<16xi1>, vector<16xi32>
      %add3A_1286 = arith.addi %add3A_1273, %select_n3A_1285 : vector<16xi32>
      %mul3A_1287 = arith.constant 8 : i32
      %mul3A_1288 = arith.muli %while3A_1195, %mul3A_1287 : i32
      %add3A_1289 = arith.constant 7 : i32
      %add3A_1290 = arith.addi %mul3A_1288, %add3A_1289 : i32
      %mul3A_1291 = arith.constant 16 : i32
      %mul3A_1292 = arith.muli %add3A_1290, %mul3A_1291 : i32
      %get3A_1293 = arith.index_cast %mul3A_1292 : i32 to index
      %get3A_1294 = tpu.vector_load %arg6[%get3A_1293] {strides = array<i32>} : memref<8192xi32, #tpu.memory_space<vmem>>, vector<16xi32>,
      %ne3A_1295 = arith.constant 1 : i32
      %ne3A_1296 = vector.broadcast %ne3A_1295 : i32 to vector<16xi32>
      %ne3A_1297 = arith.cmpi ne, %get3A_1294, %ne3A_1296 : vector<16xi32>
      %select_n3A_1298 = arith.select %ne3A_1297, %broadcast_in_dim3A_3, %broadcast_in_dim3A_5 : vector<16xi1>, vector<16xi32>
      %add3A_1299 = arith.addi %add3A_1286, %select_n3A_1298 : vector<16xi32>
      scf.yield %add3A_1299 : vector<16xi32>
    }
    %while3A_126 = arith.constant 1 : i32
    %while3A_127 = scf.for %while3A_1195 = %while3A_123 to %while3A_119 step %while3A_126 iter_args(%while3A_1196 = %while3A_125) -> (vector<16xi32>)  : i32 {
      %mul3A_1197 = arith.constant 8 : i32
      %mul3A_1198 = arith.muli %while3A_1195, %mul3A_1197 : i32
      %add3A_1199 = arith.constant 0 : i32
      %add3A_1200 = arith.addi %mul3A_1198, %add3A_1199 : i32
      %mul3A_1201 = arith.constant 16 : i32
      %mul3A_1202 = arith.muli %add3A_1200, %mul3A_1201 : i32
      %get3A_1203 = arith.index_cast %mul3A_1202 : i32 to index
      %get3A_1204 = tpu.vector_load %arg6[%get3A_1203] {strides = array<i32>} : memref<8192xi32, #tpu.memory_space<vmem>>, vector<16xi32>,
      %ne3A = arith.constant 1 : i32
      %ne3A_1205 = vector.broadcast %ne3A : i32 to vector<16xi32>
      %ne3A_1206 = arith.cmpi ne, %get3A_1204, %ne3A_1205 : vector<16xi32>
      %select_n3A_1207 = arith.select %ne3A_1206, %broadcast_in_dim3A_3, %broadcast_in_dim3A_5 : vector<16xi1>, vector<16xi32>
      %add3A_1208 = arith.addi %while3A_1196, %select_n3A_1207 : vector<16xi32>
      %mul3A_1209 = arith.constant 8 : i32
      %mul3A_1210 = arith.muli %while3A_1195, %mul3A_1209 : i32
      %add3A_1211 = arith.constant 1 : i32
      %add3A_1212 = arith.addi %mul3A_1210, %add3A_1211 : i32
      %mul3A_1213 = arith.constant 16 : i32
      %mul3A_1214 = arith.muli %add3A_1212, %mul3A_1213 : i32
      %get3A_1215 = arith.index_cast %mul3A_1214 : i32 to index
      %get3A_1216 = tpu.vector_load %arg6[%get3A_1215] {strides = array<i32>} : memref<8192xi32, #tpu.memory_space<vmem>>, vector<16xi32>,
      %ne3A_1217 = arith.constant 1 : i32
      %ne3A_1218 = vector.broadcast %ne3A_1217 : i32 to vector<16xi32>
      %ne3A_1219 = arith.cmpi ne, %get3A_1216, %ne3A_1218 : vector<16xi32>
      %select_n3A_1220 = arith.select %ne3A_1219, %broadcast_in_dim3A_3, %broadcast_in_dim3A_5 : vector<16xi1>, vector<16xi32>
      %add3A_1221 = arith.addi %add3A_1208, %select_n3A_1220 : vector<16xi32>
      %mul3A_1222 = arith.constant 8 : i32
      %mul3A_1223 = arith.muli %while3A_1195, %mul3A_1222 : i32
      %add3A_1224 = arith.constant 2 : i32
      %add3A_1225 = arith.addi %mul3A_1223, %add3A_1224 : i32
      %mul3A_1226 = arith.constant 16 : i32
      %mul3A_1227 = arith.muli %add3A_1225, %mul3A_1226 : i32
      %get3A_1228 = arith.index_cast %mul3A_1227 : i32 to index
      %get3A_1229 = tpu.vector_load %arg6[%get3A_1228] {strides = array<i32>} : memref<8192xi32, #tpu.memory_space<vmem>>, vector<16xi32>,
      %ne3A_1230 = arith.constant 1 : i32
      %ne3A_1231 = vector.broadcast %ne3A_1230 : i32 to vector<16xi32>
      %ne3A_1232 = arith.cmpi ne, %get3A_1229, %ne3A_1231 : vector<16xi32>
      %select_n3A_1233 = arith.select %ne3A_1232, %broadcast_in_dim3A_3, %broadcast_in_dim3A_5 : vector<16xi1>, vector<16xi32>
      %add3A_1234 = arith.addi %add3A_1221, %select_n3A_1233 : vector<16xi32>
      %mul3A_1235 = arith.constant 8 : i32
      %mul3A_1236 = arith.muli %while3A_1195, %mul3A_1235 : i32
      %add3A_1237 = arith.constant 3 : i32
      %add3A_1238 = arith.addi %mul3A_1236, %add3A_1237 : i32
      %mul3A_1239 = arith.constant 16 : i32
      %mul3A_1240 = arith.muli %add3A_1238, %mul3A_1239 : i32
      %get3A_1241 = arith.index_cast %mul3A_1240 : i32 to index
      %get3A_1242 = tpu.vector_load %arg6[%get3A_1241] {strides = array<i32>} : memref<8192xi32, #tpu.memory_space<vmem>>, vector<16xi32>,
      %ne3A_1243 = arith.constant 1 : i32
      %ne3A_1244 = vector.broadcast %ne3A_1243 : i32 to vector<16xi32>
      %ne3A_1245 = arith.cmpi ne, %get3A_1242, %ne3A_1244 : vector<16xi32>
      %select_n3A_1246 = arith.select %ne3A_1245, %broadcast_in_dim3A_3, %broadcast_in_dim3A_5 : vector<16xi1>, vector<16xi32>
      %add3A_1247 = arith.addi %add3A_1234, %select_n3A_1246 : vector<16xi32>
      %mul3A_1248 = arith.constant 8 : i32
      %mul3A_1249 = arith.muli %while3A_1195, %mul3A_1248 : i32
      %add3A_1250 = arith.constant 4 : i32
      %add3A_1251 = arith.addi %mul3A_1249, %add3A_1250 : i32
      %mul3A_1252 = arith.constant 16 : i32
      %mul3A_1253 = arith.muli %add3A_1251, %mul3A_1252 : i32
      %get3A_1254 = arith.index_cast %mul3A_1253 : i32 to index
      %get3A_1255 = tpu.vector_load %arg6[%get3A_1254] {strides = array<i32>} : memref<8192xi32, #tpu.memory_space<vmem>>, vector<16xi32>,
      %ne3A_1256 = arith.constant 1 : i32
      %ne3A_1257 = vector.broadcast %ne3A_1256 : i32 to vector<16xi32>
      %ne3A_1258 = arith.cmpi ne, %get3A_1255, %ne3A_1257 : vector<16xi32>
      %select_n3A_1259 = arith.select %ne3A_1258, %broadcast_in_dim3A_3, %broadcast_in_dim3A_5 : vector<16xi1>, vector<16xi32>
      %add3A_1260 = arith.addi %add3A_1247, %select_n3A_1259 : vector<16xi32>
      %mul3A_1261 = arith.constant 8 : i32
      %mul3A_1262 = arith.muli %while3A_1195, %mul3A_1261 : i32
      %add3A_1263 = arith.constant 5 : i32
      %add3A_1264 = arith.addi %mul3A_1262, %add3A_1263 : i32
      %mul3A_1265 = arith.constant 16 : i32
      %mul3A_1266 = arith.muli %add3A_1264, %mul3A_1265 : i32
      %get3A_1267 = arith.index_cast %mul3A_1266 : i32 to index
      %get3A_1268 = tpu.vector_load %arg6[%get3A_1267] {strides = array<i32>} : memref<8192xi32, #tpu.memory_space<vmem>>, vector<16xi32>,
      %ne3A_1269 = arith.constant 1 : i32
      %ne3A_1270 = vector.broadcast %ne3A_1269 : i32 to vector<16xi32>
      %ne3A_1271 = arith.cmpi ne, %get3A_1268, %ne3A_1270 : vector<16xi32>
      %select_n3A_1272 = arith.select %ne3A_1271, %broadcast_in_dim3A_3, %broadcast_in_dim3A_5 : vector<16xi1>, vector<16xi32>
      %add3A_1273 = arith.addi %add3A_1260, %select_n3A_1272 : vector<16xi32>
      %mul3A_1274 = arith.constant 8 : i32
      %mul3A_1275 = arith.muli %while3A_1195, %mul3A_1274 : i32
      %add3A_1276 = arith.constant 6 : i32
      %add3A_1277 = arith.addi %mul3A_1275, %add3A_1276 : i32
      %mul3A_1278 = arith.constant 16 : i32
      %mul3A_1279 = arith.muli %add3A_1277, %mul3A_1278 : i32
      %get3A_1280 = arith.index_cast %mul3A_1279 : i32 to index
      %get3A_1281 = tpu.vector_load %arg6[%get3A_1280] {strides = array<i32>} : memref<8192xi32, #tpu.memory_space<vmem>>, vector<16xi32>,
      %ne3A_1282 = arith.constant 1 : i32
      %ne3A_1283 = vector.broadcast %ne3A_1282 : i32 to vector<16xi32>
      %ne3A_1284 = arith.cmpi ne, %get3A_1281, %ne3A_1283 : vector<16xi32>
      %select_n3A_1285 = arith.select %ne3A_1284, %broadcast_in_dim3A_3, %broadcast_in_dim3A_5 : vector<16xi1>, vector<16xi32>
      %add3A_1286 = arith.addi %add3A_1273, %select_n3A_1285 : vector<16xi32>
      %mul3A_1287 = arith.constant 8 : i32
      %mul3A_1288 = arith.muli %while3A_1195, %mul3A_1287 : i32
      %add3A_1289 = arith.constant 7 : i32
      %add3A_1290 = arith.addi %mul3A_1288, %add3A_1289 : i32
      %mul3A_1291 = arith.constant 16 : i32
      %mul3A_1292 = arith.muli %add3A_1290, %mul3A_1291 : i32
      %get3A_1293 = arith.index_cast %mul3A_1292 : i32 to index
      %get3A_1294 = tpu.vector_load %arg6[%get3A_1293] {strides = array<i32>} : memref<8192xi32, #tpu.memory_space<vmem>>, vector<16xi32>,
      %ne3A_1295 = arith.constant 1 : i32
      %ne3A_1296 = vector.broadcast %ne3A_1295 : i32 to vector<16xi32>
      %ne3A_1297 = arith.cmpi ne, %get3A_1294, %ne3A_1296 : vector<16xi32>
      %select_n3A_1298 = arith.select %ne3A_1297, %broadcast_in_dim3A_3, %broadcast_in_dim3A_5 : vector<16xi1>, vector<16xi32>
      %add3A_1299 = arith.addi %add3A_1286, %select_n3A_1298 : vector<16xi32>
      scf.yield %add3A_1299 : vector<16xi32>
    }
    %reduce_sum3A_128 = arith.constant true
    %reduce_sum3A_129 = vector.broadcast %reduce_sum3A_128 : i1 to vector<16xi1>
    %reduce_sum3A_130 = tpu.scan <sum>, %while3A_127 masked %reduce_sum3A_129 : vector<16xi32>, vector<16xi1> -> vector<16xi32>
    %reduce_sum3A_131 = vector.extract %reduce_sum3A_130[15] : i32 from vector<16xi32>
    %add3A_132 = arith.constant 1 : i32
    %add3A_133 = arith.addi %reduce_sum3A_131, %add3A_132 : i32
    %scan3A_134 = arith.constant 0 : i32
    %scan3A_135 = arith.constant 16 : i32
    %scan3A_136 = arith.addi %scan3A_134, %scan3A_135 : i32
    %scan3A_137 = arith.constant 1 : i32
    %scan3A_138 = scf.for %scan3A_1195 = %scan3A_134 to %scan3A_136 step %scan3A_137 iter_args(%scan3A_1196 = %add3A_133) -> (i32)  : i32 {
      %mul3A_1197 = arith.constant 16 : i32
      %mul3A_1198 = arith.muli %scan3A_1195, %mul3A_1197 : i32
      %add3A_1199 = arith.addi %mul3A_2, %mul3A_1198 : i32
      %get3A_1200 = arith.index_cast %add3A_1199 : i32 to index
      %get3A_1201 = tpu.vector_load %arg6[%get3A_1200] {strides = array<i32>} : memref<8192xi32, #tpu.memory_space<vmem>>, vector<16xi32>,
      %ne3A = arith.constant 1 : i32
      %ne3A_1202 = vector.broadcast %ne3A : i32 to vector<16xi32>
      %ne3A_1203 = arith.cmpi ne, %get3A_1201, %ne3A_1202 : vector<16xi32>
      %select_n3A_1204 = arith.select %ne3A_1203, %broadcast_in_dim3A_3, %broadcast_in_dim3A_5 : vector<16xi1>, vector<16xi32>
      %cumsum3A = arith.constant true
      %cumsum3A_1205 = vector.broadcast %cumsum3A : i1 to vector<16xi1>
      %cumsum3A_1206 = tpu.scan <sum>, %select_n3A_1204 masked %cumsum3A_1205 : vector<16xi32>, vector<16xi1> -> vector<16xi32>
      %add3A_1207 = vector.broadcast %scan3A_1196 : i32 to vector<16xi32>
      %add3A_1208 = arith.addi %cumsum3A_1206, %add3A_1207 : vector<16xi32>
      %select_n3A_1209 = arith.select %ne3A_1203, %add3A_1208, %broadcast_in_dim3A_7 : vector<16xi1>, vector<16xi32>
      %mul3A_1210 = arith.constant 16 : i32
      %mul3A_1211 = arith.muli %scan3A_1195, %mul3A_1210 : i32
      %add3A_1212 = arith.constant 768 : i32
      %add3A_1213 = arith.addi %add3A_1212, %mul3A_1211 : i32
      %swap3A = arith.index_cast %add3A_1213 : i32 to index
      %swap3A_1214 = tpu.vector_load %arg7[%swap3A] {strides = array<i32>} : memref<1024xi32, #tpu.memory_space<vmem>>, vector<16xi32>,
      tpu.vector_store %arg7[%swap3A], %select_n3A_1209 {strides = array<i32>} : memref<1024xi32, #tpu.memory_space<vmem>>, vector<16xi32>,
      %slice3A = vector.extract_strided_slice %cumsum3A_1206 {offsets = [15], sizes = [1], strides = [1]} : vector<16xi32> to vector<1xi32>
      %squeeze3A = vector.extract %slice3A[0] : i32 from vector<1xi32>
      %add3A_1215 = arith.addi %scan3A_1196, %squeeze3A : i32
      scf.yield %add3A_1215 : i32
    }
    %scan3A_139 = arith.constant 16 : i32
    %dma_wait3A_140 = arith.constant 0 : i32
    %dma_wait3A_141 = tpu.memref_slice %arg7[%dma_wait3A_140] : memref<1024xi32, #tpu.memory_space<vmem>> -> memref<32xi32, #tpu.memory_space<vmem>>
    %dma_wait3A_142 = arith.constant 0 : i32
    %dma_wait3A_143 = arith.constant 0 : i32
    %dma_wait3A_144 = tpu.memref_slice %arg3[%dma_wait3A_142, %dma_wait3A_143] : memref<8194x1024xf32, #tpu.memory_space<hbm>> -> memref<8194x1024xf32, #tpu.memory_space<hbm>>
    tpu.wait_indirect_dma semaphore(%arg11 : memref<!tpu.dma_semaphore, #tpu.memory_space<semaphore_mem>>) src(%dma_wait3A_144 : memref<8194x1024xf32, #tpu.memory_space<hbm>>) dst(%arg8 : memref<32x1024xf32, #tpu.memory_space<vmem>>)
    %while3A_145 = arith.constant 0 : i32
    %while3A_146 = arith.constant 0 : i32
    %while3A_147 = arith.constant 0 : i32
    %while3A_148 = arith.subi %while3A_147, %while3A_146 : i32
    %while3A_149 = arith.addi %while3A_146, %while3A_148 : i32
    %while3A_150 = arith.constant 1 : i32
    %while3A_151 = arith.divsi %while3A_148, %while3A_150 : i32
    %while3A_152 = arith.muli %while3A_151, %while3A_150 : i32
    %while3A_153 = arith.addi %while3A_146, %while3A_152 : i32
    %while3A_154 = arith.constant 1 : i32
    scf.for %while3A_1195 = %while3A_146 to %while3A_153 step %while3A_154  : i32 {
      %dma_wait3A_1196 = arith.constant 0 : i32
      %dma_wait3A_1197 = tpu.memref_slice %arg4[%mul3A_2, %dma_wait3A_1196] : memref<32768x1024xf32, #tpu.memory_space<hbm>> -> memref<32x1024xf32, #tpu.memory_space<hbm>>
      %dma_wait3A_1198 = arith.constant 0 : i32
      %dma_wait3A_1199 = tpu.memref_slice %arg4[%mul3A_2, %dma_wait3A_1198] : memref<32768x1024xf32, #tpu.memory_space<hbm>> -> memref<32x1024xf32, #tpu.memory_space<hbm>>
      tpu.wait_dma2 semaphore(%arg14 : memref<!tpu.dma_semaphore, #tpu.memory_space<semaphore_mem>>) src(%arg9 : memref<32x1024xf32, #tpu.memory_space<vmem>>) dst(%dma_wait3A_1199 : memref<32x1024xf32, #tpu.memory_space<hbm>>)
    }
    %while3A_155 = arith.constant 1 : i32
    scf.for %while3A_1195 = %while3A_153 to %while3A_149 step %while3A_155  : i32 {
      %dma_wait3A_1196 = arith.constant 0 : i32
      %dma_wait3A_1197 = tpu.memref_slice %arg4[%mul3A_2, %dma_wait3A_1196] : memref<32768x1024xf32, #tpu.memory_space<hbm>> -> memref<32x1024xf32, #tpu.memory_space<hbm>>
      %dma_wait3A_1198 = arith.constant 0 : i32
      %dma_wait3A_1199 = tpu.memref_slice %arg4[%mul3A_2, %dma_wait3A_1198] : memref<32768x1024xf32, #tpu.memory_space<hbm>> -> memref<32x1024xf32, #tpu.memory_space<hbm>>
      tpu.wait_dma2 semaphore(%arg14 : memref<!tpu.dma_semaphore, #tpu.memory_space<semaphore_mem>>) src(%arg9 : memref<32x1024xf32, #tpu.memory_space<vmem>>) dst(%dma_wait3A_1199 : memref<32x1024xf32, #tpu.memory_space<hbm>>)
    }
    %dma_start3A_156 = arith.constant 32 : i32
    %dma_start3A_157 = tpu.memref_slice %arg7[%dma_start3A_156] : memref<1024xi32, #tpu.memory_space<vmem>> -> memref<32xi32, #tpu.memory_space<vmem>>
    %dma_start3A_158 = arith.constant 0 : i32
    %dma_start3A_159 = arith.constant 0 : i32
    %dma_start3A_160 = tpu.memref_slice %arg3[%dma_start3A_158, %dma_start3A_159] : memref<8194x1024xf32, #tpu.memory_space<hbm>> -> memref<8194x1024xf32, #tpu.memory_space<hbm>>
    tpu.enqueue_indirect_dma source(%dma_start3A_160 : memref<8194x1024xf32, #tpu.memory_space<hbm>>) target(%arg9 : memref<32x1024xf32, #tpu.memory_space<vmem>>) offsets(%dma_start3A_157 : memref<32xi32, #tpu.memory_space<vmem>>) semaphore(%arg12 : memref<!tpu.dma_semaphore, #tpu.memory_space<semaphore_mem>>)
    %add3A_161 = arith.constant 0 : i32
    %add3A_162 = arith.addi %mul3A_2, %add3A_161 : i32
    %dma_start3A_163 = arith.constant 0 : i32
    %dma_start3A_164 = tpu.memref_slice %arg4[%add3A_162, %dma_start3A_163] : memref<32768x1024xf32, #tpu.memory_space<hbm>> -> memref<32x1024xf32, #tpu.memory_space<hbm>>
    %dma_start3A_165 = arith.constant 0 : i32
    %dma_start3A_166 = tpu.memref_slice %arg4[%add3A_162, %dma_start3A_165] : memref<32768x1024xf32, #tpu.memory_space<hbm>> -> memref<32x1024xf32, #tpu.memory_space<hbm>>
    tpu.enqueue_dma source(%arg8 : memref<32x1024xf32, #tpu.memory_space<vmem>>) target(%dma_start3A_166 : memref<32x1024xf32, #tpu.memory_space<hbm>>) target_semaphore(%arg13 : memref<!tpu.dma_semaphore, #tpu.memory_space<semaphore_mem>>)
    %get3A = arith.constant 256 : index
    %get3A_167 = tpu.vector_load %arg7[%get3A] {strides = array<i32>} : memref<1024xi32, #tpu.memory_space<vmem>>, vector<16xi32>,
    %get3A_168 = arith.constant 0 : index
    %get3A_169 = tpu.vector_load %arg7[%get3A_168] {strides = array<i32>} : memref<1024xi32, #tpu.memory_space<vmem>>, vector<16xi32>,
    %eq3A = arith.cmpi eq, %get3A_167, %get3A_169 : vector<16xi32>
    %select_n3A = arith.select %eq3A, %broadcast_in_dim3A_5, %broadcast_in_dim3A_3 : vector<16xi1>, vector<16xi32>
    %get3A_170 = arith.constant 272 : index
    %get3A_171 = tpu.vector_load %arg7[%get3A_170] {strides = array<i32>} : memref<1024xi32, #tpu.memory_space<vmem>>, vector<16xi32>,
    %get3A_172 = arith.constant 16 : index
    %get3A_173 = tpu.vector_load %arg7[%get3A_172] {strides = array<i32>} : memref<1024xi32, #tpu.memory_space<vmem>>, vector<16xi32>,
    %eq3A_174 = arith.cmpi eq, %get3A_171, %get3A_173 : vector<16xi32>
    %select_n3A_175 = arith.select %eq3A_174, %broadcast_in_dim3A_5, %broadcast_in_dim3A_3 : vector<16xi1>, vector<16xi32>
    %add3A_176 = arith.addi %select_n3A, %select_n3A_175 : vector<16xi32>
    %reduce_sum3A_177 = arith.constant true
    %reduce_sum3A_178 = vector.broadcast %reduce_sum3A_177 : i1 to vector<16xi1>
    %reduce_sum3A_179 = tpu.scan <sum>, %add3A_176 masked %reduce_sum3A_178 : vector<16xi32>, vector<16xi1> -> vector<16xi32>
    %reduce_sum3A_180 = vector.extract %reduce_sum3A_179[15] : i32 from vector<16xi32>
    %eq3A_181 = arith.constant 0 : i32
    %eq3A_182 = arith.cmpi eq, %reduce_sum3A_180, %eq3A_181 : i32
    %add3A_183 = arith.constant 8192 : i32
    %add3A_184 = arith.addi %add3A_183, %mul3A_2 : i32
    %add3A_185 = arith.constant 0 : i32
    %add3A_186 = arith.addi %add3A_184, %add3A_185 : i32
    %convert_element_type3A = arith.extui %eq3A_182 : i1 to i32
    %cond3A = arith.constant 0 : i32
    %cond3A_187 = arith.cmpi ne, %convert_element_type3A, %cond3A : i32
    scf.if %cond3A_187 {
      %dma_start3A_1195 = arith.constant 0 : i32
      %dma_start3A_1196 = tpu.memref_slice %arg4[%add3A_186, %dma_start3A_1195] : memref<32768x1024xf32, #tpu.memory_space<hbm>> -> memref<32x1024xf32, #tpu.memory_space<hbm>>
      %dma_start3A_1197 = arith.constant 0 : i32
      %dma_start3A_1198 = tpu.memref_slice %arg4[%add3A_186, %dma_start3A_1197] : memref<32768x1024xf32, #tpu.memory_space<hbm>> -> memref<32x1024xf32, #tpu.memory_space<hbm>>
      tpu.enqueue_dma source(%arg8 : memref<32x1024xf32, #tpu.memory_space<vmem>>) target(%dma_start3A_1198 : memref<32x1024xf32, #tpu.memory_space<hbm>>) target_semaphore(%arg13 : memref<!tpu.dma_semaphore, #tpu.memory_space<semaphore_mem>>)
    } else {
    }
    %not3A = arith.constant true
    %not3A_188 = arith.xori %eq3A_182, %not3A : i1
    %convert_element_type3A_189 = arith.extui %not3A_188 : i1 to i32
    %cond3A_190 = arith.constant 0 : i32
    %cond3A_191 = arith.cmpi ne, %convert_element_type3A_189, %cond3A_190 : i32
    scf.if %cond3A_191 {
      %dma_start3A_1195 = arith.constant 256 : i32
      %dma_start3A_1196 = tpu.memref_slice %arg7[%dma_start3A_1195] : memref<1024xi32, #tpu.memory_space<vmem>> -> memref<32xi32, #tpu.memory_space<vmem>>
      %dma_start3A_1197 = arith.constant 0 : i32
      %dma_start3A_1198 = arith.constant 0 : i32
      %dma_start3A_1199 = tpu.memref_slice %arg3[%dma_start3A_1197, %dma_start3A_1198] : memref<8194x1024xf32, #tpu.memory_space<hbm>> -> memref<8194x1024xf32, #tpu.memory_space<hbm>>
      tpu.enqueue_indirect_dma source(%dma_start3A_1199 : memref<8194x1024xf32, #tpu.memory_space<hbm>>) target(%arg10 : memref<32x1024xf32, #tpu.memory_space<vmem>>) offsets(%dma_start3A_1196 : memref<32xi32, #tpu.memory_space<vmem>>) semaphore(%arg15 : memref<!tpu.dma_semaphore, #tpu.memory_space<semaphore_mem>>)
      %dma_wait3A_1200 = arith.constant 256 : i32
      %dma_wait3A_1201 = tpu.memref_slice %arg7[%dma_wait3A_1200] : memref<1024xi32, #tpu.memory_space<vmem>> -> memref<32xi32, #tpu.memory_space<vmem>>
      %dma_wait3A_1202 = arith.constant 0 : i32
      %dma_wait3A_1203 = arith.constant 0 : i32
      %dma_wait3A_1204 = tpu.memref_slice %arg3[%dma_wait3A_1202, %dma_wait3A_1203] : memref<8194x1024xf32, #tpu.memory_space<hbm>> -> memref<8194x1024xf32, #tpu.memory_space<hbm>>
      tpu.wait_indirect_dma semaphore(%arg15 : memref<!tpu.dma_semaphore, #tpu.memory_space<semaphore_mem>>) src(%dma_wait3A_1204 : memref<8194x1024xf32, #tpu.memory_space<hbm>>) dst(%arg10 : memref<32x1024xf32, #tpu.memory_space<vmem>>)
      "tpu.region"() ({
        %run_scoped3A = tpu.sem_alloc : memref<!tpu.dma_semaphore, #tpu.memory_space<semaphore_mem>>
        %dma_start3A_1205 = arith.constant 0 : i32
        %dma_start3A_1206 = tpu.memref_slice %arg4[%add3A_186, %dma_start3A_1205] : memref<32768x1024xf32, #tpu.memory_space<hbm>> -> memref<32x1024xf32, #tpu.memory_space<hbm>>
        %dma_start3A_1207 = arith.constant 0 : i32
        %dma_start3A_1208 = tpu.memref_slice %arg4[%add3A_186, %dma_start3A_1207] : memref<32768x1024xf32, #tpu.memory_space<hbm>> -> memref<32x1024xf32, #tpu.memory_space<hbm>>
        tpu.enqueue_dma source(%arg10 : memref<32x1024xf32, #tpu.memory_space<vmem>>) target(%dma_start3A_1208 : memref<32x1024xf32, #tpu.memory_space<hbm>>) target_semaphore(%run_scoped3A : memref<!tpu.dma_semaphore, #tpu.memory_space<semaphore_mem>>)
        %dma_wait3A_1209 = arith.constant 0 : i32
        %dma_wait3A_1210 = tpu.memref_slice %arg4[%add3A_186, %dma_wait3A_1209] : memref<32768x1024xf32, #tpu.memory_space<hbm>> -> memref<32x1024xf32, #tpu.memory_space<hbm>>
        %dma_wait3A_1211 = arith.constant 0 : i32
        %dma_wait3A_1212 = tpu.memref_slice %arg4[%add3A_186, %dma_wait3A_1211] : memref<32768x1024xf32, #tpu.memory_space<hbm>> -> memref<32x1024xf32, #tpu.memory_space<hbm>>
        tpu.wait_dma2 semaphore(%run_scoped3A : memref<!tpu.dma_semaphore, #tpu.memory_space<semaphore_mem>>) src(%arg10 : memref<32x1024xf32, #tpu.memory_space<vmem>>) dst(%dma_wait3A_1212 : memref<32x1024xf32, #tpu.memory_space<hbm>>)
        tpu.yield
      }) : () -> ()
    } else {
    }
    %jit3A = arith.constant 1 : i32
    %jit3A_192 = arith.constant 0 : i32
    %select_n3A_193 = arith.select %eq3A_182, %jit3A, %jit3A_192 : i32
    %add3A_194 = arith.constant 1 : i32
    %add3A_195 = arith.addi %add3A_194, %select_n3A_193 : i32
    %get3A_196 = arith.constant 512 : index
    %get3A_197 = tpu.vector_load %arg7[%get3A_196] {strides = array<i32>} : memref<1024xi32, #tpu.memory_space<vmem>>, vector<16xi32>,
    %get3A_198 = arith.constant 0 : index
    %get3A_199 = tpu.vector_load %arg7[%get3A_198] {strides = array<i32>} : memref<1024xi32, #tpu.memory_space<vmem>>, vector<16xi32>,
    %eq3A_200 = arith.cmpi eq, %get3A_197, %get3A_199 : vector<16xi32>
    %select_n3A_201 = arith.select %eq3A_200, %broadcast_in_dim3A_5, %broadcast_in_dim3A_3 : vector<16xi1>, vector<16xi32>
    %get3A_202 = arith.constant 528 : index
    %get3A_203 = tpu.vector_load %arg7[%get3A_202] {strides = array<i32>} : memref<1024xi32, #tpu.memory_space<vmem>>, vector<16xi32>,
    %get3A_204 = arith.constant 16 : index
    %get3A_205 = tpu.vector_load %arg7[%get3A_204] {strides = array<i32>} : memref<1024xi32, #tpu.memory_space<vmem>>, vector<16xi32>,
    %eq3A_206 = arith.cmpi eq, %get3A_203, %get3A_205 : vector<16xi32>
    %select_n3A_207 = arith.select %eq3A_206, %broadcast_in_dim3A_5, %broadcast_in_dim3A_3 : vector<16xi1>, vector<16xi32>
    %add3A_208 = arith.addi %select_n3A_201, %select_n3A_207 : vector<16xi32>
    %reduce_sum3A_209 = arith.constant true
    %reduce_sum3A_210 = vector.broadcast %reduce_sum3A_209 : i1 to vector<16xi1>
    %reduce_sum3A_211 = tpu.scan <sum>, %add3A_208 masked %reduce_sum3A_210 : vector<16xi32>, vector<16xi1> -> vector<16xi32>
    %reduce_sum3A_212 = vector.extract %reduce_sum3A_211[15] : i32 from vector<16xi32>
    %eq3A_213 = arith.constant 0 : i32
    %eq3A_214 = arith.cmpi eq, %reduce_sum3A_212, %eq3A_213 : i32
    %add3A_215 = arith.constant 16384 : i32
    %add3A_216 = arith.addi %add3A_215, %mul3A_2 : i32
    %add3A_217 = arith.constant 0 : i32
    %add3A_218 = arith.addi %add3A_216, %add3A_217 : i32
    %convert_element_type3A_219 = arith.extui %eq3A_214 : i1 to i32
    %cond3A_220 = arith.constant 0 : i32
    %cond3A_221 = arith.cmpi ne, %convert_element_type3A_219, %cond3A_220 : i32
    scf.if %cond3A_221 {
      %dma_start3A_1195 = arith.constant 0 : i32
      %dma_start3A_1196 = tpu.memref_slice %arg4[%add3A_218, %dma_start3A_1195] : memref<32768x1024xf32, #tpu.memory_space<hbm>> -> memref<32x1024xf32, #tpu.memory_space<hbm>>
      %dma_start3A_1197 = arith.constant 0 : i32
      %dma_start3A_1198 = tpu.memref_slice %arg4[%add3A_218, %dma_start3A_1197] : memref<32768x1024xf32, #tpu.memory_space<hbm>> -> memref<32x1024xf32, #tpu.memory_space<hbm>>
      tpu.enqueue_dma source(%arg8 : memref<32x1024xf32, #tpu.memory_space<vmem>>) target(%dma_start3A_1198 : memref<32x1024xf32, #tpu.memory_space<hbm>>) target_semaphore(%arg13 : memref<!tpu.dma_semaphore, #tpu.memory_space<semaphore_mem>>)
    } else {
    }
    %not3A_222 = arith.constant true
    %not3A_223 = arith.xori %eq3A_214, %not3A_222 : i1
    %convert_element_type3A_224 = arith.extui %not3A_223 : i1 to i32
    %cond3A_225 = arith.constant 0 : i32
    %cond3A_226 = arith.cmpi ne, %convert_element_type3A_224, %cond3A_225 : i32
    scf.if %cond3A_226 {
      %dma_start3A_1195 = arith.constant 512 : i32
      %dma_start3A_1196 = tpu.memref_slice %arg7[%dma_start3A_1195] : memref<1024xi32, #tpu.memory_space<vmem>> -> memref<32xi32, #tpu.memory_space<vmem>>
      %dma_start3A_1197 = arith.constant 0 : i32
      %dma_start3A_1198 = arith.constant 0 : i32
      %dma_start3A_1199 = tpu.memref_slice %arg3[%dma_start3A_1197, %dma_start3A_1198] : memref<8194x1024xf32, #tpu.memory_space<hbm>> -> memref<8194x1024xf32, #tpu.memory_space<hbm>>
      tpu.enqueue_indirect_dma source(%dma_start3A_1199 : memref<8194x1024xf32, #tpu.memory_space<hbm>>) target(%arg10 : memref<32x1024xf32, #tpu.memory_space<vmem>>) offsets(%dma_start3A_1196 : memref<32xi32, #tpu.memory_space<vmem>>) semaphore(%arg15 : memref<!tpu.dma_semaphore, #tpu.memory_space<semaphore_mem>>)
      %dma_wait3A_1200 = arith.constant 512 : i32
      %dma_wait3A_1201 = tpu.memref_slice %arg7[%dma_wait3A_1200] : memref<1024xi32, #tpu.memory_space<vmem>> -> memref<32xi32, #tpu.memory_space<vmem>>
      %dma_wait3A_1202 = arith.constant 0 : i32
      %dma_wait3A_1203 = arith.constant 0 : i32
      %dma_wait3A_1204 = tpu.memref_slice %arg3[%dma_wait3A_1202, %dma_wait3A_1203] : memref<8194x1024xf32, #tpu.memory_space<hbm>> -> memref<8194x1024xf32, #tpu.memory_space<hbm>>
      tpu.wait_indirect_dma semaphore(%arg15 : memref<!tpu.dma_semaphore, #tpu.memory_space<semaphore_mem>>) src(%dma_wait3A_1204 : memref<8194x1024xf32, #tpu.memory_space<hbm>>) dst(%arg10 : memref<32x1024xf32, #tpu.memory_space<vmem>>)
      "tpu.region"() ({
        %run_scoped3A = tpu.sem_alloc : memref<!tpu.dma_semaphore, #tpu.memory_space<semaphore_mem>>
        %dma_start3A_1205 = arith.constant 0 : i32
        %dma_start3A_1206 = tpu.memref_slice %arg4[%add3A_218, %dma_start3A_1205] : memref<32768x1024xf32, #tpu.memory_space<hbm>> -> memref<32x1024xf32, #tpu.memory_space<hbm>>
        %dma_start3A_1207 = arith.constant 0 : i32
        %dma_start3A_1208 = tpu.memref_slice %arg4[%add3A_218, %dma_start3A_1207] : memref<32768x1024xf32, #tpu.memory_space<hbm>> -> memref<32x1024xf32, #tpu.memory_space<hbm>>
        tpu.enqueue_dma source(%arg10 : memref<32x1024xf32, #tpu.memory_space<vmem>>) target(%dma_start3A_1208 : memref<32x1024xf32, #tpu.memory_space<hbm>>) target_semaphore(%run_scoped3A : memref<!tpu.dma_semaphore, #tpu.memory_space<semaphore_mem>>)
        %dma_wait3A_1209 = arith.constant 0 : i32
        %dma_wait3A_1210 = tpu.memref_slice %arg4[%add3A_218, %dma_wait3A_1209] : memref<32768x1024xf32, #tpu.memory_space<hbm>> -> memref<32x1024xf32, #tpu.memory_space<hbm>>
        %dma_wait3A_1211 = arith.constant 0 : i32
        %dma_wait3A_1212 = tpu.memref_slice %arg4[%add3A_218, %dma_wait3A_1211] : memref<32768x1024xf32, #tpu.memory_space<hbm>> -> memref<32x1024xf32, #tpu.memory_space<hbm>>
        tpu.wait_dma2 semaphore(%run_scoped3A : memref<!tpu.dma_semaphore, #tpu.memory_space<semaphore_mem>>) src(%arg10 : memref<32x1024xf32, #tpu.memory_space<vmem>>) dst(%dma_wait3A_1212 : memref<32x1024xf32, #tpu.memory_space<hbm>>)
        tpu.yield
      }) : () -> ()
    } else {
    }
    %jit3A_227 = arith.constant 1 : i32
    %jit3A_228 = arith.constant 0 : i32
    %select_n3A_229 = arith.select %eq3A_214, %jit3A_227, %jit3A_228 : i32
    %add3A_230 = arith.addi %add3A_195, %select_n3A_229 : i32
    %get3A_231 = arith.constant 768 : index
    %get3A_232 = tpu.vector_load %arg7[%get3A_231] {strides = array<i32>} : memref<1024xi32, #tpu.memory_space<vmem>>, vector<16xi32>,
    %get3A_233 = arith.constant 0 : index
    %get3A_234 = tpu.vector_load %arg7[%get3A_233] {strides = array<i32>} : memref<1024xi32, #tpu.memory_space<vmem>>, vector<16xi32>,
    %eq3A_235 = arith.cmpi eq, %get3A_232, %get3A_234 : vector<16xi32>
    %select_n3A_236 = arith.select %eq3A_235, %broadcast_in_dim3A_5, %broadcast_in_dim3A_3 : vector<16xi1>, vector<16xi32>
    %get3A_237 = arith.constant 784 : index
    %get3A_238 = tpu.vector_load %arg7[%get3A_237] {strides = array<i32>} : memref<1024xi32, #tpu.memory_space<vmem>>, vector<16xi32>,
    %get3A_239 = arith.constant 16 : index
    %get3A_240 = tpu.vector_load %arg7[%get3A_239] {strides = array<i32>} : memref<1024xi32, #tpu.memory_space<vmem>>, vector<16xi32>,
    %eq3A_241 = arith.cmpi eq, %get3A_238, %get3A_240 : vector<16xi32>
    %select_n3A_242 = arith.select %eq3A_241, %broadcast_in_dim3A_5, %broadcast_in_dim3A_3 : vector<16xi1>, vector<16xi32>
    %add3A_243 = arith.addi %select_n3A_236, %select_n3A_242 : vector<16xi32>
    %reduce_sum3A_244 = arith.constant true
    %reduce_sum3A_245 = vector.broadcast %reduce_sum3A_244 : i1 to vector<16xi1>
    %reduce_sum3A_246 = tpu.scan <sum>, %add3A_243 masked %reduce_sum3A_245 : vector<16xi32>, vector<16xi1> -> vector<16xi32>
    %reduce_sum3A_247 = vector.extract %reduce_sum3A_246[15] : i32 from vector<16xi32>
    %eq3A_248 = arith.constant 0 : i32
    %eq3A_249 = arith.cmpi eq, %reduce_sum3A_247, %eq3A_248 : i32
    %add3A_250 = arith.constant 24576 : i32
    %add3A_251 = arith.addi %add3A_250, %mul3A_2 : i32
    %add3A_252 = arith.constant 0 : i32
    %add3A_253 = arith.addi %add3A_251, %add3A_252 : i32
    %convert_element_type3A_254 = arith.extui %eq3A_249 : i1 to i32
    %cond3A_255 = arith.constant 0 : i32
    %cond3A_256 = arith.cmpi ne, %convert_element_type3A_254, %cond3A_255 : i32
    scf.if %cond3A_256 {
      %dma_start3A_1195 = arith.constant 0 : i32
      %dma_start3A_1196 = tpu.memref_slice %arg4[%add3A_253, %dma_start3A_1195] : memref<32768x1024xf32, #tpu.memory_space<hbm>> -> memref<32x1024xf32, #tpu.memory_space<hbm>>
      %dma_start3A_1197 = arith.constant 0 : i32
      %dma_start3A_1198 = tpu.memref_slice %arg4[%add3A_253, %dma_start3A_1197] : memref<32768x1024xf32, #tpu.memory_space<hbm>> -> memref<32x1024xf32, #tpu.memory_space<hbm>>
      tpu.enqueue_dma source(%arg8 : memref<32x1024xf32, #tpu.memory_space<vmem>>) target(%dma_start3A_1198 : memref<32x1024xf32, #tpu.memory_space<hbm>>) target_semaphore(%arg13 : memref<!tpu.dma_semaphore, #tpu.memory_space<semaphore_mem>>)
    } else {
    }
    %not3A_257 = arith.constant true
    %not3A_258 = arith.xori %eq3A_249, %not3A_257 : i1
    %convert_element_type3A_259 = arith.extui %not3A_258 : i1 to i32
    %cond3A_260 = arith.constant 0 : i32
    %cond3A_261 = arith.cmpi ne, %convert_element_type3A_259, %cond3A_260 : i32
    scf.if %cond3A_261 {
      %dma_start3A_1195 = arith.constant 768 : i32
      %dma_start3A_1196 = tpu.memref_slice %arg7[%dma_start3A_1195] : memref<1024xi32, #tpu.memory_space<vmem>> -> memref<32xi32, #tpu.memory_space<vmem>>
      %dma_start3A_1197 = arith.constant 0 : i32
      %dma_start3A_1198 = arith.constant 0 : i32
      %dma_start3A_1199 = tpu.memref_slice %arg3[%dma_start3A_1197, %dma_start3A_1198] : memref<8194x1024xf32, #tpu.memory_space<hbm>> -> memref<8194x1024xf32, #tpu.memory_space<hbm>>
      tpu.enqueue_indirect_dma source(%dma_start3A_1199 : memref<8194x1024xf32, #tpu.memory_space<hbm>>) target(%arg10 : memref<32x1024xf32, #tpu.memory_space<vmem>>) offsets(%dma_start3A_1196 : memref<32xi32, #tpu.memory_space<vmem>>) semaphore(%arg15 : memref<!tpu.dma_semaphore, #tpu.memory_space<semaphore_mem>>)
      %dma_wait3A_1200 = arith.constant 768 : i32
      %dma_wait3A_1201 = tpu.memref_slice %arg7[%dma_wait3A_1200] : memref<1024xi32, #tpu.memory_space<vmem>> -> memref<32xi32, #tpu.memory_space<vmem>>
      %dma_wait3A_1202 = arith.constant 0 : i32
      %dma_wait3A_1203 = arith.constant 0 : i32
      %dma_wait3A_1204 = tpu.memref_slice %arg3[%dma_wait3A_1202, %dma_wait3A_1203] : memref<8194x1024xf32, #tpu.memory_space<hbm>> -> memref<8194x1024xf32, #tpu.memory_space<hbm>>
      tpu.wait_indirect_dma semaphore(%arg15 : memref<!tpu.dma_semaphore, #tpu.memory_space<semaphore_mem>>) src(%dma_wait3A_1204 : memref<8194x1024xf32, #tpu.memory_space<hbm>>) dst(%arg10 : memref<32x1024xf32, #tpu.memory_space<vmem>>)
      "tpu.region"() ({
        %run_scoped3A = tpu.sem_alloc : memref<!tpu.dma_semaphore, #tpu.memory_space<semaphore_mem>>
        %dma_start3A_1205 = arith.constant 0 : i32
        %dma_start3A_1206 = tpu.memref_slice %arg4[%add3A_253, %dma_start3A_1205] : memref<32768x1024xf32, #tpu.memory_space<hbm>> -> memref<32x1024xf32, #tpu.memory_space<hbm>>
        %dma_start3A_1207 = arith.constant 0 : i32
        %dma_start3A_1208 = tpu.memref_slice %arg4[%add3A_253, %dma_start3A_1207] : memref<32768x1024xf32, #tpu.memory_space<hbm>> -> memref<32x1024xf32, #tpu.memory_space<hbm>>
        tpu.enqueue_dma source(%arg10 : memref<32x1024xf32, #tpu.memory_space<vmem>>) target(%dma_start3A_1208 : memref<32x1024xf32, #tpu.memory_space<hbm>>) target_semaphore(%run_scoped3A : memref<!tpu.dma_semaphore, #tpu.memory_space<semaphore_mem>>)
        %dma_wait3A_1209 = arith.constant 0 : i32
        %dma_wait3A_1210 = tpu.memref_slice %arg4[%add3A_253, %dma_wait3A_1209] : memref<32768x1024xf32, #tpu.memory_space<hbm>> -> memref<32x1024xf32, #tpu.memory_space<hbm>>
        %dma_wait3A_1211 = arith.constant 0 : i32
        %dma_wait3A_1212 = tpu.memref_slice %arg4[%add3A_253, %dma_wait3A_1211] : memref<32768x1024xf32, #tpu.memory_space<hbm>> -> memref<32x1024xf32, #tpu.memory_space<hbm>>
        tpu.wait_dma2 semaphore(%run_scoped3A : memref<!tpu.dma_semaphore, #tpu.memory_space<semaphore_mem>>) src(%arg10 : memref<32x1024xf32, #tpu.memory_space<vmem>>) dst(%dma_wait3A_1212 : memref<32x1024xf32, #tpu.memory_space<hbm>>)
        tpu.yield
      }) : () -> ()
    } else {
    }
    %jit3A_262 = arith.constant 1 : i32
    %jit3A_263 = arith.constant 0 : i32
    %select_n3A_264 = arith.select %eq3A_249, %jit3A_262, %jit3A_263 : i32
    %add3A_265 = arith.addi %add3A_230, %select_n3A_264 : i32
    %dma_wait3A_266 = arith.constant 0 : i32
    %dma_wait3A_267 = tpu.memref_slice %arg7[%dma_wait3A_266] : memref<1024xi32, #tpu.memory_space<vmem>> -> memref<32xi32, #tpu.memory_space<vmem>>
    %dma_wait3A_268 = arith.constant 0 : i32
    %dma_wait3A_269 = arith.constant 0 : i32
    %dma_wait3A_270 = tpu.memref_slice %arg3[%dma_wait3A_268, %dma_wait3A_269] : memref<8194x1024xf32, #tpu.memory_space<hbm>> -> memref<8194x1024xf32, #tpu.memory_space<hbm>>
    tpu.wait_indirect_dma semaphore(%arg12 : memref<!tpu.dma_semaphore, #tpu.memory_space<semaphore_mem>>) src(%dma_wait3A_270 : memref<8194x1024xf32, #tpu.memory_space<hbm>>) dst(%arg9 : memref<32x1024xf32, #tpu.memory_space<vmem>>)
    %while3A_271 = arith.constant 0 : i32
    %while3A_272 = arith.constant 0 : i32
    %while3A_273 = arith.subi %add3A_265, %while3A_272 : i32
    %while3A_274 = arith.addi %while3A_272, %while3A_273 : i32
    %while3A_275 = arith.constant 1 : i32
    %while3A_276 = arith.divsi %while3A_273, %while3A_275 : i32
    %while3A_277 = arith.muli %while3A_276, %while3A_275 : i32
    %while3A_278 = arith.addi %while3A_272, %while3A_277 : i32
    %while3A_279 = arith.constant 1 : i32
    scf.for %while3A_1195 = %while3A_272 to %while3A_278 step %while3A_279  : i32 {
      %dma_wait3A_1196 = arith.constant 0 : i32
      %dma_wait3A_1197 = tpu.memref_slice %arg4[%mul3A_2, %dma_wait3A_1196] : memref<32768x1024xf32, #tpu.memory_space<hbm>> -> memref<32x1024xf32, #tpu.memory_space<hbm>>
      %dma_wait3A_1198 = arith.constant 0 : i32
      %dma_wait3A_1199 = tpu.memref_slice %arg4[%mul3A_2, %dma_wait3A_1198] : memref<32768x1024xf32, #tpu.memory_space<hbm>> -> memref<32x1024xf32, #tpu.memory_space<hbm>>
      tpu.wait_dma2 semaphore(%arg13 : memref<!tpu.dma_semaphore, #tpu.memory_space<semaphore_mem>>) src(%arg8 : memref<32x1024xf32, #tpu.memory_space<vmem>>) dst(%dma_wait3A_1199 : memref<32x1024xf32, #tpu.memory_space<hbm>>)
    }
    %while3A_280 = arith.constant 1 : i32
    scf.for %while3A_1195 = %while3A_278 to %while3A_274 step %while3A_280  : i32 {
      %dma_wait3A_1196 = arith.constant 0 : i32
      %dma_wait3A_1197 = tpu.memref_slice %arg4[%mul3A_2, %dma_wait3A_1196] : memref<32768x1024xf32, #tpu.memory_space<hbm>> -> memref<32x1024xf32, #tpu.memory_space<hbm>>
      %dma_wait3A_1198 = arith.constant 0 : i32
      %dma_wait3A_1199 = tpu.memref_slice %arg4[%mul3A_2, %dma_wait3A_1198] : memref<32768x1024xf32, #tpu.memory_space<hbm>> -> memref<32x1024xf32, #tpu.memory_space<hbm>>
      tpu.wait_dma2 semaphore(%arg13 : memref<!tpu.dma_semaphore, #tpu.memory_space<semaphore_mem>>) src(%arg8 : memref<32x1024xf32, #tpu.memory_space<vmem>>) dst(%dma_wait3A_1199 : memref<32x1024xf32, #tpu.memory_space<hbm>>)
    }
    %dma_start3A_281 = arith.constant 64 : i32
    %dma_start3A_282 = tpu.memref_slice %arg7[%dma_start3A_281] : memref<1024xi32, #tpu.memory_space<vmem>> -> memref<32xi32, #tpu.memory_space<vmem>>
    %dma_start3A_283 = arith.constant 0 : i32
    %dma_start3A_284 = arith.constant 0 : i32
    %dma_start3A_285 = tpu.memref_slice %arg3[%dma_start3A_283, %dma_start3A_284] : memref<8194x1024xf32, #tpu.memory_space<hbm>> -> memref<8194x1024xf32, #tpu.memory_space<hbm>>
    tpu.enqueue_indirect_dma source(%dma_start3A_285 : memref<8194x1024xf32, #tpu.memory_space<hbm>>) target(%arg8 : memref<32x1024xf32, #tpu.memory_space<vmem>>) offsets(%dma_start3A_282 : memref<32xi32, #tpu.memory_space<vmem>>) semaphore(%arg11 : memref<!tpu.dma_semaphore, #tpu.memory_space<semaphore_mem>>)
    %add3A_286 = arith.constant 32 : i32
    %add3A_287 = arith.addi %mul3A_2, %add3A_286 : i32
    %dma_start3A_288 = arith.constant 0 : i32
    %dma_start3A_289 = tpu.memref_slice %arg4[%add3A_287, %dma_start3A_288] : memref<32768x1024xf32, #tpu.memory_space<hbm>> -> memref<32x1024xf32, #tpu.memory_space<hbm>>
    %dma_start3A_290 = arith.constant 0 : i32
    %dma_start3A_291 = tpu.memref_slice %arg4[%add3A_287, %dma_start3A_290] : memref<32768x1024xf32, #tpu.memory_space<hbm>> -> memref<32x1024xf32, #tpu.memory_space<hbm>>
    tpu.enqueue_dma source(%arg9 : memref<32x1024xf32, #tpu.memory_space<vmem>>) target(%dma_start3A_291 : memref<32x1024xf32, #tpu.memory_space<hbm>>) target_semaphore(%arg14 : memref<!tpu.dma_semaphore, #tpu.memory_space<semaphore_mem>>)
    %get3A_292 = arith.constant 288 : index
    %get3A_293 = tpu.vector_load %arg7[%get3A_292] {strides = array<i32>} : memref<1024xi32, #tpu.memory_space<vmem>>, vector<16xi32>,
    %get3A_294 = arith.constant 32 : index
    %get3A_295 = tpu.vector_load %arg7[%get3A_294] {strides = array<i32>} : memref<1024xi32, #tpu.memory_space<vmem>>, vector<16xi32>,
    %eq3A_296 = arith.cmpi eq, %get3A_293, %get3A_295 : vector<16xi32>
    %select_n3A_297 = arith.select %eq3A_296, %broadcast_in_dim3A_5, %broadcast_in_dim3A_3 : vector<16xi1>, vector<16xi32>
    %get3A_298 = arith.constant 304 : index
    %get3A_299 = tpu.vector_load %arg7[%get3A_298] {strides = array<i32>} : memref<1024xi32, #tpu.memory_space<vmem>>, vector<16xi32>,
    %get3A_300 = arith.constant 48 : index
    %get3A_301 = tpu.vector_load %arg7[%get3A_300] {strides = array<i32>} : memref<1024xi32, #tpu.memory_space<vmem>>, vector<16xi32>,
    %eq3A_302 = arith.cmpi eq, %get3A_299, %get3A_301 : vector<16xi32>
    %select_n3A_303 = arith.select %eq3A_302, %broadcast_in_dim3A_5, %broadcast_in_dim3A_3 : vector<16xi1>, vector<16xi32>
    %add3A_304 = arith.addi %select_n3A_297, %select_n3A_303 : vector<16xi32>
    %reduce_sum3A_305 = arith.constant true
    %reduce_sum3A_306 = vector.broadcast %reduce_sum3A_305 : i1 to vector<16xi1>
    %reduce_sum3A_307 = tpu.scan <sum>, %add3A_304 masked %reduce_sum3A_306 : vector<16xi32>, vector<16xi1> -> vector<16xi32>
    %reduce_sum3A_308 = vector.extract %reduce_sum3A_307[15] : i32 from vector<16xi32>
    %eq3A_309 = arith.constant 0 : i32
    %eq3A_310 = arith.cmpi eq, %reduce_sum3A_308, %eq3A_309 : i32
    %add3A_311 = arith.constant 8192 : i32
    %add3A_312 = arith.addi %add3A_311, %mul3A_2 : i32
    %add3A_313 = arith.constant 32 : i32
    %add3A_314 = arith.addi %add3A_312, %add3A_313 : i32
    %convert_element_type3A_315 = arith.extui %eq3A_310 : i1 to i32
    %cond3A_316 = arith.constant 0 : i32
    %cond3A_317 = arith.cmpi ne, %convert_element_type3A_315, %cond3A_316 : i32
    scf.if %cond3A_317 {
      %dma_start3A_1195 = arith.constant 0 : i32
      %dma_start3A_1196 = tpu.memref_slice %arg4[%add3A_314, %dma_start3A_1195] : memref<32768x1024xf32, #tpu.memory_space<hbm>> -> memref<32x1024xf32, #tpu.memory_space<hbm>>
      %dma_start3A_1197 = arith.constant 0 : i32
      %dma_start3A_1198 = tpu.memref_slice %arg4[%add3A_314, %dma_start3A_1197] : memref<32768x1024xf32, #tpu.memory_space<hbm>> -> memref<32x1024xf32, #tpu.memory_space<hbm>>
      tpu.enqueue_dma source(%arg9 : memref<32x1024xf32, #tpu.memory_space<vmem>>) target(%dma_start3A_1198 : memref<32x1024xf32, #tpu.memory_space<hbm>>) target_semaphore(%arg14 : memref<!tpu.dma_semaphore, #tpu.memory_space<semaphore_mem>>)
    } else {
    }
    %not3A_318 = arith.constant true
    %not3A_319 = arith.xori %eq3A_310, %not3A_318 : i1
    %convert_element_type3A_320 = arith.extui %not3A_319 : i1 to i32
    %cond3A_321 = arith.constant 0 : i32
    %cond3A_322 = arith.cmpi ne, %convert_element_type3A_320, %cond3A_321 : i32
    scf.if %cond3A_322 {
      %dma_start3A_1195 = arith.constant 288 : i32
      %dma_start3A_1196 = tpu.memref_slice %arg7[%dma_start3A_1195] : memref<1024xi32, #tpu.memory_space<vmem>> -> memref<32xi32, #tpu.memory_space<vmem>>
      %dma_start3A_1197 = arith.constant 0 : i32
      %dma_start3A_1198 = arith.constant 0 : i32
      %dma_start3A_1199 = tpu.memref_slice %arg3[%dma_start3A_1197, %dma_start3A_1198] : memref<8194x1024xf32, #tpu.memory_space<hbm>> -> memref<8194x1024xf32, #tpu.memory_space<hbm>>
      tpu.enqueue_indirect_dma source(%dma_start3A_1199 : memref<8194x1024xf32, #tpu.memory_space<hbm>>) target(%arg10 : memref<32x1024xf32, #tpu.memory_space<vmem>>) offsets(%dma_start3A_1196 : memref<32xi32, #tpu.memory_space<vmem>>) semaphore(%arg15 : memref<!tpu.dma_semaphore, #tpu.memory_space<semaphore_mem>>)
      %dma_wait3A_1200 = arith.constant 288 : i32
      %dma_wait3A_1201 = tpu.memref_slice %arg7[%dma_wait3A_1200] : memref<1024xi32, #tpu.memory_space<vmem>> -> memref<32xi32, #tpu.memory_space<vmem>>
      %dma_wait3A_1202 = arith.constant 0 : i32
      %dma_wait3A_1203 = arith.constant 0 : i32
      %dma_wait3A_1204 = tpu.memref_slice %arg3[%dma_wait3A_1202, %dma_wait3A_1203] : memref<8194x1024xf32, #tpu.memory_space<hbm>> -> memref<8194x1024xf32, #tpu.memory_space<hbm>>
      tpu.wait_indirect_dma semaphore(%arg15 : memref<!tpu.dma_semaphore, #tpu.memory_space<semaphore_mem>>) src(%dma_wait3A_1204 : memref<8194x1024xf32, #tpu.memory_space<hbm>>) dst(%arg10 : memref<32x1024xf32, #tpu.memory_space<vmem>>)
      "tpu.region"() ({
        %run_scoped3A = tpu.sem_alloc : memref<!tpu.dma_semaphore, #tpu.memory_space<semaphore_mem>>
        %dma_start3A_1205 = arith.constant 0 : i32
        %dma_start3A_1206 = tpu.memref_slice %arg4[%add3A_314, %dma_start3A_1205] : memref<32768x1024xf32, #tpu.memory_space<hbm>> -> memref<32x1024xf32, #tpu.memory_space<hbm>>
        %dma_start3A_1207 = arith.constant 0 : i32
        %dma_start3A_1208 = tpu.memref_slice %arg4[%add3A_314, %dma_start3A_1207] : memref<32768x1024xf32, #tpu.memory_space<hbm>> -> memref<32x1024xf32, #tpu.memory_space<hbm>>
        tpu.enqueue_dma source(%arg10 : memref<32x1024xf32, #tpu.memory_space<vmem>>) target(%dma_start3A_1208 : memref<32x1024xf32, #tpu.memory_space<hbm>>) target_semaphore(%run_scoped3A : memref<!tpu.dma_semaphore, #tpu.memory_space<semaphore_mem>>)
        %dma_wait3A_1209 = arith.constant 0 : i32
        %dma_wait3A_1210 = tpu.memref_slice %arg4[%add3A_314, %dma_wait3A_1209] : memref<32768x1024xf32, #tpu.memory_space<hbm>> -> memref<32x1024xf32, #tpu.memory_space<hbm>>
        %dma_wait3A_1211 = arith.constant 0 : i32
        %dma_wait3A_1212 = tpu.memref_slice %arg4[%add3A_314, %dma_wait3A_1211] : memref<32768x1024xf32, #tpu.memory_space<hbm>> -> memref<32x1024xf32, #tpu.memory_space<hbm>>
        tpu.wait_dma2 semaphore(%run_scoped3A : memref<!tpu.dma_semaphore, #tpu.memory_space<semaphore_mem>>) src(%arg10 : memref<32x1024xf32, #tpu.memory_space<vmem>>) dst(%dma_wait3A_1212 : memref<32x1024xf32, #tpu.memory_space<hbm>>)
        tpu.yield
      }) : () -> ()
    } else {
    }
    %jit3A_323 = arith.constant 1 : i32
    %jit3A_324 = arith.constant 0 : i32
    %select_n3A_325 = arith.select %eq3A_310, %jit3A_323, %jit3A_324 : i32
    %add3A_326 = arith.constant 1 : i32
    %add3A_327 = arith.addi %add3A_326, %select_n3A_325 : i32
    %get3A_328 = arith.constant 544 : index
    %get3A_329 = tpu.vector_load %arg7[%get3A_328] {strides = array<i32>} : memref<1024xi32, #tpu.memory_space<vmem>>, vector<16xi32>,
    %get3A_330 = arith.constant 32 : index
    %get3A_331 = tpu.vector_load %arg7[%get3A_330] {strides = array<i32>} : memref<1024xi32, #tpu.memory_space<vmem>>, vector<16xi32>,
    %eq3A_332 = arith.cmpi eq, %get3A_329, %get3A_331 : vector<16xi32>
    %select_n3A_333 = arith.select %eq3A_332, %broadcast_in_dim3A_5, %broadcast_in_dim3A_3 : vector<16xi1>, vector<16xi32>
    %get3A_334 = arith.constant 560 : index
    %get3A_335 = tpu.vector_load %arg7[%get3A_334] {strides = array<i32>} : memref<1024xi32, #tpu.memory_space<vmem>>, vector<16xi32>,
    %get3A_336 = arith.constant 48 : index
    %get3A_337 = tpu.vector_load %arg7[%get3A_336] {strides = array<i32>} : memref<1024xi32, #tpu.memory_space<vmem>>, vector<16xi32>,
    %eq3A_338 = arith.cmpi eq, %get3A_335, %get3A_337 : vector<16xi32>
    %select_n3A_339 = arith.select %eq3A_338, %broadcast_in_dim3A_5, %broadcast_in_dim3A_3 : vector<16xi1>, vector<16xi32>
    %add3A_340 = arith.addi %select_n3A_333, %select_n3A_339 : vector<16xi32>
    %reduce_sum3A_341 = arith.constant true
    %reduce_sum3A_342 = vector.broadcast %reduce_sum3A_341 : i1 to vector<16xi1>
    %reduce_sum3A_343 = tpu.scan <sum>, %add3A_340 masked %reduce_sum3A_342 : vector<16xi32>, vector<16xi1> -> vector<16xi32>
    %reduce_sum3A_344 = vector.extract %reduce_sum3A_343[15] : i32 from vector<16xi32>
    %eq3A_345 = arith.constant 0 : i32
    %eq3A_346 = arith.cmpi eq, %reduce_sum3A_344, %eq3A_345 : i32
    %add3A_347 = arith.constant 16384 : i32
    %add3A_348 = arith.addi %add3A_347, %mul3A_2 : i32
    %add3A_349 = arith.constant 32 : i32
    %add3A_350 = arith.addi %add3A_348, %add3A_349 : i32
    %convert_element_type3A_351 = arith.extui %eq3A_346 : i1 to i32
    %cond3A_352 = arith.constant 0 : i32
    %cond3A_353 = arith.cmpi ne, %convert_element_type3A_351, %cond3A_352 : i32
    scf.if %cond3A_353 {
      %dma_start3A_1195 = arith.constant 0 : i32
      %dma_start3A_1196 = tpu.memref_slice %arg4[%add3A_350, %dma_start3A_1195] : memref<32768x1024xf32, #tpu.memory_space<hbm>> -> memref<32x1024xf32, #tpu.memory_space<hbm>>
      %dma_start3A_1197 = arith.constant 0 : i32
      %dma_start3A_1198 = tpu.memref_slice %arg4[%add3A_350, %dma_start3A_1197] : memref<32768x1024xf32, #tpu.memory_space<hbm>> -> memref<32x1024xf32, #tpu.memory_space<hbm>>
      tpu.enqueue_dma source(%arg9 : memref<32x1024xf32, #tpu.memory_space<vmem>>) target(%dma_start3A_1198 : memref<32x1024xf32, #tpu.memory_space<hbm>>) target_semaphore(%arg14 : memref<!tpu.dma_semaphore, #tpu.memory_space<semaphore_mem>>)
    } else {
    }
    %not3A_354 = arith.constant true
    %not3A_355 = arith.xori %eq3A_346, %not3A_354 : i1
    %convert_element_type3A_356 = arith.extui %not3A_355 : i1 to i32
    %cond3A_357 = arith.constant 0 : i32
    %cond3A_358 = arith.cmpi ne, %convert_element_type3A_356, %cond3A_357 : i32
    scf.if %cond3A_358 {
      %dma_start3A_1195 = arith.constant 544 : i32
      %dma_start3A_1196 = tpu.memref_slice %arg7[%dma_start3A_1195] : memref<1024xi32, #tpu.memory_space<vmem>> -> memref<32xi32, #tpu.memory_space<vmem>>
      %dma_start3A_1197 = arith.constant 0 : i32
      %dma_start3A_1198 = arith.constant 0 : i32
      %dma_start3A_1199 = tpu.memref_slice %arg3[%dma_start3A_1197, %dma_start3A_1198] : memref<8194x1024xf32, #tpu.memory_space<hbm>> -> memref<8194x1024xf32, #tpu.memory_space<hbm>>
      tpu.enqueue_indirect_dma source(%dma_start3A_1199 : memref<8194x1024xf32, #tpu.memory_space<hbm>>) target(%arg10 : memref<32x1024xf32, #tpu.memory_space<vmem>>) offsets(%dma_start3A_1196 : memref<32xi32, #tpu.memory_space<vmem>>) semaphore(%arg15 : memref<!tpu.dma_semaphore, #tpu.memory_space<semaphore_mem>>)
      %dma_wait3A_1200 = arith.constant 544 : i32
      %dma_wait3A_1201 = tpu.memref_slice %arg7[%dma_wait3A_1200] : memref<1024xi32, #tpu.memory_space<vmem>> -> memref<32xi32, #tpu.memory_space<vmem>>
      %dma_wait3A_1202 = arith.constant 0 : i32
      %dma_wait3A_1203 = arith.constant 0 : i32
      %dma_wait3A_1204 = tpu.memref_slice %arg3[%dma_wait3A_1202, %dma_wait3A_1203] : memref<8194x1024xf32, #tpu.memory_space<hbm>> -> memref<8194x1024xf32, #tpu.memory_space<hbm>>
      tpu.wait_indirect_dma semaphore(%arg15 : memref<!tpu.dma_semaphore, #tpu.memory_space<semaphore_mem>>) src(%dma_wait3A_1204 : memref<8194x1024xf32, #tpu.memory_space<hbm>>) dst(%arg10 : memref<32x1024xf32, #tpu.memory_space<vmem>>)
      "tpu.region"() ({
        %run_scoped3A = tpu.sem_alloc : memref<!tpu.dma_semaphore, #tpu.memory_space<semaphore_mem>>
        %dma_start3A_1205 = arith.constant 0 : i32
        %dma_start3A_1206 = tpu.memref_slice %arg4[%add3A_350, %dma_start3A_1205] : memref<32768x1024xf32, #tpu.memory_space<hbm>> -> memref<32x1024xf32, #tpu.memory_space<hbm>>
        %dma_start3A_1207 = arith.constant 0 : i32
        %dma_start3A_1208 = tpu.memref_slice %arg4[%add3A_350, %dma_start3A_1207] : memref<32768x1024xf32, #tpu.memory_space<hbm>> -> memref<32x1024xf32, #tpu.memory_space<hbm>>
        tpu.enqueue_dma source(%arg10 : memref<32x1024xf32, #tpu.memory_space<vmem>>) target(%dma_start3A_1208 : memref<32x1024xf32, #tpu.memory_space<hbm>>) target_semaphore(%run_scoped3A : memref<!tpu.dma_semaphore, #tpu.memory_space<semaphore_mem>>)
        %dma_wait3A_1209 = arith.constant 0 : i32
        %dma_wait3A_1210 = tpu.memref_slice %arg4[%add3A_350, %dma_wait3A_1209] : memref<32768x1024xf32, #tpu.memory_space<hbm>> -> memref<32x1024xf32, #tpu.memory_space<hbm>>
        %dma_wait3A_1211 = arith.constant 0 : i32
        %dma_wait3A_1212 = tpu.memref_slice %arg4[%add3A_350, %dma_wait3A_1211] : memref<32768x1024xf32, #tpu.memory_space<hbm>> -> memref<32x1024xf32, #tpu.memory_space<hbm>>
        tpu.wait_dma2 semaphore(%run_scoped3A : memref<!tpu.dma_semaphore, #tpu.memory_space<semaphore_mem>>) src(%arg10 : memref<32x1024xf32, #tpu.memory_space<vmem>>) dst(%dma_wait3A_1212 : memref<32x1024xf32, #tpu.memory_space<hbm>>)
        tpu.yield
      }) : () -> ()
    } else {
    }
    %jit3A_359 = arith.constant 1 : i32
    %jit3A_360 = arith.constant 0 : i32
    %select_n3A_361 = arith.select %eq3A_346, %jit3A_359, %jit3A_360 : i32
    %add3A_362 = arith.addi %add3A_327, %select_n3A_361 : i32
    %get3A_363 = arith.constant 800 : index
    %get3A_364 = tpu.vector_load %arg7[%get3A_363] {strides = array<i32>} : memref<1024xi32, #tpu.memory_space<vmem>>, vector<16xi32>,
    %get3A_365 = arith.constant 32 : index
    %get3A_366 = tpu.vector_load %arg7[%get3A_365] {strides = array<i32>} : memref<1024xi32, #tpu.memory_space<vmem>>, vector<16xi32>,
    %eq3A_367 = arith.cmpi eq, %get3A_364, %get3A_366 : vector<16xi32>
    %select_n3A_368 = arith.select %eq3A_367, %broadcast_in_dim3A_5, %broadcast_in_dim3A_3 : vector<16xi1>, vector<16xi32>
    %get3A_369 = arith.constant 816 : index
    %get3A_370 = tpu.vector_load %arg7[%get3A_369] {strides = array<i32>} : memref<1024xi32, #tpu.memory_space<vmem>>, vector<16xi32>,
    %get3A_371 = arith.constant 48 : index
    %get3A_372 = tpu.vector_load %arg7[%get3A_371] {strides = array<i32>} : memref<1024xi32, #tpu.memory_space<vmem>>, vector<16xi32>,
    %eq3A_373 = arith.cmpi eq, %get3A_370, %get3A_372 : vector<16xi32>
    %select_n3A_374 = arith.select %eq3A_373, %broadcast_in_dim3A_5, %broadcast_in_dim3A_3 : vector<16xi1>, vector<16xi32>
    %add3A_375 = arith.addi %select_n3A_368, %select_n3A_374 : vector<16xi32>
    %reduce_sum3A_376 = arith.constant true
    %reduce_sum3A_377 = vector.broadcast %reduce_sum3A_376 : i1 to vector<16xi1>
    %reduce_sum3A_378 = tpu.scan <sum>, %add3A_375 masked %reduce_sum3A_377 : vector<16xi32>, vector<16xi1> -> vector<16xi32>
    %reduce_sum3A_379 = vector.extract %reduce_sum3A_378[15] : i32 from vector<16xi32>
    %eq3A_380 = arith.constant 0 : i32
    %eq3A_381 = arith.cmpi eq, %reduce_sum3A_379, %eq3A_380 : i32
    %add3A_382 = arith.constant 24576 : i32
    %add3A_383 = arith.addi %add3A_382, %mul3A_2 : i32
    %add3A_384 = arith.constant 32 : i32
    %add3A_385 = arith.addi %add3A_383, %add3A_384 : i32
    %convert_element_type3A_386 = arith.extui %eq3A_381 : i1 to i32
    %cond3A_387 = arith.constant 0 : i32
    %cond3A_388 = arith.cmpi ne, %convert_element_type3A_386, %cond3A_387 : i32
    scf.if %cond3A_388 {
      %dma_start3A_1195 = arith.constant 0 : i32
      %dma_start3A_1196 = tpu.memref_slice %arg4[%add3A_385, %dma_start3A_1195] : memref<32768x1024xf32, #tpu.memory_space<hbm>> -> memref<32x1024xf32, #tpu.memory_space<hbm>>
      %dma_start3A_1197 = arith.constant 0 : i32
      %dma_start3A_1198 = tpu.memref_slice %arg4[%add3A_385, %dma_start3A_1197] : memref<32768x1024xf32, #tpu.memory_space<hbm>> -> memref<32x1024xf32, #tpu.memory_space<hbm>>
      tpu.enqueue_dma source(%arg9 : memref<32x1024xf32, #tpu.memory_space<vmem>>) target(%dma_start3A_1198 : memref<32x1024xf32, #tpu.memory_space<hbm>>) target_semaphore(%arg14 : memref<!tpu.dma_semaphore, #tpu.memory_space<semaphore_mem>>)
    } else {
    }
    %not3A_389 = arith.constant true
    %not3A_390 = arith.xori %eq3A_381, %not3A_389 : i1
    %convert_element_type3A_391 = arith.extui %not3A_390 : i1 to i32
    %cond3A_392 = arith.constant 0 : i32
    %cond3A_393 = arith.cmpi ne, %convert_element_type3A_391, %cond3A_392 : i32
    scf.if %cond3A_393 {
      %dma_start3A_1195 = arith.constant 800 : i32
      %dma_start3A_1196 = tpu.memref_slice %arg7[%dma_start3A_1195] : memref<1024xi32, #tpu.memory_space<vmem>> -> memref<32xi32, #tpu.memory_space<vmem>>
      %dma_start3A_1197 = arith.constant 0 : i32
      %dma_start3A_1198 = arith.constant 0 : i32
      %dma_start3A_1199 = tpu.memref_slice %arg3[%dma_start3A_1197, %dma_start3A_1198] : memref<8194x1024xf32, #tpu.memory_space<hbm>> -> memref<8194x1024xf32, #tpu.memory_space<hbm>>
      tpu.enqueue_indirect_dma source(%dma_start3A_1199 : memref<8194x1024xf32, #tpu.memory_space<hbm>>) target(%arg10 : memref<32x1024xf32, #tpu.memory_space<vmem>>) offsets(%dma_start3A_1196 : memref<32xi32, #tpu.memory_space<vmem>>) semaphore(%arg15 : memref<!tpu.dma_semaphore, #tpu.memory_space<semaphore_mem>>)
      %dma_wait3A_1200 = arith.constant 800 : i32
      %dma_wait3A_1201 = tpu.memref_slice %arg7[%dma_wait3A_1200] : memref<1024xi32, #tpu.memory_space<vmem>> -> memref<32xi32, #tpu.memory_space<vmem>>
      %dma_wait3A_1202 = arith.constant 0 : i32
      %dma_wait3A_1203 = arith.constant 0 : i32
      %dma_wait3A_1204 = tpu.memref_slice %arg3[%dma_wait3A_1202, %dma_wait3A_1203] : memref<8194x1024xf32, #tpu.memory_space<hbm>> -> memref<8194x1024xf32, #tpu.memory_space<hbm>>
      tpu.wait_indirect_dma semaphore(%arg15 : memref<!tpu.dma_semaphore, #tpu.memory_space<semaphore_mem>>) src(%dma_wait3A_1204 : memref<8194x1024xf32, #tpu.memory_space<hbm>>) dst(%arg10 : memref<32x1024xf32, #tpu.memory_space<vmem>>)
      "tpu.region"() ({
        %run_scoped3A = tpu.sem_alloc : memref<!tpu.dma_semaphore, #tpu.memory_space<semaphore_mem>>
        %dma_start3A_1205 = arith.constant 0 : i32
        %dma_start3A_1206 = tpu.memref_slice %arg4[%add3A_385, %dma_start3A_1205] : memref<32768x1024xf32, #tpu.memory_space<hbm>> -> memref<32x1024xf32, #tpu.memory_space<hbm>>
        %dma_start3A_1207 = arith.constant 0 : i32
        %dma_start3A_1208 = tpu.memref_slice %arg4[%add3A_385, %dma_start3A_1207] : memref<32768x1024xf32, #tpu.memory_space<hbm>> -> memref<32x1024xf32, #tpu.memory_space<hbm>>
        tpu.enqueue_dma source(%arg10 : memref<32x1024xf32, #tpu.memory_space<vmem>>) target(%dma_start3A_1208 : memref<32x1024xf32, #tpu.memory_space<hbm>>) target_semaphore(%run_scoped3A : memref<!tpu.dma_semaphore, #tpu.memory_space<semaphore_mem>>)
        %dma_wait3A_1209 = arith.constant 0 : i32
        %dma_wait3A_1210 = tpu.memref_slice %arg4[%add3A_385, %dma_wait3A_1209] : memref<32768x1024xf32, #tpu.memory_space<hbm>> -> memref<32x1024xf32, #tpu.memory_space<hbm>>
        %dma_wait3A_1211 = arith.constant 0 : i32
        %dma_wait3A_1212 = tpu.memref_slice %arg4[%add3A_385, %dma_wait3A_1211] : memref<32768x1024xf32, #tpu.memory_space<hbm>> -> memref<32x1024xf32, #tpu.memory_space<hbm>>
        tpu.wait_dma2 semaphore(%run_scoped3A : memref<!tpu.dma_semaphore, #tpu.memory_space<semaphore_mem>>) src(%arg10 : memref<32x1024xf32, #tpu.memory_space<vmem>>) dst(%dma_wait3A_1212 : memref<32x1024xf32, #tpu.memory_space<hbm>>)
        tpu.yield
      }) : () -> ()
    } else {
    }
    %jit3A_394 = arith.constant 1 : i32
    %jit3A_395 = arith.constant 0 : i32
    %select_n3A_396 = arith.select %eq3A_381, %jit3A_394, %jit3A_395 : i32
    %add3A_397 = arith.addi %add3A_362, %select_n3A_396 : i32
    %dma_wait3A_398 = arith.constant 0 : i32
    %dma_wait3A_399 = tpu.memref_slice %arg7[%dma_wait3A_398] : memref<1024xi32, #tpu.memory_space<vmem>> -> memref<32xi32, #tpu.memory_space<vmem>>
    %dma_wait3A_400 = arith.constant 0 : i32
    %dma_wait3A_401 = arith.constant 0 : i32
    %dma_wait3A_402 = tpu.memref_slice %arg3[%dma_wait3A_400, %dma_wait3A_401] : memref<8194x1024xf32, #tpu.memory_space<hbm>> -> memref<8194x1024xf32, #tpu.memory_space<hbm>>
    tpu.wait_indirect_dma semaphore(%arg11 : memref<!tpu.dma_semaphore, #tpu.memory_space<semaphore_mem>>) src(%dma_wait3A_402 : memref<8194x1024xf32, #tpu.memory_space<hbm>>) dst(%arg8 : memref<32x1024xf32, #tpu.memory_space<vmem>>)
    %while3A_403 = arith.constant 0 : i32
    %while3A_404 = arith.constant 0 : i32
    %while3A_405 = arith.subi %add3A_397, %while3A_404 : i32
    %while3A_406 = arith.addi %while3A_404, %while3A_405 : i32
    %while3A_407 = arith.constant 1 : i32
    %while3A_408 = arith.divsi %while3A_405, %while3A_407 : i32
    %while3A_409 = arith.muli %while3A_408, %while3A_407 : i32
    %while3A_410 = arith.addi %while3A_404, %while3A_409 : i32
    %while3A_411 = arith.constant 1 : i32
    scf.for %while3A_1195 = %while3A_404 to %while3A_410 step %while3A_411  : i32 {
      %dma_wait3A_1196 = arith.constant 0 : i32
      %dma_wait3A_1197 = tpu.memref_slice %arg4[%mul3A_2, %dma_wait3A_1196] : memref<32768x1024xf32, #tpu.memory_space<hbm>> -> memref<32x1024xf32, #tpu.memory_space<hbm>>
      %dma_wait3A_1198 = arith.constant 0 : i32
      %dma_wait3A_1199 = tpu.memref_slice %arg4[%mul3A_2, %dma_wait3A_1198] : memref<32768x1024xf32, #tpu.memory_space<hbm>> -> memref<32x1024xf32, #tpu.memory_space<hbm>>
      tpu.wait_dma2 semaphore(%arg14 : memref<!tpu.dma_semaphore, #tpu.memory_space<semaphore_mem>>) src(%arg9 : memref<32x1024xf32, #tpu.memory_space<vmem>>) dst(%dma_wait3A_1199 : memref<32x1024xf32, #tpu.memory_space<hbm>>)
    }
    %while3A_412 = arith.constant 1 : i32
    scf.for %while3A_1195 = %while3A_410 to %while3A_406 step %while3A_412  : i32 {
      %dma_wait3A_1196 = arith.constant 0 : i32
      %dma_wait3A_1197 = tpu.memref_slice %arg4[%mul3A_2, %dma_wait3A_1196] : memref<32768x1024xf32, #tpu.memory_space<hbm>> -> memref<32x1024xf32, #tpu.memory_space<hbm>>
      %dma_wait3A_1198 = arith.constant 0 : i32
      %dma_wait3A_1199 = tpu.memref_slice %arg4[%mul3A_2, %dma_wait3A_1198] : memref<32768x1024xf32, #tpu.memory_space<hbm>> -> memref<32x1024xf32, #tpu.memory_space<hbm>>
      tpu.wait_dma2 semaphore(%arg14 : memref<!tpu.dma_semaphore, #tpu.memory_space<semaphore_mem>>) src(%arg9 : memref<32x1024xf32, #tpu.memory_space<vmem>>) dst(%dma_wait3A_1199 : memref<32x1024xf32, #tpu.memory_space<hbm>>)
    }
    %dma_start3A_413 = arith.constant 96 : i32
    %dma_start3A_414 = tpu.memref_slice %arg7[%dma_start3A_413] : memref<1024xi32, #tpu.memory_space<vmem>> -> memref<32xi32, #tpu.memory_space<vmem>>
    %dma_start3A_415 = arith.constant 0 : i32
    %dma_start3A_416 = arith.constant 0 : i32
    %dma_start3A_417 = tpu.memref_slice %arg3[%dma_start3A_415, %dma_start3A_416] : memref<8194x1024xf32, #tpu.memory_space<hbm>> -> memref<8194x1024xf32, #tpu.memory_space<hbm>>
    tpu.enqueue_indirect_dma source(%dma_start3A_417 : memref<8194x1024xf32, #tpu.memory_space<hbm>>) target(%arg9 : memref<32x1024xf32, #tpu.memory_space<vmem>>) offsets(%dma_start3A_414 : memref<32xi32, #tpu.memory_space<vmem>>) semaphore(%arg12 : memref<!tpu.dma_semaphore, #tpu.memory_space<semaphore_mem>>)
    %add3A_418 = arith.constant 64 : i32
    %add3A_419 = arith.addi %mul3A_2, %add3A_418 : i32
    %dma_start3A_420 = arith.constant 0 : i32
    %dma_start3A_421 = tpu.memref_slice %arg4[%add3A_419, %dma_start3A_420] : memref<32768x1024xf32, #tpu.memory_space<hbm>> -> memref<32x1024xf32, #tpu.memory_space<hbm>>
    %dma_start3A_422 = arith.constant 0 : i32
    %dma_start3A_423 = tpu.memref_slice %arg4[%add3A_419, %dma_start3A_422] : memref<32768x1024xf32, #tpu.memory_space<hbm>> -> memref<32x1024xf32, #tpu.memory_space<hbm>>
    tpu.enqueue_dma source(%arg8 : memref<32x1024xf32, #tpu.memory_space<vmem>>) target(%dma_start3A_423 : memref<32x1024xf32, #tpu.memory_space<hbm>>) target_semaphore(%arg13 : memref<!tpu.dma_semaphore, #tpu.memory_space<semaphore_mem>>)
    %get3A_424 = arith.constant 320 : index
    %get3A_425 = tpu.vector_load %arg7[%get3A_424] {strides = array<i32>} : memref<1024xi32, #tpu.memory_space<vmem>>, vector<16xi32>,
    %get3A_426 = arith.constant 64 : index
    %get3A_427 = tpu.vector_load %arg7[%get3A_426] {strides = array<i32>} : memref<1024xi32, #tpu.memory_space<vmem>>, vector<16xi32>,
    %eq3A_428 = arith.cmpi eq, %get3A_425, %get3A_427 : vector<16xi32>
    %select_n3A_429 = arith.select %eq3A_428, %broadcast_in_dim3A_5, %broadcast_in_dim3A_3 : vector<16xi1>, vector<16xi32>
    %get3A_430 = arith.constant 336 : index
    %get3A_431 = tpu.vector_load %arg7[%get3A_430] {strides = array<i32>} : memref<1024xi32, #tpu.memory_space<vmem>>, vector<16xi32>,
    %get3A_432 = arith.constant 80 : index
    %get3A_433 = tpu.vector_load %arg7[%get3A_432] {strides = array<i32>} : memref<1024xi32, #tpu.memory_space<vmem>>, vector<16xi32>,
    %eq3A_434 = arith.cmpi eq, %get3A_431, %get3A_433 : vector<16xi32>
    %select_n3A_435 = arith.select %eq3A_434, %broadcast_in_dim3A_5, %broadcast_in_dim3A_3 : vector<16xi1>, vector<16xi32>
    %add3A_436 = arith.addi %select_n3A_429, %select_n3A_435 : vector<16xi32>
    %reduce_sum3A_437 = arith.constant true
    %reduce_sum3A_438 = vector.broadcast %reduce_sum3A_437 : i1 to vector<16xi1>
    %reduce_sum3A_439 = tpu.scan <sum>, %add3A_436 masked %reduce_sum3A_438 : vector<16xi32>, vector<16xi1> -> vector<16xi32>
    %reduce_sum3A_440 = vector.extract %reduce_sum3A_439[15] : i32 from vector<16xi32>
    %eq3A_441 = arith.constant 0 : i32
    %eq3A_442 = arith.cmpi eq, %reduce_sum3A_440, %eq3A_441 : i32
    %add3A_443 = arith.constant 8192 : i32
    %add3A_444 = arith.addi %add3A_443, %mul3A_2 : i32
    %add3A_445 = arith.constant 64 : i32
    %add3A_446 = arith.addi %add3A_444, %add3A_445 : i32
    %convert_element_type3A_447 = arith.extui %eq3A_442 : i1 to i32
    %cond3A_448 = arith.constant 0 : i32
    %cond3A_449 = arith.cmpi ne, %convert_element_type3A_447, %cond3A_448 : i32
    scf.if %cond3A_449 {
      %dma_start3A_1195 = arith.constant 0 : i32
      %dma_start3A_1196 = tpu.memref_slice %arg4[%add3A_446, %dma_start3A_1195] : memref<32768x1024xf32, #tpu.memory_space<hbm>> -> memref<32x1024xf32, #tpu.memory_space<hbm>>
      %dma_start3A_1197 = arith.constant 0 : i32
      %dma_start3A_1198 = tpu.memref_slice %arg4[%add3A_446, %dma_start3A_1197] : memref<32768x1024xf32, #tpu.memory_space<hbm>> -> memref<32x1024xf32, #tpu.memory_space<hbm>>
      tpu.enqueue_dma source(%arg8 : memref<32x1024xf32, #tpu.memory_space<vmem>>) target(%dma_start3A_1198 : memref<32x1024xf32, #tpu.memory_space<hbm>>) target_semaphore(%arg13 : memref<!tpu.dma_semaphore, #tpu.memory_space<semaphore_mem>>)
    } else {
    }
    %not3A_450 = arith.constant true
    %not3A_451 = arith.xori %eq3A_442, %not3A_450 : i1
    %convert_element_type3A_452 = arith.extui %not3A_451 : i1 to i32
    %cond3A_453 = arith.constant 0 : i32
    %cond3A_454 = arith.cmpi ne, %convert_element_type3A_452, %cond3A_453 : i32
    scf.if %cond3A_454 {
      %dma_start3A_1195 = arith.constant 320 : i32
      %dma_start3A_1196 = tpu.memref_slice %arg7[%dma_start3A_1195] : memref<1024xi32, #tpu.memory_space<vmem>> -> memref<32xi32, #tpu.memory_space<vmem>>
      %dma_start3A_1197 = arith.constant 0 : i32
      %dma_start3A_1198 = arith.constant 0 : i32
      %dma_start3A_1199 = tpu.memref_slice %arg3[%dma_start3A_1197, %dma_start3A_1198] : memref<8194x1024xf32, #tpu.memory_space<hbm>> -> memref<8194x1024xf32, #tpu.memory_space<hbm>>
      tpu.enqueue_indirect_dma source(%dma_start3A_1199 : memref<8194x1024xf32, #tpu.memory_space<hbm>>) target(%arg10 : memref<32x1024xf32, #tpu.memory_space<vmem>>) offsets(%dma_start3A_1196 : memref<32xi32, #tpu.memory_space<vmem>>) semaphore(%arg15 : memref<!tpu.dma_semaphore, #tpu.memory_space<semaphore_mem>>)
      %dma_wait3A_1200 = arith.constant 320 : i32
      %dma_wait3A_1201 = tpu.memref_slice %arg7[%dma_wait3A_1200] : memref<1024xi32, #tpu.memory_space<vmem>> -> memref<32xi32, #tpu.memory_space<vmem>>
      %dma_wait3A_1202 = arith.constant 0 : i32
      %dma_wait3A_1203 = arith.constant 0 : i32
      %dma_wait3A_1204 = tpu.memref_slice %arg3[%dma_wait3A_1202, %dma_wait3A_1203] : memref<8194x1024xf32, #tpu.memory_space<hbm>> -> memref<8194x1024xf32, #tpu.memory_space<hbm>>
      tpu.wait_indirect_dma semaphore(%arg15 : memref<!tpu.dma_semaphore, #tpu.memory_space<semaphore_mem>>) src(%dma_wait3A_1204 : memref<8194x1024xf32, #tpu.memory_space<hbm>>) dst(%arg10 : memref<32x1024xf32, #tpu.memory_space<vmem>>)
      "tpu.region"() ({
        %run_scoped3A = tpu.sem_alloc : memref<!tpu.dma_semaphore, #tpu.memory_space<semaphore_mem>>
        %dma_start3A_1205 = arith.constant 0 : i32
        %dma_start3A_1206 = tpu.memref_slice %arg4[%add3A_446, %dma_start3A_1205] : memref<32768x1024xf32, #tpu.memory_space<hbm>> -> memref<32x1024xf32, #tpu.memory_space<hbm>>
        %dma_start3A_1207 = arith.constant 0 : i32
        %dma_start3A_1208 = tpu.memref_slice %arg4[%add3A_446, %dma_start3A_1207] : memref<32768x1024xf32, #tpu.memory_space<hbm>> -> memref<32x1024xf32, #tpu.memory_space<hbm>>
        tpu.enqueue_dma source(%arg10 : memref<32x1024xf32, #tpu.memory_space<vmem>>) target(%dma_start3A_1208 : memref<32x1024xf32, #tpu.memory_space<hbm>>) target_semaphore(%run_scoped3A : memref<!tpu.dma_semaphore, #tpu.memory_space<semaphore_mem>>)
        %dma_wait3A_1209 = arith.constant 0 : i32
        %dma_wait3A_1210 = tpu.memref_slice %arg4[%add3A_446, %dma_wait3A_1209] : memref<32768x1024xf32, #tpu.memory_space<hbm>> -> memref<32x1024xf32, #tpu.memory_space<hbm>>
        %dma_wait3A_1211 = arith.constant 0 : i32
        %dma_wait3A_1212 = tpu.memref_slice %arg4[%add3A_446, %dma_wait3A_1211] : memref<32768x1024xf32, #tpu.memory_space<hbm>> -> memref<32x1024xf32, #tpu.memory_space<hbm>>
        tpu.wait_dma2 semaphore(%run_scoped3A : memref<!tpu.dma_semaphore, #tpu.memory_space<semaphore_mem>>) src(%arg10 : memref<32x1024xf32, #tpu.memory_space<vmem>>) dst(%dma_wait3A_1212 : memref<32x1024xf32, #tpu.memory_space<hbm>>)
        tpu.yield
      }) : () -> ()
    } else {
    }
    %jit3A_455 = arith.constant 1 : i32
    %jit3A_456 = arith.constant 0 : i32
    %select_n3A_457 = arith.select %eq3A_442, %jit3A_455, %jit3A_456 : i32
    %add3A_458 = arith.constant 1 : i32
    %add3A_459 = arith.addi %add3A_458, %select_n3A_457 : i32
    %get3A_460 = arith.constant 576 : index
    %get3A_461 = tpu.vector_load %arg7[%get3A_460] {strides = array<i32>} : memref<1024xi32, #tpu.memory_space<vmem>>, vector<16xi32>,
    %get3A_462 = arith.constant 64 : index
    %get3A_463 = tpu.vector_load %arg7[%get3A_462] {strides = array<i32>} : memref<1024xi32, #tpu.memory_space<vmem>>, vector<16xi32>,
    %eq3A_464 = arith.cmpi eq, %get3A_461, %get3A_463 : vector<16xi32>
    %select_n3A_465 = arith.select %eq3A_464, %broadcast_in_dim3A_5, %broadcast_in_dim3A_3 : vector<16xi1>, vector<16xi32>
    %get3A_466 = arith.constant 592 : index
    %get3A_467 = tpu.vector_load %arg7[%get3A_466] {strides = array<i32>} : memref<1024xi32, #tpu.memory_space<vmem>>, vector<16xi32>,
    %get3A_468 = arith.constant 80 : index
    %get3A_469 = tpu.vector_load %arg7[%get3A_468] {strides = array<i32>} : memref<1024xi32, #tpu.memory_space<vmem>>, vector<16xi32>,
    %eq3A_470 = arith.cmpi eq, %get3A_467, %get3A_469 : vector<16xi32>
    %select_n3A_471 = arith.select %eq3A_470, %broadcast_in_dim3A_5, %broadcast_in_dim3A_3 : vector<16xi1>, vector<16xi32>
    %add3A_472 = arith.addi %select_n3A_465, %select_n3A_471 : vector<16xi32>
    %reduce_sum3A_473 = arith.constant true
    %reduce_sum3A_474 = vector.broadcast %reduce_sum3A_473 : i1 to vector<16xi1>
    %reduce_sum3A_475 = tpu.scan <sum>, %add3A_472 masked %reduce_sum3A_474 : vector<16xi32>, vector<16xi1> -> vector<16xi32>
    %reduce_sum3A_476 = vector.extract %reduce_sum3A_475[15] : i32 from vector<16xi32>
    %eq3A_477 = arith.constant 0 : i32
    %eq3A_478 = arith.cmpi eq, %reduce_sum3A_476, %eq3A_477 : i32
    %add3A_479 = arith.constant 16384 : i32
    %add3A_480 = arith.addi %add3A_479, %mul3A_2 : i32
    %add3A_481 = arith.constant 64 : i32
    %add3A_482 = arith.addi %add3A_480, %add3A_481 : i32
    %convert_element_type3A_483 = arith.extui %eq3A_478 : i1 to i32
    %cond3A_484 = arith.constant 0 : i32
    %cond3A_485 = arith.cmpi ne, %convert_element_type3A_483, %cond3A_484 : i32
    scf.if %cond3A_485 {
      %dma_start3A_1195 = arith.constant 0 : i32
      %dma_start3A_1196 = tpu.memref_slice %arg4[%add3A_482, %dma_start3A_1195] : memref<32768x1024xf32, #tpu.memory_space<hbm>> -> memref<32x1024xf32, #tpu.memory_space<hbm>>
      %dma_start3A_1197 = arith.constant 0 : i32
      %dma_start3A_1198 = tpu.memref_slice %arg4[%add3A_482, %dma_start3A_1197] : memref<32768x1024xf32, #tpu.memory_space<hbm>> -> memref<32x1024xf32, #tpu.memory_space<hbm>>
      tpu.enqueue_dma source(%arg8 : memref<32x1024xf32, #tpu.memory_space<vmem>>) target(%dma_start3A_1198 : memref<32x1024xf32, #tpu.memory_space<hbm>>) target_semaphore(%arg13 : memref<!tpu.dma_semaphore, #tpu.memory_space<semaphore_mem>>)
    } else {
    }
    %not3A_486 = arith.constant true
    %not3A_487 = arith.xori %eq3A_478, %not3A_486 : i1
    %convert_element_type3A_488 = arith.extui %not3A_487 : i1 to i32
    %cond3A_489 = arith.constant 0 : i32
    %cond3A_490 = arith.cmpi ne, %convert_element_type3A_488, %cond3A_489 : i32
    scf.if %cond3A_490 {
      %dma_start3A_1195 = arith.constant 576 : i32
      %dma_start3A_1196 = tpu.memref_slice %arg7[%dma_start3A_1195] : memref<1024xi32, #tpu.memory_space<vmem>> -> memref<32xi32, #tpu.memory_space<vmem>>
      %dma_start3A_1197 = arith.constant 0 : i32
      %dma_start3A_1198 = arith.constant 0 : i32
      %dma_start3A_1199 = tpu.memref_slice %arg3[%dma_start3A_1197, %dma_start3A_1198] : memref<8194x1024xf32, #tpu.memory_space<hbm>> -> memref<8194x1024xf32, #tpu.memory_space<hbm>>
      tpu.enqueue_indirect_dma source(%dma_start3A_1199 : memref<8194x1024xf32, #tpu.memory_space<hbm>>) target(%arg10 : memref<32x1024xf32, #tpu.memory_space<vmem>>) offsets(%dma_start3A_1196 : memref<32xi32, #tpu.memory_space<vmem>>) semaphore(%arg15 : memref<!tpu.dma_semaphore, #tpu.memory_space<semaphore_mem>>)
      %dma_wait3A_1200 = arith.constant 576 : i32
      %dma_wait3A_1201 = tpu.memref_slice %arg7[%dma_wait3A_1200] : memref<1024xi32, #tpu.memory_space<vmem>> -> memref<32xi32, #tpu.memory_space<vmem>>
      %dma_wait3A_1202 = arith.constant 0 : i32
      %dma_wait3A_1203 = arith.constant 0 : i32
      %dma_wait3A_1204 = tpu.memref_slice %arg3[%dma_wait3A_1202, %dma_wait3A_1203] : memref<8194x1024xf32, #tpu.memory_space<hbm>> -> memref<8194x1024xf32, #tpu.memory_space<hbm>>
      tpu.wait_indirect_dma semaphore(%arg15 : memref<!tpu.dma_semaphore, #tpu.memory_space<semaphore_mem>>) src(%dma_wait3A_1204 : memref<8194x1024xf32, #tpu.memory_space<hbm>>) dst(%arg10 : memref<32x1024xf32, #tpu.memory_space<vmem>>)
      "tpu.region"() ({
        %run_scoped3A = tpu.sem_alloc : memref<!tpu.dma_semaphore, #tpu.memory_space<semaphore_mem>>
        %dma_start3A_1205 = arith.constant 0 : i32
        %dma_start3A_1206 = tpu.memref_slice %arg4[%add3A_482, %dma_start3A_1205] : memref<32768x1024xf32, #tpu.memory_space<hbm>> -> memref<32x1024xf32, #tpu.memory_space<hbm>>
        %dma_start3A_1207 = arith.constant 0 : i32
        %dma_start3A_1208 = tpu.memref_slice %arg4[%add3A_482, %dma_start3A_1207] : memref<32768x1024xf32, #tpu.memory_space<hbm>> -> memref<32x1024xf32, #tpu.memory_space<hbm>>
        tpu.enqueue_dma source(%arg10 : memref<32x1024xf32, #tpu.memory_space<vmem>>) target(%dma_start3A_1208 : memref<32x1024xf32, #tpu.memory_space<hbm>>) target_semaphore(%run_scoped3A : memref<!tpu.dma_semaphore, #tpu.memory_space<semaphore_mem>>)
        %dma_wait3A_1209 = arith.constant 0 : i32
        %dma_wait3A_1210 = tpu.memref_slice %arg4[%add3A_482, %dma_wait3A_1209] : memref<32768x1024xf32, #tpu.memory_space<hbm>> -> memref<32x1024xf32, #tpu.memory_space<hbm>>
        %dma_wait3A_1211 = arith.constant 0 : i32
        %dma_wait3A_1212 = tpu.memref_slice %arg4[%add3A_482, %dma_wait3A_1211] : memref<32768x1024xf32, #tpu.memory_space<hbm>> -> memref<32x1024xf32, #tpu.memory_space<hbm>>
        tpu.wait_dma2 semaphore(%run_scoped3A : memref<!tpu.dma_semaphore, #tpu.memory_space<semaphore_mem>>) src(%arg10 : memref<32x1024xf32, #tpu.memory_space<vmem>>) dst(%dma_wait3A_1212 : memref<32x1024xf32, #tpu.memory_space<hbm>>)
        tpu.yield
      }) : () -> ()
    } else {
    }
    %jit3A_491 = arith.constant 1 : i32
    %jit3A_492 = arith.constant 0 : i32
    %select_n3A_493 = arith.select %eq3A_478, %jit3A_491, %jit3A_492 : i32
    %add3A_494 = arith.addi %add3A_459, %select_n3A_493 : i32
    %get3A_495 = arith.constant 832 : index
    %get3A_496 = tpu.vector_load %arg7[%get3A_495] {strides = array<i32>} : memref<1024xi32, #tpu.memory_space<vmem>>, vector<16xi32>,
    %get3A_497 = arith.constant 64 : index
    %get3A_498 = tpu.vector_load %arg7[%get3A_497] {strides = array<i32>} : memref<1024xi32, #tpu.memory_space<vmem>>, vector<16xi32>,
    %eq3A_499 = arith.cmpi eq, %get3A_496, %get3A_498 : vector<16xi32>
    %select_n3A_500 = arith.select %eq3A_499, %broadcast_in_dim3A_5, %broadcast_in_dim3A_3 : vector<16xi1>, vector<16xi32>
    %get3A_501 = arith.constant 848 : index
    %get3A_502 = tpu.vector_load %arg7[%get3A_501] {strides = array<i32>} : memref<1024xi32, #tpu.memory_space<vmem>>, vector<16xi32>,
    %get3A_503 = arith.constant 80 : index
    %get3A_504 = tpu.vector_load %arg7[%get3A_503] {strides = array<i32>} : memref<1024xi32, #tpu.memory_space<vmem>>, vector<16xi32>,
    %eq3A_505 = arith.cmpi eq, %get3A_502, %get3A_504 : vector<16xi32>
    %select_n3A_506 = arith.select %eq3A_505, %broadcast_in_dim3A_5, %broadcast_in_dim3A_3 : vector<16xi1>, vector<16xi32>
    %add3A_507 = arith.addi %select_n3A_500, %select_n3A_506 : vector<16xi32>
    %reduce_sum3A_508 = arith.constant true
    %reduce_sum3A_509 = vector.broadcast %reduce_sum3A_508 : i1 to vector<16xi1>
    %reduce_sum3A_510 = tpu.scan <sum>, %add3A_507 masked %reduce_sum3A_509 : vector<16xi32>, vector<16xi1> -> vector<16xi32>
    %reduce_sum3A_511 = vector.extract %reduce_sum3A_510[15] : i32 from vector<16xi32>
    %eq3A_512 = arith.constant 0 : i32
    %eq3A_513 = arith.cmpi eq, %reduce_sum3A_511, %eq3A_512 : i32
    %add3A_514 = arith.constant 24576 : i32
    %add3A_515 = arith.addi %add3A_514, %mul3A_2 : i32
    %add3A_516 = arith.constant 64 : i32
    %add3A_517 = arith.addi %add3A_515, %add3A_516 : i32
    %convert_element_type3A_518 = arith.extui %eq3A_513 : i1 to i32
    %cond3A_519 = arith.constant 0 : i32
    %cond3A_520 = arith.cmpi ne, %convert_element_type3A_518, %cond3A_519 : i32
    scf.if %cond3A_520 {
      %dma_start3A_1195 = arith.constant 0 : i32
      %dma_start3A_1196 = tpu.memref_slice %arg4[%add3A_517, %dma_start3A_1195] : memref<32768x1024xf32, #tpu.memory_space<hbm>> -> memref<32x1024xf32, #tpu.memory_space<hbm>>
      %dma_start3A_1197 = arith.constant 0 : i32
      %dma_start3A_1198 = tpu.memref_slice %arg4[%add3A_517, %dma_start3A_1197] : memref<32768x1024xf32, #tpu.memory_space<hbm>> -> memref<32x1024xf32, #tpu.memory_space<hbm>>
      tpu.enqueue_dma source(%arg8 : memref<32x1024xf32, #tpu.memory_space<vmem>>) target(%dma_start3A_1198 : memref<32x1024xf32, #tpu.memory_space<hbm>>) target_semaphore(%arg13 : memref<!tpu.dma_semaphore, #tpu.memory_space<semaphore_mem>>)
    } else {
    }
    %not3A_521 = arith.constant true
    %not3A_522 = arith.xori %eq3A_513, %not3A_521 : i1
    %convert_element_type3A_523 = arith.extui %not3A_522 : i1 to i32
    %cond3A_524 = arith.constant 0 : i32
    %cond3A_525 = arith.cmpi ne, %convert_element_type3A_523, %cond3A_524 : i32
    scf.if %cond3A_525 {
      %dma_start3A_1195 = arith.constant 832 : i32
      %dma_start3A_1196 = tpu.memref_slice %arg7[%dma_start3A_1195] : memref<1024xi32, #tpu.memory_space<vmem>> -> memref<32xi32, #tpu.memory_space<vmem>>
      %dma_start3A_1197 = arith.constant 0 : i32
      %dma_start3A_1198 = arith.constant 0 : i32
      %dma_start3A_1199 = tpu.memref_slice %arg3[%dma_start3A_1197, %dma_start3A_1198] : memref<8194x1024xf32, #tpu.memory_space<hbm>> -> memref<8194x1024xf32, #tpu.memory_space<hbm>>
      tpu.enqueue_indirect_dma source(%dma_start3A_1199 : memref<8194x1024xf32, #tpu.memory_space<hbm>>) target(%arg10 : memref<32x1024xf32, #tpu.memory_space<vmem>>) offsets(%dma_start3A_1196 : memref<32xi32, #tpu.memory_space<vmem>>) semaphore(%arg15 : memref<!tpu.dma_semaphore, #tpu.memory_space<semaphore_mem>>)
      %dma_wait3A_1200 = arith.constant 832 : i32
      %dma_wait3A_1201 = tpu.memref_slice %arg7[%dma_wait3A_1200] : memref<1024xi32, #tpu.memory_space<vmem>> -> memref<32xi32, #tpu.memory_space<vmem>>
      %dma_wait3A_1202 = arith.constant 0 : i32
      %dma_wait3A_1203 = arith.constant 0 : i32
      %dma_wait3A_1204 = tpu.memref_slice %arg3[%dma_wait3A_1202, %dma_wait3A_1203] : memref<8194x1024xf32, #tpu.memory_space<hbm>> -> memref<8194x1024xf32, #tpu.memory_space<hbm>>
      tpu.wait_indirect_dma semaphore(%arg15 : memref<!tpu.dma_semaphore, #tpu.memory_space<semaphore_mem>>) src(%dma_wait3A_1204 : memref<8194x1024xf32, #tpu.memory_space<hbm>>) dst(%arg10 : memref<32x1024xf32, #tpu.memory_space<vmem>>)
      "tpu.region"() ({
        %run_scoped3A = tpu.sem_alloc : memref<!tpu.dma_semaphore, #tpu.memory_space<semaphore_mem>>
        %dma_start3A_1205 = arith.constant 0 : i32
        %dma_start3A_1206 = tpu.memref_slice %arg4[%add3A_517, %dma_start3A_1205] : memref<32768x1024xf32, #tpu.memory_space<hbm>> -> memref<32x1024xf32, #tpu.memory_space<hbm>>
        %dma_start3A_1207 = arith.constant 0 : i32
        %dma_start3A_1208 = tpu.memref_slice %arg4[%add3A_517, %dma_start3A_1207] : memref<32768x1024xf32, #tpu.memory_space<hbm>> -> memref<32x1024xf32, #tpu.memory_space<hbm>>
        tpu.enqueue_dma source(%arg10 : memref<32x1024xf32, #tpu.memory_space<vmem>>) target(%dma_start3A_1208 : memref<32x1024xf32, #tpu.memory_space<hbm>>) target_semaphore(%run_scoped3A : memref<!tpu.dma_semaphore, #tpu.memory_space<semaphore_mem>>)
        %dma_wait3A_1209 = arith.constant 0 : i32
        %dma_wait3A_1210 = tpu.memref_slice %arg4[%add3A_517, %dma_wait3A_1209] : memref<32768x1024xf32, #tpu.memory_space<hbm>> -> memref<32x1024xf32, #tpu.memory_space<hbm>>
        %dma_wait3A_1211 = arith.constant 0 : i32
        %dma_wait3A_1212 = tpu.memref_slice %arg4[%add3A_517, %dma_wait3A_1211] : memref<32768x1024xf32, #tpu.memory_space<hbm>> -> memref<32x1024xf32, #tpu.memory_space<hbm>>
        tpu.wait_dma2 semaphore(%run_scoped3A : memref<!tpu.dma_semaphore, #tpu.memory_space<semaphore_mem>>) src(%arg10 : memref<32x1024xf32, #tpu.memory_space<vmem>>) dst(%dma_wait3A_1212 : memref<32x1024xf32, #tpu.memory_space<hbm>>)
        tpu.yield
      }) : () -> ()
    } else {
    }
    %jit3A_526 = arith.constant 1 : i32
    %jit3A_527 = arith.constant 0 : i32
    %select_n3A_528 = arith.select %eq3A_513, %jit3A_526, %jit3A_527 : i32
    %add3A_529 = arith.addi %add3A_494, %select_n3A_528 : i32
    %dma_wait3A_530 = arith.constant 0 : i32
    %dma_wait3A_531 = tpu.memref_slice %arg7[%dma_wait3A_530] : memref<1024xi32, #tpu.memory_space<vmem>> -> memref<32xi32, #tpu.memory_space<vmem>>
    %dma_wait3A_532 = arith.constant 0 : i32
    %dma_wait3A_533 = arith.constant 0 : i32
    %dma_wait3A_534 = tpu.memref_slice %arg3[%dma_wait3A_532, %dma_wait3A_533] : memref<8194x1024xf32, #tpu.memory_space<hbm>> -> memref<8194x1024xf32, #tpu.memory_space<hbm>>
    tpu.wait_indirect_dma semaphore(%arg12 : memref<!tpu.dma_semaphore, #tpu.memory_space<semaphore_mem>>) src(%dma_wait3A_534 : memref<8194x1024xf32, #tpu.memory_space<hbm>>) dst(%arg9 : memref<32x1024xf32, #tpu.memory_space<vmem>>)
    %while3A_535 = arith.constant 0 : i32
    %while3A_536 = arith.constant 0 : i32
    %while3A_537 = arith.subi %add3A_529, %while3A_536 : i32
    %while3A_538 = arith.addi %while3A_536, %while3A_537 : i32
    %while3A_539 = arith.constant 1 : i32
    %while3A_540 = arith.divsi %while3A_537, %while3A_539 : i32
    %while3A_541 = arith.muli %while3A_540, %while3A_539 : i32
    %while3A_542 = arith.addi %while3A_536, %while3A_541 : i32
    %while3A_543 = arith.constant 1 : i32
    scf.for %while3A_1195 = %while3A_536 to %while3A_542 step %while3A_543  : i32 {
      %dma_wait3A_1196 = arith.constant 0 : i32
      %dma_wait3A_1197 = tpu.memref_slice %arg4[%mul3A_2, %dma_wait3A_1196] : memref<32768x1024xf32, #tpu.memory_space<hbm>> -> memref<32x1024xf32, #tpu.memory_space<hbm>>
      %dma_wait3A_1198 = arith.constant 0 : i32
      %dma_wait3A_1199 = tpu.memref_slice %arg4[%mul3A_2, %dma_wait3A_1198] : memref<32768x1024xf32, #tpu.memory_space<hbm>> -> memref<32x1024xf32, #tpu.memory_space<hbm>>
      tpu.wait_dma2 semaphore(%arg13 : memref<!tpu.dma_semaphore, #tpu.memory_space<semaphore_mem>>) src(%arg8 : memref<32x1024xf32, #tpu.memory_space<vmem>>) dst(%dma_wait3A_1199 : memref<32x1024xf32, #tpu.memory_space<hbm>>)
    }
    %while3A_544 = arith.constant 1 : i32
    scf.for %while3A_1195 = %while3A_542 to %while3A_538 step %while3A_544  : i32 {
      %dma_wait3A_1196 = arith.constant 0 : i32
      %dma_wait3A_1197 = tpu.memref_slice %arg4[%mul3A_2, %dma_wait3A_1196] : memref<32768x1024xf32, #tpu.memory_space<hbm>> -> memref<32x1024xf32, #tpu.memory_space<hbm>>
      %dma_wait3A_1198 = arith.constant 0 : i32
      %dma_wait3A_1199 = tpu.memref_slice %arg4[%mul3A_2, %dma_wait3A_1198] : memref<32768x1024xf32, #tpu.memory_space<hbm>> -> memref<32x1024xf32, #tpu.memory_space<hbm>>
      tpu.wait_dma2 semaphore(%arg13 : memref<!tpu.dma_semaphore, #tpu.memory_space<semaphore_mem>>) src(%arg8 : memref<32x1024xf32, #tpu.memory_space<vmem>>) dst(%dma_wait3A_1199 : memref<32x1024xf32, #tpu.memory_space<hbm>>)
    }
    %dma_start3A_545 = arith.constant 128 : i32
    %dma_start3A_546 = tpu.memref_slice %arg7[%dma_start3A_545] : memref<1024xi32, #tpu.memory_space<vmem>> -> memref<32xi32, #tpu.memory_space<vmem>>
    %dma_start3A_547 = arith.constant 0 : i32
    %dma_start3A_548 = arith.constant 0 : i32
    %dma_start3A_549 = tpu.memref_slice %arg3[%dma_start3A_547, %dma_start3A_548] : memref<8194x1024xf32, #tpu.memory_space<hbm>> -> memref<8194x1024xf32, #tpu.memory_space<hbm>>
    tpu.enqueue_indirect_dma source(%dma_start3A_549 : memref<8194x1024xf32, #tpu.memory_space<hbm>>) target(%arg8 : memref<32x1024xf32, #tpu.memory_space<vmem>>) offsets(%dma_start3A_546 : memref<32xi32, #tpu.memory_space<vmem>>) semaphore(%arg11 : memref<!tpu.dma_semaphore, #tpu.memory_space<semaphore_mem>>)
    %add3A_550 = arith.constant 96 : i32
    %add3A_551 = arith.addi %mul3A_2, %add3A_550 : i32
    %dma_start3A_552 = arith.constant 0 : i32
    %dma_start3A_553 = tpu.memref_slice %arg4[%add3A_551, %dma_start3A_552] : memref<32768x1024xf32, #tpu.memory_space<hbm>> -> memref<32x1024xf32, #tpu.memory_space<hbm>>
    %dma_start3A_554 = arith.constant 0 : i32
    %dma_start3A_555 = tpu.memref_slice %arg4[%add3A_551, %dma_start3A_554] : memref<32768x1024xf32, #tpu.memory_space<hbm>> -> memref<32x1024xf32, #tpu.memory_space<hbm>>
    tpu.enqueue_dma source(%arg9 : memref<32x1024xf32, #tpu.memory_space<vmem>>) target(%dma_start3A_555 : memref<32x1024xf32, #tpu.memory_space<hbm>>) target_semaphore(%arg14 : memref<!tpu.dma_semaphore, #tpu.memory_space<semaphore_mem>>)
    %get3A_556 = arith.constant 352 : index
    %get3A_557 = tpu.vector_load %arg7[%get3A_556] {strides = array<i32>} : memref<1024xi32, #tpu.memory_space<vmem>>, vector<16xi32>,
    %get3A_558 = arith.constant 96 : index
    %get3A_559 = tpu.vector_load %arg7[%get3A_558] {strides = array<i32>} : memref<1024xi32, #tpu.memory_space<vmem>>, vector<16xi32>,
    %eq3A_560 = arith.cmpi eq, %get3A_557, %get3A_559 : vector<16xi32>
    %select_n3A_561 = arith.select %eq3A_560, %broadcast_in_dim3A_5, %broadcast_in_dim3A_3 : vector<16xi1>, vector<16xi32>
    %get3A_562 = arith.constant 368 : index
    %get3A_563 = tpu.vector_load %arg7[%get3A_562] {strides = array<i32>} : memref<1024xi32, #tpu.memory_space<vmem>>, vector<16xi32>,
    %get3A_564 = arith.constant 112 : index
    %get3A_565 = tpu.vector_load %arg7[%get3A_564] {strides = array<i32>} : memref<1024xi32, #tpu.memory_space<vmem>>, vector<16xi32>,
    %eq3A_566 = arith.cmpi eq, %get3A_563, %get3A_565 : vector<16xi32>
    %select_n3A_567 = arith.select %eq3A_566, %broadcast_in_dim3A_5, %broadcast_in_dim3A_3 : vector<16xi1>, vector<16xi32>
    %add3A_568 = arith.addi %select_n3A_561, %select_n3A_567 : vector<16xi32>
    %reduce_sum3A_569 = arith.constant true
    %reduce_sum3A_570 = vector.broadcast %reduce_sum3A_569 : i1 to vector<16xi1>
    %reduce_sum3A_571 = tpu.scan <sum>, %add3A_568 masked %reduce_sum3A_570 : vector<16xi32>, vector<16xi1> -> vector<16xi32>
    %reduce_sum3A_572 = vector.extract %reduce_sum3A_571[15] : i32 from vector<16xi32>
    %eq3A_573 = arith.constant 0 : i32
    %eq3A_574 = arith.cmpi eq, %reduce_sum3A_572, %eq3A_573 : i32
    %add3A_575 = arith.constant 8192 : i32
    %add3A_576 = arith.addi %add3A_575, %mul3A_2 : i32
    %add3A_577 = arith.constant 96 : i32
    %add3A_578 = arith.addi %add3A_576, %add3A_577 : i32
    %convert_element_type3A_579 = arith.extui %eq3A_574 : i1 to i32
    %cond3A_580 = arith.constant 0 : i32
    %cond3A_581 = arith.cmpi ne, %convert_element_type3A_579, %cond3A_580 : i32
    scf.if %cond3A_581 {
      %dma_start3A_1195 = arith.constant 0 : i32
      %dma_start3A_1196 = tpu.memref_slice %arg4[%add3A_578, %dma_start3A_1195] : memref<32768x1024xf32, #tpu.memory_space<hbm>> -> memref<32x1024xf32, #tpu.memory_space<hbm>>
      %dma_start3A_1197 = arith.constant 0 : i32
      %dma_start3A_1198 = tpu.memref_slice %arg4[%add3A_578, %dma_start3A_1197] : memref<32768x1024xf32, #tpu.memory_space<hbm>> -> memref<32x1024xf32, #tpu.memory_space<hbm>>
      tpu.enqueue_dma source(%arg9 : memref<32x1024xf32, #tpu.memory_space<vmem>>) target(%dma_start3A_1198 : memref<32x1024xf32, #tpu.memory_space<hbm>>) target_semaphore(%arg14 : memref<!tpu.dma_semaphore, #tpu.memory_space<semaphore_mem>>)
    } else {
    }
    %not3A_582 = arith.constant true
    %not3A_583 = arith.xori %eq3A_574, %not3A_582 : i1
    %convert_element_type3A_584 = arith.extui %not3A_583 : i1 to i32
    %cond3A_585 = arith.constant 0 : i32
    %cond3A_586 = arith.cmpi ne, %convert_element_type3A_584, %cond3A_585 : i32
    scf.if %cond3A_586 {
      %dma_start3A_1195 = arith.constant 352 : i32
      %dma_start3A_1196 = tpu.memref_slice %arg7[%dma_start3A_1195] : memref<1024xi32, #tpu.memory_space<vmem>> -> memref<32xi32, #tpu.memory_space<vmem>>
      %dma_start3A_1197 = arith.constant 0 : i32
      %dma_start3A_1198 = arith.constant 0 : i32
      %dma_start3A_1199 = tpu.memref_slice %arg3[%dma_start3A_1197, %dma_start3A_1198] : memref<8194x1024xf32, #tpu.memory_space<hbm>> -> memref<8194x1024xf32, #tpu.memory_space<hbm>>
      tpu.enqueue_indirect_dma source(%dma_start3A_1199 : memref<8194x1024xf32, #tpu.memory_space<hbm>>) target(%arg10 : memref<32x1024xf32, #tpu.memory_space<vmem>>) offsets(%dma_start3A_1196 : memref<32xi32, #tpu.memory_space<vmem>>) semaphore(%arg15 : memref<!tpu.dma_semaphore, #tpu.memory_space<semaphore_mem>>)
      %dma_wait3A_1200 = arith.constant 352 : i32
      %dma_wait3A_1201 = tpu.memref_slice %arg7[%dma_wait3A_1200] : memref<1024xi32, #tpu.memory_space<vmem>> -> memref<32xi32, #tpu.memory_space<vmem>>
      %dma_wait3A_1202 = arith.constant 0 : i32
      %dma_wait3A_1203 = arith.constant 0 : i32
      %dma_wait3A_1204 = tpu.memref_slice %arg3[%dma_wait3A_1202, %dma_wait3A_1203] : memref<8194x1024xf32, #tpu.memory_space<hbm>> -> memref<8194x1024xf32, #tpu.memory_space<hbm>>
      tpu.wait_indirect_dma semaphore(%arg15 : memref<!tpu.dma_semaphore, #tpu.memory_space<semaphore_mem>>) src(%dma_wait3A_1204 : memref<8194x1024xf32, #tpu.memory_space<hbm>>) dst(%arg10 : memref<32x1024xf32, #tpu.memory_space<vmem>>)
      "tpu.region"() ({
        %run_scoped3A = tpu.sem_alloc : memref<!tpu.dma_semaphore, #tpu.memory_space<semaphore_mem>>
        %dma_start3A_1205 = arith.constant 0 : i32
        %dma_start3A_1206 = tpu.memref_slice %arg4[%add3A_578, %dma_start3A_1205] : memref<32768x1024xf32, #tpu.memory_space<hbm>> -> memref<32x1024xf32, #tpu.memory_space<hbm>>
        %dma_start3A_1207 = arith.constant 0 : i32
        %dma_start3A_1208 = tpu.memref_slice %arg4[%add3A_578, %dma_start3A_1207] : memref<32768x1024xf32, #tpu.memory_space<hbm>> -> memref<32x1024xf32, #tpu.memory_space<hbm>>
        tpu.enqueue_dma source(%arg10 : memref<32x1024xf32, #tpu.memory_space<vmem>>) target(%dma_start3A_1208 : memref<32x1024xf32, #tpu.memory_space<hbm>>) target_semaphore(%run_scoped3A : memref<!tpu.dma_semaphore, #tpu.memory_space<semaphore_mem>>)
        %dma_wait3A_1209 = arith.constant 0 : i32
        %dma_wait3A_1210 = tpu.memref_slice %arg4[%add3A_578, %dma_wait3A_1209] : memref<32768x1024xf32, #tpu.memory_space<hbm>> -> memref<32x1024xf32, #tpu.memory_space<hbm>>
        %dma_wait3A_1211 = arith.constant 0 : i32
        %dma_wait3A_1212 = tpu.memref_slice %arg4[%add3A_578, %dma_wait3A_1211] : memref<32768x1024xf32, #tpu.memory_space<hbm>> -> memref<32x1024xf32, #tpu.memory_space<hbm>>
        tpu.wait_dma2 semaphore(%run_scoped3A : memref<!tpu.dma_semaphore, #tpu.memory_space<semaphore_mem>>) src(%arg10 : memref<32x1024xf32, #tpu.memory_space<vmem>>) dst(%dma_wait3A_1212 : memref<32x1024xf32, #tpu.memory_space<hbm>>)
        tpu.yield
      }) : () -> ()
    } else {
    }
    %jit3A_587 = arith.constant 1 : i32
    %jit3A_588 = arith.constant 0 : i32
    %select_n3A_589 = arith.select %eq3A_574, %jit3A_587, %jit3A_588 : i32
    %add3A_590 = arith.constant 1 : i32
    %add3A_591 = arith.addi %add3A_590, %select_n3A_589 : i32
    %get3A_592 = arith.constant 608 : index
    %get3A_593 = tpu.vector_load %arg7[%get3A_592] {strides = array<i32>} : memref<1024xi32, #tpu.memory_space<vmem>>, vector<16xi32>,
    %get3A_594 = arith.constant 96 : index
    %get3A_595 = tpu.vector_load %arg7[%get3A_594] {strides = array<i32>} : memref<1024xi32, #tpu.memory_space<vmem>>, vector<16xi32>,
    %eq3A_596 = arith.cmpi eq, %get3A_593, %get3A_595 : vector<16xi32>
    %select_n3A_597 = arith.select %eq3A_596, %broadcast_in_dim3A_5, %broadcast_in_dim3A_3 : vector<16xi1>, vector<16xi32>
    %get3A_598 = arith.constant 624 : index
    %get3A_599 = tpu.vector_load %arg7[%get3A_598] {strides = array<i32>} : memref<1024xi32, #tpu.memory_space<vmem>>, vector<16xi32>,
    %get3A_600 = arith.constant 112 : index
    %get3A_601 = tpu.vector_load %arg7[%get3A_600] {strides = array<i32>} : memref<1024xi32, #tpu.memory_space<vmem>>, vector<16xi32>,
    %eq3A_602 = arith.cmpi eq, %get3A_599, %get3A_601 : vector<16xi32>
    %select_n3A_603 = arith.select %eq3A_602, %broadcast_in_dim3A_5, %broadcast_in_dim3A_3 : vector<16xi1>, vector<16xi32>
    %add3A_604 = arith.addi %select_n3A_597, %select_n3A_603 : vector<16xi32>
    %reduce_sum3A_605 = arith.constant true
    %reduce_sum3A_606 = vector.broadcast %reduce_sum3A_605 : i1 to vector<16xi1>
    %reduce_sum3A_607 = tpu.scan <sum>, %add3A_604 masked %reduce_sum3A_606 : vector<16xi32>, vector<16xi1> -> vector<16xi32>
    %reduce_sum3A_608 = vector.extract %reduce_sum3A_607[15] : i32 from vector<16xi32>
    %eq3A_609 = arith.constant 0 : i32
    %eq3A_610 = arith.cmpi eq, %reduce_sum3A_608, %eq3A_609 : i32
    %add3A_611 = arith.constant 16384 : i32
    %add3A_612 = arith.addi %add3A_611, %mul3A_2 : i32
    %add3A_613 = arith.constant 96 : i32
    %add3A_614 = arith.addi %add3A_612, %add3A_613 : i32
    %convert_element_type3A_615 = arith.extui %eq3A_610 : i1 to i32
    %cond3A_616 = arith.constant 0 : i32
    %cond3A_617 = arith.cmpi ne, %convert_element_type3A_615, %cond3A_616 : i32
    scf.if %cond3A_617 {
      %dma_start3A_1195 = arith.constant 0 : i32
      %dma_start3A_1196 = tpu.memref_slice %arg4[%add3A_614, %dma_start3A_1195] : memref<32768x1024xf32, #tpu.memory_space<hbm>> -> memref<32x1024xf32, #tpu.memory_space<hbm>>
      %dma_start3A_1197 = arith.constant 0 : i32
      %dma_start3A_1198 = tpu.memref_slice %arg4[%add3A_614, %dma_start3A_1197] : memref<32768x1024xf32, #tpu.memory_space<hbm>> -> memref<32x1024xf32, #tpu.memory_space<hbm>>
      tpu.enqueue_dma source(%arg9 : memref<32x1024xf32, #tpu.memory_space<vmem>>) target(%dma_start3A_1198 : memref<32x1024xf32, #tpu.memory_space<hbm>>) target_semaphore(%arg14 : memref<!tpu.dma_semaphore, #tpu.memory_space<semaphore_mem>>)
    } else {
    }
    %not3A_618 = arith.constant true
    %not3A_619 = arith.xori %eq3A_610, %not3A_618 : i1
    %convert_element_type3A_620 = arith.extui %not3A_619 : i1 to i32
    %cond3A_621 = arith.constant 0 : i32
    %cond3A_622 = arith.cmpi ne, %convert_element_type3A_620, %cond3A_621 : i32
    scf.if %cond3A_622 {
      %dma_start3A_1195 = arith.constant 608 : i32
      %dma_start3A_1196 = tpu.memref_slice %arg7[%dma_start3A_1195] : memref<1024xi32, #tpu.memory_space<vmem>> -> memref<32xi32, #tpu.memory_space<vmem>>
      %dma_start3A_1197 = arith.constant 0 : i32
      %dma_start3A_1198 = arith.constant 0 : i32
      %dma_start3A_1199 = tpu.memref_slice %arg3[%dma_start3A_1197, %dma_start3A_1198] : memref<8194x1024xf32, #tpu.memory_space<hbm>> -> memref<8194x1024xf32, #tpu.memory_space<hbm>>
      tpu.enqueue_indirect_dma source(%dma_start3A_1199 : memref<8194x1024xf32, #tpu.memory_space<hbm>>) target(%arg10 : memref<32x1024xf32, #tpu.memory_space<vmem>>) offsets(%dma_start3A_1196 : memref<32xi32, #tpu.memory_space<vmem>>) semaphore(%arg15 : memref<!tpu.dma_semaphore, #tpu.memory_space<semaphore_mem>>)
      %dma_wait3A_1200 = arith.constant 608 : i32
      %dma_wait3A_1201 = tpu.memref_slice %arg7[%dma_wait3A_1200] : memref<1024xi32, #tpu.memory_space<vmem>> -> memref<32xi32, #tpu.memory_space<vmem>>
      %dma_wait3A_1202 = arith.constant 0 : i32
      %dma_wait3A_1203 = arith.constant 0 : i32
      %dma_wait3A_1204 = tpu.memref_slice %arg3[%dma_wait3A_1202, %dma_wait3A_1203] : memref<8194x1024xf32, #tpu.memory_space<hbm>> -> memref<8194x1024xf32, #tpu.memory_space<hbm>>
      tpu.wait_indirect_dma semaphore(%arg15 : memref<!tpu.dma_semaphore, #tpu.memory_space<semaphore_mem>>) src(%dma_wait3A_1204 : memref<8194x1024xf32, #tpu.memory_space<hbm>>) dst(%arg10 : memref<32x1024xf32, #tpu.memory_space<vmem>>)
      "tpu.region"() ({
        %run_scoped3A = tpu.sem_alloc : memref<!tpu.dma_semaphore, #tpu.memory_space<semaphore_mem>>
        %dma_start3A_1205 = arith.constant 0 : i32
        %dma_start3A_1206 = tpu.memref_slice %arg4[%add3A_614, %dma_start3A_1205] : memref<32768x1024xf32, #tpu.memory_space<hbm>> -> memref<32x1024xf32, #tpu.memory_space<hbm>>
        %dma_start3A_1207 = arith.constant 0 : i32
        %dma_start3A_1208 = tpu.memref_slice %arg4[%add3A_614, %dma_start3A_1207] : memref<32768x1024xf32, #tpu.memory_space<hbm>> -> memref<32x1024xf32, #tpu.memory_space<hbm>>
        tpu.enqueue_dma source(%arg10 : memref<32x1024xf32, #tpu.memory_space<vmem>>) target(%dma_start3A_1208 : memref<32x1024xf32, #tpu.memory_space<hbm>>) target_semaphore(%run_scoped3A : memref<!tpu.dma_semaphore, #tpu.memory_space<semaphore_mem>>)
        %dma_wait3A_1209 = arith.constant 0 : i32
        %dma_wait3A_1210 = tpu.memref_slice %arg4[%add3A_614, %dma_wait3A_1209] : memref<32768x1024xf32, #tpu.memory_space<hbm>> -> memref<32x1024xf32, #tpu.memory_space<hbm>>
        %dma_wait3A_1211 = arith.constant 0 : i32
        %dma_wait3A_1212 = tpu.memref_slice %arg4[%add3A_614, %dma_wait3A_1211] : memref<32768x1024xf32, #tpu.memory_space<hbm>> -> memref<32x1024xf32, #tpu.memory_space<hbm>>
        tpu.wait_dma2 semaphore(%run_scoped3A : memref<!tpu.dma_semaphore, #tpu.memory_space<semaphore_mem>>) src(%arg10 : memref<32x1024xf32, #tpu.memory_space<vmem>>) dst(%dma_wait3A_1212 : memref<32x1024xf32, #tpu.memory_space<hbm>>)
        tpu.yield
      }) : () -> ()
    } else {
    }
    %jit3A_623 = arith.constant 1 : i32
    %jit3A_624 = arith.constant 0 : i32
    %select_n3A_625 = arith.select %eq3A_610, %jit3A_623, %jit3A_624 : i32
    %add3A_626 = arith.addi %add3A_591, %select_n3A_625 : i32
    %get3A_627 = arith.constant 864 : index
    %get3A_628 = tpu.vector_load %arg7[%get3A_627] {strides = array<i32>} : memref<1024xi32, #tpu.memory_space<vmem>>, vector<16xi32>,
    %get3A_629 = arith.constant 96 : index
    %get3A_630 = tpu.vector_load %arg7[%get3A_629] {strides = array<i32>} : memref<1024xi32, #tpu.memory_space<vmem>>, vector<16xi32>,
    %eq3A_631 = arith.cmpi eq, %get3A_628, %get3A_630 : vector<16xi32>
    %select_n3A_632 = arith.select %eq3A_631, %broadcast_in_dim3A_5, %broadcast_in_dim3A_3 : vector<16xi1>, vector<16xi32>
    %get3A_633 = arith.constant 880 : index
    %get3A_634 = tpu.vector_load %arg7[%get3A_633] {strides = array<i32>} : memref<1024xi32, #tpu.memory_space<vmem>>, vector<16xi32>,
    %get3A_635 = arith.constant 112 : index
    %get3A_636 = tpu.vector_load %arg7[%get3A_635] {strides = array<i32>} : memref<1024xi32, #tpu.memory_space<vmem>>, vector<16xi32>,
    %eq3A_637 = arith.cmpi eq, %get3A_634, %get3A_636 : vector<16xi32>
    %select_n3A_638 = arith.select %eq3A_637, %broadcast_in_dim3A_5, %broadcast_in_dim3A_3 : vector<16xi1>, vector<16xi32>
    %add3A_639 = arith.addi %select_n3A_632, %select_n3A_638 : vector<16xi32>
    %reduce_sum3A_640 = arith.constant true
    %reduce_sum3A_641 = vector.broadcast %reduce_sum3A_640 : i1 to vector<16xi1>
    %reduce_sum3A_642 = tpu.scan <sum>, %add3A_639 masked %reduce_sum3A_641 : vector<16xi32>, vector<16xi1> -> vector<16xi32>
    %reduce_sum3A_643 = vector.extract %reduce_sum3A_642[15] : i32 from vector<16xi32>
    %eq3A_644 = arith.constant 0 : i32
    %eq3A_645 = arith.cmpi eq, %reduce_sum3A_643, %eq3A_644 : i32
    %add3A_646 = arith.constant 24576 : i32
    %add3A_647 = arith.addi %add3A_646, %mul3A_2 : i32
    %add3A_648 = arith.constant 96 : i32
    %add3A_649 = arith.addi %add3A_647, %add3A_648 : i32
    %convert_element_type3A_650 = arith.extui %eq3A_645 : i1 to i32
    %cond3A_651 = arith.constant 0 : i32
    %cond3A_652 = arith.cmpi ne, %convert_element_type3A_650, %cond3A_651 : i32
    scf.if %cond3A_652 {
      %dma_start3A_1195 = arith.constant 0 : i32
      %dma_start3A_1196 = tpu.memref_slice %arg4[%add3A_649, %dma_start3A_1195] : memref<32768x1024xf32, #tpu.memory_space<hbm>> -> memref<32x1024xf32, #tpu.memory_space<hbm>>
      %dma_start3A_1197 = arith.constant 0 : i32
      %dma_start3A_1198 = tpu.memref_slice %arg4[%add3A_649, %dma_start3A_1197] : memref<32768x1024xf32, #tpu.memory_space<hbm>> -> memref<32x1024xf32, #tpu.memory_space<hbm>>
      tpu.enqueue_dma source(%arg9 : memref<32x1024xf32, #tpu.memory_space<vmem>>) target(%dma_start3A_1198 : memref<32x1024xf32, #tpu.memory_space<hbm>>) target_semaphore(%arg14 : memref<!tpu.dma_semaphore, #tpu.memory_space<semaphore_mem>>)
    } else {
    }
    %not3A_653 = arith.constant true
    %not3A_654 = arith.xori %eq3A_645, %not3A_653 : i1
    %convert_element_type3A_655 = arith.extui %not3A_654 : i1 to i32
    %cond3A_656 = arith.constant 0 : i32
    %cond3A_657 = arith.cmpi ne, %convert_element_type3A_655, %cond3A_656 : i32
    scf.if %cond3A_657 {
      %dma_start3A_1195 = arith.constant 864 : i32
      %dma_start3A_1196 = tpu.memref_slice %arg7[%dma_start3A_1195] : memref<1024xi32, #tpu.memory_space<vmem>> -> memref<32xi32, #tpu.memory_space<vmem>>
      %dma_start3A_1197 = arith.constant 0 : i32
      %dma_start3A_1198 = arith.constant 0 : i32
      %dma_start3A_1199 = tpu.memref_slice %arg3[%dma_start3A_1197, %dma_start3A_1198] : memref<8194x1024xf32, #tpu.memory_space<hbm>> -> memref<8194x1024xf32, #tpu.memory_space<hbm>>
      tpu.enqueue_indirect_dma source(%dma_start3A_1199 : memref<8194x1024xf32, #tpu.memory_space<hbm>>) target(%arg10 : memref<32x1024xf32, #tpu.memory_space<vmem>>) offsets(%dma_start3A_1196 : memref<32xi32, #tpu.memory_space<vmem>>) semaphore(%arg15 : memref<!tpu.dma_semaphore, #tpu.memory_space<semaphore_mem>>)
      %dma_wait3A_1200 = arith.constant 864 : i32
      %dma_wait3A_1201 = tpu.memref_slice %arg7[%dma_wait3A_1200] : memref<1024xi32, #tpu.memory_space<vmem>> -> memref<32xi32, #tpu.memory_space<vmem>>
      %dma_wait3A_1202 = arith.constant 0 : i32
      %dma_wait3A_1203 = arith.constant 0 : i32
      %dma_wait3A_1204 = tpu.memref_slice %arg3[%dma_wait3A_1202, %dma_wait3A_1203] : memref<8194x1024xf32, #tpu.memory_space<hbm>> -> memref<8194x1024xf32, #tpu.memory_space<hbm>>
      tpu.wait_indirect_dma semaphore(%arg15 : memref<!tpu.dma_semaphore, #tpu.memory_space<semaphore_mem>>) src(%dma_wait3A_1204 : memref<8194x1024xf32, #tpu.memory_space<hbm>>) dst(%arg10 : memref<32x1024xf32, #tpu.memory_space<vmem>>)
      "tpu.region"() ({
        %run_scoped3A = tpu.sem_alloc : memref<!tpu.dma_semaphore, #tpu.memory_space<semaphore_mem>>
        %dma_start3A_1205 = arith.constant 0 : i32
        %dma_start3A_1206 = tpu.memref_slice %arg4[%add3A_649, %dma_start3A_1205] : memref<32768x1024xf32, #tpu.memory_space<hbm>> -> memref<32x1024xf32, #tpu.memory_space<hbm>>
        %dma_start3A_1207 = arith.constant 0 : i32
        %dma_start3A_1208 = tpu.memref_slice %arg4[%add3A_649, %dma_start3A_1207] : memref<32768x1024xf32, #tpu.memory_space<hbm>> -> memref<32x1024xf32, #tpu.memory_space<hbm>>
        tpu.enqueue_dma source(%arg10 : memref<32x1024xf32, #tpu.memory_space<vmem>>) target(%dma_start3A_1208 : memref<32x1024xf32, #tpu.memory_space<hbm>>) target_semaphore(%run_scoped3A : memref<!tpu.dma_semaphore, #tpu.memory_space<semaphore_mem>>)
        %dma_wait3A_1209 = arith.constant 0 : i32
        %dma_wait3A_1210 = tpu.memref_slice %arg4[%add3A_649, %dma_wait3A_1209] : memref<32768x1024xf32, #tpu.memory_space<hbm>> -> memref<32x1024xf32, #tpu.memory_space<hbm>>
        %dma_wait3A_1211 = arith.constant 0 : i32
        %dma_wait3A_1212 = tpu.memref_slice %arg4[%add3A_649, %dma_wait3A_1211] : memref<32768x1024xf32, #tpu.memory_space<hbm>> -> memref<32x1024xf32, #tpu.memory_space<hbm>>
        tpu.wait_dma2 semaphore(%run_scoped3A : memref<!tpu.dma_semaphore, #tpu.memory_space<semaphore_mem>>) src(%arg10 : memref<32x1024xf32, #tpu.memory_space<vmem>>) dst(%dma_wait3A_1212 : memref<32x1024xf32, #tpu.memory_space<hbm>>)
        tpu.yield
      }) : () -> ()
    } else {
    }
    %jit3A_658 = arith.constant 1 : i32
    %jit3A_659 = arith.constant 0 : i32
    %select_n3A_660 = arith.select %eq3A_645, %jit3A_658, %jit3A_659 : i32
    %add3A_661 = arith.addi %add3A_626, %select_n3A_660 : i32
    %dma_wait3A_662 = arith.constant 0 : i32
    %dma_wait3A_663 = tpu.memref_slice %arg7[%dma_wait3A_662] : memref<1024xi32, #tpu.memory_space<vmem>> -> memref<32xi32, #tpu.memory_space<vmem>>
    %dma_wait3A_664 = arith.constant 0 : i32
    %dma_wait3A_665 = arith.constant 0 : i32
    %dma_wait3A_666 = tpu.memref_slice %arg3[%dma_wait3A_664, %dma_wait3A_665] : memref<8194x1024xf32, #tpu.memory_space<hbm>> -> memref<8194x1024xf32, #tpu.memory_space<hbm>>
    tpu.wait_indirect_dma semaphore(%arg11 : memref<!tpu.dma_semaphore, #tpu.memory_space<semaphore_mem>>) src(%dma_wait3A_666 : memref<8194x1024xf32, #tpu.memory_space<hbm>>) dst(%arg8 : memref<32x1024xf32, #tpu.memory_space<vmem>>)
    %while3A_667 = arith.constant 0 : i32
    %while3A_668 = arith.constant 0 : i32
    %while3A_669 = arith.subi %add3A_661, %while3A_668 : i32
    %while3A_670 = arith.addi %while3A_668, %while3A_669 : i32
    %while3A_671 = arith.constant 1 : i32
    %while3A_672 = arith.divsi %while3A_669, %while3A_671 : i32
    %while3A_673 = arith.muli %while3A_672, %while3A_671 : i32
    %while3A_674 = arith.addi %while3A_668, %while3A_673 : i32
    %while3A_675 = arith.constant 1 : i32
    scf.for %while3A_1195 = %while3A_668 to %while3A_674 step %while3A_675  : i32 {
      %dma_wait3A_1196 = arith.constant 0 : i32
      %dma_wait3A_1197 = tpu.memref_slice %arg4[%mul3A_2, %dma_wait3A_1196] : memref<32768x1024xf32, #tpu.memory_space<hbm>> -> memref<32x1024xf32, #tpu.memory_space<hbm>>
      %dma_wait3A_1198 = arith.constant 0 : i32
      %dma_wait3A_1199 = tpu.memref_slice %arg4[%mul3A_2, %dma_wait3A_1198] : memref<32768x1024xf32, #tpu.memory_space<hbm>> -> memref<32x1024xf32, #tpu.memory_space<hbm>>
      tpu.wait_dma2 semaphore(%arg14 : memref<!tpu.dma_semaphore, #tpu.memory_space<semaphore_mem>>) src(%arg9 : memref<32x1024xf32, #tpu.memory_space<vmem>>) dst(%dma_wait3A_1199 : memref<32x1024xf32, #tpu.memory_space<hbm>>)
    }
    %while3A_676 = arith.constant 1 : i32
    scf.for %while3A_1195 = %while3A_674 to %while3A_670 step %while3A_676  : i32 {
      %dma_wait3A_1196 = arith.constant 0 : i32
      %dma_wait3A_1197 = tpu.memref_slice %arg4[%mul3A_2, %dma_wait3A_1196] : memref<32768x1024xf32, #tpu.memory_space<hbm>> -> memref<32x1024xf32, #tpu.memory_space<hbm>>
      %dma_wait3A_1198 = arith.constant 0 : i32
      %dma_wait3A_1199 = tpu.memref_slice %arg4[%mul3A_2, %dma_wait3A_1198] : memref<32768x1024xf32, #tpu.memory_space<hbm>> -> memref<32x1024xf32, #tpu.memory_space<hbm>>
      tpu.wait_dma2 semaphore(%arg14 : memref<!tpu.dma_semaphore, #tpu.memory_space<semaphore_mem>>) src(%arg9 : memref<32x1024xf32, #tpu.memory_space<vmem>>) dst(%dma_wait3A_1199 : memref<32x1024xf32, #tpu.memory_space<hbm>>)
    }
    %dma_start3A_677 = arith.constant 160 : i32
    %dma_start3A_678 = tpu.memref_slice %arg7[%dma_start3A_677] : memref<1024xi32, #tpu.memory_space<vmem>> -> memref<32xi32, #tpu.memory_space<vmem>>
    %dma_start3A_679 = arith.constant 0 : i32
    %dma_start3A_680 = arith.constant 0 : i32
    %dma_start3A_681 = tpu.memref_slice %arg3[%dma_start3A_679, %dma_start3A_680] : memref<8194x1024xf32, #tpu.memory_space<hbm>> -> memref<8194x1024xf32, #tpu.memory_space<hbm>>
    tpu.enqueue_indirect_dma source(%dma_start3A_681 : memref<8194x1024xf32, #tpu.memory_space<hbm>>) target(%arg9 : memref<32x1024xf32, #tpu.memory_space<vmem>>) offsets(%dma_start3A_678 : memref<32xi32, #tpu.memory_space<vmem>>) semaphore(%arg12 : memref<!tpu.dma_semaphore, #tpu.memory_space<semaphore_mem>>)
    %add3A_682 = arith.constant 128 : i32
    %add3A_683 = arith.addi %mul3A_2, %add3A_682 : i32
    %dma_start3A_684 = arith.constant 0 : i32
    %dma_start3A_685 = tpu.memref_slice %arg4[%add3A_683, %dma_start3A_684] : memref<32768x1024xf32, #tpu.memory_space<hbm>> -> memref<32x1024xf32, #tpu.memory_space<hbm>>
    %dma_start3A_686 = arith.constant 0 : i32
    %dma_start3A_687 = tpu.memref_slice %arg4[%add3A_683, %dma_start3A_686] : memref<32768x1024xf32, #tpu.memory_space<hbm>> -> memref<32x1024xf32, #tpu.memory_space<hbm>>
    tpu.enqueue_dma source(%arg8 : memref<32x1024xf32, #tpu.memory_space<vmem>>) target(%dma_start3A_687 : memref<32x1024xf32, #tpu.memory_space<hbm>>) target_semaphore(%arg13 : memref<!tpu.dma_semaphore, #tpu.memory_space<semaphore_mem>>)
    %get3A_688 = arith.constant 384 : index
    %get3A_689 = tpu.vector_load %arg7[%get3A_688] {strides = array<i32>} : memref<1024xi32, #tpu.memory_space<vmem>>, vector<16xi32>,
    %get3A_690 = arith.constant 128 : index
    %get3A_691 = tpu.vector_load %arg7[%get3A_690] {strides = array<i32>} : memref<1024xi32, #tpu.memory_space<vmem>>, vector<16xi32>,
    %eq3A_692 = arith.cmpi eq, %get3A_689, %get3A_691 : vector<16xi32>
    %select_n3A_693 = arith.select %eq3A_692, %broadcast_in_dim3A_5, %broadcast_in_dim3A_3 : vector<16xi1>, vector<16xi32>
    %get3A_694 = arith.constant 400 : index
    %get3A_695 = tpu.vector_load %arg7[%get3A_694] {strides = array<i32>} : memref<1024xi32, #tpu.memory_space<vmem>>, vector<16xi32>,
    %get3A_696 = arith.constant 144 : index
    %get3A_697 = tpu.vector_load %arg7[%get3A_696] {strides = array<i32>} : memref<1024xi32, #tpu.memory_space<vmem>>, vector<16xi32>,
    %eq3A_698 = arith.cmpi eq, %get3A_695, %get3A_697 : vector<16xi32>
    %select_n3A_699 = arith.select %eq3A_698, %broadcast_in_dim3A_5, %broadcast_in_dim3A_3 : vector<16xi1>, vector<16xi32>
    %add3A_700 = arith.addi %select_n3A_693, %select_n3A_699 : vector<16xi32>
    %reduce_sum3A_701 = arith.constant true
    %reduce_sum3A_702 = vector.broadcast %reduce_sum3A_701 : i1 to vector<16xi1>
    %reduce_sum3A_703 = tpu.scan <sum>, %add3A_700 masked %reduce_sum3A_702 : vector<16xi32>, vector<16xi1> -> vector<16xi32>
    %reduce_sum3A_704 = vector.extract %reduce_sum3A_703[15] : i32 from vector<16xi32>
    %eq3A_705 = arith.constant 0 : i32
    %eq3A_706 = arith.cmpi eq, %reduce_sum3A_704, %eq3A_705 : i32
    %add3A_707 = arith.constant 8192 : i32
    %add3A_708 = arith.addi %add3A_707, %mul3A_2 : i32
    %add3A_709 = arith.constant 128 : i32
    %add3A_710 = arith.addi %add3A_708, %add3A_709 : i32
    %convert_element_type3A_711 = arith.extui %eq3A_706 : i1 to i32
    %cond3A_712 = arith.constant 0 : i32
    %cond3A_713 = arith.cmpi ne, %convert_element_type3A_711, %cond3A_712 : i32
    scf.if %cond3A_713 {
      %dma_start3A_1195 = arith.constant 0 : i32
      %dma_start3A_1196 = tpu.memref_slice %arg4[%add3A_710, %dma_start3A_1195] : memref<32768x1024xf32, #tpu.memory_space<hbm>> -> memref<32x1024xf32, #tpu.memory_space<hbm>>
      %dma_start3A_1197 = arith.constant 0 : i32
      %dma_start3A_1198 = tpu.memref_slice %arg4[%add3A_710, %dma_start3A_1197] : memref<32768x1024xf32, #tpu.memory_space<hbm>> -> memref<32x1024xf32, #tpu.memory_space<hbm>>
      tpu.enqueue_dma source(%arg8 : memref<32x1024xf32, #tpu.memory_space<vmem>>) target(%dma_start3A_1198 : memref<32x1024xf32, #tpu.memory_space<hbm>>) target_semaphore(%arg13 : memref<!tpu.dma_semaphore, #tpu.memory_space<semaphore_mem>>)
    } else {
    }
    %not3A_714 = arith.constant true
    %not3A_715 = arith.xori %eq3A_706, %not3A_714 : i1
    %convert_element_type3A_716 = arith.extui %not3A_715 : i1 to i32
    %cond3A_717 = arith.constant 0 : i32
    %cond3A_718 = arith.cmpi ne, %convert_element_type3A_716, %cond3A_717 : i32
    scf.if %cond3A_718 {
      %dma_start3A_1195 = arith.constant 384 : i32
      %dma_start3A_1196 = tpu.memref_slice %arg7[%dma_start3A_1195] : memref<1024xi32, #tpu.memory_space<vmem>> -> memref<32xi32, #tpu.memory_space<vmem>>
      %dma_start3A_1197 = arith.constant 0 : i32
      %dma_start3A_1198 = arith.constant 0 : i32
      %dma_start3A_1199 = tpu.memref_slice %arg3[%dma_start3A_1197, %dma_start3A_1198] : memref<8194x1024xf32, #tpu.memory_space<hbm>> -> memref<8194x1024xf32, #tpu.memory_space<hbm>>
      tpu.enqueue_indirect_dma source(%dma_start3A_1199 : memref<8194x1024xf32, #tpu.memory_space<hbm>>) target(%arg10 : memref<32x1024xf32, #tpu.memory_space<vmem>>) offsets(%dma_start3A_1196 : memref<32xi32, #tpu.memory_space<vmem>>) semaphore(%arg15 : memref<!tpu.dma_semaphore, #tpu.memory_space<semaphore_mem>>)
      %dma_wait3A_1200 = arith.constant 384 : i32
      %dma_wait3A_1201 = tpu.memref_slice %arg7[%dma_wait3A_1200] : memref<1024xi32, #tpu.memory_space<vmem>> -> memref<32xi32, #tpu.memory_space<vmem>>
      %dma_wait3A_1202 = arith.constant 0 : i32
      %dma_wait3A_1203 = arith.constant 0 : i32
      %dma_wait3A_1204 = tpu.memref_slice %arg3[%dma_wait3A_1202, %dma_wait3A_1203] : memref<8194x1024xf32, #tpu.memory_space<hbm>> -> memref<8194x1024xf32, #tpu.memory_space<hbm>>
      tpu.wait_indirect_dma semaphore(%arg15 : memref<!tpu.dma_semaphore, #tpu.memory_space<semaphore_mem>>) src(%dma_wait3A_1204 : memref<8194x1024xf32, #tpu.memory_space<hbm>>) dst(%arg10 : memref<32x1024xf32, #tpu.memory_space<vmem>>)
      "tpu.region"() ({
        %run_scoped3A = tpu.sem_alloc : memref<!tpu.dma_semaphore, #tpu.memory_space<semaphore_mem>>
        %dma_start3A_1205 = arith.constant 0 : i32
        %dma_start3A_1206 = tpu.memref_slice %arg4[%add3A_710, %dma_start3A_1205] : memref<32768x1024xf32, #tpu.memory_space<hbm>> -> memref<32x1024xf32, #tpu.memory_space<hbm>>
        %dma_start3A_1207 = arith.constant 0 : i32
        %dma_start3A_1208 = tpu.memref_slice %arg4[%add3A_710, %dma_start3A_1207] : memref<32768x1024xf32, #tpu.memory_space<hbm>> -> memref<32x1024xf32, #tpu.memory_space<hbm>>
        tpu.enqueue_dma source(%arg10 : memref<32x1024xf32, #tpu.memory_space<vmem>>) target(%dma_start3A_1208 : memref<32x1024xf32, #tpu.memory_space<hbm>>) target_semaphore(%run_scoped3A : memref<!tpu.dma_semaphore, #tpu.memory_space<semaphore_mem>>)
        %dma_wait3A_1209 = arith.constant 0 : i32
        %dma_wait3A_1210 = tpu.memref_slice %arg4[%add3A_710, %dma_wait3A_1209] : memref<32768x1024xf32, #tpu.memory_space<hbm>> -> memref<32x1024xf32, #tpu.memory_space<hbm>>
        %dma_wait3A_1211 = arith.constant 0 : i32
        %dma_wait3A_1212 = tpu.memref_slice %arg4[%add3A_710, %dma_wait3A_1211] : memref<32768x1024xf32, #tpu.memory_space<hbm>> -> memref<32x1024xf32, #tpu.memory_space<hbm>>
        tpu.wait_dma2 semaphore(%run_scoped3A : memref<!tpu.dma_semaphore, #tpu.memory_space<semaphore_mem>>) src(%arg10 : memref<32x1024xf32, #tpu.memory_space<vmem>>) dst(%dma_wait3A_1212 : memref<32x1024xf32, #tpu.memory_space<hbm>>)
        tpu.yield
      }) : () -> ()
    } else {
    }
    %jit3A_719 = arith.constant 1 : i32
    %jit3A_720 = arith.constant 0 : i32
    %select_n3A_721 = arith.select %eq3A_706, %jit3A_719, %jit3A_720 : i32
    %add3A_722 = arith.constant 1 : i32
    %add3A_723 = arith.addi %add3A_722, %select_n3A_721 : i32
    %get3A_724 = arith.constant 640 : index
    %get3A_725 = tpu.vector_load %arg7[%get3A_724] {strides = array<i32>} : memref<1024xi32, #tpu.memory_space<vmem>>, vector<16xi32>,
    %get3A_726 = arith.constant 128 : index
    %get3A_727 = tpu.vector_load %arg7[%get3A_726] {strides = array<i32>} : memref<1024xi32, #tpu.memory_space<vmem>>, vector<16xi32>,
    %eq3A_728 = arith.cmpi eq, %get3A_725, %get3A_727 : vector<16xi32>
    %select_n3A_729 = arith.select %eq3A_728, %broadcast_in_dim3A_5, %broadcast_in_dim3A_3 : vector<16xi1>, vector<16xi32>
    %get3A_730 = arith.constant 656 : index
    %get3A_731 = tpu.vector_load %arg7[%get3A_730] {strides = array<i32>} : memref<1024xi32, #tpu.memory_space<vmem>>, vector<16xi32>,
    %get3A_732 = arith.constant 144 : index
    %get3A_733 = tpu.vector_load %arg7[%get3A_732] {strides = array<i32>} : memref<1024xi32, #tpu.memory_space<vmem>>, vector<16xi32>,
    %eq3A_734 = arith.cmpi eq, %get3A_731, %get3A_733 : vector<16xi32>
    %select_n3A_735 = arith.select %eq3A_734, %broadcast_in_dim3A_5, %broadcast_in_dim3A_3 : vector<16xi1>, vector<16xi32>
    %add3A_736 = arith.addi %select_n3A_729, %select_n3A_735 : vector<16xi32>
    %reduce_sum3A_737 = arith.constant true
    %reduce_sum3A_738 = vector.broadcast %reduce_sum3A_737 : i1 to vector<16xi1>
    %reduce_sum3A_739 = tpu.scan <sum>, %add3A_736 masked %reduce_sum3A_738 : vector<16xi32>, vector<16xi1> -> vector<16xi32>
    %reduce_sum3A_740 = vector.extract %reduce_sum3A_739[15] : i32 from vector<16xi32>
    %eq3A_741 = arith.constant 0 : i32
    %eq3A_742 = arith.cmpi eq, %reduce_sum3A_740, %eq3A_741 : i32
    %add3A_743 = arith.constant 16384 : i32
    %add3A_744 = arith.addi %add3A_743, %mul3A_2 : i32
    %add3A_745 = arith.constant 128 : i32
    %add3A_746 = arith.addi %add3A_744, %add3A_745 : i32
    %convert_element_type3A_747 = arith.extui %eq3A_742 : i1 to i32
    %cond3A_748 = arith.constant 0 : i32
    %cond3A_749 = arith.cmpi ne, %convert_element_type3A_747, %cond3A_748 : i32
    scf.if %cond3A_749 {
      %dma_start3A_1195 = arith.constant 0 : i32
      %dma_start3A_1196 = tpu.memref_slice %arg4[%add3A_746, %dma_start3A_1195] : memref<32768x1024xf32, #tpu.memory_space<hbm>> -> memref<32x1024xf32, #tpu.memory_space<hbm>>
      %dma_start3A_1197 = arith.constant 0 : i32
      %dma_start3A_1198 = tpu.memref_slice %arg4[%add3A_746, %dma_start3A_1197] : memref<32768x1024xf32, #tpu.memory_space<hbm>> -> memref<32x1024xf32, #tpu.memory_space<hbm>>
      tpu.enqueue_dma source(%arg8 : memref<32x1024xf32, #tpu.memory_space<vmem>>) target(%dma_start3A_1198 : memref<32x1024xf32, #tpu.memory_space<hbm>>) target_semaphore(%arg13 : memref<!tpu.dma_semaphore, #tpu.memory_space<semaphore_mem>>)
    } else {
    }
    %not3A_750 = arith.constant true
    %not3A_751 = arith.xori %eq3A_742, %not3A_750 : i1
    %convert_element_type3A_752 = arith.extui %not3A_751 : i1 to i32
    %cond3A_753 = arith.constant 0 : i32
    %cond3A_754 = arith.cmpi ne, %convert_element_type3A_752, %cond3A_753 : i32
    scf.if %cond3A_754 {
      %dma_start3A_1195 = arith.constant 640 : i32
      %dma_start3A_1196 = tpu.memref_slice %arg7[%dma_start3A_1195] : memref<1024xi32, #tpu.memory_space<vmem>> -> memref<32xi32, #tpu.memory_space<vmem>>
      %dma_start3A_1197 = arith.constant 0 : i32
      %dma_start3A_1198 = arith.constant 0 : i32
      %dma_start3A_1199 = tpu.memref_slice %arg3[%dma_start3A_1197, %dma_start3A_1198] : memref<8194x1024xf32, #tpu.memory_space<hbm>> -> memref<8194x1024xf32, #tpu.memory_space<hbm>>
      tpu.enqueue_indirect_dma source(%dma_start3A_1199 : memref<8194x1024xf32, #tpu.memory_space<hbm>>) target(%arg10 : memref<32x1024xf32, #tpu.memory_space<vmem>>) offsets(%dma_start3A_1196 : memref<32xi32, #tpu.memory_space<vmem>>) semaphore(%arg15 : memref<!tpu.dma_semaphore, #tpu.memory_space<semaphore_mem>>)
      %dma_wait3A_1200 = arith.constant 640 : i32
      %dma_wait3A_1201 = tpu.memref_slice %arg7[%dma_wait3A_1200] : memref<1024xi32, #tpu.memory_space<vmem>> -> memref<32xi32, #tpu.memory_space<vmem>>
      %dma_wait3A_1202 = arith.constant 0 : i32
      %dma_wait3A_1203 = arith.constant 0 : i32
      %dma_wait3A_1204 = tpu.memref_slice %arg3[%dma_wait3A_1202, %dma_wait3A_1203] : memref<8194x1024xf32, #tpu.memory_space<hbm>> -> memref<8194x1024xf32, #tpu.memory_space<hbm>>
      tpu.wait_indirect_dma semaphore(%arg15 : memref<!tpu.dma_semaphore, #tpu.memory_space<semaphore_mem>>) src(%dma_wait3A_1204 : memref<8194x1024xf32, #tpu.memory_space<hbm>>) dst(%arg10 : memref<32x1024xf32, #tpu.memory_space<vmem>>)
      "tpu.region"() ({
        %run_scoped3A = tpu.sem_alloc : memref<!tpu.dma_semaphore, #tpu.memory_space<semaphore_mem>>
        %dma_start3A_1205 = arith.constant 0 : i32
        %dma_start3A_1206 = tpu.memref_slice %arg4[%add3A_746, %dma_start3A_1205] : memref<32768x1024xf32, #tpu.memory_space<hbm>> -> memref<32x1024xf32, #tpu.memory_space<hbm>>
        %dma_start3A_1207 = arith.constant 0 : i32
        %dma_start3A_1208 = tpu.memref_slice %arg4[%add3A_746, %dma_start3A_1207] : memref<32768x1024xf32, #tpu.memory_space<hbm>> -> memref<32x1024xf32, #tpu.memory_space<hbm>>
        tpu.enqueue_dma source(%arg10 : memref<32x1024xf32, #tpu.memory_space<vmem>>) target(%dma_start3A_1208 : memref<32x1024xf32, #tpu.memory_space<hbm>>) target_semaphore(%run_scoped3A : memref<!tpu.dma_semaphore, #tpu.memory_space<semaphore_mem>>)
        %dma_wait3A_1209 = arith.constant 0 : i32
        %dma_wait3A_1210 = tpu.memref_slice %arg4[%add3A_746, %dma_wait3A_1209] : memref<32768x1024xf32, #tpu.memory_space<hbm>> -> memref<32x1024xf32, #tpu.memory_space<hbm>>
        %dma_wait3A_1211 = arith.constant 0 : i32
        %dma_wait3A_1212 = tpu.memref_slice %arg4[%add3A_746, %dma_wait3A_1211] : memref<32768x1024xf32, #tpu.memory_space<hbm>> -> memref<32x1024xf32, #tpu.memory_space<hbm>>
        tpu.wait_dma2 semaphore(%run_scoped3A : memref<!tpu.dma_semaphore, #tpu.memory_space<semaphore_mem>>) src(%arg10 : memref<32x1024xf32, #tpu.memory_space<vmem>>) dst(%dma_wait3A_1212 : memref<32x1024xf32, #tpu.memory_space<hbm>>)
        tpu.yield
      }) : () -> ()
    } else {
    }
    %jit3A_755 = arith.constant 1 : i32
    %jit3A_756 = arith.constant 0 : i32
    %select_n3A_757 = arith.select %eq3A_742, %jit3A_755, %jit3A_756 : i32
    %add3A_758 = arith.addi %add3A_723, %select_n3A_757 : i32
    %get3A_759 = arith.constant 896 : index
    %get3A_760 = tpu.vector_load %arg7[%get3A_759] {strides = array<i32>} : memref<1024xi32, #tpu.memory_space<vmem>>, vector<16xi32>,
    %get3A_761 = arith.constant 128 : index
    %get3A_762 = tpu.vector_load %arg7[%get3A_761] {strides = array<i32>} : memref<1024xi32, #tpu.memory_space<vmem>>, vector<16xi32>,
    %eq3A_763 = arith.cmpi eq, %get3A_760, %get3A_762 : vector<16xi32>
    %select_n3A_764 = arith.select %eq3A_763, %broadcast_in_dim3A_5, %broadcast_in_dim3A_3 : vector<16xi1>, vector<16xi32>
    %get3A_765 = arith.constant 912 : index
    %get3A_766 = tpu.vector_load %arg7[%get3A_765] {strides = array<i32>} : memref<1024xi32, #tpu.memory_space<vmem>>, vector<16xi32>,
    %get3A_767 = arith.constant 144 : index
    %get3A_768 = tpu.vector_load %arg7[%get3A_767] {strides = array<i32>} : memref<1024xi32, #tpu.memory_space<vmem>>, vector<16xi32>,
    %eq3A_769 = arith.cmpi eq, %get3A_766, %get3A_768 : vector<16xi32>
    %select_n3A_770 = arith.select %eq3A_769, %broadcast_in_dim3A_5, %broadcast_in_dim3A_3 : vector<16xi1>, vector<16xi32>
    %add3A_771 = arith.addi %select_n3A_764, %select_n3A_770 : vector<16xi32>
    %reduce_sum3A_772 = arith.constant true
    %reduce_sum3A_773 = vector.broadcast %reduce_sum3A_772 : i1 to vector<16xi1>
    %reduce_sum3A_774 = tpu.scan <sum>, %add3A_771 masked %reduce_sum3A_773 : vector<16xi32>, vector<16xi1> -> vector<16xi32>
    %reduce_sum3A_775 = vector.extract %reduce_sum3A_774[15] : i32 from vector<16xi32>
    %eq3A_776 = arith.constant 0 : i32
    %eq3A_777 = arith.cmpi eq, %reduce_sum3A_775, %eq3A_776 : i32
    %add3A_778 = arith.constant 24576 : i32
    %add3A_779 = arith.addi %add3A_778, %mul3A_2 : i32
    %add3A_780 = arith.constant 128 : i32
    %add3A_781 = arith.addi %add3A_779, %add3A_780 : i32
    %convert_element_type3A_782 = arith.extui %eq3A_777 : i1 to i32
    %cond3A_783 = arith.constant 0 : i32
    %cond3A_784 = arith.cmpi ne, %convert_element_type3A_782, %cond3A_783 : i32
    scf.if %cond3A_784 {
      %dma_start3A_1195 = arith.constant 0 : i32
      %dma_start3A_1196 = tpu.memref_slice %arg4[%add3A_781, %dma_start3A_1195] : memref<32768x1024xf32, #tpu.memory_space<hbm>> -> memref<32x1024xf32, #tpu.memory_space<hbm>>
      %dma_start3A_1197 = arith.constant 0 : i32
      %dma_start3A_1198 = tpu.memref_slice %arg4[%add3A_781, %dma_start3A_1197] : memref<32768x1024xf32, #tpu.memory_space<hbm>> -> memref<32x1024xf32, #tpu.memory_space<hbm>>
      tpu.enqueue_dma source(%arg8 : memref<32x1024xf32, #tpu.memory_space<vmem>>) target(%dma_start3A_1198 : memref<32x1024xf32, #tpu.memory_space<hbm>>) target_semaphore(%arg13 : memref<!tpu.dma_semaphore, #tpu.memory_space<semaphore_mem>>)
    } else {
    }
    %not3A_785 = arith.constant true
    %not3A_786 = arith.xori %eq3A_777, %not3A_785 : i1
    %convert_element_type3A_787 = arith.extui %not3A_786 : i1 to i32
    %cond3A_788 = arith.constant 0 : i32
    %cond3A_789 = arith.cmpi ne, %convert_element_type3A_787, %cond3A_788 : i32
    scf.if %cond3A_789 {
      %dma_start3A_1195 = arith.constant 896 : i32
      %dma_start3A_1196 = tpu.memref_slice %arg7[%dma_start3A_1195] : memref<1024xi32, #tpu.memory_space<vmem>> -> memref<32xi32, #tpu.memory_space<vmem>>
      %dma_start3A_1197 = arith.constant 0 : i32
      %dma_start3A_1198 = arith.constant 0 : i32
      %dma_start3A_1199 = tpu.memref_slice %arg3[%dma_start3A_1197, %dma_start3A_1198] : memref<8194x1024xf32, #tpu.memory_space<hbm>> -> memref<8194x1024xf32, #tpu.memory_space<hbm>>
      tpu.enqueue_indirect_dma source(%dma_start3A_1199 : memref<8194x1024xf32, #tpu.memory_space<hbm>>) target(%arg10 : memref<32x1024xf32, #tpu.memory_space<vmem>>) offsets(%dma_start3A_1196 : memref<32xi32, #tpu.memory_space<vmem>>) semaphore(%arg15 : memref<!tpu.dma_semaphore, #tpu.memory_space<semaphore_mem>>)
      %dma_wait3A_1200 = arith.constant 896 : i32
      %dma_wait3A_1201 = tpu.memref_slice %arg7[%dma_wait3A_1200] : memref<1024xi32, #tpu.memory_space<vmem>> -> memref<32xi32, #tpu.memory_space<vmem>>
      %dma_wait3A_1202 = arith.constant 0 : i32
      %dma_wait3A_1203 = arith.constant 0 : i32
      %dma_wait3A_1204 = tpu.memref_slice %arg3[%dma_wait3A_1202, %dma_wait3A_1203] : memref<8194x1024xf32, #tpu.memory_space<hbm>> -> memref<8194x1024xf32, #tpu.memory_space<hbm>>
      tpu.wait_indirect_dma semaphore(%arg15 : memref<!tpu.dma_semaphore, #tpu.memory_space<semaphore_mem>>) src(%dma_wait3A_1204 : memref<8194x1024xf32, #tpu.memory_space<hbm>>) dst(%arg10 : memref<32x1024xf32, #tpu.memory_space<vmem>>)
      "tpu.region"() ({
        %run_scoped3A = tpu.sem_alloc : memref<!tpu.dma_semaphore, #tpu.memory_space<semaphore_mem>>
        %dma_start3A_1205 = arith.constant 0 : i32
        %dma_start3A_1206 = tpu.memref_slice %arg4[%add3A_781, %dma_start3A_1205] : memref<32768x1024xf32, #tpu.memory_space<hbm>> -> memref<32x1024xf32, #tpu.memory_space<hbm>>
        %dma_start3A_1207 = arith.constant 0 : i32
        %dma_start3A_1208 = tpu.memref_slice %arg4[%add3A_781, %dma_start3A_1207] : memref<32768x1024xf32, #tpu.memory_space<hbm>> -> memref<32x1024xf32, #tpu.memory_space<hbm>>
        tpu.enqueue_dma source(%arg10 : memref<32x1024xf32, #tpu.memory_space<vmem>>) target(%dma_start3A_1208 : memref<32x1024xf32, #tpu.memory_space<hbm>>) target_semaphore(%run_scoped3A : memref<!tpu.dma_semaphore, #tpu.memory_space<semaphore_mem>>)
        %dma_wait3A_1209 = arith.constant 0 : i32
        %dma_wait3A_1210 = tpu.memref_slice %arg4[%add3A_781, %dma_wait3A_1209] : memref<32768x1024xf32, #tpu.memory_space<hbm>> -> memref<32x1024xf32, #tpu.memory_space<hbm>>
        %dma_wait3A_1211 = arith.constant 0 : i32
        %dma_wait3A_1212 = tpu.memref_slice %arg4[%add3A_781, %dma_wait3A_1211] : memref<32768x1024xf32, #tpu.memory_space<hbm>> -> memref<32x1024xf32, #tpu.memory_space<hbm>>
        tpu.wait_dma2 semaphore(%run_scoped3A : memref<!tpu.dma_semaphore, #tpu.memory_space<semaphore_mem>>) src(%arg10 : memref<32x1024xf32, #tpu.memory_space<vmem>>) dst(%dma_wait3A_1212 : memref<32x1024xf32, #tpu.memory_space<hbm>>)
        tpu.yield
      }) : () -> ()
    } else {
    }
    %jit3A_790 = arith.constant 1 : i32
    %jit3A_791 = arith.constant 0 : i32
    %select_n3A_792 = arith.select %eq3A_777, %jit3A_790, %jit3A_791 : i32
    %add3A_793 = arith.addi %add3A_758, %select_n3A_792 : i32
    %dma_wait3A_794 = arith.constant 0 : i32
    %dma_wait3A_795 = tpu.memref_slice %arg7[%dma_wait3A_794] : memref<1024xi32, #tpu.memory_space<vmem>> -> memref<32xi32, #tpu.memory_space<vmem>>
    %dma_wait3A_796 = arith.constant 0 : i32
    %dma_wait3A_797 = arith.constant 0 : i32
    %dma_wait3A_798 = tpu.memref_slice %arg3[%dma_wait3A_796, %dma_wait3A_797] : memref<8194x1024xf32, #tpu.memory_space<hbm>> -> memref<8194x1024xf32, #tpu.memory_space<hbm>>
    tpu.wait_indirect_dma semaphore(%arg12 : memref<!tpu.dma_semaphore, #tpu.memory_space<semaphore_mem>>) src(%dma_wait3A_798 : memref<8194x1024xf32, #tpu.memory_space<hbm>>) dst(%arg9 : memref<32x1024xf32, #tpu.memory_space<vmem>>)
    %while3A_799 = arith.constant 0 : i32
    %while3A_800 = arith.constant 0 : i32
    %while3A_801 = arith.subi %add3A_793, %while3A_800 : i32
    %while3A_802 = arith.addi %while3A_800, %while3A_801 : i32
    %while3A_803 = arith.constant 1 : i32
    %while3A_804 = arith.divsi %while3A_801, %while3A_803 : i32
    %while3A_805 = arith.muli %while3A_804, %while3A_803 : i32
    %while3A_806 = arith.addi %while3A_800, %while3A_805 : i32
    %while3A_807 = arith.constant 1 : i32
    scf.for %while3A_1195 = %while3A_800 to %while3A_806 step %while3A_807  : i32 {
      %dma_wait3A_1196 = arith.constant 0 : i32
      %dma_wait3A_1197 = tpu.memref_slice %arg4[%mul3A_2, %dma_wait3A_1196] : memref<32768x1024xf32, #tpu.memory_space<hbm>> -> memref<32x1024xf32, #tpu.memory_space<hbm>>
      %dma_wait3A_1198 = arith.constant 0 : i32
      %dma_wait3A_1199 = tpu.memref_slice %arg4[%mul3A_2, %dma_wait3A_1198] : memref<32768x1024xf32, #tpu.memory_space<hbm>> -> memref<32x1024xf32, #tpu.memory_space<hbm>>
      tpu.wait_dma2 semaphore(%arg13 : memref<!tpu.dma_semaphore, #tpu.memory_space<semaphore_mem>>) src(%arg8 : memref<32x1024xf32, #tpu.memory_space<vmem>>) dst(%dma_wait3A_1199 : memref<32x1024xf32, #tpu.memory_space<hbm>>)
    }
    %while3A_808 = arith.constant 1 : i32
    scf.for %while3A_1195 = %while3A_806 to %while3A_802 step %while3A_808  : i32 {
      %dma_wait3A_1196 = arith.constant 0 : i32
      %dma_wait3A_1197 = tpu.memref_slice %arg4[%mul3A_2, %dma_wait3A_1196] : memref<32768x1024xf32, #tpu.memory_space<hbm>> -> memref<32x1024xf32, #tpu.memory_space<hbm>>
      %dma_wait3A_1198 = arith.constant 0 : i32
      %dma_wait3A_1199 = tpu.memref_slice %arg4[%mul3A_2, %dma_wait3A_1198] : memref<32768x1024xf32, #tpu.memory_space<hbm>> -> memref<32x1024xf32, #tpu.memory_space<hbm>>
      tpu.wait_dma2 semaphore(%arg13 : memref<!tpu.dma_semaphore, #tpu.memory_space<semaphore_mem>>) src(%arg8 : memref<32x1024xf32, #tpu.memory_space<vmem>>) dst(%dma_wait3A_1199 : memref<32x1024xf32, #tpu.memory_space<hbm>>)
    }
    %dma_start3A_809 = arith.constant 192 : i32
    %dma_start3A_810 = tpu.memref_slice %arg7[%dma_start3A_809] : memref<1024xi32, #tpu.memory_space<vmem>> -> memref<32xi32, #tpu.memory_space<vmem>>
    %dma_start3A_811 = arith.constant 0 : i32
    %dma_start3A_812 = arith.constant 0 : i32
    %dma_start3A_813 = tpu.memref_slice %arg3[%dma_start3A_811, %dma_start3A_812] : memref<8194x1024xf32, #tpu.memory_space<hbm>> -> memref<8194x1024xf32, #tpu.memory_space<hbm>>
    tpu.enqueue_indirect_dma source(%dma_start3A_813 : memref<8194x1024xf32, #tpu.memory_space<hbm>>) target(%arg8 : memref<32x1024xf32, #tpu.memory_space<vmem>>) offsets(%dma_start3A_810 : memref<32xi32, #tpu.memory_space<vmem>>) semaphore(%arg11 : memref<!tpu.dma_semaphore, #tpu.memory_space<semaphore_mem>>)
    %add3A_814 = arith.constant 160 : i32
    %add3A_815 = arith.addi %mul3A_2, %add3A_814 : i32
    %dma_start3A_816 = arith.constant 0 : i32
    %dma_start3A_817 = tpu.memref_slice %arg4[%add3A_815, %dma_start3A_816] : memref<32768x1024xf32, #tpu.memory_space<hbm>> -> memref<32x1024xf32, #tpu.memory_space<hbm>>
    %dma_start3A_818 = arith.constant 0 : i32
    %dma_start3A_819 = tpu.memref_slice %arg4[%add3A_815, %dma_start3A_818] : memref<32768x1024xf32, #tpu.memory_space<hbm>> -> memref<32x1024xf32, #tpu.memory_space<hbm>>
    tpu.enqueue_dma source(%arg9 : memref<32x1024xf32, #tpu.memory_space<vmem>>) target(%dma_start3A_819 : memref<32x1024xf32, #tpu.memory_space<hbm>>) target_semaphore(%arg14 : memref<!tpu.dma_semaphore, #tpu.memory_space<semaphore_mem>>)
    %get3A_820 = arith.constant 416 : index
    %get3A_821 = tpu.vector_load %arg7[%get3A_820] {strides = array<i32>} : memref<1024xi32, #tpu.memory_space<vmem>>, vector<16xi32>,
    %get3A_822 = arith.constant 160 : index
    %get3A_823 = tpu.vector_load %arg7[%get3A_822] {strides = array<i32>} : memref<1024xi32, #tpu.memory_space<vmem>>, vector<16xi32>,
    %eq3A_824 = arith.cmpi eq, %get3A_821, %get3A_823 : vector<16xi32>
    %select_n3A_825 = arith.select %eq3A_824, %broadcast_in_dim3A_5, %broadcast_in_dim3A_3 : vector<16xi1>, vector<16xi32>
    %get3A_826 = arith.constant 432 : index
    %get3A_827 = tpu.vector_load %arg7[%get3A_826] {strides = array<i32>} : memref<1024xi32, #tpu.memory_space<vmem>>, vector<16xi32>,
    %get3A_828 = arith.constant 176 : index
    %get3A_829 = tpu.vector_load %arg7[%get3A_828] {strides = array<i32>} : memref<1024xi32, #tpu.memory_space<vmem>>, vector<16xi32>,
    %eq3A_830 = arith.cmpi eq, %get3A_827, %get3A_829 : vector<16xi32>
    %select_n3A_831 = arith.select %eq3A_830, %broadcast_in_dim3A_5, %broadcast_in_dim3A_3 : vector<16xi1>, vector<16xi32>
    %add3A_832 = arith.addi %select_n3A_825, %select_n3A_831 : vector<16xi32>
    %reduce_sum3A_833 = arith.constant true
    %reduce_sum3A_834 = vector.broadcast %reduce_sum3A_833 : i1 to vector<16xi1>
    %reduce_sum3A_835 = tpu.scan <sum>, %add3A_832 masked %reduce_sum3A_834 : vector<16xi32>, vector<16xi1> -> vector<16xi32>
    %reduce_sum3A_836 = vector.extract %reduce_sum3A_835[15] : i32 from vector<16xi32>
    %eq3A_837 = arith.constant 0 : i32
    %eq3A_838 = arith.cmpi eq, %reduce_sum3A_836, %eq3A_837 : i32
    %add3A_839 = arith.constant 8192 : i32
    %add3A_840 = arith.addi %add3A_839, %mul3A_2 : i32
    %add3A_841 = arith.constant 160 : i32
    %add3A_842 = arith.addi %add3A_840, %add3A_841 : i32
    %convert_element_type3A_843 = arith.extui %eq3A_838 : i1 to i32
    %cond3A_844 = arith.constant 0 : i32
    %cond3A_845 = arith.cmpi ne, %convert_element_type3A_843, %cond3A_844 : i32
    scf.if %cond3A_845 {
      %dma_start3A_1195 = arith.constant 0 : i32
      %dma_start3A_1196 = tpu.memref_slice %arg4[%add3A_842, %dma_start3A_1195] : memref<32768x1024xf32, #tpu.memory_space<hbm>> -> memref<32x1024xf32, #tpu.memory_space<hbm>>
      %dma_start3A_1197 = arith.constant 0 : i32
      %dma_start3A_1198 = tpu.memref_slice %arg4[%add3A_842, %dma_start3A_1197] : memref<32768x1024xf32, #tpu.memory_space<hbm>> -> memref<32x1024xf32, #tpu.memory_space<hbm>>
      tpu.enqueue_dma source(%arg9 : memref<32x1024xf32, #tpu.memory_space<vmem>>) target(%dma_start3A_1198 : memref<32x1024xf32, #tpu.memory_space<hbm>>) target_semaphore(%arg14 : memref<!tpu.dma_semaphore, #tpu.memory_space<semaphore_mem>>)
    } else {
    }
    %not3A_846 = arith.constant true
    %not3A_847 = arith.xori %eq3A_838, %not3A_846 : i1
    %convert_element_type3A_848 = arith.extui %not3A_847 : i1 to i32
    %cond3A_849 = arith.constant 0 : i32
    %cond3A_850 = arith.cmpi ne, %convert_element_type3A_848, %cond3A_849 : i32
    scf.if %cond3A_850 {
      %dma_start3A_1195 = arith.constant 416 : i32
      %dma_start3A_1196 = tpu.memref_slice %arg7[%dma_start3A_1195] : memref<1024xi32, #tpu.memory_space<vmem>> -> memref<32xi32, #tpu.memory_space<vmem>>
      %dma_start3A_1197 = arith.constant 0 : i32
      %dma_start3A_1198 = arith.constant 0 : i32
      %dma_start3A_1199 = tpu.memref_slice %arg3[%dma_start3A_1197, %dma_start3A_1198] : memref<8194x1024xf32, #tpu.memory_space<hbm>> -> memref<8194x1024xf32, #tpu.memory_space<hbm>>
      tpu.enqueue_indirect_dma source(%dma_start3A_1199 : memref<8194x1024xf32, #tpu.memory_space<hbm>>) target(%arg10 : memref<32x1024xf32, #tpu.memory_space<vmem>>) offsets(%dma_start3A_1196 : memref<32xi32, #tpu.memory_space<vmem>>) semaphore(%arg15 : memref<!tpu.dma_semaphore, #tpu.memory_space<semaphore_mem>>)
      %dma_wait3A_1200 = arith.constant 416 : i32
      %dma_wait3A_1201 = tpu.memref_slice %arg7[%dma_wait3A_1200] : memref<1024xi32, #tpu.memory_space<vmem>> -> memref<32xi32, #tpu.memory_space<vmem>>
      %dma_wait3A_1202 = arith.constant 0 : i32
      %dma_wait3A_1203 = arith.constant 0 : i32
      %dma_wait3A_1204 = tpu.memref_slice %arg3[%dma_wait3A_1202, %dma_wait3A_1203] : memref<8194x1024xf32, #tpu.memory_space<hbm>> -> memref<8194x1024xf32, #tpu.memory_space<hbm>>
      tpu.wait_indirect_dma semaphore(%arg15 : memref<!tpu.dma_semaphore, #tpu.memory_space<semaphore_mem>>) src(%dma_wait3A_1204 : memref<8194x1024xf32, #tpu.memory_space<hbm>>) dst(%arg10 : memref<32x1024xf32, #tpu.memory_space<vmem>>)
      "tpu.region"() ({
        %run_scoped3A = tpu.sem_alloc : memref<!tpu.dma_semaphore, #tpu.memory_space<semaphore_mem>>
        %dma_start3A_1205 = arith.constant 0 : i32
        %dma_start3A_1206 = tpu.memref_slice %arg4[%add3A_842, %dma_start3A_1205] : memref<32768x1024xf32, #tpu.memory_space<hbm>> -> memref<32x1024xf32, #tpu.memory_space<hbm>>
        %dma_start3A_1207 = arith.constant 0 : i32
        %dma_start3A_1208 = tpu.memref_slice %arg4[%add3A_842, %dma_start3A_1207] : memref<32768x1024xf32, #tpu.memory_space<hbm>> -> memref<32x1024xf32, #tpu.memory_space<hbm>>
        tpu.enqueue_dma source(%arg10 : memref<32x1024xf32, #tpu.memory_space<vmem>>) target(%dma_start3A_1208 : memref<32x1024xf32, #tpu.memory_space<hbm>>) target_semaphore(%run_scoped3A : memref<!tpu.dma_semaphore, #tpu.memory_space<semaphore_mem>>)
        %dma_wait3A_1209 = arith.constant 0 : i32
        %dma_wait3A_1210 = tpu.memref_slice %arg4[%add3A_842, %dma_wait3A_1209] : memref<32768x1024xf32, #tpu.memory_space<hbm>> -> memref<32x1024xf32, #tpu.memory_space<hbm>>
        %dma_wait3A_1211 = arith.constant 0 : i32
        %dma_wait3A_1212 = tpu.memref_slice %arg4[%add3A_842, %dma_wait3A_1211] : memref<32768x1024xf32, #tpu.memory_space<hbm>> -> memref<32x1024xf32, #tpu.memory_space<hbm>>
        tpu.wait_dma2 semaphore(%run_scoped3A : memref<!tpu.dma_semaphore, #tpu.memory_space<semaphore_mem>>) src(%arg10 : memref<32x1024xf32, #tpu.memory_space<vmem>>) dst(%dma_wait3A_1212 : memref<32x1024xf32, #tpu.memory_space<hbm>>)
        tpu.yield
      }) : () -> ()
    } else {
    }
    %jit3A_851 = arith.constant 1 : i32
    %jit3A_852 = arith.constant 0 : i32
    %select_n3A_853 = arith.select %eq3A_838, %jit3A_851, %jit3A_852 : i32
    %add3A_854 = arith.constant 1 : i32
    %add3A_855 = arith.addi %add3A_854, %select_n3A_853 : i32
    %get3A_856 = arith.constant 672 : index
    %get3A_857 = tpu.vector_load %arg7[%get3A_856] {strides = array<i32>} : memref<1024xi32, #tpu.memory_space<vmem>>, vector<16xi32>,
    %get3A_858 = arith.constant 160 : index
    %get3A_859 = tpu.vector_load %arg7[%get3A_858] {strides = array<i32>} : memref<1024xi32, #tpu.memory_space<vmem>>, vector<16xi32>,
    %eq3A_860 = arith.cmpi eq, %get3A_857, %get3A_859 : vector<16xi32>
    %select_n3A_861 = arith.select %eq3A_860, %broadcast_in_dim3A_5, %broadcast_in_dim3A_3 : vector<16xi1>, vector<16xi32>
    %get3A_862 = arith.constant 688 : index
    %get3A_863 = tpu.vector_load %arg7[%get3A_862] {strides = array<i32>} : memref<1024xi32, #tpu.memory_space<vmem>>, vector<16xi32>,
    %get3A_864 = arith.constant 176 : index
    %get3A_865 = tpu.vector_load %arg7[%get3A_864] {strides = array<i32>} : memref<1024xi32, #tpu.memory_space<vmem>>, vector<16xi32>,
    %eq3A_866 = arith.cmpi eq, %get3A_863, %get3A_865 : vector<16xi32>
    %select_n3A_867 = arith.select %eq3A_866, %broadcast_in_dim3A_5, %broadcast_in_dim3A_3 : vector<16xi1>, vector<16xi32>
    %add3A_868 = arith.addi %select_n3A_861, %select_n3A_867 : vector<16xi32>
    %reduce_sum3A_869 = arith.constant true
    %reduce_sum3A_870 = vector.broadcast %reduce_sum3A_869 : i1 to vector<16xi1>
    %reduce_sum3A_871 = tpu.scan <sum>, %add3A_868 masked %reduce_sum3A_870 : vector<16xi32>, vector<16xi1> -> vector<16xi32>
    %reduce_sum3A_872 = vector.extract %reduce_sum3A_871[15] : i32 from vector<16xi32>
    %eq3A_873 = arith.constant 0 : i32
    %eq3A_874 = arith.cmpi eq, %reduce_sum3A_872, %eq3A_873 : i32
    %add3A_875 = arith.constant 16384 : i32
    %add3A_876 = arith.addi %add3A_875, %mul3A_2 : i32
    %add3A_877 = arith.constant 160 : i32
    %add3A_878 = arith.addi %add3A_876, %add3A_877 : i32
    %convert_element_type3A_879 = arith.extui %eq3A_874 : i1 to i32
    %cond3A_880 = arith.constant 0 : i32
    %cond3A_881 = arith.cmpi ne, %convert_element_type3A_879, %cond3A_880 : i32
    scf.if %cond3A_881 {
      %dma_start3A_1195 = arith.constant 0 : i32
      %dma_start3A_1196 = tpu.memref_slice %arg4[%add3A_878, %dma_start3A_1195] : memref<32768x1024xf32, #tpu.memory_space<hbm>> -> memref<32x1024xf32, #tpu.memory_space<hbm>>
      %dma_start3A_1197 = arith.constant 0 : i32
      %dma_start3A_1198 = tpu.memref_slice %arg4[%add3A_878, %dma_start3A_1197] : memref<32768x1024xf32, #tpu.memory_space<hbm>> -> memref<32x1024xf32, #tpu.memory_space<hbm>>
      tpu.enqueue_dma source(%arg9 : memref<32x1024xf32, #tpu.memory_space<vmem>>) target(%dma_start3A_1198 : memref<32x1024xf32, #tpu.memory_space<hbm>>) target_semaphore(%arg14 : memref<!tpu.dma_semaphore, #tpu.memory_space<semaphore_mem>>)
    } else {
    }
    %not3A_882 = arith.constant true
    %not3A_883 = arith.xori %eq3A_874, %not3A_882 : i1
    %convert_element_type3A_884 = arith.extui %not3A_883 : i1 to i32
    %cond3A_885 = arith.constant 0 : i32
    %cond3A_886 = arith.cmpi ne, %convert_element_type3A_884, %cond3A_885 : i32
    scf.if %cond3A_886 {
      %dma_start3A_1195 = arith.constant 672 : i32
      %dma_start3A_1196 = tpu.memref_slice %arg7[%dma_start3A_1195] : memref<1024xi32, #tpu.memory_space<vmem>> -> memref<32xi32, #tpu.memory_space<vmem>>
      %dma_start3A_1197 = arith.constant 0 : i32
      %dma_start3A_1198 = arith.constant 0 : i32
      %dma_start3A_1199 = tpu.memref_slice %arg3[%dma_start3A_1197, %dma_start3A_1198] : memref<8194x1024xf32, #tpu.memory_space<hbm>> -> memref<8194x1024xf32, #tpu.memory_space<hbm>>
      tpu.enqueue_indirect_dma source(%dma_start3A_1199 : memref<8194x1024xf32, #tpu.memory_space<hbm>>) target(%arg10 : memref<32x1024xf32, #tpu.memory_space<vmem>>) offsets(%dma_start3A_1196 : memref<32xi32, #tpu.memory_space<vmem>>) semaphore(%arg15 : memref<!tpu.dma_semaphore, #tpu.memory_space<semaphore_mem>>)
      %dma_wait3A_1200 = arith.constant 672 : i32
      %dma_wait3A_1201 = tpu.memref_slice %arg7[%dma_wait3A_1200] : memref<1024xi32, #tpu.memory_space<vmem>> -> memref<32xi32, #tpu.memory_space<vmem>>
      %dma_wait3A_1202 = arith.constant 0 : i32
      %dma_wait3A_1203 = arith.constant 0 : i32
      %dma_wait3A_1204 = tpu.memref_slice %arg3[%dma_wait3A_1202, %dma_wait3A_1203] : memref<8194x1024xf32, #tpu.memory_space<hbm>> -> memref<8194x1024xf32, #tpu.memory_space<hbm>>
      tpu.wait_indirect_dma semaphore(%arg15 : memref<!tpu.dma_semaphore, #tpu.memory_space<semaphore_mem>>) src(%dma_wait3A_1204 : memref<8194x1024xf32, #tpu.memory_space<hbm>>) dst(%arg10 : memref<32x1024xf32, #tpu.memory_space<vmem>>)
      "tpu.region"() ({
        %run_scoped3A = tpu.sem_alloc : memref<!tpu.dma_semaphore, #tpu.memory_space<semaphore_mem>>
        %dma_start3A_1205 = arith.constant 0 : i32
        %dma_start3A_1206 = tpu.memref_slice %arg4[%add3A_878, %dma_start3A_1205] : memref<32768x1024xf32, #tpu.memory_space<hbm>> -> memref<32x1024xf32, #tpu.memory_space<hbm>>
        %dma_start3A_1207 = arith.constant 0 : i32
        %dma_start3A_1208 = tpu.memref_slice %arg4[%add3A_878, %dma_start3A_1207] : memref<32768x1024xf32, #tpu.memory_space<hbm>> -> memref<32x1024xf32, #tpu.memory_space<hbm>>
        tpu.enqueue_dma source(%arg10 : memref<32x1024xf32, #tpu.memory_space<vmem>>) target(%dma_start3A_1208 : memref<32x1024xf32, #tpu.memory_space<hbm>>) target_semaphore(%run_scoped3A : memref<!tpu.dma_semaphore, #tpu.memory_space<semaphore_mem>>)
        %dma_wait3A_1209 = arith.constant 0 : i32
        %dma_wait3A_1210 = tpu.memref_slice %arg4[%add3A_878, %dma_wait3A_1209] : memref<32768x1024xf32, #tpu.memory_space<hbm>> -> memref<32x1024xf32, #tpu.memory_space<hbm>>
        %dma_wait3A_1211 = arith.constant 0 : i32
        %dma_wait3A_1212 = tpu.memref_slice %arg4[%add3A_878, %dma_wait3A_1211] : memref<32768x1024xf32, #tpu.memory_space<hbm>> -> memref<32x1024xf32, #tpu.memory_space<hbm>>
        tpu.wait_dma2 semaphore(%run_scoped3A : memref<!tpu.dma_semaphore, #tpu.memory_space<semaphore_mem>>) src(%arg10 : memref<32x1024xf32, #tpu.memory_space<vmem>>) dst(%dma_wait3A_1212 : memref<32x1024xf32, #tpu.memory_space<hbm>>)
        tpu.yield
      }) : () -> ()
    } else {
    }
    %jit3A_887 = arith.constant 1 : i32
    %jit3A_888 = arith.constant 0 : i32
    %select_n3A_889 = arith.select %eq3A_874, %jit3A_887, %jit3A_888 : i32
    %add3A_890 = arith.addi %add3A_855, %select_n3A_889 : i32
    %get3A_891 = arith.constant 928 : index
    %get3A_892 = tpu.vector_load %arg7[%get3A_891] {strides = array<i32>} : memref<1024xi32, #tpu.memory_space<vmem>>, vector<16xi32>,
    %get3A_893 = arith.constant 160 : index
    %get3A_894 = tpu.vector_load %arg7[%get3A_893] {strides = array<i32>} : memref<1024xi32, #tpu.memory_space<vmem>>, vector<16xi32>,
    %eq3A_895 = arith.cmpi eq, %get3A_892, %get3A_894 : vector<16xi32>
    %select_n3A_896 = arith.select %eq3A_895, %broadcast_in_dim3A_5, %broadcast_in_dim3A_3 : vector<16xi1>, vector<16xi32>
    %get3A_897 = arith.constant 944 : index
    %get3A_898 = tpu.vector_load %arg7[%get3A_897] {strides = array<i32>} : memref<1024xi32, #tpu.memory_space<vmem>>, vector<16xi32>,
    %get3A_899 = arith.constant 176 : index
    %get3A_900 = tpu.vector_load %arg7[%get3A_899] {strides = array<i32>} : memref<1024xi32, #tpu.memory_space<vmem>>, vector<16xi32>,
    %eq3A_901 = arith.cmpi eq, %get3A_898, %get3A_900 : vector<16xi32>
    %select_n3A_902 = arith.select %eq3A_901, %broadcast_in_dim3A_5, %broadcast_in_dim3A_3 : vector<16xi1>, vector<16xi32>
    %add3A_903 = arith.addi %select_n3A_896, %select_n3A_902 : vector<16xi32>
    %reduce_sum3A_904 = arith.constant true
    %reduce_sum3A_905 = vector.broadcast %reduce_sum3A_904 : i1 to vector<16xi1>
    %reduce_sum3A_906 = tpu.scan <sum>, %add3A_903 masked %reduce_sum3A_905 : vector<16xi32>, vector<16xi1> -> vector<16xi32>
    %reduce_sum3A_907 = vector.extract %reduce_sum3A_906[15] : i32 from vector<16xi32>
    %eq3A_908 = arith.constant 0 : i32
    %eq3A_909 = arith.cmpi eq, %reduce_sum3A_907, %eq3A_908 : i32
    %add3A_910 = arith.constant 24576 : i32
    %add3A_911 = arith.addi %add3A_910, %mul3A_2 : i32
    %add3A_912 = arith.constant 160 : i32
    %add3A_913 = arith.addi %add3A_911, %add3A_912 : i32
    %convert_element_type3A_914 = arith.extui %eq3A_909 : i1 to i32
    %cond3A_915 = arith.constant 0 : i32
    %cond3A_916 = arith.cmpi ne, %convert_element_type3A_914, %cond3A_915 : i32
    scf.if %cond3A_916 {
      %dma_start3A_1195 = arith.constant 0 : i32
      %dma_start3A_1196 = tpu.memref_slice %arg4[%add3A_913, %dma_start3A_1195] : memref<32768x1024xf32, #tpu.memory_space<hbm>> -> memref<32x1024xf32, #tpu.memory_space<hbm>>
      %dma_start3A_1197 = arith.constant 0 : i32
      %dma_start3A_1198 = tpu.memref_slice %arg4[%add3A_913, %dma_start3A_1197] : memref<32768x1024xf32, #tpu.memory_space<hbm>> -> memref<32x1024xf32, #tpu.memory_space<hbm>>
      tpu.enqueue_dma source(%arg9 : memref<32x1024xf32, #tpu.memory_space<vmem>>) target(%dma_start3A_1198 : memref<32x1024xf32, #tpu.memory_space<hbm>>) target_semaphore(%arg14 : memref<!tpu.dma_semaphore, #tpu.memory_space<semaphore_mem>>)
    } else {
    }
    %not3A_917 = arith.constant true
    %not3A_918 = arith.xori %eq3A_909, %not3A_917 : i1
    %convert_element_type3A_919 = arith.extui %not3A_918 : i1 to i32
    %cond3A_920 = arith.constant 0 : i32
    %cond3A_921 = arith.cmpi ne, %convert_element_type3A_919, %cond3A_920 : i32
    scf.if %cond3A_921 {
      %dma_start3A_1195 = arith.constant 928 : i32
      %dma_start3A_1196 = tpu.memref_slice %arg7[%dma_start3A_1195] : memref<1024xi32, #tpu.memory_space<vmem>> -> memref<32xi32, #tpu.memory_space<vmem>>
      %dma_start3A_1197 = arith.constant 0 : i32
      %dma_start3A_1198 = arith.constant 0 : i32
      %dma_start3A_1199 = tpu.memref_slice %arg3[%dma_start3A_1197, %dma_start3A_1198] : memref<8194x1024xf32, #tpu.memory_space<hbm>> -> memref<8194x1024xf32, #tpu.memory_space<hbm>>
      tpu.enqueue_indirect_dma source(%dma_start3A_1199 : memref<8194x1024xf32, #tpu.memory_space<hbm>>) target(%arg10 : memref<32x1024xf32, #tpu.memory_space<vmem>>) offsets(%dma_start3A_1196 : memref<32xi32, #tpu.memory_space<vmem>>) semaphore(%arg15 : memref<!tpu.dma_semaphore, #tpu.memory_space<semaphore_mem>>)
      %dma_wait3A_1200 = arith.constant 928 : i32
      %dma_wait3A_1201 = tpu.memref_slice %arg7[%dma_wait3A_1200] : memref<1024xi32, #tpu.memory_space<vmem>> -> memref<32xi32, #tpu.memory_space<vmem>>
      %dma_wait3A_1202 = arith.constant 0 : i32
      %dma_wait3A_1203 = arith.constant 0 : i32
      %dma_wait3A_1204 = tpu.memref_slice %arg3[%dma_wait3A_1202, %dma_wait3A_1203] : memref<8194x1024xf32, #tpu.memory_space<hbm>> -> memref<8194x1024xf32, #tpu.memory_space<hbm>>
      tpu.wait_indirect_dma semaphore(%arg15 : memref<!tpu.dma_semaphore, #tpu.memory_space<semaphore_mem>>) src(%dma_wait3A_1204 : memref<8194x1024xf32, #tpu.memory_space<hbm>>) dst(%arg10 : memref<32x1024xf32, #tpu.memory_space<vmem>>)
      "tpu.region"() ({
        %run_scoped3A = tpu.sem_alloc : memref<!tpu.dma_semaphore, #tpu.memory_space<semaphore_mem>>
        %dma_start3A_1205 = arith.constant 0 : i32
        %dma_start3A_1206 = tpu.memref_slice %arg4[%add3A_913, %dma_start3A_1205] : memref<32768x1024xf32, #tpu.memory_space<hbm>> -> memref<32x1024xf32, #tpu.memory_space<hbm>>
        %dma_start3A_1207 = arith.constant 0 : i32
        %dma_start3A_1208 = tpu.memref_slice %arg4[%add3A_913, %dma_start3A_1207] : memref<32768x1024xf32, #tpu.memory_space<hbm>> -> memref<32x1024xf32, #tpu.memory_space<hbm>>
        tpu.enqueue_dma source(%arg10 : memref<32x1024xf32, #tpu.memory_space<vmem>>) target(%dma_start3A_1208 : memref<32x1024xf32, #tpu.memory_space<hbm>>) target_semaphore(%run_scoped3A : memref<!tpu.dma_semaphore, #tpu.memory_space<semaphore_mem>>)
        %dma_wait3A_1209 = arith.constant 0 : i32
        %dma_wait3A_1210 = tpu.memref_slice %arg4[%add3A_913, %dma_wait3A_1209] : memref<32768x1024xf32, #tpu.memory_space<hbm>> -> memref<32x1024xf32, #tpu.memory_space<hbm>>
        %dma_wait3A_1211 = arith.constant 0 : i32
        %dma_wait3A_1212 = tpu.memref_slice %arg4[%add3A_913, %dma_wait3A_1211] : memref<32768x1024xf32, #tpu.memory_space<hbm>> -> memref<32x1024xf32, #tpu.memory_space<hbm>>
        tpu.wait_dma2 semaphore(%run_scoped3A : memref<!tpu.dma_semaphore, #tpu.memory_space<semaphore_mem>>) src(%arg10 : memref<32x1024xf32, #tpu.memory_space<vmem>>) dst(%dma_wait3A_1212 : memref<32x1024xf32, #tpu.memory_space<hbm>>)
        tpu.yield
      }) : () -> ()
    } else {
    }
    %jit3A_922 = arith.constant 1 : i32
    %jit3A_923 = arith.constant 0 : i32
    %select_n3A_924 = arith.select %eq3A_909, %jit3A_922, %jit3A_923 : i32
    %add3A_925 = arith.addi %add3A_890, %select_n3A_924 : i32
    %dma_wait3A_926 = arith.constant 0 : i32
    %dma_wait3A_927 = tpu.memref_slice %arg7[%dma_wait3A_926] : memref<1024xi32, #tpu.memory_space<vmem>> -> memref<32xi32, #tpu.memory_space<vmem>>
    %dma_wait3A_928 = arith.constant 0 : i32
    %dma_wait3A_929 = arith.constant 0 : i32
    %dma_wait3A_930 = tpu.memref_slice %arg3[%dma_wait3A_928, %dma_wait3A_929] : memref<8194x1024xf32, #tpu.memory_space<hbm>> -> memref<8194x1024xf32, #tpu.memory_space<hbm>>
    tpu.wait_indirect_dma semaphore(%arg11 : memref<!tpu.dma_semaphore, #tpu.memory_space<semaphore_mem>>) src(%dma_wait3A_930 : memref<8194x1024xf32, #tpu.memory_space<hbm>>) dst(%arg8 : memref<32x1024xf32, #tpu.memory_space<vmem>>)
    %while3A_931 = arith.constant 0 : i32
    %while3A_932 = arith.constant 0 : i32
    %while3A_933 = arith.subi %add3A_925, %while3A_932 : i32
    %while3A_934 = arith.addi %while3A_932, %while3A_933 : i32
    %while3A_935 = arith.constant 1 : i32
    %while3A_936 = arith.divsi %while3A_933, %while3A_935 : i32
    %while3A_937 = arith.muli %while3A_936, %while3A_935 : i32
    %while3A_938 = arith.addi %while3A_932, %while3A_937 : i32
    %while3A_939 = arith.constant 1 : i32
    scf.for %while3A_1195 = %while3A_932 to %while3A_938 step %while3A_939  : i32 {
      %dma_wait3A_1196 = arith.constant 0 : i32
      %dma_wait3A_1197 = tpu.memref_slice %arg4[%mul3A_2, %dma_wait3A_1196] : memref<32768x1024xf32, #tpu.memory_space<hbm>> -> memref<32x1024xf32, #tpu.memory_space<hbm>>
      %dma_wait3A_1198 = arith.constant 0 : i32
      %dma_wait3A_1199 = tpu.memref_slice %arg4[%mul3A_2, %dma_wait3A_1198] : memref<32768x1024xf32, #tpu.memory_space<hbm>> -> memref<32x1024xf32, #tpu.memory_space<hbm>>
      tpu.wait_dma2 semaphore(%arg14 : memref<!tpu.dma_semaphore, #tpu.memory_space<semaphore_mem>>) src(%arg9 : memref<32x1024xf32, #tpu.memory_space<vmem>>) dst(%dma_wait3A_1199 : memref<32x1024xf32, #tpu.memory_space<hbm>>)
    }
    %while3A_940 = arith.constant 1 : i32
    scf.for %while3A_1195 = %while3A_938 to %while3A_934 step %while3A_940  : i32 {
      %dma_wait3A_1196 = arith.constant 0 : i32
      %dma_wait3A_1197 = tpu.memref_slice %arg4[%mul3A_2, %dma_wait3A_1196] : memref<32768x1024xf32, #tpu.memory_space<hbm>> -> memref<32x1024xf32, #tpu.memory_space<hbm>>
      %dma_wait3A_1198 = arith.constant 0 : i32
      %dma_wait3A_1199 = tpu.memref_slice %arg4[%mul3A_2, %dma_wait3A_1198] : memref<32768x1024xf32, #tpu.memory_space<hbm>> -> memref<32x1024xf32, #tpu.memory_space<hbm>>
      tpu.wait_dma2 semaphore(%arg14 : memref<!tpu.dma_semaphore, #tpu.memory_space<semaphore_mem>>) src(%arg9 : memref<32x1024xf32, #tpu.memory_space<vmem>>) dst(%dma_wait3A_1199 : memref<32x1024xf32, #tpu.memory_space<hbm>>)
    }
    %dma_start3A_941 = arith.constant 224 : i32
    %dma_start3A_942 = tpu.memref_slice %arg7[%dma_start3A_941] : memref<1024xi32, #tpu.memory_space<vmem>> -> memref<32xi32, #tpu.memory_space<vmem>>
    %dma_start3A_943 = arith.constant 0 : i32
    %dma_start3A_944 = arith.constant 0 : i32
    %dma_start3A_945 = tpu.memref_slice %arg3[%dma_start3A_943, %dma_start3A_944] : memref<8194x1024xf32, #tpu.memory_space<hbm>> -> memref<8194x1024xf32, #tpu.memory_space<hbm>>
    tpu.enqueue_indirect_dma source(%dma_start3A_945 : memref<8194x1024xf32, #tpu.memory_space<hbm>>) target(%arg9 : memref<32x1024xf32, #tpu.memory_space<vmem>>) offsets(%dma_start3A_942 : memref<32xi32, #tpu.memory_space<vmem>>) semaphore(%arg12 : memref<!tpu.dma_semaphore, #tpu.memory_space<semaphore_mem>>)
    %add3A_946 = arith.constant 192 : i32
    %add3A_947 = arith.addi %mul3A_2, %add3A_946 : i32
    %dma_start3A_948 = arith.constant 0 : i32
    %dma_start3A_949 = tpu.memref_slice %arg4[%add3A_947, %dma_start3A_948] : memref<32768x1024xf32, #tpu.memory_space<hbm>> -> memref<32x1024xf32, #tpu.memory_space<hbm>>
    %dma_start3A_950 = arith.constant 0 : i32
    %dma_start3A_951 = tpu.memref_slice %arg4[%add3A_947, %dma_start3A_950] : memref<32768x1024xf32, #tpu.memory_space<hbm>> -> memref<32x1024xf32, #tpu.memory_space<hbm>>
    tpu.enqueue_dma source(%arg8 : memref<32x1024xf32, #tpu.memory_space<vmem>>) target(%dma_start3A_951 : memref<32x1024xf32, #tpu.memory_space<hbm>>) target_semaphore(%arg13 : memref<!tpu.dma_semaphore, #tpu.memory_space<semaphore_mem>>)
    %get3A_952 = arith.constant 448 : index
    %get3A_953 = tpu.vector_load %arg7[%get3A_952] {strides = array<i32>} : memref<1024xi32, #tpu.memory_space<vmem>>, vector<16xi32>,
    %get3A_954 = arith.constant 192 : index
    %get3A_955 = tpu.vector_load %arg7[%get3A_954] {strides = array<i32>} : memref<1024xi32, #tpu.memory_space<vmem>>, vector<16xi32>,
    %eq3A_956 = arith.cmpi eq, %get3A_953, %get3A_955 : vector<16xi32>
    %select_n3A_957 = arith.select %eq3A_956, %broadcast_in_dim3A_5, %broadcast_in_dim3A_3 : vector<16xi1>, vector<16xi32>
    %get3A_958 = arith.constant 464 : index
    %get3A_959 = tpu.vector_load %arg7[%get3A_958] {strides = array<i32>} : memref<1024xi32, #tpu.memory_space<vmem>>, vector<16xi32>,
    %get3A_960 = arith.constant 208 : index
    %get3A_961 = tpu.vector_load %arg7[%get3A_960] {strides = array<i32>} : memref<1024xi32, #tpu.memory_space<vmem>>, vector<16xi32>,
    %eq3A_962 = arith.cmpi eq, %get3A_959, %get3A_961 : vector<16xi32>
    %select_n3A_963 = arith.select %eq3A_962, %broadcast_in_dim3A_5, %broadcast_in_dim3A_3 : vector<16xi1>, vector<16xi32>
    %add3A_964 = arith.addi %select_n3A_957, %select_n3A_963 : vector<16xi32>
    %reduce_sum3A_965 = arith.constant true
    %reduce_sum3A_966 = vector.broadcast %reduce_sum3A_965 : i1 to vector<16xi1>
    %reduce_sum3A_967 = tpu.scan <sum>, %add3A_964 masked %reduce_sum3A_966 : vector<16xi32>, vector<16xi1> -> vector<16xi32>
    %reduce_sum3A_968 = vector.extract %reduce_sum3A_967[15] : i32 from vector<16xi32>
    %eq3A_969 = arith.constant 0 : i32
    %eq3A_970 = arith.cmpi eq, %reduce_sum3A_968, %eq3A_969 : i32
    %add3A_971 = arith.constant 8192 : i32
    %add3A_972 = arith.addi %add3A_971, %mul3A_2 : i32
    %add3A_973 = arith.constant 192 : i32
    %add3A_974 = arith.addi %add3A_972, %add3A_973 : i32
    %convert_element_type3A_975 = arith.extui %eq3A_970 : i1 to i32
    %cond3A_976 = arith.constant 0 : i32
    %cond3A_977 = arith.cmpi ne, %convert_element_type3A_975, %cond3A_976 : i32
    scf.if %cond3A_977 {
      %dma_start3A_1195 = arith.constant 0 : i32
      %dma_start3A_1196 = tpu.memref_slice %arg4[%add3A_974, %dma_start3A_1195] : memref<32768x1024xf32, #tpu.memory_space<hbm>> -> memref<32x1024xf32, #tpu.memory_space<hbm>>
      %dma_start3A_1197 = arith.constant 0 : i32
      %dma_start3A_1198 = tpu.memref_slice %arg4[%add3A_974, %dma_start3A_1197] : memref<32768x1024xf32, #tpu.memory_space<hbm>> -> memref<32x1024xf32, #tpu.memory_space<hbm>>
      tpu.enqueue_dma source(%arg8 : memref<32x1024xf32, #tpu.memory_space<vmem>>) target(%dma_start3A_1198 : memref<32x1024xf32, #tpu.memory_space<hbm>>) target_semaphore(%arg13 : memref<!tpu.dma_semaphore, #tpu.memory_space<semaphore_mem>>)
    } else {
    }
    %not3A_978 = arith.constant true
    %not3A_979 = arith.xori %eq3A_970, %not3A_978 : i1
    %convert_element_type3A_980 = arith.extui %not3A_979 : i1 to i32
    %cond3A_981 = arith.constant 0 : i32
    %cond3A_982 = arith.cmpi ne, %convert_element_type3A_980, %cond3A_981 : i32
    scf.if %cond3A_982 {
      %dma_start3A_1195 = arith.constant 448 : i32
      %dma_start3A_1196 = tpu.memref_slice %arg7[%dma_start3A_1195] : memref<1024xi32, #tpu.memory_space<vmem>> -> memref<32xi32, #tpu.memory_space<vmem>>
      %dma_start3A_1197 = arith.constant 0 : i32
      %dma_start3A_1198 = arith.constant 0 : i32
      %dma_start3A_1199 = tpu.memref_slice %arg3[%dma_start3A_1197, %dma_start3A_1198] : memref<8194x1024xf32, #tpu.memory_space<hbm>> -> memref<8194x1024xf32, #tpu.memory_space<hbm>>
      tpu.enqueue_indirect_dma source(%dma_start3A_1199 : memref<8194x1024xf32, #tpu.memory_space<hbm>>) target(%arg10 : memref<32x1024xf32, #tpu.memory_space<vmem>>) offsets(%dma_start3A_1196 : memref<32xi32, #tpu.memory_space<vmem>>) semaphore(%arg15 : memref<!tpu.dma_semaphore, #tpu.memory_space<semaphore_mem>>)
      %dma_wait3A_1200 = arith.constant 448 : i32
      %dma_wait3A_1201 = tpu.memref_slice %arg7[%dma_wait3A_1200] : memref<1024xi32, #tpu.memory_space<vmem>> -> memref<32xi32, #tpu.memory_space<vmem>>
      %dma_wait3A_1202 = arith.constant 0 : i32
      %dma_wait3A_1203 = arith.constant 0 : i32
      %dma_wait3A_1204 = tpu.memref_slice %arg3[%dma_wait3A_1202, %dma_wait3A_1203] : memref<8194x1024xf32, #tpu.memory_space<hbm>> -> memref<8194x1024xf32, #tpu.memory_space<hbm>>
      tpu.wait_indirect_dma semaphore(%arg15 : memref<!tpu.dma_semaphore, #tpu.memory_space<semaphore_mem>>) src(%dma_wait3A_1204 : memref<8194x1024xf32, #tpu.memory_space<hbm>>) dst(%arg10 : memref<32x1024xf32, #tpu.memory_space<vmem>>)
      "tpu.region"() ({
        %run_scoped3A = tpu.sem_alloc : memref<!tpu.dma_semaphore, #tpu.memory_space<semaphore_mem>>
        %dma_start3A_1205 = arith.constant 0 : i32
        %dma_start3A_1206 = tpu.memref_slice %arg4[%add3A_974, %dma_start3A_1205] : memref<32768x1024xf32, #tpu.memory_space<hbm>> -> memref<32x1024xf32, #tpu.memory_space<hbm>>
        %dma_start3A_1207 = arith.constant 0 : i32
        %dma_start3A_1208 = tpu.memref_slice %arg4[%add3A_974, %dma_start3A_1207] : memref<32768x1024xf32, #tpu.memory_space<hbm>> -> memref<32x1024xf32, #tpu.memory_space<hbm>>
        tpu.enqueue_dma source(%arg10 : memref<32x1024xf32, #tpu.memory_space<vmem>>) target(%dma_start3A_1208 : memref<32x1024xf32, #tpu.memory_space<hbm>>) target_semaphore(%run_scoped3A : memref<!tpu.dma_semaphore, #tpu.memory_space<semaphore_mem>>)
        %dma_wait3A_1209 = arith.constant 0 : i32
        %dma_wait3A_1210 = tpu.memref_slice %arg4[%add3A_974, %dma_wait3A_1209] : memref<32768x1024xf32, #tpu.memory_space<hbm>> -> memref<32x1024xf32, #tpu.memory_space<hbm>>
        %dma_wait3A_1211 = arith.constant 0 : i32
        %dma_wait3A_1212 = tpu.memref_slice %arg4[%add3A_974, %dma_wait3A_1211] : memref<32768x1024xf32, #tpu.memory_space<hbm>> -> memref<32x1024xf32, #tpu.memory_space<hbm>>
        tpu.wait_dma2 semaphore(%run_scoped3A : memref<!tpu.dma_semaphore, #tpu.memory_space<semaphore_mem>>) src(%arg10 : memref<32x1024xf32, #tpu.memory_space<vmem>>) dst(%dma_wait3A_1212 : memref<32x1024xf32, #tpu.memory_space<hbm>>)
        tpu.yield
      }) : () -> ()
    } else {
    }
    %jit3A_983 = arith.constant 1 : i32
    %jit3A_984 = arith.constant 0 : i32
    %select_n3A_985 = arith.select %eq3A_970, %jit3A_983, %jit3A_984 : i32
    %add3A_986 = arith.constant 1 : i32
    %add3A_987 = arith.addi %add3A_986, %select_n3A_985 : i32
    %get3A_988 = arith.constant 704 : index
    %get3A_989 = tpu.vector_load %arg7[%get3A_988] {strides = array<i32>} : memref<1024xi32, #tpu.memory_space<vmem>>, vector<16xi32>,
    %get3A_990 = arith.constant 192 : index
    %get3A_991 = tpu.vector_load %arg7[%get3A_990] {strides = array<i32>} : memref<1024xi32, #tpu.memory_space<vmem>>, vector<16xi32>,
    %eq3A_992 = arith.cmpi eq, %get3A_989, %get3A_991 : vector<16xi32>
    %select_n3A_993 = arith.select %eq3A_992, %broadcast_in_dim3A_5, %broadcast_in_dim3A_3 : vector<16xi1>, vector<16xi32>
    %get3A_994 = arith.constant 720 : index
    %get3A_995 = tpu.vector_load %arg7[%get3A_994] {strides = array<i32>} : memref<1024xi32, #tpu.memory_space<vmem>>, vector<16xi32>,
    %get3A_996 = arith.constant 208 : index
    %get3A_997 = tpu.vector_load %arg7[%get3A_996] {strides = array<i32>} : memref<1024xi32, #tpu.memory_space<vmem>>, vector<16xi32>,
    %eq3A_998 = arith.cmpi eq, %get3A_995, %get3A_997 : vector<16xi32>
    %select_n3A_999 = arith.select %eq3A_998, %broadcast_in_dim3A_5, %broadcast_in_dim3A_3 : vector<16xi1>, vector<16xi32>
    %add3A_1000 = arith.addi %select_n3A_993, %select_n3A_999 : vector<16xi32>
    %reduce_sum3A_1001 = arith.constant true
    %reduce_sum3A_1002 = vector.broadcast %reduce_sum3A_1001 : i1 to vector<16xi1>
    %reduce_sum3A_1003 = tpu.scan <sum>, %add3A_1000 masked %reduce_sum3A_1002 : vector<16xi32>, vector<16xi1> -> vector<16xi32>
    %reduce_sum3A_1004 = vector.extract %reduce_sum3A_1003[15] : i32 from vector<16xi32>
    %eq3A_1005 = arith.constant 0 : i32
    %eq3A_1006 = arith.cmpi eq, %reduce_sum3A_1004, %eq3A_1005 : i32
    %add3A_1007 = arith.constant 16384 : i32
    %add3A_1008 = arith.addi %add3A_1007, %mul3A_2 : i32
    %add3A_1009 = arith.constant 192 : i32
    %add3A_1010 = arith.addi %add3A_1008, %add3A_1009 : i32
    %convert_element_type3A_1011 = arith.extui %eq3A_1006 : i1 to i32
    %cond3A_1012 = arith.constant 0 : i32
    %cond3A_1013 = arith.cmpi ne, %convert_element_type3A_1011, %cond3A_1012 : i32
    scf.if %cond3A_1013 {
      %dma_start3A_1195 = arith.constant 0 : i32
      %dma_start3A_1196 = tpu.memref_slice %arg4[%add3A_1010, %dma_start3A_1195] : memref<32768x1024xf32, #tpu.memory_space<hbm>> -> memref<32x1024xf32, #tpu.memory_space<hbm>>
      %dma_start3A_1197 = arith.constant 0 : i32
      %dma_start3A_1198 = tpu.memref_slice %arg4[%add3A_1010, %dma_start3A_1197] : memref<32768x1024xf32, #tpu.memory_space<hbm>> -> memref<32x1024xf32, #tpu.memory_space<hbm>>
      tpu.enqueue_dma source(%arg8 : memref<32x1024xf32, #tpu.memory_space<vmem>>) target(%dma_start3A_1198 : memref<32x1024xf32, #tpu.memory_space<hbm>>) target_semaphore(%arg13 : memref<!tpu.dma_semaphore, #tpu.memory_space<semaphore_mem>>)
    } else {
    }
    %not3A_1014 = arith.constant true
    %not3A_1015 = arith.xori %eq3A_1006, %not3A_1014 : i1
    %convert_element_type3A_1016 = arith.extui %not3A_1015 : i1 to i32
    %cond3A_1017 = arith.constant 0 : i32
    %cond3A_1018 = arith.cmpi ne, %convert_element_type3A_1016, %cond3A_1017 : i32
    scf.if %cond3A_1018 {
      %dma_start3A_1195 = arith.constant 704 : i32
      %dma_start3A_1196 = tpu.memref_slice %arg7[%dma_start3A_1195] : memref<1024xi32, #tpu.memory_space<vmem>> -> memref<32xi32, #tpu.memory_space<vmem>>
      %dma_start3A_1197 = arith.constant 0 : i32
      %dma_start3A_1198 = arith.constant 0 : i32
      %dma_start3A_1199 = tpu.memref_slice %arg3[%dma_start3A_1197, %dma_start3A_1198] : memref<8194x1024xf32, #tpu.memory_space<hbm>> -> memref<8194x1024xf32, #tpu.memory_space<hbm>>
      tpu.enqueue_indirect_dma source(%dma_start3A_1199 : memref<8194x1024xf32, #tpu.memory_space<hbm>>) target(%arg10 : memref<32x1024xf32, #tpu.memory_space<vmem>>) offsets(%dma_start3A_1196 : memref<32xi32, #tpu.memory_space<vmem>>) semaphore(%arg15 : memref<!tpu.dma_semaphore, #tpu.memory_space<semaphore_mem>>)
      %dma_wait3A_1200 = arith.constant 704 : i32
      %dma_wait3A_1201 = tpu.memref_slice %arg7[%dma_wait3A_1200] : memref<1024xi32, #tpu.memory_space<vmem>> -> memref<32xi32, #tpu.memory_space<vmem>>
      %dma_wait3A_1202 = arith.constant 0 : i32
      %dma_wait3A_1203 = arith.constant 0 : i32
      %dma_wait3A_1204 = tpu.memref_slice %arg3[%dma_wait3A_1202, %dma_wait3A_1203] : memref<8194x1024xf32, #tpu.memory_space<hbm>> -> memref<8194x1024xf32, #tpu.memory_space<hbm>>
      tpu.wait_indirect_dma semaphore(%arg15 : memref<!tpu.dma_semaphore, #tpu.memory_space<semaphore_mem>>) src(%dma_wait3A_1204 : memref<8194x1024xf32, #tpu.memory_space<hbm>>) dst(%arg10 : memref<32x1024xf32, #tpu.memory_space<vmem>>)
      "tpu.region"() ({
        %run_scoped3A = tpu.sem_alloc : memref<!tpu.dma_semaphore, #tpu.memory_space<semaphore_mem>>
        %dma_start3A_1205 = arith.constant 0 : i32
        %dma_start3A_1206 = tpu.memref_slice %arg4[%add3A_1010, %dma_start3A_1205] : memref<32768x1024xf32, #tpu.memory_space<hbm>> -> memref<32x1024xf32, #tpu.memory_space<hbm>>
        %dma_start3A_1207 = arith.constant 0 : i32
        %dma_start3A_1208 = tpu.memref_slice %arg4[%add3A_1010, %dma_start3A_1207] : memref<32768x1024xf32, #tpu.memory_space<hbm>> -> memref<32x1024xf32, #tpu.memory_space<hbm>>
        tpu.enqueue_dma source(%arg10 : memref<32x1024xf32, #tpu.memory_space<vmem>>) target(%dma_start3A_1208 : memref<32x1024xf32, #tpu.memory_space<hbm>>) target_semaphore(%run_scoped3A : memref<!tpu.dma_semaphore, #tpu.memory_space<semaphore_mem>>)
        %dma_wait3A_1209 = arith.constant 0 : i32
        %dma_wait3A_1210 = tpu.memref_slice %arg4[%add3A_1010, %dma_wait3A_1209] : memref<32768x1024xf32, #tpu.memory_space<hbm>> -> memref<32x1024xf32, #tpu.memory_space<hbm>>
        %dma_wait3A_1211 = arith.constant 0 : i32
        %dma_wait3A_1212 = tpu.memref_slice %arg4[%add3A_1010, %dma_wait3A_1211] : memref<32768x1024xf32, #tpu.memory_space<hbm>> -> memref<32x1024xf32, #tpu.memory_space<hbm>>
        tpu.wait_dma2 semaphore(%run_scoped3A : memref<!tpu.dma_semaphore, #tpu.memory_space<semaphore_mem>>) src(%arg10 : memref<32x1024xf32, #tpu.memory_space<vmem>>) dst(%dma_wait3A_1212 : memref<32x1024xf32, #tpu.memory_space<hbm>>)
        tpu.yield
      }) : () -> ()
    } else {
    }
    %jit3A_1019 = arith.constant 1 : i32
    %jit3A_1020 = arith.constant 0 : i32
    %select_n3A_1021 = arith.select %eq3A_1006, %jit3A_1019, %jit3A_1020 : i32
    %add3A_1022 = arith.addi %add3A_987, %select_n3A_1021 : i32
    %get3A_1023 = arith.constant 960 : index
    %get3A_1024 = tpu.vector_load %arg7[%get3A_1023] {strides = array<i32>} : memref<1024xi32, #tpu.memory_space<vmem>>, vector<16xi32>,
    %get3A_1025 = arith.constant 192 : index
    %get3A_1026 = tpu.vector_load %arg7[%get3A_1025] {strides = array<i32>} : memref<1024xi32, #tpu.memory_space<vmem>>, vector<16xi32>,
    %eq3A_1027 = arith.cmpi eq, %get3A_1024, %get3A_1026 : vector<16xi32>
    %select_n3A_1028 = arith.select %eq3A_1027, %broadcast_in_dim3A_5, %broadcast_in_dim3A_3 : vector<16xi1>, vector<16xi32>
    %get3A_1029 = arith.constant 976 : index
    %get3A_1030 = tpu.vector_load %arg7[%get3A_1029] {strides = array<i32>} : memref<1024xi32, #tpu.memory_space<vmem>>, vector<16xi32>,
    %get3A_1031 = arith.constant 208 : index
    %get3A_1032 = tpu.vector_load %arg7[%get3A_1031] {strides = array<i32>} : memref<1024xi32, #tpu.memory_space<vmem>>, vector<16xi32>,
    %eq3A_1033 = arith.cmpi eq, %get3A_1030, %get3A_1032 : vector<16xi32>
    %select_n3A_1034 = arith.select %eq3A_1033, %broadcast_in_dim3A_5, %broadcast_in_dim3A_3 : vector<16xi1>, vector<16xi32>
    %add3A_1035 = arith.addi %select_n3A_1028, %select_n3A_1034 : vector<16xi32>
    %reduce_sum3A_1036 = arith.constant true
    %reduce_sum3A_1037 = vector.broadcast %reduce_sum3A_1036 : i1 to vector<16xi1>
    %reduce_sum3A_1038 = tpu.scan <sum>, %add3A_1035 masked %reduce_sum3A_1037 : vector<16xi32>, vector<16xi1> -> vector<16xi32>
    %reduce_sum3A_1039 = vector.extract %reduce_sum3A_1038[15] : i32 from vector<16xi32>
    %eq3A_1040 = arith.constant 0 : i32
    %eq3A_1041 = arith.cmpi eq, %reduce_sum3A_1039, %eq3A_1040 : i32
    %add3A_1042 = arith.constant 24576 : i32
    %add3A_1043 = arith.addi %add3A_1042, %mul3A_2 : i32
    %add3A_1044 = arith.constant 192 : i32
    %add3A_1045 = arith.addi %add3A_1043, %add3A_1044 : i32
    %convert_element_type3A_1046 = arith.extui %eq3A_1041 : i1 to i32
    %cond3A_1047 = arith.constant 0 : i32
    %cond3A_1048 = arith.cmpi ne, %convert_element_type3A_1046, %cond3A_1047 : i32
    scf.if %cond3A_1048 {
      %dma_start3A_1195 = arith.constant 0 : i32
      %dma_start3A_1196 = tpu.memref_slice %arg4[%add3A_1045, %dma_start3A_1195] : memref<32768x1024xf32, #tpu.memory_space<hbm>> -> memref<32x1024xf32, #tpu.memory_space<hbm>>
      %dma_start3A_1197 = arith.constant 0 : i32
      %dma_start3A_1198 = tpu.memref_slice %arg4[%add3A_1045, %dma_start3A_1197] : memref<32768x1024xf32, #tpu.memory_space<hbm>> -> memref<32x1024xf32, #tpu.memory_space<hbm>>
      tpu.enqueue_dma source(%arg8 : memref<32x1024xf32, #tpu.memory_space<vmem>>) target(%dma_start3A_1198 : memref<32x1024xf32, #tpu.memory_space<hbm>>) target_semaphore(%arg13 : memref<!tpu.dma_semaphore, #tpu.memory_space<semaphore_mem>>)
    } else {
    }
    %not3A_1049 = arith.constant true
    %not3A_1050 = arith.xori %eq3A_1041, %not3A_1049 : i1
    %convert_element_type3A_1051 = arith.extui %not3A_1050 : i1 to i32
    %cond3A_1052 = arith.constant 0 : i32
    %cond3A_1053 = arith.cmpi ne, %convert_element_type3A_1051, %cond3A_1052 : i32
    scf.if %cond3A_1053 {
      %dma_start3A_1195 = arith.constant 960 : i32
      %dma_start3A_1196 = tpu.memref_slice %arg7[%dma_start3A_1195] : memref<1024xi32, #tpu.memory_space<vmem>> -> memref<32xi32, #tpu.memory_space<vmem>>
      %dma_start3A_1197 = arith.constant 0 : i32
      %dma_start3A_1198 = arith.constant 0 : i32
      %dma_start3A_1199 = tpu.memref_slice %arg3[%dma_start3A_1197, %dma_start3A_1198] : memref<8194x1024xf32, #tpu.memory_space<hbm>> -> memref<8194x1024xf32, #tpu.memory_space<hbm>>
      tpu.enqueue_indirect_dma source(%dma_start3A_1199 : memref<8194x1024xf32, #tpu.memory_space<hbm>>) target(%arg10 : memref<32x1024xf32, #tpu.memory_space<vmem>>) offsets(%dma_start3A_1196 : memref<32xi32, #tpu.memory_space<vmem>>) semaphore(%arg15 : memref<!tpu.dma_semaphore, #tpu.memory_space<semaphore_mem>>)
      %dma_wait3A_1200 = arith.constant 960 : i32
      %dma_wait3A_1201 = tpu.memref_slice %arg7[%dma_wait3A_1200] : memref<1024xi32, #tpu.memory_space<vmem>> -> memref<32xi32, #tpu.memory_space<vmem>>
      %dma_wait3A_1202 = arith.constant 0 : i32
      %dma_wait3A_1203 = arith.constant 0 : i32
      %dma_wait3A_1204 = tpu.memref_slice %arg3[%dma_wait3A_1202, %dma_wait3A_1203] : memref<8194x1024xf32, #tpu.memory_space<hbm>> -> memref<8194x1024xf32, #tpu.memory_space<hbm>>
      tpu.wait_indirect_dma semaphore(%arg15 : memref<!tpu.dma_semaphore, #tpu.memory_space<semaphore_mem>>) src(%dma_wait3A_1204 : memref<8194x1024xf32, #tpu.memory_space<hbm>>) dst(%arg10 : memref<32x1024xf32, #tpu.memory_space<vmem>>)
      "tpu.region"() ({
        %run_scoped3A = tpu.sem_alloc : memref<!tpu.dma_semaphore, #tpu.memory_space<semaphore_mem>>
        %dma_start3A_1205 = arith.constant 0 : i32
        %dma_start3A_1206 = tpu.memref_slice %arg4[%add3A_1045, %dma_start3A_1205] : memref<32768x1024xf32, #tpu.memory_space<hbm>> -> memref<32x1024xf32, #tpu.memory_space<hbm>>
        %dma_start3A_1207 = arith.constant 0 : i32
        %dma_start3A_1208 = tpu.memref_slice %arg4[%add3A_1045, %dma_start3A_1207] : memref<32768x1024xf32, #tpu.memory_space<hbm>> -> memref<32x1024xf32, #tpu.memory_space<hbm>>
        tpu.enqueue_dma source(%arg10 : memref<32x1024xf32, #tpu.memory_space<vmem>>) target(%dma_start3A_1208 : memref<32x1024xf32, #tpu.memory_space<hbm>>) target_semaphore(%run_scoped3A : memref<!tpu.dma_semaphore, #tpu.memory_space<semaphore_mem>>)
        %dma_wait3A_1209 = arith.constant 0 : i32
        %dma_wait3A_1210 = tpu.memref_slice %arg4[%add3A_1045, %dma_wait3A_1209] : memref<32768x1024xf32, #tpu.memory_space<hbm>> -> memref<32x1024xf32, #tpu.memory_space<hbm>>
        %dma_wait3A_1211 = arith.constant 0 : i32
        %dma_wait3A_1212 = tpu.memref_slice %arg4[%add3A_1045, %dma_wait3A_1211] : memref<32768x1024xf32, #tpu.memory_space<hbm>> -> memref<32x1024xf32, #tpu.memory_space<hbm>>
        tpu.wait_dma2 semaphore(%run_scoped3A : memref<!tpu.dma_semaphore, #tpu.memory_space<semaphore_mem>>) src(%arg10 : memref<32x1024xf32, #tpu.memory_space<vmem>>) dst(%dma_wait3A_1212 : memref<32x1024xf32, #tpu.memory_space<hbm>>)
        tpu.yield
      }) : () -> ()
    } else {
    }
    %jit3A_1054 = arith.constant 1 : i32
    %jit3A_1055 = arith.constant 0 : i32
    %select_n3A_1056 = arith.select %eq3A_1041, %jit3A_1054, %jit3A_1055 : i32
    %add3A_1057 = arith.addi %add3A_1022, %select_n3A_1056 : i32
    %dma_wait3A_1058 = arith.constant 0 : i32
    %dma_wait3A_1059 = tpu.memref_slice %arg7[%dma_wait3A_1058] : memref<1024xi32, #tpu.memory_space<vmem>> -> memref<32xi32, #tpu.memory_space<vmem>>
    %dma_wait3A_1060 = arith.constant 0 : i32
    %dma_wait3A_1061 = arith.constant 0 : i32
    %dma_wait3A_1062 = tpu.memref_slice %arg3[%dma_wait3A_1060, %dma_wait3A_1061] : memref<8194x1024xf32, #tpu.memory_space<hbm>> -> memref<8194x1024xf32, #tpu.memory_space<hbm>>
    tpu.wait_indirect_dma semaphore(%arg12 : memref<!tpu.dma_semaphore, #tpu.memory_space<semaphore_mem>>) src(%dma_wait3A_1062 : memref<8194x1024xf32, #tpu.memory_space<hbm>>) dst(%arg9 : memref<32x1024xf32, #tpu.memory_space<vmem>>)
    %add3A_1063 = arith.constant 224 : i32
    %add3A_1064 = arith.addi %mul3A_2, %add3A_1063 : i32
    %dma_start3A_1065 = arith.constant 0 : i32
    %dma_start3A_1066 = tpu.memref_slice %arg4[%add3A_1064, %dma_start3A_1065] : memref<32768x1024xf32, #tpu.memory_space<hbm>> -> memref<32x1024xf32, #tpu.memory_space<hbm>>
    %dma_start3A_1067 = arith.constant 0 : i32
    %dma_start3A_1068 = tpu.memref_slice %arg4[%add3A_1064, %dma_start3A_1067] : memref<32768x1024xf32, #tpu.memory_space<hbm>> -> memref<32x1024xf32, #tpu.memory_space<hbm>>
    tpu.enqueue_dma source(%arg9 : memref<32x1024xf32, #tpu.memory_space<vmem>>) target(%dma_start3A_1068 : memref<32x1024xf32, #tpu.memory_space<hbm>>) target_semaphore(%arg14 : memref<!tpu.dma_semaphore, #tpu.memory_space<semaphore_mem>>)
    %get3A_1069 = arith.constant 480 : index
    %get3A_1070 = tpu.vector_load %arg7[%get3A_1069] {strides = array<i32>} : memref<1024xi32, #tpu.memory_space<vmem>>, vector<16xi32>,
    %get3A_1071 = arith.constant 224 : index
    %get3A_1072 = tpu.vector_load %arg7[%get3A_1071] {strides = array<i32>} : memref<1024xi32, #tpu.memory_space<vmem>>, vector<16xi32>,
    %eq3A_1073 = arith.cmpi eq, %get3A_1070, %get3A_1072 : vector<16xi32>
    %select_n3A_1074 = arith.select %eq3A_1073, %broadcast_in_dim3A_5, %broadcast_in_dim3A_3 : vector<16xi1>, vector<16xi32>
    %get3A_1075 = arith.constant 496 : index
    %get3A_1076 = tpu.vector_load %arg7[%get3A_1075] {strides = array<i32>} : memref<1024xi32, #tpu.memory_space<vmem>>, vector<16xi32>,
    %get3A_1077 = arith.constant 240 : index
    %get3A_1078 = tpu.vector_load %arg7[%get3A_1077] {strides = array<i32>} : memref<1024xi32, #tpu.memory_space<vmem>>, vector<16xi32>,
    %eq3A_1079 = arith.cmpi eq, %get3A_1076, %get3A_1078 : vector<16xi32>
    %select_n3A_1080 = arith.select %eq3A_1079, %broadcast_in_dim3A_5, %broadcast_in_dim3A_3 : vector<16xi1>, vector<16xi32>
    %add3A_1081 = arith.addi %select_n3A_1074, %select_n3A_1080 : vector<16xi32>
    %reduce_sum3A_1082 = arith.constant true
    %reduce_sum3A_1083 = vector.broadcast %reduce_sum3A_1082 : i1 to vector<16xi1>
    %reduce_sum3A_1084 = tpu.scan <sum>, %add3A_1081 masked %reduce_sum3A_1083 : vector<16xi32>, vector<16xi1> -> vector<16xi32>
    %reduce_sum3A_1085 = vector.extract %reduce_sum3A_1084[15] : i32 from vector<16xi32>
    %eq3A_1086 = arith.constant 0 : i32
    %eq3A_1087 = arith.cmpi eq, %reduce_sum3A_1085, %eq3A_1086 : i32
    %add3A_1088 = arith.constant 8192 : i32
    %add3A_1089 = arith.addi %add3A_1088, %mul3A_2 : i32
    %add3A_1090 = arith.constant 224 : i32
    %add3A_1091 = arith.addi %add3A_1089, %add3A_1090 : i32
    %convert_element_type3A_1092 = arith.extui %eq3A_1087 : i1 to i32
    %cond3A_1093 = arith.constant 0 : i32
    %cond3A_1094 = arith.cmpi ne, %convert_element_type3A_1092, %cond3A_1093 : i32
    scf.if %cond3A_1094 {
      %dma_start3A_1195 = arith.constant 0 : i32
      %dma_start3A_1196 = tpu.memref_slice %arg4[%add3A_1091, %dma_start3A_1195] : memref<32768x1024xf32, #tpu.memory_space<hbm>> -> memref<32x1024xf32, #tpu.memory_space<hbm>>
      %dma_start3A_1197 = arith.constant 0 : i32
      %dma_start3A_1198 = tpu.memref_slice %arg4[%add3A_1091, %dma_start3A_1197] : memref<32768x1024xf32, #tpu.memory_space<hbm>> -> memref<32x1024xf32, #tpu.memory_space<hbm>>
      tpu.enqueue_dma source(%arg9 : memref<32x1024xf32, #tpu.memory_space<vmem>>) target(%dma_start3A_1198 : memref<32x1024xf32, #tpu.memory_space<hbm>>) target_semaphore(%arg14 : memref<!tpu.dma_semaphore, #tpu.memory_space<semaphore_mem>>)
    } else {
    }
    %not3A_1095 = arith.constant true
    %not3A_1096 = arith.xori %eq3A_1087, %not3A_1095 : i1
    %convert_element_type3A_1097 = arith.extui %not3A_1096 : i1 to i32
    %cond3A_1098 = arith.constant 0 : i32
    %cond3A_1099 = arith.cmpi ne, %convert_element_type3A_1097, %cond3A_1098 : i32
    scf.if %cond3A_1099 {
      %dma_start3A_1195 = arith.constant 480 : i32
      %dma_start3A_1196 = tpu.memref_slice %arg7[%dma_start3A_1195] : memref<1024xi32, #tpu.memory_space<vmem>> -> memref<32xi32, #tpu.memory_space<vmem>>
      %dma_start3A_1197 = arith.constant 0 : i32
      %dma_start3A_1198 = arith.constant 0 : i32
      %dma_start3A_1199 = tpu.memref_slice %arg3[%dma_start3A_1197, %dma_start3A_1198] : memref<8194x1024xf32, #tpu.memory_space<hbm>> -> memref<8194x1024xf32, #tpu.memory_space<hbm>>
      tpu.enqueue_indirect_dma source(%dma_start3A_1199 : memref<8194x1024xf32, #tpu.memory_space<hbm>>) target(%arg10 : memref<32x1024xf32, #tpu.memory_space<vmem>>) offsets(%dma_start3A_1196 : memref<32xi32, #tpu.memory_space<vmem>>) semaphore(%arg15 : memref<!tpu.dma_semaphore, #tpu.memory_space<semaphore_mem>>)
      %dma_wait3A_1200 = arith.constant 480 : i32
      %dma_wait3A_1201 = tpu.memref_slice %arg7[%dma_wait3A_1200] : memref<1024xi32, #tpu.memory_space<vmem>> -> memref<32xi32, #tpu.memory_space<vmem>>
      %dma_wait3A_1202 = arith.constant 0 : i32
      %dma_wait3A_1203 = arith.constant 0 : i32
      %dma_wait3A_1204 = tpu.memref_slice %arg3[%dma_wait3A_1202, %dma_wait3A_1203] : memref<8194x1024xf32, #tpu.memory_space<hbm>> -> memref<8194x1024xf32, #tpu.memory_space<hbm>>
      tpu.wait_indirect_dma semaphore(%arg15 : memref<!tpu.dma_semaphore, #tpu.memory_space<semaphore_mem>>) src(%dma_wait3A_1204 : memref<8194x1024xf32, #tpu.memory_space<hbm>>) dst(%arg10 : memref<32x1024xf32, #tpu.memory_space<vmem>>)
      "tpu.region"() ({
        %run_scoped3A = tpu.sem_alloc : memref<!tpu.dma_semaphore, #tpu.memory_space<semaphore_mem>>
        %dma_start3A_1205 = arith.constant 0 : i32
        %dma_start3A_1206 = tpu.memref_slice %arg4[%add3A_1091, %dma_start3A_1205] : memref<32768x1024xf32, #tpu.memory_space<hbm>> -> memref<32x1024xf32, #tpu.memory_space<hbm>>
        %dma_start3A_1207 = arith.constant 0 : i32
        %dma_start3A_1208 = tpu.memref_slice %arg4[%add3A_1091, %dma_start3A_1207] : memref<32768x1024xf32, #tpu.memory_space<hbm>> -> memref<32x1024xf32, #tpu.memory_space<hbm>>
        tpu.enqueue_dma source(%arg10 : memref<32x1024xf32, #tpu.memory_space<vmem>>) target(%dma_start3A_1208 : memref<32x1024xf32, #tpu.memory_space<hbm>>) target_semaphore(%run_scoped3A : memref<!tpu.dma_semaphore, #tpu.memory_space<semaphore_mem>>)
        %dma_wait3A_1209 = arith.constant 0 : i32
        %dma_wait3A_1210 = tpu.memref_slice %arg4[%add3A_1091, %dma_wait3A_1209] : memref<32768x1024xf32, #tpu.memory_space<hbm>> -> memref<32x1024xf32, #tpu.memory_space<hbm>>
        %dma_wait3A_1211 = arith.constant 0 : i32
        %dma_wait3A_1212 = tpu.memref_slice %arg4[%add3A_1091, %dma_wait3A_1211] : memref<32768x1024xf32, #tpu.memory_space<hbm>> -> memref<32x1024xf32, #tpu.memory_space<hbm>>
        tpu.wait_dma2 semaphore(%run_scoped3A : memref<!tpu.dma_semaphore, #tpu.memory_space<semaphore_mem>>) src(%arg10 : memref<32x1024xf32, #tpu.memory_space<vmem>>) dst(%dma_wait3A_1212 : memref<32x1024xf32, #tpu.memory_space<hbm>>)
        tpu.yield
      }) : () -> ()
    } else {
    }
    %jit3A_1100 = arith.constant 1 : i32
    %jit3A_1101 = arith.constant 0 : i32
    %select_n3A_1102 = arith.select %eq3A_1087, %jit3A_1100, %jit3A_1101 : i32
    %add3A_1103 = arith.constant 1 : i32
    %add3A_1104 = arith.addi %add3A_1103, %select_n3A_1102 : i32
    %get3A_1105 = arith.constant 736 : index
    %get3A_1106 = tpu.vector_load %arg7[%get3A_1105] {strides = array<i32>} : memref<1024xi32, #tpu.memory_space<vmem>>, vector<16xi32>,
    %get3A_1107 = arith.constant 224 : index
    %get3A_1108 = tpu.vector_load %arg7[%get3A_1107] {strides = array<i32>} : memref<1024xi32, #tpu.memory_space<vmem>>, vector<16xi32>,
    %eq3A_1109 = arith.cmpi eq, %get3A_1106, %get3A_1108 : vector<16xi32>
    %select_n3A_1110 = arith.select %eq3A_1109, %broadcast_in_dim3A_5, %broadcast_in_dim3A_3 : vector<16xi1>, vector<16xi32>
    %get3A_1111 = arith.constant 752 : index
    %get3A_1112 = tpu.vector_load %arg7[%get3A_1111] {strides = array<i32>} : memref<1024xi32, #tpu.memory_space<vmem>>, vector<16xi32>,
    %get3A_1113 = arith.constant 240 : index
    %get3A_1114 = tpu.vector_load %arg7[%get3A_1113] {strides = array<i32>} : memref<1024xi32, #tpu.memory_space<vmem>>, vector<16xi32>,
    %eq3A_1115 = arith.cmpi eq, %get3A_1112, %get3A_1114 : vector<16xi32>
    %select_n3A_1116 = arith.select %eq3A_1115, %broadcast_in_dim3A_5, %broadcast_in_dim3A_3 : vector<16xi1>, vector<16xi32>
    %add3A_1117 = arith.addi %select_n3A_1110, %select_n3A_1116 : vector<16xi32>
    %reduce_sum3A_1118 = arith.constant true
    %reduce_sum3A_1119 = vector.broadcast %reduce_sum3A_1118 : i1 to vector<16xi1>
    %reduce_sum3A_1120 = tpu.scan <sum>, %add3A_1117 masked %reduce_sum3A_1119 : vector<16xi32>, vector<16xi1> -> vector<16xi32>
    %reduce_sum3A_1121 = vector.extract %reduce_sum3A_1120[15] : i32 from vector<16xi32>
    %eq3A_1122 = arith.constant 0 : i32
    %eq3A_1123 = arith.cmpi eq, %reduce_sum3A_1121, %eq3A_1122 : i32
    %add3A_1124 = arith.constant 16384 : i32
    %add3A_1125 = arith.addi %add3A_1124, %mul3A_2 : i32
    %add3A_1126 = arith.constant 224 : i32
    %add3A_1127 = arith.addi %add3A_1125, %add3A_1126 : i32
    %convert_element_type3A_1128 = arith.extui %eq3A_1123 : i1 to i32
    %cond3A_1129 = arith.constant 0 : i32
    %cond3A_1130 = arith.cmpi ne, %convert_element_type3A_1128, %cond3A_1129 : i32
    scf.if %cond3A_1130 {
      %dma_start3A_1195 = arith.constant 0 : i32
      %dma_start3A_1196 = tpu.memref_slice %arg4[%add3A_1127, %dma_start3A_1195] : memref<32768x1024xf32, #tpu.memory_space<hbm>> -> memref<32x1024xf32, #tpu.memory_space<hbm>>
      %dma_start3A_1197 = arith.constant 0 : i32
      %dma_start3A_1198 = tpu.memref_slice %arg4[%add3A_1127, %dma_start3A_1197] : memref<32768x1024xf32, #tpu.memory_space<hbm>> -> memref<32x1024xf32, #tpu.memory_space<hbm>>
      tpu.enqueue_dma source(%arg9 : memref<32x1024xf32, #tpu.memory_space<vmem>>) target(%dma_start3A_1198 : memref<32x1024xf32, #tpu.memory_space<hbm>>) target_semaphore(%arg14 : memref<!tpu.dma_semaphore, #tpu.memory_space<semaphore_mem>>)
    } else {
    }
    %not3A_1131 = arith.constant true
    %not3A_1132 = arith.xori %eq3A_1123, %not3A_1131 : i1
    %convert_element_type3A_1133 = arith.extui %not3A_1132 : i1 to i32
    %cond3A_1134 = arith.constant 0 : i32
    %cond3A_1135 = arith.cmpi ne, %convert_element_type3A_1133, %cond3A_1134 : i32
    scf.if %cond3A_1135 {
      %dma_start3A_1195 = arith.constant 736 : i32
      %dma_start3A_1196 = tpu.memref_slice %arg7[%dma_start3A_1195] : memref<1024xi32, #tpu.memory_space<vmem>> -> memref<32xi32, #tpu.memory_space<vmem>>
      %dma_start3A_1197 = arith.constant 0 : i32
      %dma_start3A_1198 = arith.constant 0 : i32
      %dma_start3A_1199 = tpu.memref_slice %arg3[%dma_start3A_1197, %dma_start3A_1198] : memref<8194x1024xf32, #tpu.memory_space<hbm>> -> memref<8194x1024xf32, #tpu.memory_space<hbm>>
      tpu.enqueue_indirect_dma source(%dma_start3A_1199 : memref<8194x1024xf32, #tpu.memory_space<hbm>>) target(%arg10 : memref<32x1024xf32, #tpu.memory_space<vmem>>) offsets(%dma_start3A_1196 : memref<32xi32, #tpu.memory_space<vmem>>) semaphore(%arg15 : memref<!tpu.dma_semaphore, #tpu.memory_space<semaphore_mem>>)
      %dma_wait3A_1200 = arith.constant 736 : i32
      %dma_wait3A_1201 = tpu.memref_slice %arg7[%dma_wait3A_1200] : memref<1024xi32, #tpu.memory_space<vmem>> -> memref<32xi32, #tpu.memory_space<vmem>>
      %dma_wait3A_1202 = arith.constant 0 : i32
      %dma_wait3A_1203 = arith.constant 0 : i32
      %dma_wait3A_1204 = tpu.memref_slice %arg3[%dma_wait3A_1202, %dma_wait3A_1203] : memref<8194x1024xf32, #tpu.memory_space<hbm>> -> memref<8194x1024xf32, #tpu.memory_space<hbm>>
      tpu.wait_indirect_dma semaphore(%arg15 : memref<!tpu.dma_semaphore, #tpu.memory_space<semaphore_mem>>) src(%dma_wait3A_1204 : memref<8194x1024xf32, #tpu.memory_space<hbm>>) dst(%arg10 : memref<32x1024xf32, #tpu.memory_space<vmem>>)
      "tpu.region"() ({
        %run_scoped3A = tpu.sem_alloc : memref<!tpu.dma_semaphore, #tpu.memory_space<semaphore_mem>>
        %dma_start3A_1205 = arith.constant 0 : i32
        %dma_start3A_1206 = tpu.memref_slice %arg4[%add3A_1127, %dma_start3A_1205] : memref<32768x1024xf32, #tpu.memory_space<hbm>> -> memref<32x1024xf32, #tpu.memory_space<hbm>>
        %dma_start3A_1207 = arith.constant 0 : i32
        %dma_start3A_1208 = tpu.memref_slice %arg4[%add3A_1127, %dma_start3A_1207] : memref<32768x1024xf32, #tpu.memory_space<hbm>> -> memref<32x1024xf32, #tpu.memory_space<hbm>>
        tpu.enqueue_dma source(%arg10 : memref<32x1024xf32, #tpu.memory_space<vmem>>) target(%dma_start3A_1208 : memref<32x1024xf32, #tpu.memory_space<hbm>>) target_semaphore(%run_scoped3A : memref<!tpu.dma_semaphore, #tpu.memory_space<semaphore_mem>>)
        %dma_wait3A_1209 = arith.constant 0 : i32
        %dma_wait3A_1210 = tpu.memref_slice %arg4[%add3A_1127, %dma_wait3A_1209] : memref<32768x1024xf32, #tpu.memory_space<hbm>> -> memref<32x1024xf32, #tpu.memory_space<hbm>>
        %dma_wait3A_1211 = arith.constant 0 : i32
        %dma_wait3A_1212 = tpu.memref_slice %arg4[%add3A_1127, %dma_wait3A_1211] : memref<32768x1024xf32, #tpu.memory_space<hbm>> -> memref<32x1024xf32, #tpu.memory_space<hbm>>
        tpu.wait_dma2 semaphore(%run_scoped3A : memref<!tpu.dma_semaphore, #tpu.memory_space<semaphore_mem>>) src(%arg10 : memref<32x1024xf32, #tpu.memory_space<vmem>>) dst(%dma_wait3A_1212 : memref<32x1024xf32, #tpu.memory_space<hbm>>)
        tpu.yield
      }) : () -> ()
    } else {
    }
    %jit3A_1136 = arith.constant 1 : i32
    %jit3A_1137 = arith.constant 0 : i32
    %select_n3A_1138 = arith.select %eq3A_1123, %jit3A_1136, %jit3A_1137 : i32
    %add3A_1139 = arith.addi %add3A_1104, %select_n3A_1138 : i32
    %get3A_1140 = arith.constant 992 : index
    %get3A_1141 = tpu.vector_load %arg7[%get3A_1140] {strides = array<i32>} : memref<1024xi32, #tpu.memory_space<vmem>>, vector<16xi32>,
    %get3A_1142 = arith.constant 224 : index
    %get3A_1143 = tpu.vector_load %arg7[%get3A_1142] {strides = array<i32>} : memref<1024xi32, #tpu.memory_space<vmem>>, vector<16xi32>,
    %eq3A_1144 = arith.cmpi eq, %get3A_1141, %get3A_1143 : vector<16xi32>
    %select_n3A_1145 = arith.select %eq3A_1144, %broadcast_in_dim3A_5, %broadcast_in_dim3A_3 : vector<16xi1>, vector<16xi32>
    %get3A_1146 = arith.constant 1008 : index
    %get3A_1147 = tpu.vector_load %arg7[%get3A_1146] {strides = array<i32>} : memref<1024xi32, #tpu.memory_space<vmem>>, vector<16xi32>,
    %get3A_1148 = arith.constant 240 : index
    %get3A_1149 = tpu.vector_load %arg7[%get3A_1148] {strides = array<i32>} : memref<1024xi32, #tpu.memory_space<vmem>>, vector<16xi32>,
    %eq3A_1150 = arith.cmpi eq, %get3A_1147, %get3A_1149 : vector<16xi32>
    %select_n3A_1151 = arith.select %eq3A_1150, %broadcast_in_dim3A_5, %broadcast_in_dim3A_3 : vector<16xi1>, vector<16xi32>
    %add3A_1152 = arith.addi %select_n3A_1145, %select_n3A_1151 : vector<16xi32>
    %reduce_sum3A_1153 = arith.constant true
    %reduce_sum3A_1154 = vector.broadcast %reduce_sum3A_1153 : i1 to vector<16xi1>
    %reduce_sum3A_1155 = tpu.scan <sum>, %add3A_1152 masked %reduce_sum3A_1154 : vector<16xi32>, vector<16xi1> -> vector<16xi32>
    %reduce_sum3A_1156 = vector.extract %reduce_sum3A_1155[15] : i32 from vector<16xi32>
    %eq3A_1157 = arith.constant 0 : i32
    %eq3A_1158 = arith.cmpi eq, %reduce_sum3A_1156, %eq3A_1157 : i32
    %add3A_1159 = arith.constant 24576 : i32
    %add3A_1160 = arith.addi %add3A_1159, %mul3A_2 : i32
    %add3A_1161 = arith.constant 224 : i32
    %add3A_1162 = arith.addi %add3A_1160, %add3A_1161 : i32
    %convert_element_type3A_1163 = arith.extui %eq3A_1158 : i1 to i32
    %cond3A_1164 = arith.constant 0 : i32
    %cond3A_1165 = arith.cmpi ne, %convert_element_type3A_1163, %cond3A_1164 : i32
    scf.if %cond3A_1165 {
      %dma_start3A_1195 = arith.constant 0 : i32
      %dma_start3A_1196 = tpu.memref_slice %arg4[%add3A_1162, %dma_start3A_1195] : memref<32768x1024xf32, #tpu.memory_space<hbm>> -> memref<32x1024xf32, #tpu.memory_space<hbm>>
      %dma_start3A_1197 = arith.constant 0 : i32
      %dma_start3A_1198 = tpu.memref_slice %arg4[%add3A_1162, %dma_start3A_1197] : memref<32768x1024xf32, #tpu.memory_space<hbm>> -> memref<32x1024xf32, #tpu.memory_space<hbm>>
      tpu.enqueue_dma source(%arg9 : memref<32x1024xf32, #tpu.memory_space<vmem>>) target(%dma_start3A_1198 : memref<32x1024xf32, #tpu.memory_space<hbm>>) target_semaphore(%arg14 : memref<!tpu.dma_semaphore, #tpu.memory_space<semaphore_mem>>)
    } else {
    }
    %not3A_1166 = arith.constant true
    %not3A_1167 = arith.xori %eq3A_1158, %not3A_1166 : i1
    %convert_element_type3A_1168 = arith.extui %not3A_1167 : i1 to i32
    %cond3A_1169 = arith.constant 0 : i32
    %cond3A_1170 = arith.cmpi ne, %convert_element_type3A_1168, %cond3A_1169 : i32
    scf.if %cond3A_1170 {
      %dma_start3A_1195 = arith.constant 992 : i32
      %dma_start3A_1196 = tpu.memref_slice %arg7[%dma_start3A_1195] : memref<1024xi32, #tpu.memory_space<vmem>> -> memref<32xi32, #tpu.memory_space<vmem>>
      %dma_start3A_1197 = arith.constant 0 : i32
      %dma_start3A_1198 = arith.constant 0 : i32
      %dma_start3A_1199 = tpu.memref_slice %arg3[%dma_start3A_1197, %dma_start3A_1198] : memref<8194x1024xf32, #tpu.memory_space<hbm>> -> memref<8194x1024xf32, #tpu.memory_space<hbm>>
      tpu.enqueue_indirect_dma source(%dma_start3A_1199 : memref<8194x1024xf32, #tpu.memory_space<hbm>>) target(%arg10 : memref<32x1024xf32, #tpu.memory_space<vmem>>) offsets(%dma_start3A_1196 : memref<32xi32, #tpu.memory_space<vmem>>) semaphore(%arg15 : memref<!tpu.dma_semaphore, #tpu.memory_space<semaphore_mem>>)
      %dma_wait3A_1200 = arith.constant 992 : i32
      %dma_wait3A_1201 = tpu.memref_slice %arg7[%dma_wait3A_1200] : memref<1024xi32, #tpu.memory_space<vmem>> -> memref<32xi32, #tpu.memory_space<vmem>>
      %dma_wait3A_1202 = arith.constant 0 : i32
      %dma_wait3A_1203 = arith.constant 0 : i32
      %dma_wait3A_1204 = tpu.memref_slice %arg3[%dma_wait3A_1202, %dma_wait3A_1203] : memref<8194x1024xf32, #tpu.memory_space<hbm>> -> memref<8194x1024xf32, #tpu.memory_space<hbm>>
      tpu.wait_indirect_dma semaphore(%arg15 : memref<!tpu.dma_semaphore, #tpu.memory_space<semaphore_mem>>) src(%dma_wait3A_1204 : memref<8194x1024xf32, #tpu.memory_space<hbm>>) dst(%arg10 : memref<32x1024xf32, #tpu.memory_space<vmem>>)
      "tpu.region"() ({
        %run_scoped3A = tpu.sem_alloc : memref<!tpu.dma_semaphore, #tpu.memory_space<semaphore_mem>>
        %dma_start3A_1205 = arith.constant 0 : i32
        %dma_start3A_1206 = tpu.memref_slice %arg4[%add3A_1162, %dma_start3A_1205] : memref<32768x1024xf32, #tpu.memory_space<hbm>> -> memref<32x1024xf32, #tpu.memory_space<hbm>>
        %dma_start3A_1207 = arith.constant 0 : i32
        %dma_start3A_1208 = tpu.memref_slice %arg4[%add3A_1162, %dma_start3A_1207] : memref<32768x1024xf32, #tpu.memory_space<hbm>> -> memref<32x1024xf32, #tpu.memory_space<hbm>>
        tpu.enqueue_dma source(%arg10 : memref<32x1024xf32, #tpu.memory_space<vmem>>) target(%dma_start3A_1208 : memref<32x1024xf32, #tpu.memory_space<hbm>>) target_semaphore(%run_scoped3A : memref<!tpu.dma_semaphore, #tpu.memory_space<semaphore_mem>>)
        %dma_wait3A_1209 = arith.constant 0 : i32
        %dma_wait3A_1210 = tpu.memref_slice %arg4[%add3A_1162, %dma_wait3A_1209] : memref<32768x1024xf32, #tpu.memory_space<hbm>> -> memref<32x1024xf32, #tpu.memory_space<hbm>>
        %dma_wait3A_1211 = arith.constant 0 : i32
        %dma_wait3A_1212 = tpu.memref_slice %arg4[%add3A_1162, %dma_wait3A_1211] : memref<32768x1024xf32, #tpu.memory_space<hbm>> -> memref<32x1024xf32, #tpu.memory_space<hbm>>
        tpu.wait_dma2 semaphore(%run_scoped3A : memref<!tpu.dma_semaphore, #tpu.memory_space<semaphore_mem>>) src(%arg10 : memref<32x1024xf32, #tpu.memory_space<vmem>>) dst(%dma_wait3A_1212 : memref<32x1024xf32, #tpu.memory_space<hbm>>)
        tpu.yield
      }) : () -> ()
    } else {
    }
    %jit3A_1171 = arith.constant 1 : i32
    %jit3A_1172 = arith.constant 0 : i32
    %select_n3A_1173 = arith.select %eq3A_1158, %jit3A_1171, %jit3A_1172 : i32
    %add3A_1174 = arith.addi %add3A_1139, %select_n3A_1173 : i32
    %while3A_1175 = arith.constant 0 : i32
    %while3A_1176 = arith.constant 0 : i32
    %while3A_1177 = arith.subi %add3A_1057, %while3A_1176 : i32
    %while3A_1178 = arith.addi %while3A_1176, %while3A_1177 : i32
    %while3A_1179 = arith.constant 1 : i32
    %while3A_1180 = arith.divsi %while3A_1177, %while3A_1179 : i32
    %while3A_1181 = arith.muli %while3A_1180, %while3A_1179 : i32
    %while3A_1182 = arith.addi %while3A_1176, %while3A_1181 : i32
    %while3A_1183 = arith.constant 1 : i32
    scf.for %while3A_1195 = %while3A_1176 to %while3A_1182 step %while3A_1183  : i32 {
      %dma_wait3A_1196 = arith.constant 0 : i32
      %dma_wait3A_1197 = tpu.memref_slice %arg4[%mul3A_2, %dma_wait3A_1196] : memref<32768x1024xf32, #tpu.memory_space<hbm>> -> memref<32x1024xf32, #tpu.memory_space<hbm>>
      %dma_wait3A_1198 = arith.constant 0 : i32
      %dma_wait3A_1199 = tpu.memref_slice %arg4[%mul3A_2, %dma_wait3A_1198] : memref<32768x1024xf32, #tpu.memory_space<hbm>> -> memref<32x1024xf32, #tpu.memory_space<hbm>>
      tpu.wait_dma2 semaphore(%arg13 : memref<!tpu.dma_semaphore, #tpu.memory_space<semaphore_mem>>) src(%arg8 : memref<32x1024xf32, #tpu.memory_space<vmem>>) dst(%dma_wait3A_1199 : memref<32x1024xf32, #tpu.memory_space<hbm>>)
    }
    %while3A_1184 = arith.constant 1 : i32
    scf.for %while3A_1195 = %while3A_1182 to %while3A_1178 step %while3A_1184  : i32 {
      %dma_wait3A_1196 = arith.constant 0 : i32
      %dma_wait3A_1197 = tpu.memref_slice %arg4[%mul3A_2, %dma_wait3A_1196] : memref<32768x1024xf32, #tpu.memory_space<hbm>> -> memref<32x1024xf32, #tpu.memory_space<hbm>>
      %dma_wait3A_1198 = arith.constant 0 : i32
      %dma_wait3A_1199 = tpu.memref_slice %arg4[%mul3A_2, %dma_wait3A_1198] : memref<32768x1024xf32, #tpu.memory_space<hbm>> -> memref<32x1024xf32, #tpu.memory_space<hbm>>
      tpu.wait_dma2 semaphore(%arg13 : memref<!tpu.dma_semaphore, #tpu.memory_space<semaphore_mem>>) src(%arg8 : memref<32x1024xf32, #tpu.memory_space<vmem>>) dst(%dma_wait3A_1199 : memref<32x1024xf32, #tpu.memory_space<hbm>>)
    }
    %while3A_1185 = arith.constant 0 : i32
    %while3A_1186 = arith.constant 0 : i32
    %while3A_1187 = arith.subi %add3A_1174, %while3A_1186 : i32
    %while3A_1188 = arith.addi %while3A_1186, %while3A_1187 : i32
    %while3A_1189 = arith.constant 1 : i32
    %while3A_1190 = arith.divsi %while3A_1187, %while3A_1189 : i32
    %while3A_1191 = arith.muli %while3A_1190, %while3A_1189 : i32
    %while3A_1192 = arith.addi %while3A_1186, %while3A_1191 : i32
    %while3A_1193 = arith.constant 1 : i32
    scf.for %while3A_1195 = %while3A_1186 to %while3A_1192 step %while3A_1193  : i32 {
      %dma_wait3A_1196 = arith.constant 0 : i32
      %dma_wait3A_1197 = tpu.memref_slice %arg4[%mul3A_2, %dma_wait3A_1196] : memref<32768x1024xf32, #tpu.memory_space<hbm>> -> memref<32x1024xf32, #tpu.memory_space<hbm>>
      %dma_wait3A_1198 = arith.constant 0 : i32
      %dma_wait3A_1199 = tpu.memref_slice %arg4[%mul3A_2, %dma_wait3A_1198] : memref<32768x1024xf32, #tpu.memory_space<hbm>> -> memref<32x1024xf32, #tpu.memory_space<hbm>>
      tpu.wait_dma2 semaphore(%arg14 : memref<!tpu.dma_semaphore, #tpu.memory_space<semaphore_mem>>) src(%arg9 : memref<32x1024xf32, #tpu.memory_space<vmem>>) dst(%dma_wait3A_1199 : memref<32x1024xf32, #tpu.memory_space<hbm>>)
    }
    %while3A_1194 = arith.constant 1 : i32
    scf.for %while3A_1195 = %while3A_1192 to %while3A_1188 step %while3A_1194  : i32 {
      %dma_wait3A_1196 = arith.constant 0 : i32
      %dma_wait3A_1197 = tpu.memref_slice %arg4[%mul3A_2, %dma_wait3A_1196] : memref<32768x1024xf32, #tpu.memory_space<hbm>> -> memref<32x1024xf32, #tpu.memory_space<hbm>>
      %dma_wait3A_1198 = arith.constant 0 : i32
      %dma_wait3A_1199 = tpu.memref_slice %arg4[%mul3A_2, %dma_wait3A_1198] : memref<32768x1024xf32, #tpu.memory_space<hbm>> -> memref<32x1024xf32, #tpu.memory_space<hbm>>
      tpu.wait_dma2 semaphore(%arg14 : memref<!tpu.dma_semaphore, #tpu.memory_space<semaphore_mem>>) src(%arg9 : memref<32x1024xf32, #tpu.memory_space<vmem>>) dst(%dma_wait3A_1199 : memref<32x1024xf32, #tpu.memory_space<hbm>>)
    }
    return
  }
}

</mosaic_0001>

<sc_bundles>
// kernel: kernel.3.cloned.1.call-start
scs
__scs_entry_jumppad:
0x0: {  	(pc) =	sbr.rel $0x88, $3  }
0x1: {  	(tag) =	ssettag $0x0;
	lr =	simm.s32 $0x1  }
0x2: {  	[smem:$0x3F9F] =	sst lr;
	_ =	strace $0xD0000000  }
0x3: {  	_ = 	snop  }
0x4: {  	_ = 	snop  }
0x5: {  	_ = 	snop  }
0x6: {  	_ = 	snop  }
0x7: {  	_ = 	snop  }
__scs_overlays_trampoline_lowered:
0x8: {  	[smem:$0x3FAE] =	sst s0  }
0x9: {  	[smem:$0x3FAF] =	sst s1  }
0xa: {  	[smem:$0x3FB0] =	sst s2  }
0xb: {  	[smem:$0x3FB1] =	sst s3  }
0xc: {  	[smem:$0x3FB2] =	sst s4  }
0xd: {  	[smem:$0x3FB3] =	sst s5  }
0xe: {  	[smem:$0x3FB4] =	sst s6  }
0xf: {  	[smem:$0x3FB5] =	sst s7  }
0x10: {  	[smem:$0x3FB6] =	sst s8  }
0x11: {  	[smem:$0x3FB7] =	sst s9;
	s0 =	simm.s32 @!p0 $0x0  }
0x12: {  	s1 =	sld [smem:$0x3F9D];
	s0 =	simm.s32 @p0 $0x1  }
0x13: {  	[smem:$0x3FB8] =	sst s0;
	s0 =	simm.s32 @!p1 $0x0  }
0x14: {  	s2 =	sld [smem:$0x3F9C];
	s0 =	simm.s32 @p1 $0x1  }
0x15: {  	[smem:$0x3FB9] =	sst s0;
	s0 =	simm.s32 @!p2 $0x0  }
0x16: {  	s3 =	sld [smem:$0x3FDB];
	s0 =	simm.s32 @p2 $0x1  }
0x17: {  	s4 =	simm.s32 $0x1BF5;
	[smem:$0x3FBB] =	sst s0  }
0x18: {  	s0 =	sld [smem:$0x3F9E];
	_ =	swait.ge [sflag:s4], $0x0  }
0x19: {  	s7 =	sld [smem:$0x3F9F]  }
0x1a: {  	s8 =	sadd.s32 $0xFFFFE003, lr  }
0x1b: {  	s9 =	sadd.s32 $0xFFFFFEF7, lr;
	s5 =	simm.s32 $0xFFFFFFFF;
	p2 =	slt.u32 s8, $0xFFFFF086  }
0x1c: {  	p1 =	slt.u32 s9, $0xF7A;
	s5 =	simm.s32 @!p2 $0x0  }
0x1d: {  	s5 =	simm.s32 @p1 $0x1;
	p0 =	seq.s32 s7, s2  }
0x1e: {  	s7 =	smul.u32 @!p0 $0xF7A, s2;
	p2 =	seq.s32 @!p0 s5, $0x0  }
0x1f: {  	s9 =	smul.u32 $0xF7A, s1;
	s8 =	simm.s32 @!p0 $0x1BF5;
	p2 =	por !p2, p0  }
0x20: {  	[sflag:s8] =	ssyncset.s32 @!p0 $0xFFFFF086;
	s6 =	sadd.s32 @!p0 s3, s7;
	s7 =	simm.s32 @!p0 $0x108  }
0x21: {  	s3 =	sadd.s32 s3, s9;
	s6 =	sadd.s32 @!p0 $0x88, s6;
	s7 =	simm.s32 @p2 $0x1082  }
0x22: {  	[simem:s7], [sflag:s8] =	dma.local @!p0 [hbm:s6], $0xF7A  }
0x23: {  	s9 =	sor.u32 $0xD0000000, s2;
	s6 =	simm.s32 $0x108;
	_ =	swait.ge @!p0 [sflag:s8], $0x0  }
0x24: {  	s3 =	sadd.s32 $0x88, s3;
	s6 =	simm.s32 @!p1 $0x1082;
	[sflag:s4] =	ssyncset.s32 $0xFFFFF086  }
0x25: {  	[simem:s6], [sflag:s4] =	dma.local [hbm:s3], $0xF7A  }
0x26: {  	[smem:$0x3F9F] =	sst s1;
	(tag) =	ssettag s2;
	_ =	strace s9  }
0x27: {  	s1 =	sld [smem:$0x3FAF]  }
0x28: {  	s2 =	sld [smem:$0x3FB0]  }
0x29: {  	s4 =	sld [smem:$0x3FB2]  }
0x2a: {  	p0 =	seq.s32 s5, $0x0;
	s5 =	sld [smem:$0x3FB3]  }
0x2b: {  	s6 =	sld [smem:$0x3FB4]  }
0x2c: {  	s7 =	sld [smem:$0x3FB5]  }
0x2d: {  	s3 =	simm.s32 $0x108;
	s8 =	sld [smem:$0x3FB6]  }
0x2e: {  	s3 =	simm.s32 @!p0 $0x1082;
	s9 =	sld [smem:$0x3FB7]  }
0x2f: {  	lr =	sadd.s32 s0, s3;
	s0 =	sld [smem:$0x3FAE]  }
0x30: {  	s3 =	sld [smem:$0x3FB1]  }
0x31: {  	[smem:$0x3FBA] =	sst s10  }
0x32: {  	s10 =	sld [smem:$0x3FB8];
	_ =	sdelay $0x3  }
0x33: {  	p0 =	seq.s32 s10, $0x1;
	s10 =	sld [smem:$0x3FBA];
	_ =	sdelay $0x3  }
0x34: {  	[smem:$0x3FBA] =	sst s10  }
0x35: {  	s10 =	sld [smem:$0x3FB9];
	_ =	sdelay $0x3  }
0x36: {  	p1 =	seq.s32 s10, $0x1;
	s10 =	sld [smem:$0x3FBA];
	_ =	sdelay $0x3  }
0x37: {  	[smem:$0x3FBA] =	sst s10  }
0x38: {  	s10 =	sld [smem:$0x3FBB]  }
0x39: {  	_ = 	snop;
	(pc) =	sbr.ind lr, $3  }
0x3a: {  	_ = 	snop  }
0x3b: {  	_ = 	snop  }
0x3c: {  	p2 =	seq.s32 s10, $0x1;
	s10 =	sld [smem:$0x3FBA]  }
0x3d: {  	_ =	shalt  }
0x3e: {  	_ =	shalt  }
0x3f: {  	_ =	shalt  }
0x40: {  	_ =	shalt  }
0x41: {  	_ =	shalt  }
0x42: {  	_ =	shalt  }
0x43: {  	_ =	shalt  }
0x44: {  	_ =	shalt  }
0x45: {  	_ =	shalt  }
0x46: {  	_ =	shalt  }
0x47: {  	_ =	shalt  }
0x48: {  	_ =	shalt  }
0x49: {  	_ =	shalt  }
0x4a: {  	_ =	shalt  }
0x4b: {  	_ =	shalt  }
0x4c: {  	_ =	shalt  }
0x4d: {  	_ =	shalt  }
0x4e: {  	_ =	shalt  }
0x4f: {  	_ =	shalt  }
0x50: {  	_ =	shalt  }
0x51: {  	_ =	shalt  }
0x52: {  	_ =	shalt  }
0x53: {  	_ =	shalt  }
0x54: {  	_ =	shalt  }
0x55: {  	_ =	shalt  }
0x56: {  	_ =	shalt  }
0x57: {  	_ =	shalt  }
0x58: {  	_ =	shalt  }
0x59: {  	_ =	shalt  }
0x5a: {  	_ =	shalt  }
0x5b: {  	_ =	shalt  }
0x5c: {  	_ =	shalt  }
0x5d: {  	_ =	shalt  }
0x5e: {  	_ =	shalt  }
0x5f: {  	_ =	shalt  }
0x60: {  	_ =	shalt  }
0x61: {  	_ =	shalt  }
0x62: {  	_ =	shalt  }
0x63: {  	_ =	shalt  }
0x64: {  	_ =	shalt  }
0x65: {  	_ =	shalt  }
0x66: {  	_ =	shalt  }
0x67: {  	_ =	shalt  }
0x68: {  	_ =	shalt  }
0x69: {  	_ =	shalt  }
0x6a: {  	_ =	shalt  }
0x6b: {  	_ =	shalt  }
0x6c: {  	_ =	shalt  }
0x6d: {  	_ =	shalt  }
0x6e: {  	_ =	shalt  }
0x6f: {  	_ =	shalt  }
0x70: {  	_ =	shalt  }
0x71: {  	_ =	shalt  }
0x72: {  	_ =	shalt  }
0x73: {  	_ =	shalt  }
0x74: {  	_ =	shalt  }
0x75: {  	_ =	shalt  }
0x76: {  	_ =	shalt  }
0x77: {  	_ =	shalt  }
0x78: {  	_ =	shalt  }
0x79: {  	_ =	shalt  }
0x7a: {  	_ =	shalt  }
0x7b: {  	_ =	shalt  }
0x7c: {  	_ =	shalt  }
0x7d: {  	_ =	shalt  }
0x7e: {  	_ =	shalt  }
0x7f: {  	_ =	shalt  }
0x80: {  	_ =	shalt  }
0x81: {  	_ =	shalt  }
0x82: {  	_ =	shalt  }
0x83: {  	_ =	shalt  }
0x84: {  	_ =	shalt  }
0x85: {  	_ =	shalt  }
0x86: {  	_ =	shalt  }
0x87: {  	_ =	shalt  }
.Lfunc_end0:
.L_simem_size_0:
called_computation_lowered:
.L_overlay_start_0:
0x88: {  	s2 =	sld [smem:$0x3FD9]  }
0x89: {  	s3 =	sld [smem:$0x3FFE];
	_ =	sdelay $0x1  }
0x8a: {  	s1 =	srdreg.scid  }
0x8b: {  	s0 =	sand.u32 $0x1, s1  }
0x8c: {  	s17 =	sshll.u32 s0, $0xA;
	s2 =	sadd.s32 s3, s2  }
0x8d: {  	s2 =	sadd.s32 s2, s17  }
0x8e: {  	[smem:$0x3FC6] =	sst s2  }
0x8f: {  	_ = 	snop  }
0x90: {  	s2 =	sld [smem:$0x3FC8]  }
0x91: {  	s18 =	sld [smem:$0x3FD0];
	(tm) =	ssettm $0x1  }
0x92: {  	s4 =	sld [smem:$0x3FFB];
	_ =	sdelay $0x3  }
0x93: {  	_ =	strace s4  }
0x94: {  	s4 =	sld [smem:$0x3FFC];
	_ =	sdelay $0x3  }
0x95: {  	_ =	strace s4  }
0x96: {  	s4 =	sld [smem:$0x3FFD];
	_ =	sdelay $0x3  }
0x97: {  	_ =	strace s4  }
0x98: {  	_ =	strace $0x8FFFFFFF  }
0x99: {  	s19 =	sld [smem:$0x3FDB];
	_ =	sdelay $0x1  }
0x9a: {  	s5 =	simm.s32 $_scs_section_size  }
0x9b: {  	s6 =	simm.s32 $_size__tile_overlayer_lowered;
	s7 =	simm.s32 $_tile_overlayer_lowered  }
0x9c: {  	s22 =	simm.s32 $0x1BFF;
	s21 =	sshll.u32 s7, $0x1;
	s4 =	sadd.s32 s5, s19  }
0x9d: {  	s8 =	simm.s32 $0x0;
	s20 =	sshll.u32 s6, $0x1;
	s6 =	sadd.s32 s21, s4  }
0x9e: {  	[timem:s8], [sflag:s22] =	dma.local [hbm:s6], s20  }
0x9f: {  	_ =	swait.ge [sflag:s22], s20  }
0xa0: {  	s5 =	ssub.s32 $0x0, s20;
	[sflag:s22] =	ssyncset.done $0x0  }
0xa1: {  	[sflag:s22] =	ssyncadd.s32 s5;
	_ =	sdelay $0x1  }
0xa2: {  	s23 =	simm.s32 $0x1B8B  }
0xa3: {  	_ =	swait.ge [sflag:s23], $0x1  }
0xa4: {  	[sflag:s23] =	ssyncset.done $0x0  }
0xa5: {  	s25 =	simm.s32 $0x1B8E;
	s24 =	sld [smem:$0x3FFE];
	[sflag:s23] =	ssyncadd.s32 $0xFFFFFFFF  }
0xa6: {  	s26 =	simm.s32 $execute0_lowered;
	[smem:$0x3FD2] =	sst s25  }
0xa7: {  	s6 =	sshll.u32 s26, $0x1;
	_ =	strace $0x80000046;
	[dreg:$0x1] =	wrdreg $0xFFFFFFFF  }
0xa8: {  	s28 =	simm.s32 $_size_execute0_lowered;
	s4 =	sadd.s32 s4, s6;
	[dreg:$0x0] =	wrdreg $0x0  }
0xa9: {  	s6 =	sshll.u32 s28, $0x1;
	[dreg:$0x2] =	wrdreg s4  }
0xaa: {  	[dreg:$0x3] =	wrdreg s6  }
0xab: {  	[dreg:$0x4] =	wrdreg $0xC0  }
0xac: {  	_ =	task [dreg:s8], $0x5FFFF  }
0xad: {  	[dreg:$0x1] =	wrdreg $0xFFFFFFFF  }
0xae: {  	[dreg:$0x0] =	wrdreg $0x60  }
0xaf: {  	[dreg:$0x2] =	wrdreg s24  }
0xb0: {  	[dreg:$0x3] =	wrdreg s2  }
0xb1: {  	[dreg:$0x4] =	wrdreg s18  }
0xb2: {  	[dreg:$0x5] =	wrdreg $0x9  }
0xb3: {  	_ =	task.clear_ibuf [dreg:s8], $0x6FFFF;
	_ =	strace $0x90000046  }
0xb4: {  	s29 =	simm.s32 $0x9;
	_ =	strace $0x80000048  }
0xb5: {  	_ =	swait.ge [sflag:s29], $0x1  }
0xb6: {  	[sflag:s29] =	ssyncadd.s32 $0xFFFFFFFF  }
0xb7: {  	_ =	strace $0x90000048  }
0xb8: {  	_ =	sfence  }
0xb9: {  	s30 =	sld [smem:$0x0];
	_ =	sdelay $0x2  }
0xba: {  	s31 =	sshll.u32 s1, $0xD;
	s1 =	sshrl.u32 s1, $0x2  }
0xbb: {  	s3 =	sand.u32 $0x4000, s31;
	s1 =	sadd.s32 s1, s30  }
0xbc: {  	s0 =	sor.u32 s3, s0;
	s1 =	sshll.u32 s1, $0x11  }
0xbd: {  	s0 =	sor.u32 s1, s0  }
0xbe: {  	s0 =	sadd.s32 $0x8F2B, s0  }
0xbf: {  	[sflag:s0] =	ssyncadd.remote.s32 $0x1  }
0xc0: {  	_ =	sfence.sel $0xFFFF  }
0xc1: {  	[dreg:$0x0] =	wrdreg $0xFFFFFFFF;
	(pc) =	sbr.abs _section_cstart, $3  }
0xc2: {  	[dreg:$0x1] =	wrdreg $0xFFFFFFFF  }
0xc3: {  	_ =	task.clear_ibuf [dreg:s8], $0x2FFFF;
	_ =	strace $0x9FFFFFFF  }
0xc4: {  	(tm) =	ssettm $0x7FFFFFFF  }
0xc5: {  	_ =	shalt  }
tec
execute0_lowered:
.L_overlay_start_1:
0x0: {  	(tag) =	ssettag $0x1  }
0x1: {  	s0 =	rddreg [dreg:$0x0]  }
0x2: {  	s1 =	rddreg [dreg:$0x1]  }
0x3: {  	s2 =	rddreg [dreg:$0x2]  }
0x4: {  	s3 =	simm.s32 $0x0;
	s4 =	srdreg.scid;
	s13 =	stileid.u32  }
0x5: {  	[smem:$0x7FF] =	sst s3;
	s4 =	sand.u32 $0x1, s4;
	s6 =	sshll.u32 s13, $0x1  }
0x6: {  	s7 =	sadd.s32 $0x400, s0;
	s24 =	sadd.s32 $0x800, s0;
	s12 =	sadd.s32 $0xC00, s0  }
0x7: {  	s0 =	sadd.s32 $0x1000, s0;
	_ =	strace $0x80000047;
	[dreg:$0x4] =	wrdreg s7  }
0x8: {  	s19 =	sshll.u32 s13, $0x2;
	[dreg:$0x5] =	wrdreg s24;
	s20 =	sshll.u32 s4, $0x1  }
0x9: {  	s6 =	sor.u32 s4, s6;
	[dreg:$0x8] =	wrdreg s0;
	s0 =	sor.u32 s20, s19  }
0xa: {  	[dreg:$0x6] =	wrdreg s12;
	s11 =	sshll.u32 s6, $0xF;
	s0 =	smax.u32 s0, $0x1  }
0xb: {  	s11 =	sadd.s32 s2, s11;
	[dreg:$0x14] =	wrdreg s0  }
0xc: {  	s25 =	sadd.s32 $0x100000, s11;
	[dreg:$0x7] =	wrdreg s11  }
0xd: {  	s26 =	sadd.s32 $0x200000, s11;
	[dreg:$0x9] =	wrdreg s25  }
0xe: {  	s2 =	sadd.s32 $0x300000, s11;
	[dreg:$0xa] =	wrdreg s26  }
0xf: {  	s14 =	sadd.s32 $0x1000, s11;
	[dreg:$0xb] =	wrdreg s2  }
0x10: {  	s15 =	sadd.s32 $0x101000, s11;
	[dreg:$0xc] =	wrdreg s14  }
0x11: {  	s16 =	sadd.s32 $0x201000, s11;
	[dreg:$0xd] =	wrdreg s15  }
0x12: {  	s17 =	sadd.s32 $0x301000, s11;
	[dreg:$0xe] =	wrdreg s16  }
0x13: {  	s5 =	ssub.s32 $0x2, s4;
	s18 =	sadd.s32 $0x2000, s11;
	[dreg:$0xf] =	wrdreg s17  }
0x14: {  	s23 =	sshrl.u32 s5, $0x1;
	s21 =	sadd.s32 $0x102000, s11;
	[dreg:$0x10] =	wrdreg s18  }
0x15: {  	s10 =	ssub.s32 s5, s23;
	s22 =	sadd.s32 $0x202000, s11;
	[dreg:$0x11] =	wrdreg s21  }
0x16: {  	s23 =	smax.u32 s10, $0x1;
	[dreg:$0x12] =	wrdreg s22  }
0x17: {  	s24 =	sadd.s32 $0x302000, s11;
	[dreg:$0x13] =	wrdreg s23  }
0x18: {  	p0 =	seq.s32 s6, $0x0;
	s4 =	sadd.s32 $0x303000, s11;
	[dreg:$0x15] =	wrdreg s24  }
0x19: {  	s5 =	sshll.u32 s6, $0x8;
	s6 =	sadd.s32 $0x4000, s11;
	[dreg:$0x19] =	wrdreg s4  }
0x1a: {  	s10 =	sadd.s32 $0x104000, s11;
	[dreg:$0x1a] =	wrdreg s6  }
0x1b: {  	s13 =	sadd.s32 $0x204000, s11;
	[dreg:$0x1b] =	wrdreg s10  }
0x1c: {  	s19 =	sadd.s32 $0x6000, s11;
	[dreg:$0x1c] =	wrdreg s13  }
0x1d: {  	s28 =	simm.s32 $0x16C00;
	s20 =	sadd.s32 $0x106000, s11;
	[smem:$0x7F6] =	sst s19  }
0x1e: {  	s29 =	simm.s32 $0x17400;
	s25 =	sadd.s32 $0x3000, s11;
	[smem:$0x7F7] =	sst s20  }
0x1f: {  	s30 =	simm.s32 $0x17C00;
	s26 =	sadd.s32 $0x103000, s11;
	[dreg:$0x16] =	wrdreg s25  }
0x20: {  	s31 =	simm.s32 $0x18400;
	s2 =	sadd.s32 $0x203000, s11;
	[dreg:$0x17] =	wrdreg s26  }
0x21: {  	s8 =	sadd.s32 $0x200, s1;
	s14 =	sadd.s32 $0x304000, s11;
	[dreg:$0x18] =	wrdreg s2  }
0x22: {  	s9 =	sadd.s32 $0x300, s1;
	s15 =	sadd.s32 $0x5000, s11;
	[dreg:$0x1d] =	wrdreg s14  }
0x23: {  	s7 =	sadd.s32 $0x100, s1;
	s16 =	sadd.s32 $0x105000, s11;
	[dreg:$0x1e] =	wrdreg s15  }
0x24: {  	s12 =	sor.u32 $0x2000, s5;
	s17 =	sadd.s32 $0x205000, s11;
	[dreg:$0x1f] =	wrdreg s16  }
0x25: {  	s0 =	simm.s32 $0x18C00;
	s18 =	sadd.s32 $0x305000, s11;
	[smem:$0x7F4] =	sst s17  }
0x26: {  	s21 =	sadd.s32 $0x206000, s11;
	s22 =	sadd.s32 $0x306000, s11;
	[smem:$0x7F5] =	sst s18  }
0x27: {  	s23 =	sadd.s32 $0x7000, s11;
	s24 =	sadd.s32 $0x107000, s11;
	[smem:$0x7F8] =	sst s21  }
0x28: {  	s4 =	simm.s32 $0x19C00;
	s6 =	simm.s32 $0x1A400;
	[smem:$0x7F9] =	sst s22  }
0x29: {  	s10 =	simm.s32 $0x1AC00;
	s13 =	simm.s32 $0x1B400;
	[smem:$0x7FA] =	sst s23  }
0x2a: {  	[smem:$0x7FB] =	sst s24;
	s25 =	sadd.s32 $0x207000, s11;
	s26 =	sadd.s32 $0x307000, s11  }
0x2b: {  	s23 =	simm.s32 $0x4400;
	s16 =	simm.s32 $0x3;
	s17 =	simm.s32 $0x4  }
0x2c: {  	v3 =	vlaneseq.u32;
	s18 =	simm.s32 $0x14400;
	s2 =	simm.s32 $0x19400;
	s14 =	simm.s32 $0x1BC00  }
0x2d: {  	v0 =	vimm.s32 $0x0;
	vm0 =	vmmov $0xffff;
	v2 =	vshrl.u32 v3, $0x3;
	s24 =	simm.s32 $0x7;
	s11 =	simm.s32 $0x0;
	[smem:$0x7FC] =	sst s25  }
0x2e: {  	v1 =	vand.u32 $0x7, v3;
	v3 =	vor.u32 $0x8, v3;
	v2 =	vmul.u32 $0x8, v2;
	[smem:$0x7FD] =	sst s26;
	s26 =	simm.s32 $0x4C00;
	s25 =	simm.s32 $0x5  }
.LBB2_1:
0x2f: {  	s15 =	rddreg [dreg:$0x4]  }
0x30: {  	[tilespmem:s3], [sflag:$0x6] =	stream.linear.gather [hbm4b:s15+s3], $0x2000, $0x38;
	[tilespmem:$0x1C400] =	vst v63  }
.Ltmp0:
0x31: {  	s21 =	simm.s32 $0x6;
	(pc) =	sbr.rel @p0 .LBB2_7-.Ltmp0, $4  }
0x32: {  	_ =	swait.ge [sflag:s21], $0x2000  }
0x33: {  	s19 =	simm.s32 $0x2000;
	[sflag:s21] =	ssyncset.done $0x0  }
0x34: {  	s15 =	simm.s32 $0x40;
	s22 =	rddreg [dreg:$0x5];
	[sflag:s21] =	ssyncadd.s32 $0xFFFFE000  }
0x35: {  	v4 =	vimm.s32 $0x0;
	[tilespmem:s19], [sflag:$0x6] =	stream.linear.gather [hbm4b:s22+s3], $0x2000, $0x38;
	[tilespmem:$0x1C400] =	vst v63  }
0x36: {  	s19 =	rddreg [dreg:$0x14]  }
0x37: {  	p2 =	sne.s32 s19, $0x1  }
.Ltmp1:
0x38: {  	_ = 	snop;
	(pc) =	sbr.rel @!p2 .LBB2_3-.Ltmp1, $2  }
0x39: {  	_ =	sdelay $0x2  }
0x3a: {  	v4 =	vld [tilespmem:s15+$0xFFFFFFC0];
	p1 =	por $0x0, $0x0;
	s19 =	sadd.s32 $0xFFFFFFFF, s19  }
0x3b: {  	v8 =	vld [tilespmem:s15+$0xFFFFFFD0]  }
0x3c: {  	v9 =	vld [tilespmem:s15+$0xFFFFFFE0]  }
0x3d: {  	v11 =	vld [tilespmem:s15+$0xFFFFFFF0];
	p2 =	sne.s32 s19, $0x1  }
.Ltmp2:
0x3e: {  	v7 =	vld [tilespmem:s15+$0x0];
	(pc) =	sbr.rel @!p2 .LBB2_6-.Ltmp2, $4  }
0x3f: {  	v5 =	vld [tilespmem:s15+$0x10];
	vm1 =	vne.s32 v4, $0x1  }
0x40: {  	v6 =	vld [tilespmem:s15+$0x20];
	v4 =	vsel vm1, $0x1, v0;
	vm1 =	vne.s32 v8, $0x1  }
0x41: {  	v8 =	vld [tilespmem:s15+$0x30];
	s15 =	sadd.s32 $0x80, s15;
	v10 =	vadd.s32 v4, v0;
	v12 =	vsel vm1, $0x1, v0;
	vm1 =	vne.s32 v9, $0x1  }
0x42: {  	s19 =	sadd.s32 $0xFFFFFFFF, s19;
	p1 =	por $0x1, $0x1;
	v4 =	vld [tilespmem:s15+$0xFFFFFFC0];
	v9 =	vadd.s32 v12, v10;
	v10 =	vsel vm1, $0x1, v0;
	vm1 =	vne.s32 v11, $0x1  }
.LBB2_5:
0x43: {  	p2 =	sne.s32 s19, $0x1;
	v11 =	vld [tilespmem:s15+$0xFFFFFFD0];
	v9 =	vadd.s32 v10, v9;
	v10 =	vsel vm1, $0x1, v0;
	vm1 =	vne.s32 v7, $0x1  }
0x44: {  	v12 =	vld [tilespmem:s15+$0xFFFFFFE0];
	v7 =	vadd.s32 v10, v9;
	v9 =	vsel vm1, $0x1, v0;
	vm1 =	vne.s32 v5, $0x1  }
0x45: {  	v13 =	vld [tilespmem:s15+$0xFFFFFFF0];
	v5 =	vadd.s32 v9, v7;
	v9 =	vsel vm1, $0x1, v0;
	vm1 =	vne.s32 v6, $0x1  }
.Ltmp3:
0x46: {  	v7 =	vld [tilespmem:s15+$0x0];
	v6 =	vadd.s32 v9, v5;
	v9 =	vsel vm1, $0x1, v0;
	vm1 =	vne.s32 v8, $0x1;
	(pc) =	sbr.rel @p2 .LBB2_5-.Ltmp3, $4  }
0x47: {  	vm2 =	vne.s32 v4, $0x1;
	v5 =	vld [tilespmem:s15+$0x10];
	v4 =	vadd.s32 v9, v6;
	v8 =	vsel vm1, $0x1, v0  }
0x48: {  	v9 =	vsel vm2, $0x1, v0;
	vm1 =	vne.s32 v11, $0x1;
	v6 =	vld [tilespmem:s15+$0x20];
	v4 =	vadd.s32 v8, v4  }
0x49: {  	v9 =	vadd.s32 v9, v4;
	v10 =	vsel vm1, $0x1, v0;
	vm1 =	vne.s32 v12, $0x1;
	v8 =	vld [tilespmem:s15+$0x30];
	s15 =	sadd.s32 $0x80, s15  }
0x4a: {  	s19 =	sadd.s32 $0xFFFFFFFF, s19;
	v4 =	vld [tilespmem:s15+$0xFFFFFFC0];
	v9 =	vadd.s32 v10, v9;
	v10 =	vsel vm1, $0x1, v0;
	vm1 =	vne.s32 v13, $0x1  }
.LBB2_6:
0x4b: {  	v9 =	vadd.s32 @p1 v10, v9;
	v10 =	vsel @p1 vm1, $0x1, v0;
	vm1 =	vne.s32 @p1 v7, $0x1  }
0x4c: {  	v7 =	vld [tilespmem:s15+$0xFFFFFFD0];
	v9 =	vadd.s32 @p1 v10, v9;
	v10 =	vsel @p1 vm1, $0x1, v0;
	vm1 =	vne.s32 @p1 v5, $0x1  }
0x4d: {  	v5 =	vld [tilespmem:s15+$0xFFFFFFE0];
	v9 =	vadd.s32 @p1 v10, v9;
	v10 =	vsel @p1 vm1, $0x1, v0;
	vm1 =	vne.s32 @p1 v6, $0x1  }
0x4e: {  	v6 =	vld [tilespmem:s15+$0xFFFFFFF0];
	v9 =	vadd.s32 @p1 v10, v9;
	v10 =	vsel @p1 vm1, $0x1, v0;
	vm1 =	vne.s32 @p1 v8, $0x1  }
0x4f: {  	v59 =	vld [tilespmem:s15+$0x0];
	v9 =	vadd.s32 @p1 v10, v9;
	v10 =	vsel @p1 vm1, $0x1, v0  }
0x50: {  	vm1 =	vne.s32 v4, $0x1;
	v4 =	vld [tilespmem:s15+$0x10];
	v9 =	vadd.s32 @p1 v10, v9  }
0x51: {  	v60 =	vsel vm1, $0x1, v0;
	vm1 =	vne.s32 v7, $0x1;
	v7 =	vld [tilespmem:s15+$0x20];
	v9 =	vpsel p1, v9, v0  }
0x52: {  	v61 =	vsel vm1, $0x1, v0;
	vm1 =	vne.s32 v5, $0x1;
	v5 =	vld [tilespmem:s15+$0x30];
	v9 =	vadd.s32 v60, v9  }
0x53: {  	v62 =	vsel vm1, $0x1, v0;
	vm1 =	vne.s32 v6, $0x1;
	v9 =	vadd.s32 v61, v9  }
0x54: {  	v63 =	vsel vm1, $0x1, v0;
	vm1 =	vne.s32 v59, $0x1;
	v6 =	vadd.s32 v62, v9  }
0x55: {  	v8 =	vsel vm1, $0x1, v0;
	vm1 =	vne.s32 v4, $0x1;
	v6 =	vadd.s32 v63, v6  }
0x56: {  	v4 =	vadd.s32 v8, v6;
	v6 =	vsel vm1, $0x1, v0;
	vm1 =	vne.s32 v7, $0x1  }
0x57: {  	v4 =	vadd.s32 v6, v4;
	v6 =	vsel vm1, $0x1, v0;
	vm1 =	vne.s32 v5, $0x1  }
0x58: {  	v4 =	vadd.s32 v6, v4;
	v5 =	vsel vm1, $0x1, v0  }
0x59: {  	v4 =	vadd.s32 v5, v4  }
.LBB2_7:
0x5a: {  	(xrf0) =	vadd.scan.msk.s32 $0xffff, v4;
	_ =	sdelay $0x5  }
0x5b: {  	s15 =	simm.s32 $0x0;
	v4, _, _ =	vpop (xrf0)  }
0x5c: {  	s19 =	sand.u32 $0x80, s15;
	(v2sf) =	vpush v4, $0xF  }
0x5d: {  	s15 =	sand.u32 $0x70, s15;
	s19 =	sadd.s32 s19, s5  }
0x5e: {  	s15 =	sadd.s32 s15, s19  }
0x5f: {  	v4 =	vld [tilespmem:s15+$0x0];
	_ =	sdelay $0x4  }
0x60: {  	vm1 =	vne.s32 v4, $0x1  }
0x61: {  	v4 =	vsel vm1, $0x1, v0  }
0x62: {  	(xrf0) =	vadd.scan.msk.s32 $0xffff, v4;
	_ =	sdelay $0x4  }
0x63: {  	s22 =	spop (v2sf)  }
0x64: {  	s21 =	simm.s32 $0x10;
	v5, _, _ =	vpop (xrf0);
	s19 =	sadd.s32 $0x1, s22  }
0x65: {  	s20 =	simm.s32 $0x20;
	s15 =	simm.s32 $0x4000;
	(v2sf) =	vpush v5, $0xF;
	s22 =	sand.u32 $0x80, s21;
	v4 =	vadd.s32 s19, v5  }
.LBB2_8:
0x66: {  	p1 =	sne.s32 s20, $0xF0;
	s21 =	sand.u32 $0x70, s21;
	s22 =	sadd.s32 s22, s5;
	v4 =	vnsel vm1, $0x1, v4  }
0x67: {  	s22 =	sadd.s32 s21, s22;
	[tilespmem:s15+$0x0] =	vst v4;
	s21 =	smov.u32 s20  }
0x68: {  	v4 =	vld [tilespmem:s22+$0x0];
	_ =	sdelay $0x4  }
0x69: {  	vm1 =	vne.s32 v4, $0x1  }
0x6a: {  	v4 =	vsel vm1, $0x1, v0  }
0x6b: {  	(xrf0) =	vadd.scan.msk.s32 $0xffff, v4;
	_ =	sdelay $0x2  }
.Ltmp4:
0x6c: {  	(pc) =	sbr.rel @p1 .LBB2_8-.Ltmp4, $4  }
0x6d: {  	_ = 	snop  }
0x6e: {  	s22 =	spop (v2sf)  }
0x6f: {  	v5, _, _ =	vpop (xrf0);
	s19 =	sadd.s32 s19, s22  }
0x70: {  	s20 =	sadd.s32 $0x10, s20;
	s15 =	sadd.s32 $0x10, s15;
	s22 =	sand.u32 $0x80, s21;
	v4 =	vadd.s32 s19, v5;
	(v2sf) =	vpush v5, $0xF  }
0x71: {  	s20 =	sand.u32 $0x70, s21;
	s22 =	sadd.s32 s22, s5;
	v4 =	vnsel vm1, $0x1, v4  }
0x72: {  	s20 =	sadd.s32 s20, s22;
	[tilespmem:s15+$0x0] =	vst v4  }
0x73: {  	v4 =	vld [tilespmem:s20+$0x0];
	_ =	sdelay $0x4  }
0x74: {  	vm1 =	vne.s32 v4, $0x1  }
0x75: {  	v4 =	vsel vm1, $0x1, v0  }
0x76: {  	(xrf0) =	vadd.scan.msk.s32 $0xffff, v4;
	_ =	sdelay $0x4  }
0x77: {  	s22 =	spop (v2sf)  }
0x78: {  	s19 =	sadd.s32 s19, s22;
	v4, _, _ =	vpop (xrf0)  }
0x79: {  	v5 =	vadd.s32 s19, v4  }
0x7a: {  	s20 =	sadd.s32 $0x10, s15;
	v5 =	vnsel vm1, $0x1, v5  }
0x7b: {  	[tilespmem:s20+$0x0] =	vst v5  }
0x7c: {  	v5 =	vld [tilespmem:$0x4000];
	_ =	sdelay $0x4  }
0x7d: {  	v6 =	vshll.u32 v5, $0x3  }
0x7e: {  	v5 =	vand.u32 $0x7, v5;
	v6 =	vand.u32 $0xFFFFFFC0, v6  }
0x7f: {  	v5 =	vor.u32 v5, v6  }
0x80: {  	v6 =	vperm.xlane v5, v1;
	_ =	sdelay $0x1  }
0x81: {  	v6 =	vadd.s32 v2, v6;
	_ =	sdelay $0x4  }
0x82: {  	[tilespmem:s23], [sflag:$0x1] =	stream.indirect_vreg.gather [hbm4b:s1+s3], $0x80, v6, vm0, $0xb8;
	[tilespmem:$0x1C400] =	vst v63  }
0x83: {  	v5 =	vperm.xlane v5, v3  }
0x84: {  	[tilespmem:s26], [sflag:$0x1] =	stream.indirect_vreg.gather [hbm4b:s7+s3], $0x80, v6, vm0, $0xb8;
	[tilespmem:$0x1C400] =	vst v63  }
0x85: {  	s21 =	simm.s32 $0x5400;
	v5 =	vadd.s32 v2, v5  }
0x86: {  	[tilespmem:s21], [sflag:$0x1] =	stream.indirect_vreg.gather [hbm4b:s8+s3], $0x80, v6, vm0, $0xb8;
	[tilespmem:$0x1C400] =	vst v63  }
0x87: {  	s22 =	simm.s32 $0x5C00  }
0x88: {  	[tilespmem:s22], [sflag:$0x1] =	stream.indirect_vreg.gather [hbm4b:s9+s3], $0x80, v6, vm0, $0xb8;
	[tilespmem:$0x1C400] =	vst v63  }
0x89: {  	s23 =	simm.s32 $0x6400  }
0x8a: {  	[tilespmem:s23], [sflag:$0x1] =	stream.indirect_vreg.gather [hbm4b:s1+s3], $0x80, v5, vm0, $0xb8;
	[tilespmem:$0x1C400] =	vst v63  }
0x8b: {  	s26 =	simm.s32 $0x6C00  }
0x8c: {  	[tilespmem:s26], [sflag:$0x1] =	stream.indirect_vreg.gather [hbm4b:s7+s3], $0x80, v5, vm0, $0xb8;
	[tilespmem:$0x1C400] =	vst v63  }
0x8d: {  	s19 =	simm.s32 $0x7400  }
0x8e: {  	[tilespmem:s19], [sflag:$0x1] =	stream.indirect_vreg.gather [hbm4b:s8+s3], $0x80, v5, vm0, $0xb8;
	[tilespmem:$0x1C400] =	vst v63  }
0x8f: {  	s20 =	simm.s32 $0x7C00  }
0x90: {  	[tilespmem:s20], [sflag:$0x1] =	stream.indirect_vreg.gather [hbm4b:s9+s3], $0x80, v5, vm0, $0xb8;
	[tilespmem:$0x1C400] =	vst v63  }
0x91: {  	v5 =	vld [tilespmem:$0x4010];
	_ =	sdelay $0x4  }
0x92: {  	v6 =	vshll.u32 v5, $0x3  }
0x93: {  	v5 =	vand.u32 $0x7, v5;
	v6 =	vand.u32 $0xFFFFFFC0, v6  }
0x94: {  	v5 =	vor.u32 v5, v6  }
0x95: {  	v6 =	vperm.xlane v5, v1;
	_ =	sdelay $0x1  }
0x96: {  	v6 =	vadd.s32 v2, v6;
	_ =	sdelay $0x3  }
0x97: {  	s21 =	simm.s32 $0x8400  }
0x98: {  	(v2sf) =	vpush v4, $0xF;
	[tilespmem:s21], [sflag:$0x1] =	stream.indirect_vreg.gather [hbm4b:s1+s3], $0x80, v6, vm0, $0xb8;
	[tilespmem:$0x1C400] =	vst v63  }
0x99: {  	s22 =	simm.s32 $0x8C00;
	v4 =	vperm.xlane v5, v3  }
0x9a: {  	[tilespmem:s22], [sflag:$0x1] =	stream.indirect_vreg.gather [hbm4b:s7+s3], $0x80, v6, vm0, $0xb8;
	[tilespmem:$0x1C400] =	vst v63  }
0x9b: {  	s23 =	simm.s32 $0x9400;
	v4 =	vadd.s32 v2, v4  }
0x9c: {  	[tilespmem:s23], [sflag:$0x1] =	stream.indirect_vreg.gather [hbm4b:s8+s3], $0x80, v6, vm0, $0xb8;
	[tilespmem:$0x1C400] =	vst v63  }
0x9d: {  	s26 =	simm.s32 $0x9C00  }
0x9e: {  	[tilespmem:s26], [sflag:$0x1] =	stream.indirect_vreg.gather [hbm4b:s9+s3], $0x80, v6, vm0, $0xb8;
	[tilespmem:$0x1C400] =	vst v63  }
0x9f: {  	s19 =	simm.s32 $0xA400  }
0xa0: {  	[tilespmem:s19], [sflag:$0x1] =	stream.indirect_vreg.gather [hbm4b:s1+s3], $0x80, v4, vm0, $0xb8;
	[tilespmem:$0x1C400] =	vst v63  }
0xa1: {  	s20 =	simm.s32 $0xAC00  }
0xa2: {  	[tilespmem:s20], [sflag:$0x1] =	stream.indirect_vreg.gather [hbm4b:s7+s3], $0x80, v4, vm0, $0xb8;
	[tilespmem:$0x1C400] =	vst v63  }
0xa3: {  	s21 =	simm.s32 $0xB400  }
0xa4: {  	[tilespmem:s21], [sflag:$0x1] =	stream.indirect_vreg.gather [hbm4b:s8+s3], $0x80, v4, vm0, $0xb8;
	[tilespmem:$0x1C400] =	vst v63  }
0xa5: {  	s15 =	simm.s32 $0xBC00  }
0xa6: {  	[tilespmem:s15], [sflag:$0x1] =	stream.indirect_vreg.gather [hbm4b:s9+s3], $0x80, v4, vm0, $0xb8;
	[tilespmem:$0x1C400] =	vst v63  }
.Ltmp5:
0xa7: {  	s22 =	spop (v2sf);
	s23 =	simm.s32 $0x6;
	(pc) =	sbr.rel @p0 .LBB2_15-.Ltmp5, $4  }
0xa8: {  	_ =	swait.ge [sflag:s23], $0x2000  }
0xa9: {  	[sflag:s23] =	ssyncset.done $0x0  }
0xaa: {  	s15 =	simm.s32 $0x2040;
	s26 =	rddreg [dreg:$0x6];
	[sflag:s23] =	ssyncadd.s32 $0xFFFFE000  }
0xab: {  	v4 =	vimm.s32 $0x0;
	[tilespmem:s3], [sflag:$0x6] =	stream.linear.gather [hbm4b:s26+s3], $0x2000, $0x38;
	[tilespmem:$0x1C400] =	vst v63  }
0xac: {  	s19 =	rddreg [dreg:$0x14]  }
0xad: {  	p2 =	sne.s32 s19, $0x1  }
.Ltmp6:
0xae: {  	_ = 	snop;
	(pc) =	sbr.rel @!p2 .LBB2_11-.Ltmp6, $2  }
0xaf: {  	_ =	sdelay $0x2  }
0xb0: {  	v5 =	vld [tilespmem:s15+$0xFFFFFFC0];
	p1 =	por $0x0, $0x0;
	s19 =	sadd.s32 $0xFFFFFFFF, s19  }
0xb1: {  	v9 =	vld [tilespmem:s15+$0xFFFFFFD0]  }
0xb2: {  	v10 =	vld [tilespmem:s15+$0xFFFFFFE0]  }
0xb3: {  	v12 =	vld [tilespmem:s15+$0xFFFFFFF0];
	p2 =	sne.s32 s19, $0x1  }
.Ltmp7:
0xb4: {  	v8 =	vld [tilespmem:s15+$0x0];
	(pc) =	sbr.rel @!p2 .LBB2_14-.Ltmp7, $4  }
0xb5: {  	v6 =	vld [tilespmem:s15+$0x10];
	vm1 =	vne.s32 v5, $0x1  }
0xb6: {  	v7 =	vld [tilespmem:s15+$0x20];
	v5 =	vsel vm1, $0x1, v0;
	vm1 =	vne.s32 v9, $0x1  }
0xb7: {  	v9 =	vld [tilespmem:s15+$0x30];
	s15 =	sadd.s32 $0x80, s15;
	v11 =	vadd.s32 v5, v4;
	v13 =	vsel vm1, $0x1, v0;
	vm1 =	vne.s32 v10, $0x1  }
0xb8: {  	s19 =	sadd.s32 $0xFFFFFFFF, s19;
	p1 =	por $0x1, $0x1;
	v5 =	vld [tilespmem:s15+$0xFFFFFFC0];
	v10 =	vadd.s32 v13, v11;
	v11 =	vsel vm1, $0x1, v0;
	vm1 =	vne.s32 v12, $0x1  }
.LBB2_13:
0xb9: {  	p2 =	sne.s32 s19, $0x1;
	v12 =	vld [tilespmem:s15+$0xFFFFFFD0];
	v10 =	vadd.s32 v11, v10;
	v11 =	vsel vm1, $0x1, v0;
	vm1 =	vne.s32 v8, $0x1  }
0xba: {  	v13 =	vld [tilespmem:s15+$0xFFFFFFE0];
	v8 =	vadd.s32 v11, v10;
	v10 =	vsel vm1, $0x1, v0;
	vm1 =	vne.s32 v6, $0x1  }
0xbb: {  	v14 =	vld [tilespmem:s15+$0xFFFFFFF0];
	v6 =	vadd.s32 v10, v8;
	v10 =	vsel vm1, $0x1, v0;
	vm1 =	vne.s32 v7, $0x1  }
.Ltmp8:
0xbc: {  	v8 =	vld [tilespmem:s15+$0x0];
	v7 =	vadd.s32 v10, v6;
	v10 =	vsel vm1, $0x1, v0;
	vm1 =	vne.s32 v9, $0x1;
	(pc) =	sbr.rel @p2 .LBB2_13-.Ltmp8, $4  }
0xbd: {  	vm2 =	vne.s32 v5, $0x1;
	v6 =	vld [tilespmem:s15+$0x10];
	v5 =	vadd.s32 v10, v7;
	v9 =	vsel vm1, $0x1, v0  }
0xbe: {  	v10 =	vsel vm2, $0x1, v0;
	vm1 =	vne.s32 v12, $0x1;
	v7 =	vld [tilespmem:s15+$0x20];
	v5 =	vadd.s32 v9, v5  }
0xbf: {  	v10 =	vadd.s32 v10, v5;
	v11 =	vsel vm1, $0x1, v0;
	vm1 =	vne.s32 v13, $0x1;
	v9 =	vld [tilespmem:s15+$0x30];
	s15 =	sadd.s32 $0x80, s15  }
0xc0: {  	s19 =	sadd.s32 $0xFFFFFFFF, s19;
	v5 =	vld [tilespmem:s15+$0xFFFFFFC0];
	v10 =	vadd.s32 v11, v10;
	v11 =	vsel vm1, $0x1, v0;
	vm1 =	vne.s32 v14, $0x1  }
.LBB2_14:
0xc1: {  	v10 =	vadd.s32 @p1 v11, v10;
	v11 =	vsel @p1 vm1, $0x1, v0;
	vm1 =	vne.s32 @p1 v8, $0x1  }
0xc2: {  	v58 =	vld [tilespmem:s15+$0xFFFFFFD0];
	v10 =	vadd.s32 @p1 v11, v10;
	v11 =	vsel @p1 vm1, $0x1, v0;
	vm1 =	vne.s32 @p1 v6, $0x1  }
0xc3: {  	v6 =	vld [tilespmem:s15+$0xFFFFFFE0];
	v10 =	vadd.s32 @p1 v11, v10;
	v11 =	vsel @p1 vm1, $0x1, v0;
	vm1 =	vne.s32 @p1 v7, $0x1  }
0xc4: {  	v7 =	vld [tilespmem:s15+$0xFFFFFFF0];
	v10 =	vadd.s32 @p1 v11, v10;
	v11 =	vsel @p1 vm1, $0x1, v0;
	vm1 =	vne.s32 @p1 v9, $0x1  }
0xc5: {  	v59 =	vld [tilespmem:s15+$0x0];
	v10 =	vadd.s32 @p1 v11, v10;
	v11 =	vsel @p1 vm1, $0x1, v0  }
0xc6: {  	vm1 =	vne.s32 v5, $0x1;
	v5 =	vld [tilespmem:s15+$0x10];
	v10 =	vadd.s32 @p1 v11, v10  }
0xc7: {  	v61 =	vld [tilespmem:s15+$0x20];
	v60 =	vsel vm1, $0x1, v0;
	vm1 =	vne.s32 v58, $0x1;
	v4 =	vpsel p1, v10, v4  }
0xc8: {  	v62 =	vsel vm1, $0x1, v0;
	vm1 =	vne.s32 v6, $0x1;
	v6 =	vld [tilespmem:s15+$0x30];
	v4 =	vadd.s32 v60, v4  }
0xc9: {  	v63 =	vsel vm1, $0x1, v0;
	vm1 =	vne.s32 v7, $0x1;
	v4 =	vadd.s32 v62, v4  }
0xca: {  	v7 =	vsel vm1, $0x1, v0;
	vm1 =	vne.s32 v59, $0x1;
	v4 =	vadd.s32 v63, v4  }
0xcb: {  	v4 =	vadd.s32 v7, v4;
	v7 =	vsel vm1, $0x1, v0;
	vm1 =	vne.s32 v5, $0x1  }
0xcc: {  	v4 =	vadd.s32 v7, v4;
	v5 =	vsel vm1, $0x1, v0;
	vm1 =	vne.s32 v61, $0x1  }
0xcd: {  	v4 =	vadd.s32 v5, v4;
	v5 =	vsel vm1, $0x1, v0;
	vm1 =	vne.s32 v6, $0x1  }
0xce: {  	v4 =	vadd.s32 v5, v4;
	v5 =	vsel vm1, $0x1, v0  }
0xcf: {  	v4 =	vadd.s32 v5, v4  }
.LBB2_15:
0xd0: {  	(xrf0) =	vadd.scan.msk.s32 $0xffff, v4;
	_ =	sdelay $0x5  }
0xd1: {  	s15 =	simm.s32 $0x0;
	v4, _, _ =	vpop (xrf0)  }
0xd2: {  	s19 =	sand.u32 $0x80, s15;
	(v2sf) =	vpush v4, $0xF  }
0xd3: {  	s20 =	sand.u32 $0x70, s15;
	s23 =	sadd.s32 s19, s12  }
0xd4: {  	s15 =	sadd.s32 s20, s23  }
0xd5: {  	v4 =	vld [tilespmem:s15+$0x0];
	_ =	sdelay $0x4  }
0xd6: {  	vm1 =	vne.s32 v4, $0x1  }
0xd7: {  	v4 =	vsel vm1, $0x1, v0  }
0xd8: {  	(xrf0) =	vadd.scan.msk.s32 $0xffff, v4;
	_ =	sdelay $0x4  }
0xd9: {  	s26 =	spop (v2sf)  }
0xda: {  	s21 =	simm.s32 $0x10;
	v5, _, _ =	vpop (xrf0);
	s15 =	sadd.s32 $0x1, s26  }
0xdb: {  	s22 =	sand.u32 $0x80, s21;
	(v2sf) =	vpush v5, $0xF;
	s26 =	sand.u32 $0x70, s21;
	s21 =	simm.s32 $0x20;
	v4 =	vadd.s32 s15, v5  }
.LBB2_16:
0xdc: {  	p1 =	sne.s32 s21, $0xF0;
	s23 =	sadd.s32 s22, s12;
	v4 =	vnsel vm1, $0x1, v4;
	s19 =	sor.u32 s20, s19  }
0xdd: {  	s20 =	smov.u32 s26;
	s23 =	sadd.s32 s26, s23;
	[tilespmem:s19+$0x4100] =	vst v4;
	s19 =	smov.u32 s22  }
0xde: {  	v4 =	vld [tilespmem:s23+$0x0];
	_ =	sdelay $0x4  }
0xdf: {  	vm1 =	vne.s32 v4, $0x1  }
0xe0: {  	v4 =	vsel vm1, $0x1, v0  }
0xe1: {  	(xrf0) =	vadd.scan.msk.s32 $0xffff, v4;
	_ =	sdelay $0x2  }
.Ltmp9:
0xe2: {  	(pc) =	sbr.rel @p1 .LBB2_16-.Ltmp9, $4  }
0xe3: {  	_ = 	snop  }
0xe4: {  	s22 =	spop (v2sf)  }
0xe5: {  	v5, _, _ =	vpop (xrf0);
	s15 =	sadd.s32 s15, s22  }
0xe6: {  	s26 =	sand.u32 $0x70, s21;
	s22 =	sand.u32 $0x80, s21;
	s21 =	sadd.s32 $0x10, s21;
	v4 =	vadd.s32 s15, v5;
	(v2sf) =	vpush v5, $0xF  }
0xe7: {  	s21 =	sadd.s32 s22, s12;
	v4 =	vnsel vm1, $0x1, v4;
	s19 =	sor.u32 s20, s19  }
0xe8: {  	s23 =	sadd.s32 s26, s21;
	[tilespmem:s19+$0x4100] =	vst v4  }
0xe9: {  	v4 =	vld [tilespmem:s23+$0x0];
	_ =	sdelay $0x4  }
0xea: {  	vm1 =	vne.s32 v4, $0x1  }
0xeb: {  	v4 =	vsel vm1, $0x1, v0  }
0xec: {  	(xrf0) =	vadd.scan.msk.s32 $0xffff, v4;
	_ =	sdelay $0x5  }
0xed: {  	v4, _, _ =	vpop (xrf0)  }
0xee: {  	(v2sf) =	vpush v4, $0xF;
	_ =	sdelay $0xa  }
0xef: {  	s20 =	spop (v2sf)  }
0xf0: {  	s15 =	sadd.s32 s15, s20  }
0xf1: {  	v4 =	vadd.s32 s15, v4  }
0xf2: {  	s21 =	sor.u32 s26, s22;
	v4 =	vnsel vm1, $0x1, v4  }
.Ltmp10:
0xf3: {  	s15 =	simm.s32 $0x6;
	[tilespmem:s21+$0x4100] =	vst v4;
	s22 =	spop (v2sf);
	(pc) =	sbr.rel @p0 .LBB2_23-.Ltmp10, $4  }
0xf4: {  	_ =	swait.ge [sflag:s15], $0x2000  }
0xf5: {  	s26 =	simm.s32 $0x2000;
	[sflag:s15] =	ssyncset.done $0x0  }
0xf6: {  	s23 =	rddreg [dreg:$0x8];
	[sflag:s15] =	ssyncadd.s32 $0xFFFFE000;
	s15 =	simm.s32 $0x40  }
0xf7: {  	v4 =	vimm.s32 $0x0;
	[tilespmem:s26], [sflag:$0x6] =	stream.linear.gather [hbm4b:s23+s3], $0x2000, $0x38;
	[tilespmem:$0x1C400] =	vst v63  }
0xf8: {  	s19 =	rddreg [dreg:$0x14]  }
0xf9: {  	p2 =	sne.s32 s19, $0x1  }
.Ltmp11:
0xfa: {  	_ = 	snop;
	(pc) =	sbr.rel @!p2 .LBB2_19-.Ltmp11, $2  }
0xfb: {  	_ =	sdelay $0x2  }
0xfc: {  	v5 =	vld [tilespmem:s15+$0xFFFFFFC0];
	p1 =	por $0x0, $0x0;
	s19 =	sadd.s32 $0xFFFFFFFF, s19  }
0xfd: {  	v9 =	vld [tilespmem:s15+$0xFFFFFFD0]  }
0xfe: {  	v10 =	vld [tilespmem:s15+$0xFFFFFFE0]  }
0xff: {  	v12 =	vld [tilespmem:s15+$0xFFFFFFF0];
	p2 =	sne.s32 s19, $0x1  }
.Ltmp12:
0x100: {  	v8 =	vld [tilespmem:s15+$0x0];
	(pc) =	sbr.rel @!p2 .LBB2_22-.Ltmp12, $4  }
0x101: {  	v6 =	vld [tilespmem:s15+$0x10];
	vm1 =	vne.s32 v5, $0x1  }
0x102: {  	v7 =	vld [tilespmem:s15+$0x20];
	v5 =	vsel vm1, $0x1, v0;
	vm1 =	vne.s32 v9, $0x1  }
0x103: {  	v9 =	vld [tilespmem:s15+$0x30];
	s15 =	sadd.s32 $0x80, s15;
	v11 =	vadd.s32 v5, v4;
	v13 =	vsel vm1, $0x1, v0;
	vm1 =	vne.s32 v10, $0x1  }
0x104: {  	s19 =	sadd.s32 $0xFFFFFFFF, s19;
	p1 =	por $0x1, $0x1;
	v5 =	vld [tilespmem:s15+$0xFFFFFFC0];
	v10 =	vadd.s32 v13, v11;
	v11 =	vsel vm1, $0x1, v0;
	vm1 =	vne.s32 v12, $0x1  }
.LBB2_21:
0x105: {  	p2 =	sne.s32 s19, $0x1;
	v12 =	vld [tilespmem:s15+$0xFFFFFFD0];
	v10 =	vadd.s32 v11, v10;
	v11 =	vsel vm1, $0x1, v0;
	vm1 =	vne.s32 v8, $0x1  }
0x106: {  	v13 =	vld [tilespmem:s15+$0xFFFFFFE0];
	v8 =	vadd.s32 v11, v10;
	v10 =	vsel vm1, $0x1, v0;
	vm1 =	vne.s32 v6, $0x1  }
0x107: {  	v14 =	vld [tilespmem:s15+$0xFFFFFFF0];
	v6 =	vadd.s32 v10, v8;
	v10 =	vsel vm1, $0x1, v0;
	vm1 =	vne.s32 v7, $0x1  }
.Ltmp13:
0x108: {  	v8 =	vld [tilespmem:s15+$0x0];
	v7 =	vadd.s32 v10, v6;
	v10 =	vsel vm1, $0x1, v0;
	vm1 =	vne.s32 v9, $0x1;
	(pc) =	sbr.rel @p2 .LBB2_21-.Ltmp13, $4  }
0x109: {  	vm2 =	vne.s32 v5, $0x1;
	v6 =	vld [tilespmem:s15+$0x10];
	v5 =	vadd.s32 v10, v7;
	v9 =	vsel vm1, $0x1, v0  }
0x10a: {  	v10 =	vsel vm2, $0x1, v0;
	vm1 =	vne.s32 v12, $0x1;
	v7 =	vld [tilespmem:s15+$0x20];
	v5 =	vadd.s32 v9, v5  }
0x10b: {  	v10 =	vadd.s32 v10, v5;
	v11 =	vsel vm1, $0x1, v0;
	vm1 =	vne.s32 v13, $0x1;
	v9 =	vld [tilespmem:s15+$0x30];
	s15 =	sadd.s32 $0x80, s15  }
0x10c: {  	s19 =	sadd.s32 $0xFFFFFFFF, s19;
	v5 =	vld [tilespmem:s15+$0xFFFFFFC0];
	v10 =	vadd.s32 v11, v10;
	v11 =	vsel vm1, $0x1, v0;
	vm1 =	vne.s32 v14, $0x1  }
.LBB2_22:
0x10d: {  	v10 =	vadd.s32 @p1 v11, v10;
	v11 =	vsel @p1 vm1, $0x1, v0;
	vm1 =	vne.s32 @p1 v8, $0x1  }
0x10e: {  	v58 =	vld [tilespmem:s15+$0xFFFFFFD0];
	v10 =	vadd.s32 @p1 v11, v10;
	v11 =	vsel @p1 vm1, $0x1, v0;
	vm1 =	vne.s32 @p1 v6, $0x1  }
0x10f: {  	v6 =	vld [tilespmem:s15+$0xFFFFFFE0];
	v10 =	vadd.s32 @p1 v11, v10;
	v11 =	vsel @p1 vm1, $0x1, v0;
	vm1 =	vne.s32 @p1 v7, $0x1  }
0x110: {  	v7 =	vld [tilespmem:s15+$0xFFFFFFF0];
	v10 =	vadd.s32 @p1 v11, v10;
	v11 =	vsel @p1 vm1, $0x1, v0;
	vm1 =	vne.s32 @p1 v9, $0x1  }
0x111: {  	v59 =	vld [tilespmem:s15+$0x0];
	v10 =	vadd.s32 @p1 v11, v10;
	v11 =	vsel @p1 vm1, $0x1, v0  }
0x112: {  	vm1 =	vne.s32 v5, $0x1;
	v5 =	vld [tilespmem:s15+$0x10];
	v10 =	vadd.s32 @p1 v11, v10  }
0x113: {  	v61 =	vld [tilespmem:s15+$0x20];
	v60 =	vsel vm1, $0x1, v0;
	vm1 =	vne.s32 v58, $0x1;
	v4 =	vpsel p1, v10, v4  }
0x114: {  	v62 =	vsel vm1, $0x1, v0;
	vm1 =	vne.s32 v6, $0x1;
	v6 =	vld [tilespmem:s15+$0x30];
	v4 =	vadd.s32 v60, v4  }
0x115: {  	v63 =	vsel vm1, $0x1, v0;
	vm1 =	vne.s32 v7, $0x1;
	v4 =	vadd.s32 v62, v4  }
0x116: {  	v7 =	vsel vm1, $0x1, v0;
	vm1 =	vne.s32 v59, $0x1;
	v4 =	vadd.s32 v63, v4  }
0x117: {  	v4 =	vadd.s32 v7, v4;
	v7 =	vsel vm1, $0x1, v0;
	vm1 =	vne.s32 v5, $0x1  }
0x118: {  	v4 =	vadd.s32 v7, v4;
	v5 =	vsel vm1, $0x1, v0;
	vm1 =	vne.s32 v61, $0x1  }
0x119: {  	v4 =	vadd.s32 v5, v4;
	v5 =	vsel vm1, $0x1, v0;
	vm1 =	vne.s32 v6, $0x1  }
0x11a: {  	v4 =	vadd.s32 v5, v4;
	v5 =	vsel vm1, $0x1, v0  }
0x11b: {  	v4 =	vadd.s32 v5, v4  }
.LBB2_23:
0x11c: {  	(xrf0) =	vadd.scan.msk.s32 $0xffff, v4;
	_ =	sdelay $0x5  }
0x11d: {  	s15 =	simm.s32 $0x0;
	v4, _, _ =	vpop (xrf0)  }
0x11e: {  	s19 =	sand.u32 $0x80, s15;
	(v2sf) =	vpush v4, $0xF  }
0x11f: {  	s20 =	sand.u32 $0x70, s15;
	s23 =	sadd.s32 s19, s5  }
0x120: {  	s15 =	sadd.s32 s20, s23  }
0x121: {  	v4 =	vld [tilespmem:s15+$0x0];
	_ =	sdelay $0x4  }
0x122: {  	vm1 =	vne.s32 v4, $0x1  }
0x123: {  	v4 =	vsel vm1, $0x1, v0  }
0x124: {  	(xrf0) =	vadd.scan.msk.s32 $0xffff, v4;
	_ =	sdelay $0x4  }
0x125: {  	s26 =	spop (v2sf)  }
0x126: {  	s21 =	simm.s32 $0x10;
	v5, _, _ =	vpop (xrf0);
	s15 =	sadd.s32 $0x1, s26  }
0x127: {  	s22 =	sand.u32 $0x80, s21;
	(v2sf) =	vpush v5, $0xF;
	s26 =	sand.u32 $0x70, s21;
	s21 =	simm.s32 $0x20;
	v4 =	vadd.s32 s15, v5  }
.LBB2_24:
0x128: {  	p1 =	sne.s32 s21, $0xF0;
	s23 =	sadd.s32 s22, s5;
	v4 =	vnsel vm1, $0x1, v4;
	s19 =	sor.u32 s20, s19  }
0x129: {  	s20 =	smov.u32 s26;
	s23 =	sadd.s32 s26, s23;
	[tilespmem:s19+$0x4200] =	vst v4;
	s19 =	smov.u32 s22  }
0x12a: {  	v4 =	vld [tilespmem:s23+$0x0];
	_ =	sdelay $0x4  }
0x12b: {  	vm1 =	vne.s32 v4, $0x1  }
0x12c: {  	v4 =	vsel vm1, $0x1, v0  }
0x12d: {  	(xrf0) =	vadd.scan.msk.s32 $0xffff, v4;
	_ =	sdelay $0x2  }
.Ltmp14:
0x12e: {  	(pc) =	sbr.rel @p1 .LBB2_24-.Ltmp14, $4  }
0x12f: {  	_ = 	snop  }
0x130: {  	s22 =	spop (v2sf)  }
0x131: {  	v5, _, _ =	vpop (xrf0);
	s15 =	sadd.s32 s15, s22  }
0x132: {  	s26 =	sand.u32 $0x70, s21;
	s22 =	sand.u32 $0x80, s21;
	s21 =	sadd.s32 $0x10, s21;
	v4 =	vadd.s32 s15, v5;
	(v2sf) =	vpush v5, $0xF  }
0x133: {  	s21 =	sadd.s32 s22, s5;
	v4 =	vnsel vm1, $0x1, v4;
	s19 =	sor.u32 s20, s19  }
0x134: {  	s23 =	sadd.s32 s26, s21;
	[tilespmem:s19+$0x4200] =	vst v4  }
0x135: {  	v4 =	vld [tilespmem:s23+$0x0];
	_ =	sdelay $0x4  }
0x136: {  	vm1 =	vne.s32 v4, $0x1  }
0x137: {  	v4 =	vsel vm1, $0x1, v0  }
0x138: {  	(xrf0) =	vadd.scan.msk.s32 $0xffff, v4;
	_ =	sdelay $0x5  }
0x139: {  	v4, _, _ =	vpop (xrf0)  }
0x13a: {  	(v2sf) =	vpush v4, $0xF;
	_ =	sdelay $0xa  }
0x13b: {  	s21 =	spop (v2sf)  }
0x13c: {  	s15 =	sadd.s32 s15, s21  }
0x13d: {  	v4 =	vadd.s32 s15, v4  }
.Ltmp15:
0x13e: {  	s23 =	sor.u32 s26, s22;
	v4 =	vnsel vm1, $0x1, v4;
	(pc) =	sbr.rel @p0 .LBB2_31-.Ltmp15, $4  }
0x13f: {  	s15 =	simm.s32 $0x6;
	[tilespmem:s23+$0x4200] =	vst v4;
	s26 =	spop (v2sf)  }
0x140: {  	_ =	swait.ge [sflag:s15], $0x2000  }
0x141: {  	[sflag:s15] =	ssyncset.done $0x0  }
0x142: {  	v4 =	vimm.s32 $0x0;
	[sflag:s15] =	ssyncadd.s32 $0xFFFFE000;
	s15 =	simm.s32 $0x2040  }
0x143: {  	s19 =	rddreg [dreg:$0x14]  }
0x144: {  	p2 =	sne.s32 s19, $0x1  }
.Ltmp16:
0x145: {  	_ = 	snop;
	(pc) =	sbr.rel @!p2 .LBB2_27-.Ltmp16, $2  }
0x146: {  	_ =	sdelay $0x2  }
0x147: {  	v5 =	vld [tilespmem:s15+$0xFFFFFFC0];
	p1 =	por $0x0, $0x0;
	s19 =	sadd.s32 $0xFFFFFFFF, s19  }
0x148: {  	v9 =	vld [tilespmem:s15+$0xFFFFFFD0]  }
0x149: {  	v10 =	vld [tilespmem:s15+$0xFFFFFFE0]  }
0x14a: {  	v12 =	vld [tilespmem:s15+$0xFFFFFFF0];
	p2 =	sne.s32 s19, $0x1  }
.Ltmp17:
0x14b: {  	v8 =	vld [tilespmem:s15+$0x0];
	(pc) =	sbr.rel @!p2 .LBB2_30-.Ltmp17, $4  }
0x14c: {  	v6 =	vld [tilespmem:s15+$0x10];
	vm1 =	vne.s32 v5, $0x1  }
0x14d: {  	v7 =	vld [tilespmem:s15+$0x20];
	v5 =	vsel vm1, $0x1, v0;
	vm1 =	vne.s32 v9, $0x1  }
0x14e: {  	v9 =	vld [tilespmem:s15+$0x30];
	s15 =	sadd.s32 $0x80, s15;
	v11 =	vadd.s32 v5, v4;
	v13 =	vsel vm1, $0x1, v0;
	vm1 =	vne.s32 v10, $0x1  }
0x14f: {  	s19 =	sadd.s32 $0xFFFFFFFF, s19;
	p1 =	por $0x1, $0x1;
	v5 =	vld [tilespmem:s15+$0xFFFFFFC0];
	v10 =	vadd.s32 v13, v11;
	v11 =	vsel vm1, $0x1, v0;
	vm1 =	vne.s32 v12, $0x1  }
.LBB2_29:
0x150: {  	p2 =	sne.s32 s19, $0x1;
	v12 =	vld [tilespmem:s15+$0xFFFFFFD0];
	v10 =	vadd.s32 v11, v10;
	v11 =	vsel vm1, $0x1, v0;
	vm1 =	vne.s32 v8, $0x1  }
0x151: {  	v13 =	vld [tilespmem:s15+$0xFFFFFFE0];
	v8 =	vadd.s32 v11, v10;
	v10 =	vsel vm1, $0x1, v0;
	vm1 =	vne.s32 v6, $0x1  }
0x152: {  	v14 =	vld [tilespmem:s15+$0xFFFFFFF0];
	v6 =	vadd.s32 v10, v8;
	v10 =	vsel vm1, $0x1, v0;
	vm1 =	vne.s32 v7, $0x1  }
.Ltmp18:
0x153: {  	v8 =	vld [tilespmem:s15+$0x0];
	v7 =	vadd.s32 v10, v6;
	v10 =	vsel vm1, $0x1, v0;
	vm1 =	vne.s32 v9, $0x1;
	(pc) =	sbr.rel @p2 .LBB2_29-.Ltmp18, $4  }
0x154: {  	vm2 =	vne.s32 v5, $0x1;
	v6 =	vld [tilespmem:s15+$0x10];
	v5 =	vadd.s32 v10, v7;
	v9 =	vsel vm1, $0x1, v0  }
0x155: {  	v10 =	vsel vm2, $0x1, v0;
	vm1 =	vne.s32 v12, $0x1;
	v7 =	vld [tilespmem:s15+$0x20];
	v5 =	vadd.s32 v9, v5  }
0x156: {  	v10 =	vadd.s32 v10, v5;
	v11 =	vsel vm1, $0x1, v0;
	vm1 =	vne.s32 v13, $0x1;
	v9 =	vld [tilespmem:s15+$0x30];
	s15 =	sadd.s32 $0x80, s15  }
0x157: {  	s19 =	sadd.s32 $0xFFFFFFFF, s19;
	v5 =	vld [tilespmem:s15+$0xFFFFFFC0];
	v10 =	vadd.s32 v11, v10;
	v11 =	vsel vm1, $0x1, v0;
	vm1 =	vne.s32 v14, $0x1  }
.LBB2_30:
0x158: {  	v10 =	vadd.s32 @p1 v11, v10;
	v11 =	vsel @p1 vm1, $0x1, v0;
	vm1 =	vne.s32 @p1 v8, $0x1  }
0x159: {  	v58 =	vld [tilespmem:s15+$0xFFFFFFD0];
	v10 =	vadd.s32 @p1 v11, v10;
	v11 =	vsel @p1 vm1, $0x1, v0;
	vm1 =	vne.s32 @p1 v6, $0x1  }
0x15a: {  	v6 =	vld [tilespmem:s15+$0xFFFFFFE0];
	v10 =	vadd.s32 @p1 v11, v10;
	v11 =	vsel @p1 vm1, $0x1, v0;
	vm1 =	vne.s32 @p1 v7, $0x1  }
0x15b: {  	v7 =	vld [tilespmem:s15+$0xFFFFFFF0];
	v10 =	vadd.s32 @p1 v11, v10;
	v11 =	vsel @p1 vm1, $0x1, v0;
	vm1 =	vne.s32 @p1 v9, $0x1  }
0x15c: {  	v59 =	vld [tilespmem:s15+$0x0];
	v10 =	vadd.s32 @p1 v11, v10;
	v11 =	vsel @p1 vm1, $0x1, v0  }
0x15d: {  	vm1 =	vne.s32 v5, $0x1;
	v5 =	vld [tilespmem:s15+$0x10];
	v10 =	vadd.s32 @p1 v11, v10  }
0x15e: {  	v61 =	vld [tilespmem:s15+$0x20];
	v60 =	vsel vm1, $0x1, v0;
	vm1 =	vne.s32 v58, $0x1;
	v4 =	vpsel p1, v10, v4  }
0x15f: {  	v62 =	vsel vm1, $0x1, v0;
	vm1 =	vne.s32 v6, $0x1;
	v6 =	vld [tilespmem:s15+$0x30];
	v4 =	vadd.s32 v60, v4  }
0x160: {  	v63 =	vsel vm1, $0x1, v0;
	vm1 =	vne.s32 v7, $0x1;
	v4 =	vadd.s32 v62, v4  }
0x161: {  	v7 =	vsel vm1, $0x1, v0;
	vm1 =	vne.s32 v59, $0x1;
	v4 =	vadd.s32 v63, v4  }
0x162: {  	v4 =	vadd.s32 v7, v4;
	v7 =	vsel vm1, $0x1, v0;
	vm1 =	vne.s32 v5, $0x1  }
0x163: {  	v4 =	vadd.s32 v7, v4;
	v5 =	vsel vm1, $0x1, v0;
	vm1 =	vne.s32 v61, $0x1  }
0x164: {  	v4 =	vadd.s32 v5, v4;
	v5 =	vsel vm1, $0x1, v0;
	vm1 =	vne.s32 v6, $0x1  }
0x165: {  	v4 =	vadd.s32 v5, v4;
	v5 =	vsel vm1, $0x1, v0  }
0x166: {  	v4 =	vadd.s32 v5, v4  }
.LBB2_31:
0x167: {  	(xrf0) =	vadd.scan.msk.s32 $0xffff, v4;
	_ =	sdelay $0x5  }
0x168: {  	s15 =	simm.s32 $0x0;
	v4, _, _ =	vpop (xrf0)  }
0x169: {  	s19 =	sand.u32 $0x80, s15;
	(v2sf) =	vpush v4, $0xF  }
0x16a: {  	s20 =	sand.u32 $0x70, s15;
	s23 =	sadd.s32 s19, s12  }
0x16b: {  	s15 =	sadd.s32 s20, s23  }
0x16c: {  	v4 =	vld [tilespmem:s15+$0x0];
	_ =	sdelay $0x4  }
0x16d: {  	vm1 =	vne.s32 v4, $0x1  }
0x16e: {  	v4 =	vsel vm1, $0x1, v0  }
0x16f: {  	(xrf0) =	vadd.scan.msk.s32 $0xffff, v4;
	_ =	sdelay $0x4  }
0x170: {  	s26 =	spop (v2sf)  }
0x171: {  	[smem:$0x7F3] =	sst s11;
	s21 =	simm.s32 $0x10;
	v5, _, _ =	vpop (xrf0);
	s15 =	sadd.s32 $0x1, s26  }
0x172: {  	s22 =	sand.u32 $0x80, s21;
	(v2sf) =	vpush v5, $0xF;
	s26 =	sand.u32 $0x70, s21;
	s21 =	simm.s32 $0x20;
	v4 =	vadd.s32 s15, v5  }
.LBB2_32:
0x173: {  	p1 =	sne.s32 s21, $0xF0;
	s23 =	sadd.s32 s22, s12;
	v4 =	vnsel vm1, $0x1, v4;
	s19 =	sor.u32 s20, s19  }
0x174: {  	s20 =	smov.u32 s26;
	s23 =	sadd.s32 s26, s23;
	[tilespmem:s19+$0x4300] =	vst v4;
	s19 =	smov.u32 s22  }
0x175: {  	v4 =	vld [tilespmem:s23+$0x0];
	_ =	sdelay $0x4  }
0x176: {  	vm1 =	vne.s32 v4, $0x1  }
0x177: {  	v4 =	vsel vm1, $0x1, v0  }
0x178: {  	(xrf0) =	vadd.scan.msk.s32 $0xffff, v4;
	_ =	sdelay $0x2  }
.Ltmp19:
0x179: {  	(pc) =	sbr.rel @p1 .LBB2_32-.Ltmp19, $4  }
0x17a: {  	_ = 	snop  }
0x17b: {  	s22 =	spop (v2sf)  }
0x17c: {  	v5, _, _ =	vpop (xrf0);
	s15 =	sadd.s32 s15, s22  }
0x17d: {  	s26 =	sand.u32 $0x70, s21;
	s22 =	sand.u32 $0x80, s21;
	s21 =	sadd.s32 $0x10, s21;
	v4 =	vadd.s32 s15, v5;
	(v2sf) =	vpush v5, $0xF  }
0x17e: {  	s19 =	sor.u32 s20, s19;
	s11 =	sadd.s32 s22, s12;
	v4 =	vnsel vm1, $0x1, v4  }
0x17f: {  	[tilespmem:s19+$0x4300] =	vst v4;
	s21 =	sadd.s32 s26, s11  }
0x180: {  	v4 =	vld [tilespmem:s21+$0x0];
	_ =	sdelay $0x4  }
0x181: {  	vm1 =	vne.s32 v4, $0x1  }
0x182: {  	v4 =	vsel vm1, $0x1, v0  }
0x183: {  	(xrf0) =	vadd.scan.msk.s32 $0xffff, v4;
	_ =	sdelay $0x5  }
0x184: {  	v4, _, _ =	vpop (xrf0)  }
0x185: {  	(v2sf) =	vpush v4, $0xF;
	_ =	sdelay $0xa  }
0x186: {  	s23 =	spop (v2sf)  }
0x187: {  	s15 =	sadd.s32 s15, s23  }
0x188: {  	v4 =	vadd.s32 s15, v4  }
0x189: {  	s11 =	sor.u32 s26, s22;
	v4 =	vnsel vm1, $0x1, v4  }
0x18a: {  	s26 =	simm.s32 $0x1;
	[tilespmem:s11+$0x4300] =	vst v4;
	s19 =	spop (v2sf)  }
0x18b: {  	_ =	swait.ge [sflag:s26], $0x8000  }
0x18c: {  	[sflag:s26] =	ssyncset.done $0x0  }
0x18d: {  	[sflag:s26] =	ssyncadd.s32 $0xFFFF8000  }
0x18e: {  	v4 =	vld [tilespmem:$0x4020];
	_ =	sdelay $0x4  }
0x18f: {  	v5 =	vshll.u32 v4, $0x3  }
0x190: {  	v4 =	vand.u32 $0x7, v4;
	v5 =	vand.u32 $0xFFFFFFC0, v5  }
0x191: {  	v4 =	vor.u32 v4, v5  }
0x192: {  	v5 =	vperm.xlane v4, v1;
	_ =	sdelay $0x1  }
0x193: {  	v5 =	vadd.s32 v2, v5;
	_ =	sdelay $0x3  }
0x194: {  	s11 =	simm.s32 $0xC400  }
0x195: {  	[tilespmem:s11], [sflag:$0x2] =	stream.indirect_vreg.gather [hbm4b:s1+s3], $0x80, v5, vm0, $0xb8;
	[tilespmem:$0x1C400] =	vst v63  }
0x196: {  	s20 =	simm.s32 $0xCC00;
	v4 =	vperm.xlane v4, v3  }
0x197: {  	[tilespmem:s20], [sflag:$0x2] =	stream.indirect_vreg.gather [hbm4b:s7+s3], $0x80, v5, vm0, $0xb8;
	[tilespmem:$0x1C400] =	vst v63  }
0x198: {  	s21 =	simm.s32 $0xD400;
	v4 =	vadd.s32 v2, v4  }
0x199: {  	[tilespmem:s21], [sflag:$0x2] =	stream.indirect_vreg.gather [hbm4b:s8+s3], $0x80, v5, vm0, $0xb8;
	[tilespmem:$0x1C400] =	vst v63  }
0x19a: {  	s22 =	simm.s32 $0xDC00  }
0x19b: {  	[tilespmem:s22], [sflag:$0x2] =	stream.indirect_vreg.gather [hbm4b:s9+s3], $0x80, v5, vm0, $0xb8;
	[tilespmem:$0x1C400] =	vst v63  }
0x19c: {  	s23 =	simm.s32 $0xE400  }
0x19d: {  	[tilespmem:s23], [sflag:$0x2] =	stream.indirect_vreg.gather [hbm4b:s1+s3], $0x80, v4, vm0, $0xb8;
	[tilespmem:$0x1C400] =	vst v63  }
0x19e: {  	s15 =	simm.s32 $0xEC00  }
0x19f: {  	[tilespmem:s15], [sflag:$0x2] =	stream.indirect_vreg.gather [hbm4b:s7+s3], $0x80, v4, vm0, $0xb8;
	[tilespmem:$0x1C400] =	vst v63  }
0x1a0: {  	s19 =	simm.s32 $0xF400  }
0x1a1: {  	[tilespmem:s19], [sflag:$0x2] =	stream.indirect_vreg.gather [hbm4b:s8+s3], $0x80, v4, vm0, $0xb8;
	[tilespmem:$0x1C400] =	vst v63  }
0x1a2: {  	s20 =	simm.s32 $0xFC00  }
0x1a3: {  	[tilespmem:s20], [sflag:$0x2] =	stream.indirect_vreg.gather [hbm4b:s9+s3], $0x80, v4, vm0, $0xb8;
	[tilespmem:$0x1C400] =	vst v63  }
0x1a4: {  	v4 =	vld [tilespmem:$0x4030];
	_ =	sdelay $0x4  }
0x1a5: {  	v5 =	vshll.u32 v4, $0x3  }
0x1a6: {  	v4 =	vand.u32 $0x7, v4;
	v5 =	vand.u32 $0xFFFFFFC0, v5  }
0x1a7: {  	v4 =	vor.u32 v4, v5  }
0x1a8: {  	v5 =	vperm.xlane v4, v1;
	_ =	sdelay $0x1  }
0x1a9: {  	v5 =	vadd.s32 v2, v5;
	_ =	sdelay $0x3  }
0x1aa: {  	s21 =	simm.s32 $0x10400  }
0x1ab: {  	[tilespmem:s21], [sflag:$0x2] =	stream.indirect_vreg.gather [hbm4b:s1+s3], $0x80, v5, vm0, $0xb8;
	[tilespmem:$0x1C400] =	vst v63  }
0x1ac: {  	s22 =	simm.s32 $0x10C00;
	v4 =	vperm.xlane v4, v3  }
0x1ad: {  	[tilespmem:s22], [sflag:$0x2] =	stream.indirect_vreg.gather [hbm4b:s7+s3], $0x80, v5, vm0, $0xb8;
	[tilespmem:$0x1C400] =	vst v63  }
0x1ae: {  	s23 =	simm.s32 $0x11400;
	v4 =	vadd.s32 v2, v4  }
0x1af: {  	[tilespmem:s23], [sflag:$0x2] =	stream.indirect_vreg.gather [hbm4b:s8+s3], $0x80, v5, vm0, $0xb8;
	[tilespmem:$0x1C400] =	vst v63  }
0x1b0: {  	s15 =	simm.s32 $0x11C00  }
0x1b1: {  	[tilespmem:s15], [sflag:$0x2] =	stream.indirect_vreg.gather [hbm4b:s9+s3], $0x80, v5, vm0, $0xb8;
	[tilespmem:$0x1C400] =	vst v63  }
0x1b2: {  	s19 =	simm.s32 $0x12400  }
0x1b3: {  	[tilespmem:s19], [sflag:$0x2] =	stream.indirect_vreg.gather [hbm4b:s1+s3], $0x80, v4, vm0, $0xb8;
	[tilespmem:$0x1C400] =	vst v63  }
0x1b4: {  	s20 =	simm.s32 $0x12C00  }
0x1b5: {  	[tilespmem:s20], [sflag:$0x2] =	stream.indirect_vreg.gather [hbm4b:s7+s3], $0x80, v4, vm0, $0xb8;
	[tilespmem:$0x1C400] =	vst v63  }
0x1b6: {  	s21 =	simm.s32 $0x13400  }
0x1b7: {  	[tilespmem:s21], [sflag:$0x2] =	stream.indirect_vreg.gather [hbm4b:s8+s3], $0x80, v4, vm0, $0xb8;
	[tilespmem:$0x1C400] =	vst v63  }
0x1b8: {  	s22 =	simm.s32 $0x13C00  }
0x1b9: {  	[tilespmem:s22], [sflag:$0x2] =	stream.indirect_vreg.gather [hbm4b:s9+s3], $0x80, v4, vm0, $0xb8;
	[tilespmem:$0x1C400] =	vst v63  }
0x1ba: {  	s15 =	rddreg [dreg:$0x7];
	s22 =	simm.s32 $0x4400  }
0x1bb: {  	[hbm4b:s15+s3] =	stream.linear.scatter [tilespmem:s22], [sflag:$0x3], $0x8000, $0x38;
	[tilespmem:$0x1C400] =	vst v63  }
0x1bc: {  	v4 =	vld [tilespmem:$0x4100]  }
0x1bd: {  	v5 =	vld [tilespmem:$0x4000]  }
0x1be: {  	v6 =	vld [tilespmem:$0x4110]  }
0x1bf: {  	v7 =	vld [tilespmem:$0x4010];
	_ =	sdelay $0x4  }
0x1c0: {  	vm1 =	vne.s32 v4, v5;
	vm2 =	vne.s32 v6, v7  }
0x1c1: {  	v5 =	vsel vm1, $0x1, v0;
	v6 =	vsel vm2, $0x1, v0  }
0x1c2: {  	v5 =	vadd.s32 v5, v6  }
0x1c3: {  	(xrf0) =	vadd.scan.msk.s32 $0xffff, v5;
	_ =	sdelay $0x5  }
0x1c4: {  	v5, _, _ =	vpop (xrf0)  }
0x1c5: {  	(v2sf) =	vpush v5, $0xF;
	_ =	sdelay $0xe  }
0x1c6: {  	s23 =	spop (v2sf)  }
0x1c7: {  	p1 =	sne.s32 s23, $0x0  }
.Ltmp20:
0x1c8: {  	_ = 	snop;
	(pc) =	sbr.rel @!p1 .LBB2_34-.Ltmp20, $1  }
0x1c9: {  	_ =	sdelay $0x3  }
0x1ca: {  	v5 =	vshll.u32 v4, $0x3  }
0x1cb: {  	v4 =	vand.u32 $0x7, v4;
	v5 =	vand.u32 $0xFFFFFFC0, v5  }
0x1cc: {  	v4 =	vor.u32 v4, v5  }
0x1cd: {  	v5 =	vperm.xlane v4, v1;
	_ =	sdelay $0x1  }
0x1ce: {  	v5 =	vadd.s32 v2, v5;
	_ =	sdelay $0x4  }
0x1cf: {  	[tilespmem:s18], [sflag:$0x5] =	stream.indirect_vreg.gather [hbm4b:s1+s3], $0x80, v5, vm0, $0xb8;
	[tilespmem:$0x1C400] =	vst v63  }
0x1d0: {  	s11 =	simm.s32 $0x14C00;
	v4 =	vperm.xlane v4, v3  }
0x1d1: {  	[tilespmem:s11], [sflag:$0x5] =	stream.indirect_vreg.gather [hbm4b:s7+s3], $0x80, v5, vm0, $0xb8;
	[tilespmem:$0x1C400] =	vst v63  }
0x1d2: {  	s20 =	simm.s32 $0x15400;
	v4 =	vadd.s32 v2, v4  }
0x1d3: {  	[tilespmem:s20], [sflag:$0x5] =	stream.indirect_vreg.gather [hbm4b:s8+s3], $0x80, v5, vm0, $0xb8;
	[tilespmem:$0x1C400] =	vst v63  }
0x1d4: {  	s21 =	simm.s32 $0x15C00  }
0x1d5: {  	[tilespmem:s21], [sflag:$0x5] =	stream.indirect_vreg.gather [hbm4b:s9+s3], $0x80, v5, vm0, $0xb8;
	[tilespmem:$0x1C400] =	vst v63  }
0x1d6: {  	s23 =	simm.s32 $0x16400  }
0x1d7: {  	[tilespmem:s23], [sflag:$0x5] =	stream.indirect_vreg.gather [hbm4b:s1+s3], $0x80, v4, vm0, $0xb8;
	[tilespmem:$0x1C400] =	vst v63  }
0x1d8: {  	_ = 	snop  }
0x1d9: {  	[tilespmem:s28], [sflag:$0x5] =	stream.indirect_vreg.gather [hbm4b:s7+s3], $0x80, v4, vm0, $0xb8;
	[tilespmem:$0x1C400] =	vst v63  }
0x1da: {  	_ = 	snop  }
0x1db: {  	[tilespmem:s29], [sflag:$0x5] =	stream.indirect_vreg.gather [hbm4b:s8+s3], $0x80, v4, vm0, $0xb8;
	[tilespmem:$0x1C400] =	vst v63  }
0x1dc: {  	_ = 	snop  }
0x1dd: {  	[tilespmem:s30], [sflag:$0x5] =	stream.indirect_vreg.gather [hbm4b:s9+s3], $0x80, v4, vm0, $0xb8;
	[tilespmem:$0x1C400] =	vst v63  }
0x1de: {  	v4 =	vld [tilespmem:$0x4110];
	_ =	sdelay $0x4  }
0x1df: {  	v5 =	vshll.u32 v4, $0x3  }
0x1e0: {  	v4 =	vand.u32 $0x7, v4;
	v5 =	vand.u32 $0xFFFFFFC0, v5  }
0x1e1: {  	v4 =	vor.u32 v4, v5  }
0x1e2: {  	v5 =	vperm.xlane v4, v1;
	_ =	sdelay $0x1  }
0x1e3: {  	v5 =	vadd.s32 v2, v5;
	_ =	sdelay $0x4  }
0x1e4: {  	[tilespmem:s31], [sflag:$0x5] =	stream.indirect_vreg.gather [hbm4b:s1+s3], $0x80, v5, vm0, $0xb8;
	[tilespmem:$0x1C400] =	vst v63  }
0x1e5: {  	v4 =	vperm.xlane v4, v3  }
0x1e6: {  	[tilespmem:s0], [sflag:$0x5] =	stream.indirect_vreg.gather [hbm4b:s7+s3], $0x80, v5, vm0, $0xb8;
	[tilespmem:$0x1C400] =	vst v63  }
0x1e7: {  	v4 =	vadd.s32 v2, v4  }
0x1e8: {  	[tilespmem:s2], [sflag:$0x5] =	stream.indirect_vreg.gather [hbm4b:s8+s3], $0x80, v5, vm0, $0xb8;
	[tilespmem:$0x1C400] =	vst v63  }
0x1e9: {  	_ = 	snop  }
0x1ea: {  	[tilespmem:s4], [sflag:$0x5] =	stream.indirect_vreg.gather [hbm4b:s9+s3], $0x80, v5, vm0, $0xb8;
	[tilespmem:$0x1C400] =	vst v63  }
0x1eb: {  	_ = 	snop  }
0x1ec: {  	[tilespmem:s6], [sflag:$0x5] =	stream.indirect_vreg.gather [hbm4b:s1+s3], $0x80, v4, vm0, $0xb8;
	[tilespmem:$0x1C400] =	vst v63  }
0x1ed: {  	_ = 	snop  }
0x1ee: {  	[tilespmem:s10], [sflag:$0x5] =	stream.indirect_vreg.gather [hbm4b:s7+s3], $0x80, v4, vm0, $0xb8;
	[tilespmem:$0x1C400] =	vst v63  }
0x1ef: {  	_ = 	snop  }
0x1f0: {  	[tilespmem:s13], [sflag:$0x5] =	stream.indirect_vreg.gather [hbm4b:s8+s3], $0x80, v4, vm0, $0xb8;
	[tilespmem:$0x1C400] =	vst v63  }
0x1f1: {  	_ = 	snop  }
0x1f2: {  	[tilespmem:s14], [sflag:$0x5] =	stream.indirect_vreg.gather [hbm4b:s9+s3], $0x80, v4, vm0, $0xb8;
	[tilespmem:$0x1C400] =	vst v63  }
0x1f3: {  	_ =	swait.ge [sflag:s25], $0x8000  }
0x1f4: {  	[sflag:s25] =	ssyncset.done $0x0  }
.Ltmp21:
0x1f5: {  	s15 =	rddreg [dreg:$0x9];
	[sflag:s25] =	ssyncadd.s32 $0xFFFF8000;
	(pc) =	sbr.rel .LBB2_36-.Ltmp21, $4  }
0x1f6: {  	[hbm4b:s15+s3] =	stream.linear.scatter [tilespmem:s18], [sflag:$0x7], $0x8000, $0x38;
	[tilespmem:$0x1C400] =	vst v63  }
0x1f7: {  	_ =	swait.ge [sflag:s24], $0x8000  }
0x1f8: {  	[sflag:s24] =	ssyncset.done $0x0  }
0x1f9: {  	s23 =	simm.s32 $0x4C00;
	s15 =	simm.s32 $0x1;
	[sflag:s24] =	ssyncadd.s32 $0xFFFF8000  }
.LBB2_34:
0x1fa: {  	s15 =	rddreg [dreg:$0x9]  }
0x1fb: {  	[hbm4b:s15+s3] =	stream.linear.scatter [tilespmem:s22], [sflag:$0x3], $0x8000, $0x38;
	[tilespmem:$0x1C400] =	vst v63  }
0x1fc: {  	s23 =	simm.s32 $0x4C00;
	s15 =	simm.s32 $0x2  }
.LBB2_36:
0x1fd: {  	v4 =	vld [tilespmem:$0x4200]  }
0x1fe: {  	v5 =	vld [tilespmem:$0x4000]  }
0x1ff: {  	v6 =	vld [tilespmem:$0x4210]  }
0x200: {  	v7 =	vld [tilespmem:$0x4010];
	_ =	sdelay $0x4  }
0x201: {  	vm1 =	vne.s32 v4, v5;
	vm2 =	vne.s32 v6, v7  }
0x202: {  	v5 =	vsel vm1, $0x1, v0;
	v6 =	vsel vm2, $0x1, v0  }
0x203: {  	v5 =	vadd.s32 v5, v6  }
0x204: {  	(xrf0) =	vadd.scan.msk.s32 $0xffff, v5;
	_ =	sdelay $0x5  }
0x205: {  	v5, _, _ =	vpop (xrf0)  }
0x206: {  	(v2sf) =	vpush v5, $0xF;
	_ =	sdelay $0xe  }
0x207: {  	s19 =	spop (v2sf)  }
0x208: {  	p1 =	sne.s32 s19, $0x0  }
.Ltmp22:
0x209: {  	_ = 	snop;
	(pc) =	sbr.rel @!p1 .LBB2_37-.Ltmp22, $1  }
0x20a: {  	_ =	sdelay $0x3  }
0x20b: {  	v5 =	vshll.u32 v4, $0x3  }
0x20c: {  	v4 =	vand.u32 $0x7, v4;
	v5 =	vand.u32 $0xFFFFFFC0, v5  }
0x20d: {  	v4 =	vor.u32 v4, v5  }
0x20e: {  	v5 =	vperm.xlane v4, v1;
	_ =	sdelay $0x1  }
0x20f: {  	v5 =	vadd.s32 v2, v5;
	_ =	sdelay $0x4  }
0x210: {  	[tilespmem:s18], [sflag:$0x5] =	stream.indirect_vreg.gather [hbm4b:s1+s3], $0x80, v5, vm0, $0xb8;
	[tilespmem:$0x1C400] =	vst v63  }
0x211: {  	s11 =	simm.s32 $0x14C00;
	v4 =	vperm.xlane v4, v3  }
0x212: {  	[tilespmem:s11], [sflag:$0x5] =	stream.indirect_vreg.gather [hbm4b:s7+s3], $0x80, v5, vm0, $0xb8;
	[tilespmem:$0x1C400] =	vst v63  }
0x213: {  	s21 =	simm.s32 $0x15400;
	v4 =	vadd.s32 v2, v4  }
0x214: {  	[tilespmem:s21], [sflag:$0x5] =	stream.indirect_vreg.gather [hbm4b:s8+s3], $0x80, v5, vm0, $0xb8;
	[tilespmem:$0x1C400] =	vst v63  }
0x215: {  	s20 =	simm.s32 $0x15C00  }
0x216: {  	[tilespmem:s20], [sflag:$0x5] =	stream.indirect_vreg.gather [hbm4b:s9+s3], $0x80, v5, vm0, $0xb8;
	[tilespmem:$0x1C400] =	vst v63  }
0x217: {  	s21 =	simm.s32 $0x16400  }
0x218: {  	[tilespmem:s21], [sflag:$0x5] =	stream.indirect_vreg.gather [hbm4b:s1+s3], $0x80, v4, vm0, $0xb8;
	[tilespmem:$0x1C400] =	vst v63  }
0x219: {  	_ = 	snop  }
0x21a: {  	[tilespmem:s28], [sflag:$0x5] =	stream.indirect_vreg.gather [hbm4b:s7+s3], $0x80, v4, vm0, $0xb8;
	[tilespmem:$0x1C400] =	vst v63  }
0x21b: {  	_ = 	snop  }
0x21c: {  	[tilespmem:s29], [sflag:$0x5] =	stream.indirect_vreg.gather [hbm4b:s8+s3], $0x80, v4, vm0, $0xb8;
	[tilespmem:$0x1C400] =	vst v63  }
0x21d: {  	_ = 	snop  }
0x21e: {  	[tilespmem:s30], [sflag:$0x5] =	stream.indirect_vreg.gather [hbm4b:s9+s3], $0x80, v4, vm0, $0xb8;
	[tilespmem:$0x1C400] =	vst v63  }
0x21f: {  	v4 =	vld [tilespmem:$0x4210];
	_ =	sdelay $0x4  }
0x220: {  	v5 =	vshll.u32 v4, $0x3  }
0x221: {  	v4 =	vand.u32 $0x7, v4;
	v5 =	vand.u32 $0xFFFFFFC0, v5  }
0x222: {  	v4 =	vor.u32 v4, v5  }
0x223: {  	v5 =	vperm.xlane v4, v1;
	_ =	sdelay $0x1  }
0x224: {  	v5 =	vadd.s32 v2, v5;
	_ =	sdelay $0x4  }
0x225: {  	[tilespmem:s31], [sflag:$0x5] =	stream.indirect_vreg.gather [hbm4b:s1+s3], $0x80, v5, vm0, $0xb8;
	[tilespmem:$0x1C400] =	vst v63  }
0x226: {  	v4 =	vperm.xlane v4, v3  }
0x227: {  	[tilespmem:s0], [sflag:$0x5] =	stream.indirect_vreg.gather [hbm4b:s7+s3], $0x80, v5, vm0, $0xb8;
	[tilespmem:$0x1C400] =	vst v63  }
0x228: {  	v4 =	vadd.s32 v2, v4  }
0x229: {  	[tilespmem:s2], [sflag:$0x5] =	stream.indirect_vreg.gather [hbm4b:s8+s3], $0x80, v5, vm0, $0xb8;
	[tilespmem:$0x1C400] =	vst v63  }
0x22a: {  	_ = 	snop  }
0x22b: {  	[tilespmem:s4], [sflag:$0x5] =	stream.indirect_vreg.gather [hbm4b:s9+s3], $0x80, v5, vm0, $0xb8;
	[tilespmem:$0x1C400] =	vst v63  }
0x22c: {  	_ = 	snop  }
0x22d: {  	[tilespmem:s6], [sflag:$0x5] =	stream.indirect_vreg.gather [hbm4b:s1+s3], $0x80, v4, vm0, $0xb8;
	[tilespmem:$0x1C400] =	vst v63  }
0x22e: {  	_ = 	snop  }
0x22f: {  	[tilespmem:s10], [sflag:$0x5] =	stream.indirect_vreg.gather [hbm4b:s7+s3], $0x80, v4, vm0, $0xb8;
	[tilespmem:$0x1C400] =	vst v63  }
0x230: {  	_ = 	snop  }
0x231: {  	[tilespmem:s13], [sflag:$0x5] =	stream.indirect_vreg.gather [hbm4b:s8+s3], $0x80, v4, vm0, $0xb8;
	[tilespmem:$0x1C400] =	vst v63  }
0x232: {  	_ = 	snop  }
0x233: {  	[tilespmem:s14], [sflag:$0x5] =	stream.indirect_vreg.gather [hbm4b:s9+s3], $0x80, v4, vm0, $0xb8;
	[tilespmem:$0x1C400] =	vst v63  }
0x234: {  	_ =	swait.ge [sflag:s25], $0x8000  }
0x235: {  	[sflag:s25] =	ssyncset.done $0x0  }
.Ltmp23:
0x236: {  	s20 =	rddreg [dreg:$0xa];
	[sflag:s25] =	ssyncadd.s32 $0xFFFF8000;
	(pc) =	sbr.rel .LBB2_39-.Ltmp23, $4  }
0x237: {  	[hbm4b:s20+s3] =	stream.linear.scatter [tilespmem:s18], [sflag:$0x7], $0x8000, $0x38;
	[tilespmem:$0x1C400] =	vst v63  }
0x238: {  	_ =	swait.ge [sflag:s24], $0x8000  }
0x239: {  	[sflag:s24] =	ssyncset.done $0x0  }
0x23a: {  	[sflag:s24] =	ssyncadd.s32 $0xFFFF8000  }
.LBB2_37:
0x23b: {  	s20 =	rddreg [dreg:$0xa]  }
0x23c: {  	[hbm4b:s20+s3] =	stream.linear.scatter [tilespmem:s22], [sflag:$0x3], $0x8000, $0x38;
	[tilespmem:$0x1C400] =	vst v63  }
.LBB2_39:
0x23d: {  	v4 =	vld [tilespmem:$0x4300]  }
0x23e: {  	v5 =	vld [tilespmem:$0x4000]  }
0x23f: {  	v6 =	vld [tilespmem:$0x4310]  }
0x240: {  	v7 =	vld [tilespmem:$0x4010];
	_ =	sdelay $0x4  }
0x241: {  	vm1 =	vne.s32 v4, v5;
	vm2 =	vne.s32 v6, v7  }
0x242: {  	v5 =	vsel vm1, $0x1, v0;
	v6 =	vsel vm2, $0x1, v0  }
0x243: {  	v5 =	vadd.s32 v5, v6  }
0x244: {  	(xrf0) =	vadd.scan.msk.s32 $0xffff, v5;
	_ =	sdelay $0x5  }
0x245: {  	v5, _, _ =	vpop (xrf0)  }
0x246: {  	(v2sf) =	vpush v5, $0xF;
	_ =	sdelay $0xe  }
0x247: {  	s20 =	spop (v2sf)  }
0x248: {  	p1 =	sne.s32 s20, $0x0  }
.Ltmp24:
0x249: {  	_ = 	snop;
	(pc) =	sbr.rel @!p1 .LBB2_40-.Ltmp24, $1  }
0x24a: {  	_ =	sdelay $0x3  }
0x24b: {  	v5 =	vshll.u32 v4, $0x3  }
0x24c: {  	v4 =	vand.u32 $0x7, v4;
	v5 =	vand.u32 $0xFFFFFFC0, v5  }
0x24d: {  	v4 =	vor.u32 v4, v5  }
0x24e: {  	v5 =	vperm.xlane v4, v1;
	_ =	sdelay $0x1  }
0x24f: {  	v5 =	vadd.s32 v2, v5;
	_ =	sdelay $0x4  }
0x250: {  	[tilespmem:s18], [sflag:$0x5] =	stream.indirect_vreg.gather [hbm4b:s1+s3], $0x80, v5, vm0, $0xb8;
	[tilespmem:$0x1C400] =	vst v63  }
0x251: {  	s11 =	simm.s32 $0x14C00;
	v4 =	vperm.xlane v4, v3  }
0x252: {  	[tilespmem:s11], [sflag:$0x5] =	stream.indirect_vreg.gather [hbm4b:s7+s3], $0x80, v5, vm0, $0xb8;
	[tilespmem:$0x1C400] =	vst v63  }
0x253: {  	s21 =	simm.s32 $0x15400;
	v4 =	vadd.s32 v2, v4  }
0x254: {  	[tilespmem:s21], [sflag:$0x5] =	stream.indirect_vreg.gather [hbm4b:s8+s3], $0x80, v5, vm0, $0xb8;
	[tilespmem:$0x1C400] =	vst v63  }
0x255: {  	s21 =	simm.s32 $0x15C00  }
0x256: {  	[tilespmem:s21], [sflag:$0x5] =	stream.indirect_vreg.gather [hbm4b:s9+s3], $0x80, v5, vm0, $0xb8;
	[tilespmem:$0x1C400] =	vst v63  }
0x257: {  	s21 =	simm.s32 $0x16400  }
0x258: {  	[tilespmem:s21], [sflag:$0x5] =	stream.indirect_vreg.gather [hbm4b:s1+s3], $0x80, v4, vm0, $0xb8;
	[tilespmem:$0x1C400] =	vst v63  }
0x259: {  	_ = 	snop  }
0x25a: {  	[tilespmem:s28], [sflag:$0x5] =	stream.indirect_vreg.gather [hbm4b:s7+s3], $0x80, v4, vm0, $0xb8;
	[tilespmem:$0x1C400] =	vst v63  }
0x25b: {  	_ = 	snop  }
0x25c: {  	[tilespmem:s29], [sflag:$0x5] =	stream.indirect_vreg.gather [hbm4b:s8+s3], $0x80, v4, vm0, $0xb8;
	[tilespmem:$0x1C400] =	vst v63  }
0x25d: {  	_ = 	snop  }
0x25e: {  	[tilespmem:s30], [sflag:$0x5] =	stream.indirect_vreg.gather [hbm4b:s9+s3], $0x80, v4, vm0, $0xb8;
	[tilespmem:$0x1C400] =	vst v63  }
0x25f: {  	v4 =	vld [tilespmem:$0x4310];
	_ =	sdelay $0x4  }
0x260: {  	v5 =	vshll.u32 v4, $0x3  }
0x261: {  	v4 =	vand.u32 $0x7, v4;
	v5 =	vand.u32 $0xFFFFFFC0, v5  }
0x262: {  	v4 =	vor.u32 v4, v5  }
0x263: {  	v5 =	vperm.xlane v4, v1;
	_ =	sdelay $0x1  }
0x264: {  	v5 =	vadd.s32 v2, v5;
	_ =	sdelay $0x4  }
0x265: {  	[tilespmem:s31], [sflag:$0x5] =	stream.indirect_vreg.gather [hbm4b:s1+s3], $0x80, v5, vm0, $0xb8;
	[tilespmem:$0x1C400] =	vst v63  }
0x266: {  	v4 =	vperm.xlane v4, v3  }
0x267: {  	[tilespmem:s0], [sflag:$0x5] =	stream.indirect_vreg.gather [hbm4b:s7+s3], $0x80, v5, vm0, $0xb8;
	[tilespmem:$0x1C400] =	vst v63  }
0x268: {  	v4 =	vadd.s32 v2, v4  }
0x269: {  	[tilespmem:s2], [sflag:$0x5] =	stream.indirect_vreg.gather [hbm4b:s8+s3], $0x80, v5, vm0, $0xb8;
	[tilespmem:$0x1C400] =	vst v63  }
0x26a: {  	_ = 	snop  }
0x26b: {  	[tilespmem:s4], [sflag:$0x5] =	stream.indirect_vreg.gather [hbm4b:s9+s3], $0x80, v5, vm0, $0xb8;
	[tilespmem:$0x1C400] =	vst v63  }
0x26c: {  	_ = 	snop  }
0x26d: {  	[tilespmem:s6], [sflag:$0x5] =	stream.indirect_vreg.gather [hbm4b:s1+s3], $0x80, v4, vm0, $0xb8;
	[tilespmem:$0x1C400] =	vst v63  }
0x26e: {  	_ = 	snop  }
0x26f: {  	[tilespmem:s10], [sflag:$0x5] =	stream.indirect_vreg.gather [hbm4b:s7+s3], $0x80, v4, vm0, $0xb8;
	[tilespmem:$0x1C400] =	vst v63  }
0x270: {  	_ = 	snop  }
0x271: {  	[tilespmem:s13], [sflag:$0x5] =	stream.indirect_vreg.gather [hbm4b:s8+s3], $0x80, v4, vm0, $0xb8;
	[tilespmem:$0x1C400] =	vst v63  }
0x272: {  	_ = 	snop  }
0x273: {  	[tilespmem:s14], [sflag:$0x5] =	stream.indirect_vreg.gather [hbm4b:s9+s3], $0x80, v4, vm0, $0xb8;
	[tilespmem:$0x1C400] =	vst v63  }
0x274: {  	_ =	swait.ge [sflag:s25], $0x8000  }
0x275: {  	[sflag:s25] =	ssyncset.done $0x0  }
.Ltmp25:
0x276: {  	s21 =	rddreg [dreg:$0xb];
	[sflag:s25] =	ssyncadd.s32 $0xFFFF8000;
	(pc) =	sbr.rel .LBB2_42-.Ltmp25, $4  }
0x277: {  	[hbm4b:s21+s3] =	stream.linear.scatter [tilespmem:s18], [sflag:$0x7], $0x8000, $0x38;
	[tilespmem:$0x1C400] =	vst v63  }
0x278: {  	_ =	swait.ge [sflag:s24], $0x8000  }
0x279: {  	[sflag:s24] =	ssyncset.done $0x0  }
0x27a: {  	[sflag:s24] =	ssyncadd.s32 $0xFFFF8000  }
.LBB2_40:
0x27b: {  	s21 =	rddreg [dreg:$0xb]  }
0x27c: {  	[hbm4b:s21+s3] =	stream.linear.scatter [tilespmem:s22], [sflag:$0x3], $0x8000, $0x38;
	[tilespmem:$0x1C400] =	vst v63  }
.LBB2_42:
0x27d: {  	p1 =	seq.s32 s19, $0x0;
	s19 =	simm.s32 $0x1  }
0x27e: {  	s19 =	simm.s32 @!p1 $0x0;
	p1 =	seq.s32 s20, $0x0;
	s20 =	simm.s32 $0x1  }
0x27f: {  	s15 =	sadd.s32 s19, s15;
	s20 =	simm.s32 @!p1 $0x0  }
0x280: {  	s15 =	sadd.s32 s20, s15  }
0x281: {  	s11 =	simm.s32 $0x2;
	p1 =	sne.s32 s15, $0x1  }
.Ltmp26:
0x282: {  	_ =	swait.ge [sflag:s11], $0x8000;
	(pc) =	sbr.rel @!p1 .LBB2_44-.Ltmp26, $4  }
0x283: {  	[sflag:s11] =	ssyncset.done $0x0  }
0x284: {  	[sflag:s11] =	ssyncadd.s32 $0xFFFF8000  }
0x285: {  	_ =	swait.ge [sflag:s16], $0x8000  }
0x286: {  	s15 =	sadd.s32 $0xFFFFFFFF, s15;
	[sflag:s16] =	ssyncset.done $0x0  }
.LBB2_43:
0x287: {  	p1 =	sne.s32 s15, $0x1;
	s15 =	sadd.s32 $0xFFFFFFFF, s15;
	[sflag:s16] =	ssyncadd.s32 $0xFFFF8000  }
.Ltmp27:
0x288: {  	(pc) =	sbr.rel @p1 .LBB2_43-.Ltmp27, $3  }
0x289: {  	_ =	sdelay $0x1  }
0x28a: {  	_ =	swait.ge [sflag:s16], $0x8000  }
0x28b: {  	[sflag:s16] =	ssyncset.done $0x0  }
.LBB2_44:
0x28c: {  	[sflag:s16] =	ssyncadd.s32 $0xFFFF8000  }
0x28d: {  	v4 =	vld [tilespmem:$0x4040];
	_ =	sdelay $0x4  }
0x28e: {  	v5 =	vshll.u32 v4, $0x3  }
0x28f: {  	v4 =	vand.u32 $0x7, v4;
	v5 =	vand.u32 $0xFFFFFFC0, v5  }
0x290: {  	v4 =	vor.u32 v4, v5  }
0x291: {  	v5 =	vperm.xlane v4, v1;
	_ =	sdelay $0x1  }
0x292: {  	v5 =	vadd.s32 v2, v5;
	_ =	sdelay $0x4  }
0x293: {  	[tilespmem:s22], [sflag:$0x1] =	stream.indirect_vreg.gather [hbm4b:s1+s3], $0x80, v5, vm0, $0xb8;
	[tilespmem:$0x1C400] =	vst v63  }
0x294: {  	v4 =	vperm.xlane v4, v3  }
0x295: {  	[tilespmem:s23], [sflag:$0x1] =	stream.indirect_vreg.gather [hbm4b:s7+s3], $0x80, v5, vm0, $0xb8;
	[tilespmem:$0x1C400] =	vst v63  }
0x296: {  	s15 =	simm.s32 $0x5400;
	v4 =	vadd.s32 v2, v4  }
0x297: {  	[tilespmem:s15], [sflag:$0x1] =	stream.indirect_vreg.gather [hbm4b:s8+s3], $0x80, v5, vm0, $0xb8;
	[tilespmem:$0x1C400] =	vst v63  }
0x298: {  	s19 =	simm.s32 $0x5C00  }
0x299: {  	[tilespmem:s19], [sflag:$0x1] =	stream.indirect_vreg.gather [hbm4b:s9+s3], $0x80, v5, vm0, $0xb8;
	[tilespmem:$0x1C400] =	vst v63  }
0x29a: {  	s20 =	simm.s32 $0x6400  }
0x29b: {  	[tilespmem:s20], [sflag:$0x1] =	stream.indirect_vreg.gather [hbm4b:s1+s3], $0x80, v4, vm0, $0xb8;
	[tilespmem:$0x1C400] =	vst v63  }
0x29c: {  	s21 =	simm.s32 $0x6C00  }
0x29d: {  	[tilespmem:s21], [sflag:$0x1] =	stream.indirect_vreg.gather [hbm4b:s7+s3], $0x80, v4, vm0, $0xb8;
	[tilespmem:$0x1C400] =	vst v63  }
0x29e: {  	s11 =	simm.s32 $0x7400  }
0x29f: {  	[tilespmem:s11], [sflag:$0x1] =	stream.indirect_vreg.gather [hbm4b:s8+s3], $0x80, v4, vm0, $0xb8;
	[tilespmem:$0x1C400] =	vst v63  }
0x2a0: {  	s19 =	simm.s32 $0x7C00  }
0x2a1: {  	[tilespmem:s19], [sflag:$0x1] =	stream.indirect_vreg.gather [hbm4b:s9+s3], $0x80, v4, vm0, $0xb8;
	[tilespmem:$0x1C400] =	vst v63  }
0x2a2: {  	v4 =	vld [tilespmem:$0x4050];
	_ =	sdelay $0x4  }
0x2a3: {  	v5 =	vshll.u32 v4, $0x3  }
0x2a4: {  	v4 =	vand.u32 $0x7, v4;
	v5 =	vand.u32 $0xFFFFFFC0, v5  }
0x2a5: {  	v4 =	vor.u32 v4, v5  }
0x2a6: {  	v5 =	vperm.xlane v4, v1;
	_ =	sdelay $0x1  }
0x2a7: {  	v5 =	vadd.s32 v2, v5;
	_ =	sdelay $0x3  }
0x2a8: {  	s20 =	simm.s32 $0x8400  }
0x2a9: {  	[tilespmem:s20], [sflag:$0x1] =	stream.indirect_vreg.gather [hbm4b:s1+s3], $0x80, v5, vm0, $0xb8;
	[tilespmem:$0x1C400] =	vst v63  }
0x2aa: {  	s21 =	simm.s32 $0x8C00;
	v4 =	vperm.xlane v4, v3  }
0x2ab: {  	[tilespmem:s21], [sflag:$0x1] =	stream.indirect_vreg.gather [hbm4b:s7+s3], $0x80, v5, vm0, $0xb8;
	[tilespmem:$0x1C400] =	vst v63  }
0x2ac: {  	s11 =	simm.s32 $0x9400;
	v4 =	vadd.s32 v2, v4  }
0x2ad: {  	[tilespmem:s11], [sflag:$0x1] =	stream.indirect_vreg.gather [hbm4b:s8+s3], $0x80, v5, vm0, $0xb8;
	[tilespmem:$0x1C400] =	vst v63  }
0x2ae: {  	s19 =	simm.s32 $0x9C00  }
0x2af: {  	[tilespmem:s19], [sflag:$0x1] =	stream.indirect_vreg.gather [hbm4b:s9+s3], $0x80, v5, vm0, $0xb8;
	[tilespmem:$0x1C400] =	vst v63  }
0x2b0: {  	s20 =	simm.s32 $0xA400  }
0x2b1: {  	[tilespmem:s20], [sflag:$0x1] =	stream.indirect_vreg.gather [hbm4b:s1+s3], $0x80, v4, vm0, $0xb8;
	[tilespmem:$0x1C400] =	vst v63  }
0x2b2: {  	s21 =	simm.s32 $0xAC00  }
0x2b3: {  	[tilespmem:s21], [sflag:$0x1] =	stream.indirect_vreg.gather [hbm4b:s7+s3], $0x80, v4, vm0, $0xb8;
	[tilespmem:$0x1C400] =	vst v63  }
0x2b4: {  	s11 =	simm.s32 $0xB400  }
0x2b5: {  	[tilespmem:s11], [sflag:$0x1] =	stream.indirect_vreg.gather [hbm4b:s8+s3], $0x80, v4, vm0, $0xb8;
	[tilespmem:$0x1C400] =	vst v63  }
0x2b6: {  	s19 =	simm.s32 $0xBC00  }
0x2b7: {  	[tilespmem:s19], [sflag:$0x1] =	stream.indirect_vreg.gather [hbm4b:s9+s3], $0x80, v4, vm0, $0xb8;
	[tilespmem:$0x1C400] =	vst v63  }
0x2b8: {  	s20 =	rddreg [dreg:$0xc];
	s19 =	simm.s32 $0xC400  }
0x2b9: {  	[hbm4b:s20+s3] =	stream.linear.scatter [tilespmem:s19], [sflag:$0x4], $0x8000, $0x38;
	[tilespmem:$0x1C400] =	vst v63  }
0x2ba: {  	v4 =	vld [tilespmem:$0x4120]  }
0x2bb: {  	v5 =	vld [tilespmem:$0x4020]  }
0x2bc: {  	v6 =	vld [tilespmem:$0x4130]  }
0x2bd: {  	v7 =	vld [tilespmem:$0x4030];
	_ =	sdelay $0x4  }
0x2be: {  	vm1 =	vne.s32 v4, v5;
	vm2 =	vne.s32 v6, v7  }
0x2bf: {  	v5 =	vsel vm1, $0x1, v0;
	v6 =	vsel vm2, $0x1, v0  }
0x2c0: {  	v5 =	vadd.s32 v5, v6  }
0x2c1: {  	(xrf0) =	vadd.scan.msk.s32 $0xffff, v5;
	_ =	sdelay $0x5  }
0x2c2: {  	v5, _, _ =	vpop (xrf0)  }
0x2c3: {  	(v2sf) =	vpush v5, $0xF;
	_ =	sdelay $0xe  }
0x2c4: {  	s21 =	spop (v2sf)  }
0x2c5: {  	p1 =	sne.s32 s21, $0x0  }
.Ltmp28:
0x2c6: {  	_ = 	snop;
	(pc) =	sbr.rel @!p1 .LBB2_45-.Ltmp28, $1  }
0x2c7: {  	_ =	sdelay $0x3  }
0x2c8: {  	v5 =	vshll.u32 v4, $0x3  }
0x2c9: {  	v4 =	vand.u32 $0x7, v4;
	v5 =	vand.u32 $0xFFFFFFC0, v5  }
0x2ca: {  	v4 =	vor.u32 v4, v5  }
0x2cb: {  	v5 =	vperm.xlane v4, v1;
	_ =	sdelay $0x1  }
0x2cc: {  	v5 =	vadd.s32 v2, v5;
	_ =	sdelay $0x4  }
0x2cd: {  	[tilespmem:s18], [sflag:$0x5] =	stream.indirect_vreg.gather [hbm4b:s1+s3], $0x80, v5, vm0, $0xb8;
	[tilespmem:$0x1C400] =	vst v63  }
0x2ce: {  	s15 =	simm.s32 $0x14C00;
	v4 =	vperm.xlane v4, v3  }
0x2cf: {  	[tilespmem:s15], [sflag:$0x5] =	stream.indirect_vreg.gather [hbm4b:s7+s3], $0x80, v5, vm0, $0xb8;
	[tilespmem:$0x1C400] =	vst v63  }
0x2d0: {  	s21 =	simm.s32 $0x15400;
	v4 =	vadd.s32 v2, v4  }
0x2d1: {  	[tilespmem:s21], [sflag:$0x5] =	stream.indirect_vreg.gather [hbm4b:s8+s3], $0x80, v5, vm0, $0xb8;
	[tilespmem:$0x1C400] =	vst v63  }
0x2d2: {  	s19 =	simm.s32 $0x15C00  }
0x2d3: {  	[tilespmem:s19], [sflag:$0x5] =	stream.indirect_vreg.gather [hbm4b:s9+s3], $0x80, v5, vm0, $0xb8;
	[tilespmem:$0x1C400] =	vst v63  }
0x2d4: {  	s20 =	simm.s32 $0x16400  }
0x2d5: {  	[tilespmem:s20], [sflag:$0x5] =	stream.indirect_vreg.gather [hbm4b:s1+s3], $0x80, v4, vm0, $0xb8;
	[tilespmem:$0x1C400] =	vst v63  }
0x2d6: {  	_ = 	snop  }
0x2d7: {  	[tilespmem:s28], [sflag:$0x5] =	stream.indirect_vreg.gather [hbm4b:s7+s3], $0x80, v4, vm0, $0xb8;
	[tilespmem:$0x1C400] =	vst v63  }
0x2d8: {  	_ = 	snop  }
0x2d9: {  	[tilespmem:s29], [sflag:$0x5] =	stream.indirect_vreg.gather [hbm4b:s8+s3], $0x80, v4, vm0, $0xb8;
	[tilespmem:$0x1C400] =	vst v63  }
0x2da: {  	_ = 	snop  }
0x2db: {  	[tilespmem:s30], [sflag:$0x5] =	stream.indirect_vreg.gather [hbm4b:s9+s3], $0x80, v4, vm0, $0xb8;
	[tilespmem:$0x1C400] =	vst v63  }
0x2dc: {  	v4 =	vld [tilespmem:$0x4130];
	_ =	sdelay $0x4  }
0x2dd: {  	v5 =	vshll.u32 v4, $0x3  }
0x2de: {  	v4 =	vand.u32 $0x7, v4;
	v5 =	vand.u32 $0xFFFFFFC0, v5  }
0x2df: {  	v4 =	vor.u32 v4, v5  }
0x2e0: {  	v5 =	vperm.xlane v4, v1;
	_ =	sdelay $0x1  }
0x2e1: {  	v5 =	vadd.s32 v2, v5;
	_ =	sdelay $0x4  }
0x2e2: {  	[tilespmem:s31], [sflag:$0x5] =	stream.indirect_vreg.gather [hbm4b:s1+s3], $0x80, v5, vm0, $0xb8;
	[tilespmem:$0x1C400] =	vst v63  }
0x2e3: {  	v4 =	vperm.xlane v4, v3  }
0x2e4: {  	[tilespmem:s0], [sflag:$0x5] =	stream.indirect_vreg.gather [hbm4b:s7+s3], $0x80, v5, vm0, $0xb8;
	[tilespmem:$0x1C400] =	vst v63  }
0x2e5: {  	v4 =	vadd.s32 v2, v4  }
0x2e6: {  	[tilespmem:s2], [sflag:$0x5] =	stream.indirect_vreg.gather [hbm4b:s8+s3], $0x80, v5, vm0, $0xb8;
	[tilespmem:$0x1C400] =	vst v63  }
0x2e7: {  	_ = 	snop  }
0x2e8: {  	[tilespmem:s4], [sflag:$0x5] =	stream.indirect_vreg.gather [hbm4b:s9+s3], $0x80, v5, vm0, $0xb8;
	[tilespmem:$0x1C400] =	vst v63  }
0x2e9: {  	_ = 	snop  }
0x2ea: {  	[tilespmem:s6], [sflag:$0x5] =	stream.indirect_vreg.gather [hbm4b:s1+s3], $0x80, v4, vm0, $0xb8;
	[tilespmem:$0x1C400] =	vst v63  }
0x2eb: {  	_ = 	snop  }
0x2ec: {  	[tilespmem:s10], [sflag:$0x5] =	stream.indirect_vreg.gather [hbm4b:s7+s3], $0x80, v4, vm0, $0xb8;
	[tilespmem:$0x1C400] =	vst v63  }
0x2ed: {  	_ = 	snop  }
0x2ee: {  	[tilespmem:s13], [sflag:$0x5] =	stream.indirect_vreg.gather [hbm4b:s8+s3], $0x80, v4, vm0, $0xb8;
	[tilespmem:$0x1C400] =	vst v63  }
0x2ef: {  	_ = 	snop  }
0x2f0: {  	[tilespmem:s14], [sflag:$0x5] =	stream.indirect_vreg.gather [hbm4b:s9+s3], $0x80, v4, vm0, $0xb8;
	[tilespmem:$0x1C400] =	vst v63  }
0x2f1: {  	_ =	swait.ge [sflag:s25], $0x8000  }
0x2f2: {  	[sflag:s25] =	ssyncset.done $0x0  }
.Ltmp29:
0x2f3: {  	s21 =	rddreg [dreg:$0xd];
	[sflag:s25] =	ssyncadd.s32 $0xFFFF8000;
	(pc) =	sbr.rel .LBB2_47-.Ltmp29, $4  }
0x2f4: {  	[hbm4b:s21+s3] =	stream.linear.scatter [tilespmem:s18], [sflag:$0x7], $0x8000, $0x38;
	[tilespmem:$0x1C400] =	vst v63  }
0x2f5: {  	_ =	swait.ge [sflag:s24], $0x8000  }
0x2f6: {  	[sflag:s24] =	ssyncset.done $0x0  }
0x2f7: {  	s11 =	simm.s32 $0xC400;
	s15 =	simm.s32 $0x1;
	[sflag:s24] =	ssyncadd.s32 $0xFFFF8000  }
.LBB2_45:
0x2f8: {  	s15 =	rddreg [dreg:$0xd]  }
0x2f9: {  	[hbm4b:s15+s3] =	stream.linear.scatter [tilespmem:s19], [sflag:$0x4], $0x8000, $0x38;
	[tilespmem:$0x1C400] =	vst v63  }
0x2fa: {  	s11 =	simm.s32 $0xC400;
	s15 =	simm.s32 $0x2  }
.LBB2_47:
0x2fb: {  	v4 =	vld [tilespmem:$0x4220]  }
0x2fc: {  	v5 =	vld [tilespmem:$0x4020]  }
0x2fd: {  	v6 =	vld [tilespmem:$0x4230]  }
0x2fe: {  	v7 =	vld [tilespmem:$0x4030];
	_ =	sdelay $0x4  }
0x2ff: {  	vm1 =	vne.s32 v4, v5;
	vm2 =	vne.s32 v6, v7  }
0x300: {  	v5 =	vsel vm1, $0x1, v0;
	v6 =	vsel vm2, $0x1, v0  }
0x301: {  	v5 =	vadd.s32 v5, v6  }
0x302: {  	(xrf0) =	vadd.scan.msk.s32 $0xffff, v5;
	_ =	sdelay $0x5  }
0x303: {  	v5, _, _ =	vpop (xrf0)  }
0x304: {  	(v2sf) =	vpush v5, $0xF;
	_ =	sdelay $0xe  }
0x305: {  	s19 =	spop (v2sf)  }
0x306: {  	p1 =	sne.s32 s19, $0x0  }
.Ltmp30:
0x307: {  	_ = 	snop;
	(pc) =	sbr.rel @!p1 .LBB2_48-.Ltmp30, $1  }
0x308: {  	_ =	sdelay $0x3  }
0x309: {  	v5 =	vshll.u32 v4, $0x3  }
0x30a: {  	v4 =	vand.u32 $0x7, v4;
	v5 =	vand.u32 $0xFFFFFFC0, v5  }
0x30b: {  	v4 =	vor.u32 v4, v5  }
0x30c: {  	v5 =	vperm.xlane v4, v1;
	_ =	sdelay $0x1  }
0x30d: {  	v5 =	vadd.s32 v2, v5;
	_ =	sdelay $0x4  }
0x30e: {  	[tilespmem:s18], [sflag:$0x5] =	stream.indirect_vreg.gather [hbm4b:s1+s3], $0x80, v5, vm0, $0xb8;
	[tilespmem:$0x1C400] =	vst v63  }
0x30f: {  	s20 =	simm.s32 $0x14C00;
	v4 =	vperm.xlane v4, v3  }
0x310: {  	[tilespmem:s20], [sflag:$0x5] =	stream.indirect_vreg.gather [hbm4b:s7+s3], $0x80, v5, vm0, $0xb8;
	[tilespmem:$0x1C400] =	vst v63  }
0x311: {  	s21 =	simm.s32 $0x15400;
	v4 =	vadd.s32 v2, v4  }
0x312: {  	[tilespmem:s21], [sflag:$0x5] =	stream.indirect_vreg.gather [hbm4b:s8+s3], $0x80, v5, vm0, $0xb8;
	[tilespmem:$0x1C400] =	vst v63  }
0x313: {  	s21 =	simm.s32 $0x15C00  }
0x314: {  	[tilespmem:s21], [sflag:$0x5] =	stream.indirect_vreg.gather [hbm4b:s9+s3], $0x80, v5, vm0, $0xb8;
	[tilespmem:$0x1C400] =	vst v63  }
0x315: {  	s21 =	simm.s32 $0x16400  }
0x316: {  	[tilespmem:s21], [sflag:$0x5] =	stream.indirect_vreg.gather [hbm4b:s1+s3], $0x80, v4, vm0, $0xb8;
	[tilespmem:$0x1C400] =	vst v63  }
0x317: {  	_ = 	snop  }
0x318: {  	[tilespmem:s28], [sflag:$0x5] =	stream.indirect_vreg.gather [hbm4b:s7+s3], $0x80, v4, vm0, $0xb8;
	[tilespmem:$0x1C400] =	vst v63  }
0x319: {  	_ = 	snop  }
0x31a: {  	[tilespmem:s29], [sflag:$0x5] =	stream.indirect_vreg.gather [hbm4b:s8+s3], $0x80, v4, vm0, $0xb8;
	[tilespmem:$0x1C400] =	vst v63  }
0x31b: {  	_ = 	snop  }
0x31c: {  	[tilespmem:s30], [sflag:$0x5] =	stream.indirect_vreg.gather [hbm4b:s9+s3], $0x80, v4, vm0, $0xb8;
	[tilespmem:$0x1C400] =	vst v63  }
0x31d: {  	v4 =	vld [tilespmem:$0x4230];
	_ =	sdelay $0x4  }
0x31e: {  	v5 =	vshll.u32 v4, $0x3  }
0x31f: {  	v4 =	vand.u32 $0x7, v4;
	v5 =	vand.u32 $0xFFFFFFC0, v5  }
0x320: {  	v4 =	vor.u32 v4, v5  }
0x321: {  	v5 =	vperm.xlane v4, v1;
	_ =	sdelay $0x1  }
0x322: {  	v5 =	vadd.s32 v2, v5;
	_ =	sdelay $0x4  }
0x323: {  	[tilespmem:s31], [sflag:$0x5] =	stream.indirect_vreg.gather [hbm4b:s1+s3], $0x80, v5, vm0, $0xb8;
	[tilespmem:$0x1C400] =	vst v63  }
0x324: {  	v4 =	vperm.xlane v4, v3  }
0x325: {  	[tilespmem:s0], [sflag:$0x5] =	stream.indirect_vreg.gather [hbm4b:s7+s3], $0x80, v5, vm0, $0xb8;
	[tilespmem:$0x1C400] =	vst v63  }
0x326: {  	v4 =	vadd.s32 v2, v4  }
0x327: {  	[tilespmem:s2], [sflag:$0x5] =	stream.indirect_vreg.gather [hbm4b:s8+s3], $0x80, v5, vm0, $0xb8;
	[tilespmem:$0x1C400] =	vst v63  }
0x328: {  	_ = 	snop  }
0x329: {  	[tilespmem:s4], [sflag:$0x5] =	stream.indirect_vreg.gather [hbm4b:s9+s3], $0x80, v5, vm0, $0xb8;
	[tilespmem:$0x1C400] =	vst v63  }
0x32a: {  	_ = 	snop  }
0x32b: {  	[tilespmem:s6], [sflag:$0x5] =	stream.indirect_vreg.gather [hbm4b:s1+s3], $0x80, v4, vm0, $0xb8;
	[tilespmem:$0x1C400] =	vst v63  }
0x32c: {  	_ = 	snop  }
0x32d: {  	[tilespmem:s10], [sflag:$0x5] =	stream.indirect_vreg.gather [hbm4b:s7+s3], $0x80, v4, vm0, $0xb8;
	[tilespmem:$0x1C400] =	vst v63  }
0x32e: {  	_ = 	snop  }
0x32f: {  	[tilespmem:s13], [sflag:$0x5] =	stream.indirect_vreg.gather [hbm4b:s8+s3], $0x80, v4, vm0, $0xb8;
	[tilespmem:$0x1C400] =	vst v63  }
0x330: {  	_ = 	snop  }
0x331: {  	[tilespmem:s14], [sflag:$0x5] =	stream.indirect_vreg.gather [hbm4b:s9+s3], $0x80, v4, vm0, $0xb8;
	[tilespmem:$0x1C400] =	vst v63  }
0x332: {  	_ =	swait.ge [sflag:s25], $0x8000  }
0x333: {  	[sflag:s25] =	ssyncset.done $0x0  }
.Ltmp31:
0x334: {  	s21 =	rddreg [dreg:$0xe];
	[sflag:s25] =	ssyncadd.s32 $0xFFFF8000;
	(pc) =	sbr.rel .LBB2_50-.Ltmp31, $4  }
0x335: {  	[hbm4b:s21+s3] =	stream.linear.scatter [tilespmem:s18], [sflag:$0x7], $0x8000, $0x38;
	[tilespmem:$0x1C400] =	vst v63  }
0x336: {  	_ =	swait.ge [sflag:s24], $0x8000  }
0x337: {  	[sflag:s24] =	ssyncset.done $0x0  }
0x338: {  	[sflag:s24] =	ssyncadd.s32 $0xFFFF8000  }
.LBB2_48:
0x339: {  	s20 =	rddreg [dreg:$0xe]  }
0x33a: {  	[hbm4b:s20+s3] =	stream.linear.scatter [tilespmem:s11], [sflag:$0x4], $0x8000, $0x38;
	[tilespmem:$0x1C400] =	vst v63  }
.LBB2_50:
0x33b: {  	v4 =	vld [tilespmem:$0x4320]  }
0x33c: {  	v5 =	vld [tilespmem:$0x4020]  }
0x33d: {  	v6 =	vld [tilespmem:$0x4330]  }
0x33e: {  	v7 =	vld [tilespmem:$0x4030];
	_ =	sdelay $0x4  }
0x33f: {  	vm1 =	vne.s32 v4, v5;
	vm2 =	vne.s32 v6, v7  }
0x340: {  	v5 =	vsel vm1, $0x1, v0;
	v6 =	vsel vm2, $0x1, v0  }
0x341: {  	v5 =	vadd.s32 v5, v6  }
0x342: {  	(xrf0) =	vadd.scan.msk.s32 $0xffff, v5;
	_ =	sdelay $0x5  }
0x343: {  	v5, _, _ =	vpop (xrf0)  }
0x344: {  	(v2sf) =	vpush v5, $0xF;
	_ =	sdelay $0xe  }
0x345: {  	s20 =	spop (v2sf)  }
0x346: {  	p1 =	sne.s32 s20, $0x0  }
.Ltmp32:
0x347: {  	_ = 	snop;
	(pc) =	sbr.rel @!p1 .LBB2_51-.Ltmp32, $1  }
0x348: {  	_ =	sdelay $0x3  }
0x349: {  	v5 =	vshll.u32 v4, $0x3  }
0x34a: {  	v4 =	vand.u32 $0x7, v4;
	v5 =	vand.u32 $0xFFFFFFC0, v5  }
0x34b: {  	v4 =	vor.u32 v4, v5  }
0x34c: {  	v5 =	vperm.xlane v4, v1;
	_ =	sdelay $0x1  }
0x34d: {  	v5 =	vadd.s32 v2, v5;
	_ =	sdelay $0x4  }
0x34e: {  	[tilespmem:s18], [sflag:$0x5] =	stream.indirect_vreg.gather [hbm4b:s1+s3], $0x80, v5, vm0, $0xb8;
	[tilespmem:$0x1C400] =	vst v63  }
0x34f: {  	s21 =	simm.s32 $0x14C00;
	v4 =	vperm.xlane v4, v3  }
0x350: {  	[tilespmem:s21], [sflag:$0x5] =	stream.indirect_vreg.gather [hbm4b:s7+s3], $0x80, v5, vm0, $0xb8;
	[tilespmem:$0x1C400] =	vst v63  }
0x351: {  	v4 =	vadd.s32 v2, v4;
	s21 =	simm.s32 $0x15400  }
0x352: {  	[tilespmem:s21], [sflag:$0x5] =	stream.indirect_vreg.gather [hbm4b:s8+s3], $0x80, v5, vm0, $0xb8;
	[tilespmem:$0x1C400] =	vst v63  }
0x353: {  	s21 =	simm.s32 $0x15C00  }
0x354: {  	[tilespmem:s21], [sflag:$0x5] =	stream.indirect_vreg.gather [hbm4b:s9+s3], $0x80, v5, vm0, $0xb8;
	[tilespmem:$0x1C400] =	vst v63  }
0x355: {  	s21 =	simm.s32 $0x16400  }
0x356: {  	[tilespmem:s21], [sflag:$0x5] =	stream.indirect_vreg.gather [hbm4b:s1+s3], $0x80, v4, vm0, $0xb8;
	[tilespmem:$0x1C400] =	vst v63  }
0x357: {  	_ = 	snop  }
0x358: {  	[tilespmem:s28], [sflag:$0x5] =	stream.indirect_vreg.gather [hbm4b:s7+s3], $0x80, v4, vm0, $0xb8;
	[tilespmem:$0x1C400] =	vst v63  }
0x359: {  	_ = 	snop  }
0x35a: {  	[tilespmem:s29], [sflag:$0x5] =	stream.indirect_vreg.gather [hbm4b:s8+s3], $0x80, v4, vm0, $0xb8;
	[tilespmem:$0x1C400] =	vst v63  }
0x35b: {  	_ = 	snop  }
0x35c: {  	[tilespmem:s30], [sflag:$0x5] =	stream.indirect_vreg.gather [hbm4b:s9+s3], $0x80, v4, vm0, $0xb8;
	[tilespmem:$0x1C400] =	vst v63  }
0x35d: {  	v4 =	vld [tilespmem:$0x4330];
	_ =	sdelay $0x4  }
0x35e: {  	v5 =	vshll.u32 v4, $0x3  }
0x35f: {  	v4 =	vand.u32 $0x7, v4;
	v5 =	vand.u32 $0xFFFFFFC0, v5  }
0x360: {  	v4 =	vor.u32 v4, v5  }
0x361: {  	v5 =	vperm.xlane v4, v1;
	_ =	sdelay $0x1  }
0x362: {  	v5 =	vadd.s32 v2, v5;
	_ =	sdelay $0x4  }
0x363: {  	[tilespmem:s31], [sflag:$0x5] =	stream.indirect_vreg.gather [hbm4b:s1+s3], $0x80, v5, vm0, $0xb8;
	[tilespmem:$0x1C400] =	vst v63  }
0x364: {  	v4 =	vperm.xlane v4, v3  }
0x365: {  	[tilespmem:s0], [sflag:$0x5] =	stream.indirect_vreg.gather [hbm4b:s7+s3], $0x80, v5, vm0, $0xb8;
	[tilespmem:$0x1C400] =	vst v63  }
0x366: {  	v4 =	vadd.s32 v2, v4  }
0x367: {  	[tilespmem:s2], [sflag:$0x5] =	stream.indirect_vreg.gather [hbm4b:s8+s3], $0x80, v5, vm0, $0xb8;
	[tilespmem:$0x1C400] =	vst v63  }
0x368: {  	_ = 	snop  }
0x369: {  	[tilespmem:s4], [sflag:$0x5] =	stream.indirect_vreg.gather [hbm4b:s9+s3], $0x80, v5, vm0, $0xb8;
	[tilespmem:$0x1C400] =	vst v63  }
0x36a: {  	_ = 	snop  }
0x36b: {  	[tilespmem:s6], [sflag:$0x5] =	stream.indirect_vreg.gather [hbm4b:s1+s3], $0x80, v4, vm0, $0xb8;
	[tilespmem:$0x1C400] =	vst v63  }
0x36c: {  	_ = 	snop  }
0x36d: {  	[tilespmem:s10], [sflag:$0x5] =	stream.indirect_vreg.gather [hbm4b:s7+s3], $0x80, v4, vm0, $0xb8;
	[tilespmem:$0x1C400] =	vst v63  }
0x36e: {  	_ = 	snop  }
0x36f: {  	[tilespmem:s13], [sflag:$0x5] =	stream.indirect_vreg.gather [hbm4b:s8+s3], $0x80, v4, vm0, $0xb8;
	[tilespmem:$0x1C400] =	vst v63  }
0x370: {  	_ = 	snop  }
0x371: {  	[tilespmem:s14], [sflag:$0x5] =	stream.indirect_vreg.gather [hbm4b:s9+s3], $0x80, v4, vm0, $0xb8;
	[tilespmem:$0x1C400] =	vst v63  }
0x372: {  	_ =	swait.ge [sflag:s25], $0x8000  }
0x373: {  	[sflag:s25] =	ssyncset.done $0x0  }
.Ltmp33:
0x374: {  	s21 =	rddreg [dreg:$0xf];
	[sflag:s25] =	ssyncadd.s32 $0xFFFF8000;
	(pc) =	sbr.rel .LBB2_53-.Ltmp33, $4  }
0x375: {  	[hbm4b:s21+s3] =	stream.linear.scatter [tilespmem:s18], [sflag:$0x7], $0x8000, $0x38;
	[tilespmem:$0x1C400] =	vst v63  }
0x376: {  	_ =	swait.ge [sflag:s24], $0x8000  }
0x377: {  	[sflag:s24] =	ssyncset.done $0x0  }
0x378: {  	[sflag:s24] =	ssyncadd.s32 $0xFFFF8000  }
.LBB2_51:
0x379: {  	s21 =	rddreg [dreg:$0xf]  }
0x37a: {  	[hbm4b:s21+s3] =	stream.linear.scatter [tilespmem:s11], [sflag:$0x4], $0x8000, $0x38;
	[tilespmem:$0x1C400] =	vst v63  }
.LBB2_53:
0x37b: {  	p1 =	seq.s32 s19, $0x0;
	s19 =	simm.s32 $0x1  }
0x37c: {  	s19 =	simm.s32 @!p1 $0x0;
	p1 =	seq.s32 s20, $0x0;
	s20 =	simm.s32 $0x1  }
0x37d: {  	s15 =	sadd.s32 s19, s15;
	s20 =	simm.s32 @!p1 $0x0  }
0x37e: {  	s15 =	sadd.s32 s20, s15  }
0x37f: {  	p1 =	sne.s32 s15, $0x1  }
.Ltmp34:
0x380: {  	_ =	swait.ge [sflag:s26], $0x8000;
	(pc) =	sbr.rel @!p1 .LBB2_55-.Ltmp34, $4  }
0x381: {  	[sflag:s26] =	ssyncset.done $0x0  }
0x382: {  	[sflag:s26] =	ssyncadd.s32 $0xFFFF8000  }
0x383: {  	_ =	swait.ge [sflag:s17], $0x8000  }
0x384: {  	s15 =	sadd.s32 $0xFFFFFFFF, s15;
	[sflag:s17] =	ssyncset.done $0x0  }
.LBB2_54:
0x385: {  	p1 =	sne.s32 s15, $0x1;
	s15 =	sadd.s32 $0xFFFFFFFF, s15;
	[sflag:s17] =	ssyncadd.s32 $0xFFFF8000  }
.Ltmp35:
0x386: {  	(pc) =	sbr.rel @p1 .LBB2_54-.Ltmp35, $3  }
0x387: {  	_ =	sdelay $0x1  }
0x388: {  	_ =	swait.ge [sflag:s17], $0x8000  }
0x389: {  	[sflag:s17] =	ssyncset.done $0x0  }
.LBB2_55:
0x38a: {  	[sflag:s17] =	ssyncadd.s32 $0xFFFF8000  }
0x38b: {  	v4 =	vld [tilespmem:$0x4060];
	_ =	sdelay $0x4  }
0x38c: {  	v5 =	vshll.u32 v4, $0x3  }
0x38d: {  	v4 =	vand.u32 $0x7, v4;
	v5 =	vand.u32 $0xFFFFFFC0, v5  }
0x38e: {  	v4 =	vor.u32 v4, v5  }
0x38f: {  	v5 =	vperm.xlane v4, v1;
	_ =	sdelay $0x1  }
0x390: {  	v5 =	vadd.s32 v2, v5;
	_ =	sdelay $0x4  }
0x391: {  	[tilespmem:s11], [sflag:$0x2] =	stream.indirect_vreg.gather [hbm4b:s1+s3], $0x80, v5, vm0, $0xb8;
	[tilespmem:$0x1C400] =	vst v63  }
0x392: {  	s15 =	simm.s32 $0xCC00;
	v4 =	vperm.xlane v4, v3  }
0x393: {  	[tilespmem:s15], [sflag:$0x2] =	stream.indirect_vreg.gather [hbm4b:s7+s3], $0x80, v5, vm0, $0xb8;
	[tilespmem:$0x1C400] =	vst v63  }
0x394: {  	s19 =	simm.s32 $0xD400;
	v4 =	vadd.s32 v2, v4  }
0x395: {  	[tilespmem:s19], [sflag:$0x2] =	stream.indirect_vreg.gather [hbm4b:s8+s3], $0x80, v5, vm0, $0xb8;
	[tilespmem:$0x1C400] =	vst v63  }
0x396: {  	s20 =	simm.s32 $0xDC00  }
0x397: {  	[tilespmem:s20], [sflag:$0x2] =	stream.indirect_vreg.gather [hbm4b:s9+s3], $0x80, v5, vm0, $0xb8;
	[tilespmem:$0x1C400] =	vst v63  }
0x398: {  	s21 =	simm.s32 $0xE400  }
0x399: {  	[tilespmem:s21], [sflag:$0x2] =	stream.indirect_vreg.gather [hbm4b:s1+s3], $0x80, v4, vm0, $0xb8;
	[tilespmem:$0x1C400] =	vst v63  }
0x39a: {  	s15 =	simm.s32 $0xEC00  }
0x39b: {  	[tilespmem:s15], [sflag:$0x2] =	stream.indirect_vreg.gather [hbm4b:s7+s3], $0x80, v4, vm0, $0xb8;
	[tilespmem:$0x1C400] =	vst v63  }
0x39c: {  	s19 =	simm.s32 $0xF400  }
0x39d: {  	[tilespmem:s19], [sflag:$0x2] =	stream.indirect_vreg.gather [hbm4b:s8+s3], $0x80, v4, vm0, $0xb8;
	[tilespmem:$0x1C400] =	vst v63  }
0x39e: {  	s20 =	simm.s32 $0xFC00  }
0x39f: {  	[tilespmem:s20], [sflag:$0x2] =	stream.indirect_vreg.gather [hbm4b:s9+s3], $0x80, v4, vm0, $0xb8;
	[tilespmem:$0x1C400] =	vst v63  }
0x3a0: {  	v4 =	vld [tilespmem:$0x4070];
	_ =	sdelay $0x4  }
0x3a1: {  	v5 =	vshll.u32 v4, $0x3  }
0x3a2: {  	v4 =	vand.u32 $0x7, v4;
	v5 =	vand.u32 $0xFFFFFFC0, v5  }
0x3a3: {  	v4 =	vor.u32 v4, v5  }
0x3a4: {  	v5 =	vperm.xlane v4, v1;
	_ =	sdelay $0x1  }
0x3a5: {  	v5 =	vadd.s32 v2, v5;
	_ =	sdelay $0x3  }
0x3a6: {  	s21 =	simm.s32 $0x10400  }
0x3a7: {  	[tilespmem:s21], [sflag:$0x2] =	stream.indirect_vreg.gather [hbm4b:s1+s3], $0x80, v5, vm0, $0xb8;
	[tilespmem:$0x1C400] =	vst v63  }
0x3a8: {  	s15 =	simm.s32 $0x10C00;
	v4 =	vperm.xlane v4, v3  }
0x3a9: {  	[tilespmem:s15], [sflag:$0x2] =	stream.indirect_vreg.gather [hbm4b:s7+s3], $0x80, v5, vm0, $0xb8;
	[tilespmem:$0x1C400] =	vst v63  }
0x3aa: {  	s19 =	simm.s32 $0x11400;
	v4 =	vadd.s32 v2, v4  }
0x3ab: {  	[tilespmem:s19], [sflag:$0x2] =	stream.indirect_vreg.gather [hbm4b:s8+s3], $0x80, v5, vm0, $0xb8;
	[tilespmem:$0x1C400] =	vst v63  }
0x3ac: {  	s20 =	simm.s32 $0x11C00  }
0x3ad: {  	[tilespmem:s20], [sflag:$0x2] =	stream.indirect_vreg.gather [hbm4b:s9+s3], $0x80, v5, vm0, $0xb8;
	[tilespmem:$0x1C400] =	vst v63  }
0x3ae: {  	s21 =	simm.s32 $0x12400  }
0x3af: {  	[tilespmem:s21], [sflag:$0x2] =	stream.indirect_vreg.gather [hbm4b:s1+s3], $0x80, v4, vm0, $0xb8;
	[tilespmem:$0x1C400] =	vst v63  }
0x3b0: {  	s15 =	simm.s32 $0x12C00  }
0x3b1: {  	[tilespmem:s15], [sflag:$0x2] =	stream.indirect_vreg.gather [hbm4b:s7+s3], $0x80, v4, vm0, $0xb8;
	[tilespmem:$0x1C400] =	vst v63  }
0x3b2: {  	s19 =	simm.s32 $0x13400  }
0x3b3: {  	[tilespmem:s19], [sflag:$0x2] =	stream.indirect_vreg.gather [hbm4b:s8+s3], $0x80, v4, vm0, $0xb8;
	[tilespmem:$0x1C400] =	vst v63  }
0x3b4: {  	s20 =	simm.s32 $0x13C00  }
0x3b5: {  	[tilespmem:s20], [sflag:$0x2] =	stream.indirect_vreg.gather [hbm4b:s9+s3], $0x80, v4, vm0, $0xb8;
	[tilespmem:$0x1C400] =	vst v63  }
0x3b6: {  	s15 =	rddreg [dreg:$0x10]  }
0x3b7: {  	[hbm4b:s15+s3] =	stream.linear.scatter [tilespmem:s22], [sflag:$0x3], $0x8000, $0x38;
	[tilespmem:$0x1C400] =	vst v63  }
0x3b8: {  	v4 =	vld [tilespmem:$0x4140]  }
0x3b9: {  	v5 =	vld [tilespmem:$0x4040]  }
0x3ba: {  	v6 =	vld [tilespmem:$0x4150]  }
0x3bb: {  	v7 =	vld [tilespmem:$0x4050];
	_ =	sdelay $0x4  }
0x3bc: {  	vm1 =	vne.s32 v4, v5;
	vm2 =	vne.s32 v6, v7  }
0x3bd: {  	v5 =	vsel vm1, $0x1, v0;
	v6 =	vsel vm2, $0x1, v0  }
0x3be: {  	v5 =	vadd.s32 v5, v6  }
0x3bf: {  	(xrf0) =	vadd.scan.msk.s32 $0xffff, v5;
	_ =	sdelay $0x5  }
0x3c0: {  	v5, _, _ =	vpop (xrf0)  }
0x3c1: {  	(v2sf) =	vpush v5, $0xF;
	_ =	sdelay $0xe  }
0x3c2: {  	s21 =	spop (v2sf)  }
0x3c3: {  	p1 =	sne.s32 s21, $0x0  }
.Ltmp36:
0x3c4: {  	_ = 	snop;
	(pc) =	sbr.rel @!p1 .LBB2_56-.Ltmp36, $1  }
0x3c5: {  	_ =	sdelay $0x3  }
0x3c6: {  	v5 =	vshll.u32 v4, $0x3  }
0x3c7: {  	v4 =	vand.u32 $0x7, v4;
	v5 =	vand.u32 $0xFFFFFFC0, v5  }
0x3c8: {  	v4 =	vor.u32 v4, v5  }
0x3c9: {  	v5 =	vperm.xlane v4, v1;
	_ =	sdelay $0x1  }
0x3ca: {  	v5 =	vadd.s32 v2, v5;
	_ =	sdelay $0x4  }
0x3cb: {  	[tilespmem:s18], [sflag:$0x5] =	stream.indirect_vreg.gather [hbm4b:s1+s3], $0x80, v5, vm0, $0xb8;
	[tilespmem:$0x1C400] =	vst v63  }
0x3cc: {  	s11 =	simm.s32 $0x14C00;
	v4 =	vperm.xlane v4, v3  }
0x3cd: {  	[tilespmem:s11], [sflag:$0x5] =	stream.indirect_vreg.gather [hbm4b:s7+s3], $0x80, v5, vm0, $0xb8;
	[tilespmem:$0x1C400] =	vst v63  }
0x3ce: {  	s19 =	simm.s32 $0x15400;
	v4 =	vadd.s32 v2, v4  }
0x3cf: {  	[tilespmem:s19], [sflag:$0x5] =	stream.indirect_vreg.gather [hbm4b:s8+s3], $0x80, v5, vm0, $0xb8;
	[tilespmem:$0x1C400] =	vst v63  }
0x3d0: {  	s20 =	simm.s32 $0x15C00  }
0x3d1: {  	[tilespmem:s20], [sflag:$0x5] =	stream.indirect_vreg.gather [hbm4b:s9+s3], $0x80, v5, vm0, $0xb8;
	[tilespmem:$0x1C400] =	vst v63  }
0x3d2: {  	s21 =	simm.s32 $0x16400  }
0x3d3: {  	[tilespmem:s21], [sflag:$0x5] =	stream.indirect_vreg.gather [hbm4b:s1+s3], $0x80, v4, vm0, $0xb8;
	[tilespmem:$0x1C400] =	vst v63  }
0x3d4: {  	_ = 	snop  }
0x3d5: {  	[tilespmem:s28], [sflag:$0x5] =	stream.indirect_vreg.gather [hbm4b:s7+s3], $0x80, v4, vm0, $0xb8;
	[tilespmem:$0x1C400] =	vst v63  }
0x3d6: {  	_ = 	snop  }
0x3d7: {  	[tilespmem:s29], [sflag:$0x5] =	stream.indirect_vreg.gather [hbm4b:s8+s3], $0x80, v4, vm0, $0xb8;
	[tilespmem:$0x1C400] =	vst v63  }
0x3d8: {  	_ = 	snop  }
0x3d9: {  	[tilespmem:s30], [sflag:$0x5] =	stream.indirect_vreg.gather [hbm4b:s9+s3], $0x80, v4, vm0, $0xb8;
	[tilespmem:$0x1C400] =	vst v63  }
0x3da: {  	v4 =	vld [tilespmem:$0x4150];
	_ =	sdelay $0x4  }
0x3db: {  	v5 =	vshll.u32 v4, $0x3  }
0x3dc: {  	v4 =	vand.u32 $0x7, v4;
	v5 =	vand.u32 $0xFFFFFFC0, v5  }
0x3dd: {  	v4 =	vor.u32 v4, v5  }
0x3de: {  	v5 =	vperm.xlane v4, v1;
	_ =	sdelay $0x1  }
0x3df: {  	v5 =	vadd.s32 v2, v5;
	_ =	sdelay $0x4  }
0x3e0: {  	[tilespmem:s31], [sflag:$0x5] =	stream.indirect_vreg.gather [hbm4b:s1+s3], $0x80, v5, vm0, $0xb8;
	[tilespmem:$0x1C400] =	vst v63  }
0x3e1: {  	v4 =	vperm.xlane v4, v3  }
0x3e2: {  	[tilespmem:s0], [sflag:$0x5] =	stream.indirect_vreg.gather [hbm4b:s7+s3], $0x80, v5, vm0, $0xb8;
	[tilespmem:$0x1C400] =	vst v63  }
0x3e3: {  	v4 =	vadd.s32 v2, v4  }
0x3e4: {  	[tilespmem:s2], [sflag:$0x5] =	stream.indirect_vreg.gather [hbm4b:s8+s3], $0x80, v5, vm0, $0xb8;
	[tilespmem:$0x1C400] =	vst v63  }
0x3e5: {  	_ = 	snop  }
0x3e6: {  	[tilespmem:s4], [sflag:$0x5] =	stream.indirect_vreg.gather [hbm4b:s9+s3], $0x80, v5, vm0, $0xb8;
	[tilespmem:$0x1C400] =	vst v63  }
0x3e7: {  	_ = 	snop  }
0x3e8: {  	[tilespmem:s6], [sflag:$0x5] =	stream.indirect_vreg.gather [hbm4b:s1+s3], $0x80, v4, vm0, $0xb8;
	[tilespmem:$0x1C400] =	vst v63  }
0x3e9: {  	_ = 	snop  }
0x3ea: {  	[tilespmem:s10], [sflag:$0x5] =	stream.indirect_vreg.gather [hbm4b:s7+s3], $0x80, v4, vm0, $0xb8;
	[tilespmem:$0x1C400] =	vst v63  }
0x3eb: {  	_ = 	snop  }
0x3ec: {  	[tilespmem:s13], [sflag:$0x5] =	stream.indirect_vreg.gather [hbm4b:s8+s3], $0x80, v4, vm0, $0xb8;
	[tilespmem:$0x1C400] =	vst v63  }
0x3ed: {  	_ = 	snop  }
0x3ee: {  	[tilespmem:s14], [sflag:$0x5] =	stream.indirect_vreg.gather [hbm4b:s9+s3], $0x80, v4, vm0, $0xb8;
	[tilespmem:$0x1C400] =	vst v63  }
0x3ef: {  	_ =	swait.ge [sflag:s25], $0x8000  }
0x3f0: {  	[sflag:s25] =	ssyncset.done $0x0  }
.Ltmp37:
0x3f1: {  	s15 =	rddreg [dreg:$0x11];
	[sflag:s25] =	ssyncadd.s32 $0xFFFF8000;
	(pc) =	sbr.rel .LBB2_58-.Ltmp37, $4  }
0x3f2: {  	[hbm4b:s15+s3] =	stream.linear.scatter [tilespmem:s18], [sflag:$0x7], $0x8000, $0x38;
	[tilespmem:$0x1C400] =	vst v63  }
0x3f3: {  	_ =	swait.ge [sflag:s24], $0x8000  }
0x3f4: {  	[sflag:s24] =	ssyncset.done $0x0  }
0x3f5: {  	s15 =	simm.s32 $0x1;
	[sflag:s24] =	ssyncadd.s32 $0xFFFF8000  }
.LBB2_56:
0x3f6: {  	s15 =	rddreg [dreg:$0x11]  }
0x3f7: {  	[hbm4b:s15+s3] =	stream.linear.scatter [tilespmem:s22], [sflag:$0x3], $0x8000, $0x38;
	[tilespmem:$0x1C400] =	vst v63  }
0x3f8: {  	s15 =	simm.s32 $0x2  }
.LBB2_58:
0x3f9: {  	v4 =	vld [tilespmem:$0x4240]  }
0x3fa: {  	v5 =	vld [tilespmem:$0x4040]  }
0x3fb: {  	v6 =	vld [tilespmem:$0x4250]  }
0x3fc: {  	v7 =	vld [tilespmem:$0x4050];
	_ =	sdelay $0x4  }
0x3fd: {  	vm1 =	vne.s32 v4, v5;
	vm2 =	vne.s32 v6, v7  }
0x3fe: {  	v5 =	vsel vm1, $0x1, v0;
	v6 =	vsel vm2, $0x1, v0  }
0x3ff: {  	v5 =	vadd.s32 v5, v6  }
0x400: {  	(xrf0) =	vadd.scan.msk.s32 $0xffff, v5;
	_ =	sdelay $0x5  }
0x401: {  	v5, _, _ =	vpop (xrf0)  }
0x402: {  	(v2sf) =	vpush v5, $0xF;
	_ =	sdelay $0xe  }
0x403: {  	s19 =	spop (v2sf)  }
0x404: {  	p1 =	sne.s32 s19, $0x0  }
.Ltmp38:
0x405: {  	_ = 	snop;
	(pc) =	sbr.rel @!p1 .LBB2_59-.Ltmp38, $1  }
0x406: {  	_ =	sdelay $0x3  }
0x407: {  	v5 =	vshll.u32 v4, $0x3  }
0x408: {  	v4 =	vand.u32 $0x7, v4;
	v5 =	vand.u32 $0xFFFFFFC0, v5  }
0x409: {  	v4 =	vor.u32 v4, v5  }
0x40a: {  	v5 =	vperm.xlane v4, v1;
	_ =	sdelay $0x1  }
0x40b: {  	v5 =	vadd.s32 v2, v5;
	_ =	sdelay $0x4  }
0x40c: {  	[tilespmem:s18], [sflag:$0x5] =	stream.indirect_vreg.gather [hbm4b:s1+s3], $0x80, v5, vm0, $0xb8;
	[tilespmem:$0x1C400] =	vst v63  }
0x40d: {  	s11 =	simm.s32 $0x14C00;
	v4 =	vperm.xlane v4, v3  }
0x40e: {  	[tilespmem:s11], [sflag:$0x5] =	stream.indirect_vreg.gather [hbm4b:s7+s3], $0x80, v5, vm0, $0xb8;
	[tilespmem:$0x1C400] =	vst v63  }
0x40f: {  	s21 =	simm.s32 $0x15400;
	v4 =	vadd.s32 v2, v4  }
0x410: {  	[tilespmem:s21], [sflag:$0x5] =	stream.indirect_vreg.gather [hbm4b:s8+s3], $0x80, v5, vm0, $0xb8;
	[tilespmem:$0x1C400] =	vst v63  }
0x411: {  	s20 =	simm.s32 $0x15C00  }
0x412: {  	[tilespmem:s20], [sflag:$0x5] =	stream.indirect_vreg.gather [hbm4b:s9+s3], $0x80, v5, vm0, $0xb8;
	[tilespmem:$0x1C400] =	vst v63  }
0x413: {  	s21 =	simm.s32 $0x16400  }
0x414: {  	[tilespmem:s21], [sflag:$0x5] =	stream.indirect_vreg.gather [hbm4b:s1+s3], $0x80, v4, vm0, $0xb8;
	[tilespmem:$0x1C400] =	vst v63  }
0x415: {  	_ = 	snop  }
0x416: {  	[tilespmem:s28], [sflag:$0x5] =	stream.indirect_vreg.gather [hbm4b:s7+s3], $0x80, v4, vm0, $0xb8;
	[tilespmem:$0x1C400] =	vst v63  }
0x417: {  	_ = 	snop  }
0x418: {  	[tilespmem:s29], [sflag:$0x5] =	stream.indirect_vreg.gather [hbm4b:s8+s3], $0x80, v4, vm0, $0xb8;
	[tilespmem:$0x1C400] =	vst v63  }
0x419: {  	_ = 	snop  }
0x41a: {  	[tilespmem:s30], [sflag:$0x5] =	stream.indirect_vreg.gather [hbm4b:s9+s3], $0x80, v4, vm0, $0xb8;
	[tilespmem:$0x1C400] =	vst v63  }
0x41b: {  	v4 =	vld [tilespmem:$0x4250];
	_ =	sdelay $0x4  }
0x41c: {  	v5 =	vshll.u32 v4, $0x3  }
0x41d: {  	v4 =	vand.u32 $0x7, v4;
	v5 =	vand.u32 $0xFFFFFFC0, v5  }
0x41e: {  	v4 =	vor.u32 v4, v5  }
0x41f: {  	v5 =	vperm.xlane v4, v1;
	_ =	sdelay $0x1  }
0x420: {  	v5 =	vadd.s32 v2, v5;
	_ =	sdelay $0x4  }
0x421: {  	[tilespmem:s31], [sflag:$0x5] =	stream.indirect_vreg.gather [hbm4b:s1+s3], $0x80, v5, vm0, $0xb8;
	[tilespmem:$0x1C400] =	vst v63  }
0x422: {  	v4 =	vperm.xlane v4, v3  }
0x423: {  	[tilespmem:s0], [sflag:$0x5] =	stream.indirect_vreg.gather [hbm4b:s7+s3], $0x80, v5, vm0, $0xb8;
	[tilespmem:$0x1C400] =	vst v63  }
0x424: {  	v4 =	vadd.s32 v2, v4  }
0x425: {  	[tilespmem:s2], [sflag:$0x5] =	stream.indirect_vreg.gather [hbm4b:s8+s3], $0x80, v5, vm0, $0xb8;
	[tilespmem:$0x1C400] =	vst v63  }
0x426: {  	_ = 	snop  }
0x427: {  	[tilespmem:s4], [sflag:$0x5] =	stream.indirect_vreg.gather [hbm4b:s9+s3], $0x80, v5, vm0, $0xb8;
	[tilespmem:$0x1C400] =	vst v63  }
0x428: {  	_ = 	snop  }
0x429: {  	[tilespmem:s6], [sflag:$0x5] =	stream.indirect_vreg.gather [hbm4b:s1+s3], $0x80, v4, vm0, $0xb8;
	[tilespmem:$0x1C400] =	vst v63  }
0x42a: {  	_ = 	snop  }
0x42b: {  	[tilespmem:s10], [sflag:$0x5] =	stream.indirect_vreg.gather [hbm4b:s7+s3], $0x80, v4, vm0, $0xb8;
	[tilespmem:$0x1C400] =	vst v63  }
0x42c: {  	_ = 	snop  }
0x42d: {  	[tilespmem:s13], [sflag:$0x5] =	stream.indirect_vreg.gather [hbm4b:s8+s3], $0x80, v4, vm0, $0xb8;
	[tilespmem:$0x1C400] =	vst v63  }
0x42e: {  	_ = 	snop  }
0x42f: {  	[tilespmem:s14], [sflag:$0x5] =	stream.indirect_vreg.gather [hbm4b:s9+s3], $0x80, v4, vm0, $0xb8;
	[tilespmem:$0x1C400] =	vst v63  }
0x430: {  	_ =	swait.ge [sflag:s25], $0x8000  }
0x431: {  	[sflag:s25] =	ssyncset.done $0x0  }
.Ltmp39:
0x432: {  	s20 =	rddreg [dreg:$0x12];
	[sflag:s25] =	ssyncadd.s32 $0xFFFF8000;
	(pc) =	sbr.rel .LBB2_61-.Ltmp39, $4  }
0x433: {  	[hbm4b:s20+s3] =	stream.linear.scatter [tilespmem:s18], [sflag:$0x7], $0x8000, $0x38;
	[tilespmem:$0x1C400] =	vst v63  }
0x434: {  	_ =	swait.ge [sflag:s24], $0x8000  }
0x435: {  	[sflag:s24] =	ssyncset.done $0x0  }
0x436: {  	[sflag:s24] =	ssyncadd.s32 $0xFFFF8000  }
.LBB2_59:
0x437: {  	s20 =	rddreg [dreg:$0x12]  }
0x438: {  	[hbm4b:s20+s3] =	stream.linear.scatter [tilespmem:s22], [sflag:$0x3], $0x8000, $0x38;
	[tilespmem:$0x1C400] =	vst v63  }
.LBB2_61:
0x439: {  	v4 =	vld [tilespmem:$0x4340]  }
0x43a: {  	v5 =	vld [tilespmem:$0x4040]  }
0x43b: {  	v6 =	vld [tilespmem:$0x4350]  }
0x43c: {  	v7 =	vld [tilespmem:$0x4050];
	_ =	sdelay $0x4  }
0x43d: {  	vm1 =	vne.s32 v4, v5;
	vm2 =	vne.s32 v6, v7  }
0x43e: {  	v5 =	vsel vm1, $0x1, v0;
	v6 =	vsel vm2, $0x1, v0  }
0x43f: {  	v5 =	vadd.s32 v5, v6  }
0x440: {  	(xrf0) =	vadd.scan.msk.s32 $0xffff, v5;
	_ =	sdelay $0x5  }
0x441: {  	v5, _, _ =	vpop (xrf0)  }
0x442: {  	(v2sf) =	vpush v5, $0xF;
	_ =	sdelay $0xe  }
0x443: {  	s20 =	spop (v2sf)  }
0x444: {  	p1 =	sne.s32 s20, $0x0  }
.Ltmp40:
0x445: {  	_ = 	snop;
	(pc) =	sbr.rel @!p1 .LBB2_62-.Ltmp40, $1  }
0x446: {  	_ =	sdelay $0x3  }
0x447: {  	v5 =	vshll.u32 v4, $0x3  }
0x448: {  	v4 =	vand.u32 $0x7, v4;
	v5 =	vand.u32 $0xFFFFFFC0, v5  }
0x449: {  	v4 =	vor.u32 v4, v5  }
0x44a: {  	v5 =	vperm.xlane v4, v1;
	_ =	sdelay $0x1  }
0x44b: {  	v5 =	vadd.s32 v2, v5;
	_ =	sdelay $0x4  }
0x44c: {  	[tilespmem:s18], [sflag:$0x5] =	stream.indirect_vreg.gather [hbm4b:s1+s3], $0x80, v5, vm0, $0xb8;
	[tilespmem:$0x1C400] =	vst v63  }
0x44d: {  	s11 =	simm.s32 $0x14C00;
	v4 =	vperm.xlane v4, v3  }
0x44e: {  	[tilespmem:s11], [sflag:$0x5] =	stream.indirect_vreg.gather [hbm4b:s7+s3], $0x80, v5, vm0, $0xb8;
	[tilespmem:$0x1C400] =	vst v63  }
0x44f: {  	s21 =	simm.s32 $0x15400;
	v4 =	vadd.s32 v2, v4  }
0x450: {  	[tilespmem:s21], [sflag:$0x5] =	stream.indirect_vreg.gather [hbm4b:s8+s3], $0x80, v5, vm0, $0xb8;
	[tilespmem:$0x1C400] =	vst v63  }
0x451: {  	s21 =	simm.s32 $0x15C00  }
0x452: {  	[tilespmem:s21], [sflag:$0x5] =	stream.indirect_vreg.gather [hbm4b:s9+s3], $0x80, v5, vm0, $0xb8;
	[tilespmem:$0x1C400] =	vst v63  }
0x453: {  	s21 =	simm.s32 $0x16400  }
0x454: {  	[tilespmem:s21], [sflag:$0x5] =	stream.indirect_vreg.gather [hbm4b:s1+s3], $0x80, v4, vm0, $0xb8;
	[tilespmem:$0x1C400] =	vst v63  }
0x455: {  	_ = 	snop  }
0x456: {  	[tilespmem:s28], [sflag:$0x5] =	stream.indirect_vreg.gather [hbm4b:s7+s3], $0x80, v4, vm0, $0xb8;
	[tilespmem:$0x1C400] =	vst v63  }
0x457: {  	_ = 	snop  }
0x458: {  	[tilespmem:s29], [sflag:$0x5] =	stream.indirect_vreg.gather [hbm4b:s8+s3], $0x80, v4, vm0, $0xb8;
	[tilespmem:$0x1C400] =	vst v63  }
0x459: {  	_ = 	snop  }
0x45a: {  	[tilespmem:s30], [sflag:$0x5] =	stream.indirect_vreg.gather [hbm4b:s9+s3], $0x80, v4, vm0, $0xb8;
	[tilespmem:$0x1C400] =	vst v63  }
0x45b: {  	v4 =	vld [tilespmem:$0x4350];
	_ =	sdelay $0x4  }
0x45c: {  	v5 =	vshll.u32 v4, $0x3  }
0x45d: {  	v4 =	vand.u32 $0x7, v4;
	v5 =	vand.u32 $0xFFFFFFC0, v5  }
0x45e: {  	v4 =	vor.u32 v4, v5  }
0x45f: {  	v5 =	vperm.xlane v4, v1;
	_ =	sdelay $0x1  }
0x460: {  	v5 =	vadd.s32 v2, v5;
	_ =	sdelay $0x4  }
0x461: {  	[tilespmem:s31], [sflag:$0x5] =	stream.indirect_vreg.gather [hbm4b:s1+s3], $0x80, v5, vm0, $0xb8;
	[tilespmem:$0x1C400] =	vst v63  }
0x462: {  	v4 =	vperm.xlane v4, v3  }
0x463: {  	[tilespmem:s0], [sflag:$0x5] =	stream.indirect_vreg.gather [hbm4b:s7+s3], $0x80, v5, vm0, $0xb8;
	[tilespmem:$0x1C400] =	vst v63  }
0x464: {  	v4 =	vadd.s32 v2, v4  }
0x465: {  	[tilespmem:s2], [sflag:$0x5] =	stream.indirect_vreg.gather [hbm4b:s8+s3], $0x80, v5, vm0, $0xb8;
	[tilespmem:$0x1C400] =	vst v63  }
0x466: {  	_ = 	snop  }
0x467: {  	[tilespmem:s4], [sflag:$0x5] =	stream.indirect_vreg.gather [hbm4b:s9+s3], $0x80, v5, vm0, $0xb8;
	[tilespmem:$0x1C400] =	vst v63  }
0x468: {  	_ = 	snop  }
0x469: {  	[tilespmem:s6], [sflag:$0x5] =	stream.indirect_vreg.gather [hbm4b:s1+s3], $0x80, v4, vm0, $0xb8;
	[tilespmem:$0x1C400] =	vst v63  }
0x46a: {  	_ = 	snop  }
0x46b: {  	[tilespmem:s10], [sflag:$0x5] =	stream.indirect_vreg.gather [hbm4b:s7+s3], $0x80, v4, vm0, $0xb8;
	[tilespmem:$0x1C400] =	vst v63  }
0x46c: {  	_ = 	snop  }
0x46d: {  	[tilespmem:s13], [sflag:$0x5] =	stream.indirect_vreg.gather [hbm4b:s8+s3], $0x80, v4, vm0, $0xb8;
	[tilespmem:$0x1C400] =	vst v63  }
0x46e: {  	_ = 	snop  }
0x46f: {  	[tilespmem:s14], [sflag:$0x5] =	stream.indirect_vreg.gather [hbm4b:s9+s3], $0x80, v4, vm0, $0xb8;
	[tilespmem:$0x1C400] =	vst v63  }
0x470: {  	_ =	swait.ge [sflag:s25], $0x8000  }
0x471: {  	[sflag:s25] =	ssyncset.done $0x0  }
.Ltmp41:
0x472: {  	s21 =	rddreg [dreg:$0x15];
	[sflag:s25] =	ssyncadd.s32 $0xFFFF8000;
	(pc) =	sbr.rel .LBB2_64-.Ltmp41, $4  }
0x473: {  	[hbm4b:s21+s3] =	stream.linear.scatter [tilespmem:s18], [sflag:$0x7], $0x8000, $0x38;
	[tilespmem:$0x1C400] =	vst v63  }
0x474: {  	_ =	swait.ge [sflag:s24], $0x8000  }
0x475: {  	[sflag:s24] =	ssyncset.done $0x0  }
0x476: {  	[sflag:s24] =	ssyncadd.s32 $0xFFFF8000  }
.LBB2_62:
0x477: {  	s21 =	rddreg [dreg:$0x15]  }
0x478: {  	[hbm4b:s21+s3] =	stream.linear.scatter [tilespmem:s22], [sflag:$0x3], $0x8000, $0x38;
	[tilespmem:$0x1C400] =	vst v63  }
.LBB2_64:
0x479: {  	p1 =	seq.s32 s19, $0x0;
	s19 =	simm.s32 $0x1  }
0x47a: {  	s19 =	simm.s32 @!p1 $0x0;
	p1 =	seq.s32 s20, $0x0;
	s20 =	simm.s32 $0x1  }
0x47b: {  	s15 =	sadd.s32 s19, s15;
	s20 =	simm.s32 @!p1 $0x0  }
0x47c: {  	s15 =	sadd.s32 s20, s15  }
0x47d: {  	s11 =	simm.s32 $0x2;
	p1 =	sne.s32 s15, $0x1  }
.Ltmp42:
0x47e: {  	_ =	swait.ge [sflag:s11], $0x8000;
	(pc) =	sbr.rel @!p1 .LBB2_66-.Ltmp42, $4  }
0x47f: {  	[sflag:s11] =	ssyncset.done $0x0  }
0x480: {  	[sflag:s11] =	ssyncadd.s32 $0xFFFF8000  }
0x481: {  	_ =	swait.ge [sflag:s16], $0x8000  }
0x482: {  	s15 =	sadd.s32 $0xFFFFFFFF, s15;
	[sflag:s16] =	ssyncset.done $0x0  }
.LBB2_65:
0x483: {  	p1 =	sne.s32 s15, $0x1;
	s15 =	sadd.s32 $0xFFFFFFFF, s15;
	[sflag:s16] =	ssyncadd.s32 $0xFFFF8000  }
.Ltmp43:
0x484: {  	(pc) =	sbr.rel @p1 .LBB2_65-.Ltmp43, $3  }
0x485: {  	_ =	sdelay $0x1  }
0x486: {  	_ =	swait.ge [sflag:s16], $0x8000  }
0x487: {  	[sflag:s16] =	ssyncset.done $0x0  }
.LBB2_66:
0x488: {  	[sflag:s16] =	ssyncadd.s32 $0xFFFF8000  }
0x489: {  	v4 =	vld [tilespmem:$0x4080];
	_ =	sdelay $0x4  }
0x48a: {  	v5 =	vshll.u32 v4, $0x3  }
0x48b: {  	v4 =	vand.u32 $0x7, v4;
	v5 =	vand.u32 $0xFFFFFFC0, v5  }
0x48c: {  	v4 =	vor.u32 v4, v5  }
0x48d: {  	v5 =	vperm.xlane v4, v1;
	_ =	sdelay $0x1  }
0x48e: {  	v5 =	vadd.s32 v2, v5;
	_ =	sdelay $0x4  }
0x48f: {  	[tilespmem:s22], [sflag:$0x1] =	stream.indirect_vreg.gather [hbm4b:s1+s3], $0x80, v5, vm0, $0xb8;
	[tilespmem:$0x1C400] =	vst v63  }
0x490: {  	v4 =	vperm.xlane v4, v3  }
0x491: {  	[tilespmem:s23], [sflag:$0x1] =	stream.indirect_vreg.gather [hbm4b:s7+s3], $0x80, v5, vm0, $0xb8;
	[tilespmem:$0x1C400] =	vst v63  }
0x492: {  	s15 =	simm.s32 $0x5400;
	v4 =	vadd.s32 v2, v4  }
0x493: {  	[tilespmem:s15], [sflag:$0x1] =	stream.indirect_vreg.gather [hbm4b:s8+s3], $0x80, v5, vm0, $0xb8;
	[tilespmem:$0x1C400] =	vst v63  }
0x494: {  	s19 =	simm.s32 $0x5C00  }
0x495: {  	[tilespmem:s19], [sflag:$0x1] =	stream.indirect_vreg.gather [hbm4b:s9+s3], $0x80, v5, vm0, $0xb8;
	[tilespmem:$0x1C400] =	vst v63  }
0x496: {  	s20 =	simm.s32 $0x6400  }
0x497: {  	[tilespmem:s20], [sflag:$0x1] =	stream.indirect_vreg.gather [hbm4b:s1+s3], $0x80, v4, vm0, $0xb8;
	[tilespmem:$0x1C400] =	vst v63  }
0x498: {  	s21 =	simm.s32 $0x6C00  }
0x499: {  	[tilespmem:s21], [sflag:$0x1] =	stream.indirect_vreg.gather [hbm4b:s7+s3], $0x80, v4, vm0, $0xb8;
	[tilespmem:$0x1C400] =	vst v63  }
0x49a: {  	s11 =	simm.s32 $0x7400  }
0x49b: {  	[tilespmem:s11], [sflag:$0x1] =	stream.indirect_vreg.gather [hbm4b:s8+s3], $0x80, v4, vm0, $0xb8;
	[tilespmem:$0x1C400] =	vst v63  }
0x49c: {  	s19 =	simm.s32 $0x7C00  }
0x49d: {  	[tilespmem:s19], [sflag:$0x1] =	stream.indirect_vreg.gather [hbm4b:s9+s3], $0x80, v4, vm0, $0xb8;
	[tilespmem:$0x1C400] =	vst v63  }
0x49e: {  	v4 =	vld [tilespmem:$0x4090];
	_ =	sdelay $0x4  }
0x49f: {  	v5 =	vshll.u32 v4, $0x3  }
0x4a0: {  	v4 =	vand.u32 $0x7, v4;
	v5 =	vand.u32 $0xFFFFFFC0, v5  }
0x4a1: {  	v4 =	vor.u32 v4, v5  }
0x4a2: {  	v5 =	vperm.xlane v4, v1;
	_ =	sdelay $0x1  }
0x4a3: {  	v5 =	vadd.s32 v2, v5;
	_ =	sdelay $0x3  }
0x4a4: {  	s20 =	simm.s32 $0x8400  }
0x4a5: {  	[tilespmem:s20], [sflag:$0x1] =	stream.indirect_vreg.gather [hbm4b:s1+s3], $0x80, v5, vm0, $0xb8;
	[tilespmem:$0x1C400] =	vst v63  }
0x4a6: {  	s21 =	simm.s32 $0x8C00;
	v4 =	vperm.xlane v4, v3  }
0x4a7: {  	[tilespmem:s21], [sflag:$0x1] =	stream.indirect_vreg.gather [hbm4b:s7+s3], $0x80, v5, vm0, $0xb8;
	[tilespmem:$0x1C400] =	vst v63  }
0x4a8: {  	s11 =	simm.s32 $0x9400;
	v4 =	vadd.s32 v2, v4  }
0x4a9: {  	[tilespmem:s11], [sflag:$0x1] =	stream.indirect_vreg.gather [hbm4b:s8+s3], $0x80, v5, vm0, $0xb8;
	[tilespmem:$0x1C400] =	vst v63  }
0x4aa: {  	s19 =	simm.s32 $0x9C00  }
0x4ab: {  	[tilespmem:s19], [sflag:$0x1] =	stream.indirect_vreg.gather [hbm4b:s9+s3], $0x80, v5, vm0, $0xb8;
	[tilespmem:$0x1C400] =	vst v63  }
0x4ac: {  	s20 =	simm.s32 $0xA400  }
0x4ad: {  	[tilespmem:s20], [sflag:$0x1] =	stream.indirect_vreg.gather [hbm4b:s1+s3], $0x80, v4, vm0, $0xb8;
	[tilespmem:$0x1C400] =	vst v63  }
0x4ae: {  	s21 =	simm.s32 $0xAC00  }
0x4af: {  	[tilespmem:s21], [sflag:$0x1] =	stream.indirect_vreg.gather [hbm4b:s7+s3], $0x80, v4, vm0, $0xb8;
	[tilespmem:$0x1C400] =	vst v63  }
0x4b0: {  	s11 =	simm.s32 $0xB400  }
0x4b1: {  	[tilespmem:s11], [sflag:$0x1] =	stream.indirect_vreg.gather [hbm4b:s8+s3], $0x80, v4, vm0, $0xb8;
	[tilespmem:$0x1C400] =	vst v63  }
0x4b2: {  	s19 =	simm.s32 $0xBC00  }
0x4b3: {  	[tilespmem:s19], [sflag:$0x1] =	stream.indirect_vreg.gather [hbm4b:s9+s3], $0x80, v4, vm0, $0xb8;
	[tilespmem:$0x1C400] =	vst v63  }
0x4b4: {  	s20 =	rddreg [dreg:$0x16];
	s19 =	simm.s32 $0xC400  }
0x4b5: {  	[hbm4b:s20+s3] =	stream.linear.scatter [tilespmem:s19], [sflag:$0x4], $0x8000, $0x38;
	[tilespmem:$0x1C400] =	vst v63  }
0x4b6: {  	v4 =	vld [tilespmem:$0x4160]  }
0x4b7: {  	v5 =	vld [tilespmem:$0x4060]  }
0x4b8: {  	v6 =	vld [tilespmem:$0x4170]  }
0x4b9: {  	v7 =	vld [tilespmem:$0x4070];
	_ =	sdelay $0x4  }
0x4ba: {  	vm1 =	vne.s32 v4, v5;
	vm2 =	vne.s32 v6, v7  }
0x4bb: {  	v5 =	vsel vm1, $0x1, v0;
	v6 =	vsel vm2, $0x1, v0  }
0x4bc: {  	v5 =	vadd.s32 v5, v6  }
0x4bd: {  	(xrf0) =	vadd.scan.msk.s32 $0xffff, v5;
	_ =	sdelay $0x5  }
0x4be: {  	v5, _, _ =	vpop (xrf0)  }
0x4bf: {  	(v2sf) =	vpush v5, $0xF;
	_ =	sdelay $0xe  }
0x4c0: {  	s21 =	spop (v2sf)  }
0x4c1: {  	p1 =	sne.s32 s21, $0x0  }
.Ltmp44:
0x4c2: {  	_ = 	snop;
	(pc) =	sbr.rel @!p1 .LBB2_67-.Ltmp44, $1  }
0x4c3: {  	_ =	sdelay $0x3  }
0x4c4: {  	v5 =	vshll.u32 v4, $0x3  }
0x4c5: {  	v4 =	vand.u32 $0x7, v4;
	v5 =	vand.u32 $0xFFFFFFC0, v5  }
0x4c6: {  	v4 =	vor.u32 v4, v5  }
0x4c7: {  	v5 =	vperm.xlane v4, v1;
	_ =	sdelay $0x1  }
0x4c8: {  	v5 =	vadd.s32 v2, v5;
	_ =	sdelay $0x4  }
0x4c9: {  	[tilespmem:s18], [sflag:$0x5] =	stream.indirect_vreg.gather [hbm4b:s1+s3], $0x80, v5, vm0, $0xb8;
	[tilespmem:$0x1C400] =	vst v63  }
0x4ca: {  	s15 =	simm.s32 $0x14C00;
	v4 =	vperm.xlane v4, v3  }
0x4cb: {  	[tilespmem:s15], [sflag:$0x5] =	stream.indirect_vreg.gather [hbm4b:s7+s3], $0x80, v5, vm0, $0xb8;
	[tilespmem:$0x1C400] =	vst v63  }
0x4cc: {  	s21 =	simm.s32 $0x15400;
	v4 =	vadd.s32 v2, v4  }
0x4cd: {  	[tilespmem:s21], [sflag:$0x5] =	stream.indirect_vreg.gather [hbm4b:s8+s3], $0x80, v5, vm0, $0xb8;
	[tilespmem:$0x1C400] =	vst v63  }
0x4ce: {  	s19 =	simm.s32 $0x15C00  }
0x4cf: {  	[tilespmem:s19], [sflag:$0x5] =	stream.indirect_vreg.gather [hbm4b:s9+s3], $0x80, v5, vm0, $0xb8;
	[tilespmem:$0x1C400] =	vst v63  }
0x4d0: {  	s20 =	simm.s32 $0x16400  }
0x4d1: {  	[tilespmem:s20], [sflag:$0x5] =	stream.indirect_vreg.gather [hbm4b:s1+s3], $0x80, v4, vm0, $0xb8;
	[tilespmem:$0x1C400] =	vst v63  }
0x4d2: {  	_ = 	snop  }
0x4d3: {  	[tilespmem:s28], [sflag:$0x5] =	stream.indirect_vreg.gather [hbm4b:s7+s3], $0x80, v4, vm0, $0xb8;
	[tilespmem:$0x1C400] =	vst v63  }
0x4d4: {  	_ = 	snop  }
0x4d5: {  	[tilespmem:s29], [sflag:$0x5] =	stream.indirect_vreg.gather [hbm4b:s8+s3], $0x80, v4, vm0, $0xb8;
	[tilespmem:$0x1C400] =	vst v63  }
0x4d6: {  	_ = 	snop  }
0x4d7: {  	[tilespmem:s30], [sflag:$0x5] =	stream.indirect_vreg.gather [hbm4b:s9+s3], $0x80, v4, vm0, $0xb8;
	[tilespmem:$0x1C400] =	vst v63  }
0x4d8: {  	v4 =	vld [tilespmem:$0x4170];
	_ =	sdelay $0x4  }
0x4d9: {  	v5 =	vshll.u32 v4, $0x3  }
0x4da: {  	v4 =	vand.u32 $0x7, v4;
	v5 =	vand.u32 $0xFFFFFFC0, v5  }
0x4db: {  	v4 =	vor.u32 v4, v5  }
0x4dc: {  	v5 =	vperm.xlane v4, v1;
	_ =	sdelay $0x1  }
0x4dd: {  	v5 =	vadd.s32 v2, v5;
	_ =	sdelay $0x4  }
0x4de: {  	[tilespmem:s31], [sflag:$0x5] =	stream.indirect_vreg.gather [hbm4b:s1+s3], $0x80, v5, vm0, $0xb8;
	[tilespmem:$0x1C400] =	vst v63  }
0x4df: {  	v4 =	vperm.xlane v4, v3  }
0x4e0: {  	[tilespmem:s0], [sflag:$0x5] =	stream.indirect_vreg.gather [hbm4b:s7+s3], $0x80, v5, vm0, $0xb8;
	[tilespmem:$0x1C400] =	vst v63  }
0x4e1: {  	v4 =	vadd.s32 v2, v4  }
0x4e2: {  	[tilespmem:s2], [sflag:$0x5] =	stream.indirect_vreg.gather [hbm4b:s8+s3], $0x80, v5, vm0, $0xb8;
	[tilespmem:$0x1C400] =	vst v63  }
0x4e3: {  	_ = 	snop  }
0x4e4: {  	[tilespmem:s4], [sflag:$0x5] =	stream.indirect_vreg.gather [hbm4b:s9+s3], $0x80, v5, vm0, $0xb8;
	[tilespmem:$0x1C400] =	vst v63  }
0x4e5: {  	_ = 	snop  }
0x4e6: {  	[tilespmem:s6], [sflag:$0x5] =	stream.indirect_vreg.gather [hbm4b:s1+s3], $0x80, v4, vm0, $0xb8;
	[tilespmem:$0x1C400] =	vst v63  }
0x4e7: {  	_ = 	snop  }
0x4e8: {  	[tilespmem:s10], [sflag:$0x5] =	stream.indirect_vreg.gather [hbm4b:s7+s3], $0x80, v4, vm0, $0xb8;
	[tilespmem:$0x1C400] =	vst v63  }
0x4e9: {  	_ = 	snop  }
0x4ea: {  	[tilespmem:s13], [sflag:$0x5] =	stream.indirect_vreg.gather [hbm4b:s8+s3], $0x80, v4, vm0, $0xb8;
	[tilespmem:$0x1C400] =	vst v63  }
0x4eb: {  	_ = 	snop  }
0x4ec: {  	[tilespmem:s14], [sflag:$0x5] =	stream.indirect_vreg.gather [hbm4b:s9+s3], $0x80, v4, vm0, $0xb8;
	[tilespmem:$0x1C400] =	vst v63  }
0x4ed: {  	_ =	swait.ge [sflag:s25], $0x8000  }
0x4ee: {  	[sflag:s25] =	ssyncset.done $0x0  }
.Ltmp45:
0x4ef: {  	s21 =	rddreg [dreg:$0x17];
	[sflag:s25] =	ssyncadd.s32 $0xFFFF8000;
	(pc) =	sbr.rel .LBB2_69-.Ltmp45, $4  }
0x4f0: {  	[hbm4b:s21+s3] =	stream.linear.scatter [tilespmem:s18], [sflag:$0x7], $0x8000, $0x38;
	[tilespmem:$0x1C400] =	vst v63  }
0x4f1: {  	_ =	swait.ge [sflag:s24], $0x8000  }
0x4f2: {  	[sflag:s24] =	ssyncset.done $0x0  }
0x4f3: {  	s11 =	simm.s32 $0xC400;
	s15 =	simm.s32 $0x1;
	[sflag:s24] =	ssyncadd.s32 $0xFFFF8000  }
.LBB2_67:
0x4f4: {  	s15 =	rddreg [dreg:$0x17]  }
0x4f5: {  	[hbm4b:s15+s3] =	stream.linear.scatter [tilespmem:s19], [sflag:$0x4], $0x8000, $0x38;
	[tilespmem:$0x1C400] =	vst v63  }
0x4f6: {  	s11 =	simm.s32 $0xC400;
	s15 =	simm.s32 $0x2  }
.LBB2_69:
0x4f7: {  	v4 =	vld [tilespmem:$0x4260]  }
0x4f8: {  	v5 =	vld [tilespmem:$0x4060]  }
0x4f9: {  	v6 =	vld [tilespmem:$0x4270]  }
0x4fa: {  	v7 =	vld [tilespmem:$0x4070];
	_ =	sdelay $0x4  }
0x4fb: {  	vm1 =	vne.s32 v4, v5;
	vm2 =	vne.s32 v6, v7  }
0x4fc: {  	v5 =	vsel vm1, $0x1, v0;
	v6 =	vsel vm2, $0x1, v0  }
0x4fd: {  	v5 =	vadd.s32 v5, v6  }
0x4fe: {  	(xrf0) =	vadd.scan.msk.s32 $0xffff, v5;
	_ =	sdelay $0x5  }
0x4ff: {  	v5, _, _ =	vpop (xrf0)  }
0x500: {  	(v2sf) =	vpush v5, $0xF;
	_ =	sdelay $0xe  }
0x501: {  	s19 =	spop (v2sf)  }
0x502: {  	p1 =	sne.s32 s19, $0x0  }
.Ltmp46:
0x503: {  	_ = 	snop;
	(pc) =	sbr.rel @!p1 .LBB2_70-.Ltmp46, $1  }
0x504: {  	_ =	sdelay $0x3  }
0x505: {  	v5 =	vshll.u32 v4, $0x3  }
0x506: {  	v4 =	vand.u32 $0x7, v4;
	v5 =	vand.u32 $0xFFFFFFC0, v5  }
0x507: {  	v4 =	vor.u32 v4, v5  }
0x508: {  	v5 =	vperm.xlane v4, v1;
	_ =	sdelay $0x1  }
0x509: {  	v5 =	vadd.s32 v2, v5;
	_ =	sdelay $0x4  }
0x50a: {  	[tilespmem:s18], [sflag:$0x5] =	stream.indirect_vreg.gather [hbm4b:s1+s3], $0x80, v5, vm0, $0xb8;
	[tilespmem:$0x1C400] =	vst v63  }
0x50b: {  	s20 =	simm.s32 $0x14C00;
	v4 =	vperm.xlane v4, v3  }
0x50c: {  	[tilespmem:s20], [sflag:$0x5] =	stream.indirect_vreg.gather [hbm4b:s7+s3], $0x80, v5, vm0, $0xb8;
	[tilespmem:$0x1C400] =	vst v63  }
0x50d: {  	s21 =	simm.s32 $0x15400;
	v4 =	vadd.s32 v2, v4  }
0x50e: {  	[tilespmem:s21], [sflag:$0x5] =	stream.indirect_vreg.gather [hbm4b:s8+s3], $0x80, v5, vm0, $0xb8;
	[tilespmem:$0x1C400] =	vst v63  }
0x50f: {  	s21 =	simm.s32 $0x15C00  }
0x510: {  	[tilespmem:s21], [sflag:$0x5] =	stream.indirect_vreg.gather [hbm4b:s9+s3], $0x80, v5, vm0, $0xb8;
	[tilespmem:$0x1C400] =	vst v63  }
0x511: {  	s21 =	simm.s32 $0x16400  }
0x512: {  	[tilespmem:s21], [sflag:$0x5] =	stream.indirect_vreg.gather [hbm4b:s1+s3], $0x80, v4, vm0, $0xb8;
	[tilespmem:$0x1C400] =	vst v63  }
0x513: {  	_ = 	snop  }
0x514: {  	[tilespmem:s28], [sflag:$0x5] =	stream.indirect_vreg.gather [hbm4b:s7+s3], $0x80, v4, vm0, $0xb8;
	[tilespmem:$0x1C400] =	vst v63  }
0x515: {  	_ = 	snop  }
0x516: {  	[tilespmem:s29], [sflag:$0x5] =	stream.indirect_vreg.gather [hbm4b:s8+s3], $0x80, v4, vm0, $0xb8;
	[tilespmem:$0x1C400] =	vst v63  }
0x517: {  	_ = 	snop  }
0x518: {  	[tilespmem:s30], [sflag:$0x5] =	stream.indirect_vreg.gather [hbm4b:s9+s3], $0x80, v4, vm0, $0xb8;
	[tilespmem:$0x1C400] =	vst v63  }
0x519: {  	v4 =	vld [tilespmem:$0x4270];
	_ =	sdelay $0x4  }
0x51a: {  	v5 =	vshll.u32 v4, $0x3  }
0x51b: {  	v4 =	vand.u32 $0x7, v4;
	v5 =	vand.u32 $0xFFFFFFC0, v5  }
0x51c: {  	v4 =	vor.u32 v4, v5  }
0x51d: {  	v5 =	vperm.xlane v4, v1;
	_ =	sdelay $0x1  }
0x51e: {  	v5 =	vadd.s32 v2, v5;
	_ =	sdelay $0x4  }
0x51f: {  	[tilespmem:s31], [sflag:$0x5] =	stream.indirect_vreg.gather [hbm4b:s1+s3], $0x80, v5, vm0, $0xb8;
	[tilespmem:$0x1C400] =	vst v63  }
0x520: {  	v4 =	vperm.xlane v4, v3  }
0x521: {  	[tilespmem:s0], [sflag:$0x5] =	stream.indirect_vreg.gather [hbm4b:s7+s3], $0x80, v5, vm0, $0xb8;
	[tilespmem:$0x1C400] =	vst v63  }
0x522: {  	v4 =	vadd.s32 v2, v4  }
0x523: {  	[tilespmem:s2], [sflag:$0x5] =	stream.indirect_vreg.gather [hbm4b:s8+s3], $0x80, v5, vm0, $0xb8;
	[tilespmem:$0x1C400] =	vst v63  }
0x524: {  	_ = 	snop  }
0x525: {  	[tilespmem:s4], [sflag:$0x5] =	stream.indirect_vreg.gather [hbm4b:s9+s3], $0x80, v5, vm0, $0xb8;
	[tilespmem:$0x1C400] =	vst v63  }
0x526: {  	_ = 	snop  }
0x527: {  	[tilespmem:s6], [sflag:$0x5] =	stream.indirect_vreg.gather [hbm4b:s1+s3], $0x80, v4, vm0, $0xb8;
	[tilespmem:$0x1C400] =	vst v63  }
0x528: {  	_ = 	snop  }
0x529: {  	[tilespmem:s10], [sflag:$0x5] =	stream.indirect_vreg.gather [hbm4b:s7+s3], $0x80, v4, vm0, $0xb8;
	[tilespmem:$0x1C400] =	vst v63  }
0x52a: {  	_ = 	snop  }
0x52b: {  	[tilespmem:s13], [sflag:$0x5] =	stream.indirect_vreg.gather [hbm4b:s8+s3], $0x80, v4, vm0, $0xb8;
	[tilespmem:$0x1C400] =	vst v63  }
0x52c: {  	_ = 	snop  }
0x52d: {  	[tilespmem:s14], [sflag:$0x5] =	stream.indirect_vreg.gather [hbm4b:s9+s3], $0x80, v4, vm0, $0xb8;
	[tilespmem:$0x1C400] =	vst v63  }
0x52e: {  	_ =	swait.ge [sflag:s25], $0x8000  }
0x52f: {  	[sflag:s25] =	ssyncset.done $0x0  }
.Ltmp47:
0x530: {  	s21 =	rddreg [dreg:$0x18];
	[sflag:s25] =	ssyncadd.s32 $0xFFFF8000;
	(pc) =	sbr.rel .LBB2_72-.Ltmp47, $4  }
0x531: {  	[hbm4b:s21+s3] =	stream.linear.scatter [tilespmem:s18], [sflag:$0x7], $0x8000, $0x38;
	[tilespmem:$0x1C400] =	vst v63  }
0x532: {  	_ =	swait.ge [sflag:s24], $0x8000  }
0x533: {  	[sflag:s24] =	ssyncset.done $0x0  }
0x534: {  	[sflag:s24] =	ssyncadd.s32 $0xFFFF8000  }
.LBB2_70:
0x535: {  	s20 =	rddreg [dreg:$0x18]  }
0x536: {  	[hbm4b:s20+s3] =	stream.linear.scatter [tilespmem:s11], [sflag:$0x4], $0x8000, $0x38;
	[tilespmem:$0x1C400] =	vst v63  }
.LBB2_72:
0x537: {  	v4 =	vld [tilespmem:$0x4360]  }
0x538: {  	v5 =	vld [tilespmem:$0x4060]  }
0x539: {  	v6 =	vld [tilespmem:$0x4370]  }
0x53a: {  	v7 =	vld [tilespmem:$0x4070];
	_ =	sdelay $0x4  }
0x53b: {  	vm1 =	vne.s32 v4, v5;
	vm2 =	vne.s32 v6, v7  }
0x53c: {  	v5 =	vsel vm1, $0x1, v0;
	v6 =	vsel vm2, $0x1, v0  }
0x53d: {  	v5 =	vadd.s32 v5, v6  }
0x53e: {  	(xrf0) =	vadd.scan.msk.s32 $0xffff, v5;
	_ =	sdelay $0x5  }
0x53f: {  	v5, _, _ =	vpop (xrf0)  }
0x540: {  	(v2sf) =	vpush v5, $0xF;
	_ =	sdelay $0xe  }
0x541: {  	s20 =	spop (v2sf)  }
0x542: {  	p1 =	sne.s32 s20, $0x0  }
.Ltmp48:
0x543: {  	_ = 	snop;
	(pc) =	sbr.rel @!p1 .LBB2_73-.Ltmp48, $1  }
0x544: {  	_ =	sdelay $0x3  }
0x545: {  	v5 =	vshll.u32 v4, $0x3  }
0x546: {  	v4 =	vand.u32 $0x7, v4;
	v5 =	vand.u32 $0xFFFFFFC0, v5  }
0x547: {  	v4 =	vor.u32 v4, v5  }
0x548: {  	v5 =	vperm.xlane v4, v1;
	_ =	sdelay $0x1  }
0x549: {  	v5 =	vadd.s32 v2, v5;
	_ =	sdelay $0x4  }
0x54a: {  	[tilespmem:s18], [sflag:$0x5] =	stream.indirect_vreg.gather [hbm4b:s1+s3], $0x80, v5, vm0, $0xb8;
	[tilespmem:$0x1C400] =	vst v63  }
0x54b: {  	s21 =	simm.s32 $0x14C00;
	v4 =	vperm.xlane v4, v3  }
0x54c: {  	[tilespmem:s21], [sflag:$0x5] =	stream.indirect_vreg.gather [hbm4b:s7+s3], $0x80, v5, vm0, $0xb8;
	[tilespmem:$0x1C400] =	vst v63  }
0x54d: {  	v4 =	vadd.s32 v2, v4;
	s21 =	simm.s32 $0x15400  }
0x54e: {  	[tilespmem:s21], [sflag:$0x5] =	stream.indirect_vreg.gather [hbm4b:s8+s3], $0x80, v5, vm0, $0xb8;
	[tilespmem:$0x1C400] =	vst v63  }
0x54f: {  	s21 =	simm.s32 $0x15C00  }
0x550: {  	[tilespmem:s21], [sflag:$0x5] =	stream.indirect_vreg.gather [hbm4b:s9+s3], $0x80, v5, vm0, $0xb8;
	[tilespmem:$0x1C400] =	vst v63  }
0x551: {  	s21 =	simm.s32 $0x16400  }
0x552: {  	[tilespmem:s21], [sflag:$0x5] =	stream.indirect_vreg.gather [hbm4b:s1+s3], $0x80, v4, vm0, $0xb8;
	[tilespmem:$0x1C400] =	vst v63  }
0x553: {  	_ = 	snop  }
0x554: {  	[tilespmem:s28], [sflag:$0x5] =	stream.indirect_vreg.gather [hbm4b:s7+s3], $0x80, v4, vm0, $0xb8;
	[tilespmem:$0x1C400] =	vst v63  }
0x555: {  	_ = 	snop  }
0x556: {  	[tilespmem:s29], [sflag:$0x5] =	stream.indirect_vreg.gather [hbm4b:s8+s3], $0x80, v4, vm0, $0xb8;
	[tilespmem:$0x1C400] =	vst v63  }
0x557: {  	_ = 	snop  }
0x558: {  	[tilespmem:s30], [sflag:$0x5] =	stream.indirect_vreg.gather [hbm4b:s9+s3], $0x80, v4, vm0, $0xb8;
	[tilespmem:$0x1C400] =	vst v63  }
0x559: {  	v4 =	vld [tilespmem:$0x4370];
	_ =	sdelay $0x4  }
0x55a: {  	v5 =	vshll.u32 v4, $0x3  }
0x55b: {  	v4 =	vand.u32 $0x7, v4;
	v5 =	vand.u32 $0xFFFFFFC0, v5  }
0x55c: {  	v4 =	vor.u32 v4, v5  }
0x55d: {  	v5 =	vperm.xlane v4, v1;
	_ =	sdelay $0x1  }
0x55e: {  	v5 =	vadd.s32 v2, v5;
	_ =	sdelay $0x4  }
0x55f: {  	[tilespmem:s31], [sflag:$0x5] =	stream.indirect_vreg.gather [hbm4b:s1+s3], $0x80, v5, vm0, $0xb8;
	[tilespmem:$0x1C400] =	vst v63  }
0x560: {  	v4 =	vperm.xlane v4, v3  }
0x561: {  	[tilespmem:s0], [sflag:$0x5] =	stream.indirect_vreg.gather [hbm4b:s7+s3], $0x80, v5, vm0, $0xb8;
	[tilespmem:$0x1C400] =	vst v63  }
0x562: {  	v4 =	vadd.s32 v2, v4  }
0x563: {  	[tilespmem:s2], [sflag:$0x5] =	stream.indirect_vreg.gather [hbm4b:s8+s3], $0x80, v5, vm0, $0xb8;
	[tilespmem:$0x1C400] =	vst v63  }
0x564: {  	_ = 	snop  }
0x565: {  	[tilespmem:s4], [sflag:$0x5] =	stream.indirect_vreg.gather [hbm4b:s9+s3], $0x80, v5, vm0, $0xb8;
	[tilespmem:$0x1C400] =	vst v63  }
0x566: {  	_ = 	snop  }
0x567: {  	[tilespmem:s6], [sflag:$0x5] =	stream.indirect_vreg.gather [hbm4b:s1+s3], $0x80, v4, vm0, $0xb8;
	[tilespmem:$0x1C400] =	vst v63  }
0x568: {  	_ = 	snop  }
0x569: {  	[tilespmem:s10], [sflag:$0x5] =	stream.indirect_vreg.gather [hbm4b:s7+s3], $0x80, v4, vm0, $0xb8;
	[tilespmem:$0x1C400] =	vst v63  }
0x56a: {  	_ = 	snop  }
0x56b: {  	[tilespmem:s13], [sflag:$0x5] =	stream.indirect_vreg.gather [hbm4b:s8+s3], $0x80, v4, vm0, $0xb8;
	[tilespmem:$0x1C400] =	vst v63  }
0x56c: {  	_ = 	snop  }
0x56d: {  	[tilespmem:s14], [sflag:$0x5] =	stream.indirect_vreg.gather [hbm4b:s9+s3], $0x80, v4, vm0, $0xb8;
	[tilespmem:$0x1C400] =	vst v63  }
0x56e: {  	_ =	swait.ge [sflag:s25], $0x8000  }
0x56f: {  	[sflag:s25] =	ssyncset.done $0x0  }
.Ltmp49:
0x570: {  	s21 =	rddreg [dreg:$0x19];
	[sflag:s25] =	ssyncadd.s32 $0xFFFF8000;
	(pc) =	sbr.rel .LBB2_75-.Ltmp49, $4  }
0x571: {  	[hbm4b:s21+s3] =	stream.linear.scatter [tilespmem:s18], [sflag:$0x7], $0x8000, $0x38;
	[tilespmem:$0x1C400] =	vst v63  }
0x572: {  	_ =	swait.ge [sflag:s24], $0x8000  }
0x573: {  	[sflag:s24] =	ssyncset.done $0x0  }
0x574: {  	[sflag:s24] =	ssyncadd.s32 $0xFFFF8000  }
.LBB2_73:
0x575: {  	s21 =	rddreg [dreg:$0x19]  }
0x576: {  	[hbm4b:s21+s3] =	stream.linear.scatter [tilespmem:s11], [sflag:$0x4], $0x8000, $0x38;
	[tilespmem:$0x1C400] =	vst v63  }
.LBB2_75:
0x577: {  	p1 =	seq.s32 s19, $0x0;
	s19 =	simm.s32 $0x1  }
0x578: {  	s19 =	simm.s32 @!p1 $0x0;
	p1 =	seq.s32 s20, $0x0;
	s20 =	simm.s32 $0x1  }
0x579: {  	s15 =	sadd.s32 s19, s15;
	s20 =	simm.s32 @!p1 $0x0  }
0x57a: {  	s15 =	sadd.s32 s20, s15  }
0x57b: {  	p1 =	sne.s32 s15, $0x1  }
.Ltmp50:
0x57c: {  	_ =	swait.ge [sflag:s26], $0x8000;
	(pc) =	sbr.rel @!p1 .LBB2_77-.Ltmp50, $4  }
0x57d: {  	[sflag:s26] =	ssyncset.done $0x0  }
0x57e: {  	[sflag:s26] =	ssyncadd.s32 $0xFFFF8000  }
0x57f: {  	_ =	swait.ge [sflag:s17], $0x8000  }
0x580: {  	s15 =	sadd.s32 $0xFFFFFFFF, s15;
	[sflag:s17] =	ssyncset.done $0x0  }
.LBB2_76:
0x581: {  	p1 =	sne.s32 s15, $0x1;
	s15 =	sadd.s32 $0xFFFFFFFF, s15;
	[sflag:s17] =	ssyncadd.s32 $0xFFFF8000  }
.Ltmp51:
0x582: {  	(pc) =	sbr.rel @p1 .LBB2_76-.Ltmp51, $3  }
0x583: {  	_ =	sdelay $0x1  }
0x584: {  	_ =	swait.ge [sflag:s17], $0x8000  }
0x585: {  	[sflag:s17] =	ssyncset.done $0x0  }
.LBB2_77:
0x586: {  	[sflag:s17] =	ssyncadd.s32 $0xFFFF8000  }
0x587: {  	v4 =	vld [tilespmem:$0x40A0];
	_ =	sdelay $0x4  }
0x588: {  	v5 =	vshll.u32 v4, $0x3  }
0x589: {  	v4 =	vand.u32 $0x7, v4;
	v5 =	vand.u32 $0xFFFFFFC0, v5  }
0x58a: {  	v4 =	vor.u32 v4, v5  }
0x58b: {  	v5 =	vperm.xlane v4, v1;
	_ =	sdelay $0x1  }
0x58c: {  	v5 =	vadd.s32 v2, v5;
	_ =	sdelay $0x4  }
0x58d: {  	[tilespmem:s11], [sflag:$0x2] =	stream.indirect_vreg.gather [hbm4b:s1+s3], $0x80, v5, vm0, $0xb8;
	[tilespmem:$0x1C400] =	vst v63  }
0x58e: {  	s15 =	simm.s32 $0xCC00;
	v4 =	vperm.xlane v4, v3  }
0x58f: {  	[tilespmem:s15], [sflag:$0x2] =	stream.indirect_vreg.gather [hbm4b:s7+s3], $0x80, v5, vm0, $0xb8;
	[tilespmem:$0x1C400] =	vst v63  }
0x590: {  	s19 =	simm.s32 $0xD400;
	v4 =	vadd.s32 v2, v4  }
0x591: {  	[tilespmem:s19], [sflag:$0x2] =	stream.indirect_vreg.gather [hbm4b:s8+s3], $0x80, v5, vm0, $0xb8;
	[tilespmem:$0x1C400] =	vst v63  }
0x592: {  	s20 =	simm.s32 $0xDC00  }
0x593: {  	[tilespmem:s20], [sflag:$0x2] =	stream.indirect_vreg.gather [hbm4b:s9+s3], $0x80, v5, vm0, $0xb8;
	[tilespmem:$0x1C400] =	vst v63  }
0x594: {  	s21 =	simm.s32 $0xE400  }
0x595: {  	[tilespmem:s21], [sflag:$0x2] =	stream.indirect_vreg.gather [hbm4b:s1+s3], $0x80, v4, vm0, $0xb8;
	[tilespmem:$0x1C400] =	vst v63  }
0x596: {  	s15 =	simm.s32 $0xEC00  }
0x597: {  	[tilespmem:s15], [sflag:$0x2] =	stream.indirect_vreg.gather [hbm4b:s7+s3], $0x80, v4, vm0, $0xb8;
	[tilespmem:$0x1C400] =	vst v63  }
0x598: {  	s19 =	simm.s32 $0xF400  }
0x599: {  	[tilespmem:s19], [sflag:$0x2] =	stream.indirect_vreg.gather [hbm4b:s8+s3], $0x80, v4, vm0, $0xb8;
	[tilespmem:$0x1C400] =	vst v63  }
0x59a: {  	s20 =	simm.s32 $0xFC00  }
0x59b: {  	[tilespmem:s20], [sflag:$0x2] =	stream.indirect_vreg.gather [hbm4b:s9+s3], $0x80, v4, vm0, $0xb8;
	[tilespmem:$0x1C400] =	vst v63  }
0x59c: {  	v4 =	vld [tilespmem:$0x40B0];
	_ =	sdelay $0x4  }
0x59d: {  	v5 =	vshll.u32 v4, $0x3  }
0x59e: {  	v4 =	vand.u32 $0x7, v4;
	v5 =	vand.u32 $0xFFFFFFC0, v5  }
0x59f: {  	v4 =	vor.u32 v4, v5  }
0x5a0: {  	v5 =	vperm.xlane v4, v1;
	_ =	sdelay $0x1  }
0x5a1: {  	v5 =	vadd.s32 v2, v5;
	_ =	sdelay $0x3  }
0x5a2: {  	s21 =	simm.s32 $0x10400  }
0x5a3: {  	[tilespmem:s21], [sflag:$0x2] =	stream.indirect_vreg.gather [hbm4b:s1+s3], $0x80, v5, vm0, $0xb8;
	[tilespmem:$0x1C400] =	vst v63  }
0x5a4: {  	s15 =	simm.s32 $0x10C00;
	v4 =	vperm.xlane v4, v3  }
0x5a5: {  	[tilespmem:s15], [sflag:$0x2] =	stream.indirect_vreg.gather [hbm4b:s7+s3], $0x80, v5, vm0, $0xb8;
	[tilespmem:$0x1C400] =	vst v63  }
0x5a6: {  	s19 =	simm.s32 $0x11400;
	v4 =	vadd.s32 v2, v4  }
0x5a7: {  	[tilespmem:s19], [sflag:$0x2] =	stream.indirect_vreg.gather [hbm4b:s8+s3], $0x80, v5, vm0, $0xb8;
	[tilespmem:$0x1C400] =	vst v63  }
0x5a8: {  	s20 =	simm.s32 $0x11C00  }
0x5a9: {  	[tilespmem:s20], [sflag:$0x2] =	stream.indirect_vreg.gather [hbm4b:s9+s3], $0x80, v5, vm0, $0xb8;
	[tilespmem:$0x1C400] =	vst v63  }
0x5aa: {  	s21 =	simm.s32 $0x12400  }
0x5ab: {  	[tilespmem:s21], [sflag:$0x2] =	stream.indirect_vreg.gather [hbm4b:s1+s3], $0x80, v4, vm0, $0xb8;
	[tilespmem:$0x1C400] =	vst v63  }
0x5ac: {  	s15 =	simm.s32 $0x12C00  }
0x5ad: {  	[tilespmem:s15], [sflag:$0x2] =	stream.indirect_vreg.gather [hbm4b:s7+s3], $0x80, v4, vm0, $0xb8;
	[tilespmem:$0x1C400] =	vst v63  }
0x5ae: {  	s19 =	simm.s32 $0x13400  }
0x5af: {  	[tilespmem:s19], [sflag:$0x2] =	stream.indirect_vreg.gather [hbm4b:s8+s3], $0x80, v4, vm0, $0xb8;
	[tilespmem:$0x1C400] =	vst v63  }
0x5b0: {  	s20 =	simm.s32 $0x13C00  }
0x5b1: {  	[tilespmem:s20], [sflag:$0x2] =	stream.indirect_vreg.gather [hbm4b:s9+s3], $0x80, v4, vm0, $0xb8;
	[tilespmem:$0x1C400] =	vst v63  }
0x5b2: {  	s15 =	rddreg [dreg:$0x1a]  }
0x5b3: {  	[hbm4b:s15+s3] =	stream.linear.scatter [tilespmem:s22], [sflag:$0x3], $0x8000, $0x38;
	[tilespmem:$0x1C400] =	vst v63  }
0x5b4: {  	v4 =	vld [tilespmem:$0x4180]  }
0x5b5: {  	v5 =	vld [tilespmem:$0x4080]  }
0x5b6: {  	v6 =	vld [tilespmem:$0x4190]  }
0x5b7: {  	v7 =	vld [tilespmem:$0x4090];
	_ =	sdelay $0x4  }
0x5b8: {  	vm1 =	vne.s32 v4, v5;
	vm2 =	vne.s32 v6, v7  }
0x5b9: {  	v5 =	vsel vm1, $0x1, v0;
	v6 =	vsel vm2, $0x1, v0  }
0x5ba: {  	v5 =	vadd.s32 v5, v6  }
0x5bb: {  	(xrf0) =	vadd.scan.msk.s32 $0xffff, v5;
	_ =	sdelay $0x5  }
0x5bc: {  	v5, _, _ =	vpop (xrf0)  }
0x5bd: {  	(v2sf) =	vpush v5, $0xF;
	_ =	sdelay $0xe  }
0x5be: {  	s21 =	spop (v2sf)  }
0x5bf: {  	p1 =	sne.s32 s21, $0x0  }
.Ltmp52:
0x5c0: {  	_ = 	snop;
	(pc) =	sbr.rel @!p1 .LBB2_78-.Ltmp52, $1  }
0x5c1: {  	_ =	sdelay $0x3  }
0x5c2: {  	v5 =	vshll.u32 v4, $0x3  }
0x5c3: {  	v4 =	vand.u32 $0x7, v4;
	v5 =	vand.u32 $0xFFFFFFC0, v5  }
0x5c4: {  	v4 =	vor.u32 v4, v5  }
0x5c5: {  	v5 =	vperm.xlane v4, v1;
	_ =	sdelay $0x1  }
0x5c6: {  	v5 =	vadd.s32 v2, v5;
	_ =	sdelay $0x4  }
0x5c7: {  	[tilespmem:s18], [sflag:$0x5] =	stream.indirect_vreg.gather [hbm4b:s1+s3], $0x80, v5, vm0, $0xb8;
	[tilespmem:$0x1C400] =	vst v63  }
0x5c8: {  	s11 =	simm.s32 $0x14C00;
	v4 =	vperm.xlane v4, v3  }
0x5c9: {  	[tilespmem:s11], [sflag:$0x5] =	stream.indirect_vreg.gather [hbm4b:s7+s3], $0x80, v5, vm0, $0xb8;
	[tilespmem:$0x1C400] =	vst v63  }
0x5ca: {  	s19 =	simm.s32 $0x15400;
	v4 =	vadd.s32 v2, v4  }
0x5cb: {  	[tilespmem:s19], [sflag:$0x5] =	stream.indirect_vreg.gather [hbm4b:s8+s3], $0x80, v5, vm0, $0xb8;
	[tilespmem:$0x1C400] =	vst v63  }
0x5cc: {  	s20 =	simm.s32 $0x15C00  }
0x5cd: {  	[tilespmem:s20], [sflag:$0x5] =	stream.indirect_vreg.gather [hbm4b:s9+s3], $0x80, v5, vm0, $0xb8;
	[tilespmem:$0x1C400] =	vst v63  }
0x5ce: {  	s21 =	simm.s32 $0x16400  }
0x5cf: {  	[tilespmem:s21], [sflag:$0x5] =	stream.indirect_vreg.gather [hbm4b:s1+s3], $0x80, v4, vm0, $0xb8;
	[tilespmem:$0x1C400] =	vst v63  }
0x5d0: {  	_ = 	snop  }
0x5d1: {  	[tilespmem:s28], [sflag:$0x5] =	stream.indirect_vreg.gather [hbm4b:s7+s3], $0x80, v4, vm0, $0xb8;
	[tilespmem:$0x1C400] =	vst v63  }
0x5d2: {  	_ = 	snop  }
0x5d3: {  	[tilespmem:s29], [sflag:$0x5] =	stream.indirect_vreg.gather [hbm4b:s8+s3], $0x80, v4, vm0, $0xb8;
	[tilespmem:$0x1C400] =	vst v63  }
0x5d4: {  	_ = 	snop  }
0x5d5: {  	[tilespmem:s30], [sflag:$0x5] =	stream.indirect_vreg.gather [hbm4b:s9+s3], $0x80, v4, vm0, $0xb8;
	[tilespmem:$0x1C400] =	vst v63  }
0x5d6: {  	v4 =	vld [tilespmem:$0x4190];
	_ =	sdelay $0x4  }
0x5d7: {  	v5 =	vshll.u32 v4, $0x3  }
0x5d8: {  	v4 =	vand.u32 $0x7, v4;
	v5 =	vand.u32 $0xFFFFFFC0, v5  }
0x5d9: {  	v4 =	vor.u32 v4, v5  }
0x5da: {  	v5 =	vperm.xlane v4, v1;
	_ =	sdelay $0x1  }
0x5db: {  	v5 =	vadd.s32 v2, v5;
	_ =	sdelay $0x4  }
0x5dc: {  	[tilespmem:s31], [sflag:$0x5] =	stream.indirect_vreg.gather [hbm4b:s1+s3], $0x80, v5, vm0, $0xb8;
	[tilespmem:$0x1C400] =	vst v63  }
0x5dd: {  	v4 =	vperm.xlane v4, v3  }
0x5de: {  	[tilespmem:s0], [sflag:$0x5] =	stream.indirect_vreg.gather [hbm4b:s7+s3], $0x80, v5, vm0, $0xb8;
	[tilespmem:$0x1C400] =	vst v63  }
0x5df: {  	v4 =	vadd.s32 v2, v4  }
0x5e0: {  	[tilespmem:s2], [sflag:$0x5] =	stream.indirect_vreg.gather [hbm4b:s8+s3], $0x80, v5, vm0, $0xb8;
	[tilespmem:$0x1C400] =	vst v63  }
0x5e1: {  	_ = 	snop  }
0x5e2: {  	[tilespmem:s4], [sflag:$0x5] =	stream.indirect_vreg.gather [hbm4b:s9+s3], $0x80, v5, vm0, $0xb8;
	[tilespmem:$0x1C400] =	vst v63  }
0x5e3: {  	_ = 	snop  }
0x5e4: {  	[tilespmem:s6], [sflag:$0x5] =	stream.indirect_vreg.gather [hbm4b:s1+s3], $0x80, v4, vm0, $0xb8;
	[tilespmem:$0x1C400] =	vst v63  }
0x5e5: {  	_ = 	snop  }
0x5e6: {  	[tilespmem:s10], [sflag:$0x5] =	stream.indirect_vreg.gather [hbm4b:s7+s3], $0x80, v4, vm0, $0xb8;
	[tilespmem:$0x1C400] =	vst v63  }
0x5e7: {  	_ = 	snop  }
0x5e8: {  	[tilespmem:s13], [sflag:$0x5] =	stream.indirect_vreg.gather [hbm4b:s8+s3], $0x80, v4, vm0, $0xb8;
	[tilespmem:$0x1C400] =	vst v63  }
0x5e9: {  	_ = 	snop  }
0x5ea: {  	[tilespmem:s14], [sflag:$0x5] =	stream.indirect_vreg.gather [hbm4b:s9+s3], $0x80, v4, vm0, $0xb8;
	[tilespmem:$0x1C400] =	vst v63  }
0x5eb: {  	_ =	swait.ge [sflag:s25], $0x8000  }
0x5ec: {  	[sflag:s25] =	ssyncset.done $0x0  }
.Ltmp53:
0x5ed: {  	s15 =	rddreg [dreg:$0x1b];
	[sflag:s25] =	ssyncadd.s32 $0xFFFF8000;
	(pc) =	sbr.rel .LBB2_80-.Ltmp53, $4  }
0x5ee: {  	[hbm4b:s15+s3] =	stream.linear.scatter [tilespmem:s18], [sflag:$0x7], $0x8000, $0x38;
	[tilespmem:$0x1C400] =	vst v63  }
0x5ef: {  	_ =	swait.ge [sflag:s24], $0x8000  }
0x5f0: {  	[sflag:s24] =	ssyncset.done $0x0  }
0x5f1: {  	s15 =	simm.s32 $0x1;
	[sflag:s24] =	ssyncadd.s32 $0xFFFF8000  }
.LBB2_78:
0x5f2: {  	s15 =	rddreg [dreg:$0x1b]  }
0x5f3: {  	[hbm4b:s15+s3] =	stream.linear.scatter [tilespmem:s22], [sflag:$0x3], $0x8000, $0x38;
	[tilespmem:$0x1C400] =	vst v63  }
0x5f4: {  	s15 =	simm.s32 $0x2  }
.LBB2_80:
0x5f5: {  	v4 =	vld [tilespmem:$0x4280]  }
0x5f6: {  	v5 =	vld [tilespmem:$0x4080]  }
0x5f7: {  	v6 =	vld [tilespmem:$0x4290]  }
0x5f8: {  	v7 =	vld [tilespmem:$0x4090];
	_ =	sdelay $0x4  }
0x5f9: {  	vm1 =	vne.s32 v4, v5;
	vm2 =	vne.s32 v6, v7  }
0x5fa: {  	v5 =	vsel vm1, $0x1, v0;
	v6 =	vsel vm2, $0x1, v0  }
0x5fb: {  	v5 =	vadd.s32 v5, v6  }
0x5fc: {  	(xrf0) =	vadd.scan.msk.s32 $0xffff, v5;
	_ =	sdelay $0x5  }
0x5fd: {  	v5, _, _ =	vpop (xrf0)  }
0x5fe: {  	(v2sf) =	vpush v5, $0xF;
	_ =	sdelay $0xe  }
0x5ff: {  	s19 =	spop (v2sf)  }
0x600: {  	p1 =	sne.s32 s19, $0x0  }
.Ltmp54:
0x601: {  	_ = 	snop;
	(pc) =	sbr.rel @!p1 .LBB2_81-.Ltmp54, $1  }
0x602: {  	_ =	sdelay $0x3  }
0x603: {  	v5 =	vshll.u32 v4, $0x3  }
0x604: {  	v4 =	vand.u32 $0x7, v4;
	v5 =	vand.u32 $0xFFFFFFC0, v5  }
0x605: {  	v4 =	vor.u32 v4, v5  }
0x606: {  	v5 =	vperm.xlane v4, v1;
	_ =	sdelay $0x1  }
0x607: {  	v5 =	vadd.s32 v2, v5;
	_ =	sdelay $0x4  }
0x608: {  	[tilespmem:s18], [sflag:$0x5] =	stream.indirect_vreg.gather [hbm4b:s1+s3], $0x80, v5, vm0, $0xb8;
	[tilespmem:$0x1C400] =	vst v63  }
0x609: {  	s11 =	simm.s32 $0x14C00;
	v4 =	vperm.xlane v4, v3  }
0x60a: {  	[tilespmem:s11], [sflag:$0x5] =	stream.indirect_vreg.gather [hbm4b:s7+s3], $0x80, v5, vm0, $0xb8;
	[tilespmem:$0x1C400] =	vst v63  }
0x60b: {  	s21 =	simm.s32 $0x15400;
	v4 =	vadd.s32 v2, v4  }
0x60c: {  	[tilespmem:s21], [sflag:$0x5] =	stream.indirect_vreg.gather [hbm4b:s8+s3], $0x80, v5, vm0, $0xb8;
	[tilespmem:$0x1C400] =	vst v63  }
0x60d: {  	s20 =	simm.s32 $0x15C00  }
0x60e: {  	[tilespmem:s20], [sflag:$0x5] =	stream.indirect_vreg.gather [hbm4b:s9+s3], $0x80, v5, vm0, $0xb8;
	[tilespmem:$0x1C400] =	vst v63  }
0x60f: {  	s21 =	simm.s32 $0x16400  }
0x610: {  	[tilespmem:s21], [sflag:$0x5] =	stream.indirect_vreg.gather [hbm4b:s1+s3], $0x80, v4, vm0, $0xb8;
	[tilespmem:$0x1C400] =	vst v63  }
0x611: {  	_ = 	snop  }
0x612: {  	[tilespmem:s28], [sflag:$0x5] =	stream.indirect_vreg.gather [hbm4b:s7+s3], $0x80, v4, vm0, $0xb8;
	[tilespmem:$0x1C400] =	vst v63  }
0x613: {  	_ = 	snop  }
0x614: {  	[tilespmem:s29], [sflag:$0x5] =	stream.indirect_vreg.gather [hbm4b:s8+s3], $0x80, v4, vm0, $0xb8;
	[tilespmem:$0x1C400] =	vst v63  }
0x615: {  	_ = 	snop  }
0x616: {  	[tilespmem:s30], [sflag:$0x5] =	stream.indirect_vreg.gather [hbm4b:s9+s3], $0x80, v4, vm0, $0xb8;
	[tilespmem:$0x1C400] =	vst v63  }
0x617: {  	v4 =	vld [tilespmem:$0x4290];
	_ =	sdelay $0x4  }
0x618: {  	v5 =	vshll.u32 v4, $0x3  }
0x619: {  	v4 =	vand.u32 $0x7, v4;
	v5 =	vand.u32 $0xFFFFFFC0, v5  }
0x61a: {  	v4 =	vor.u32 v4, v5  }
0x61b: {  	v5 =	vperm.xlane v4, v1;
	_ =	sdelay $0x1  }
0x61c: {  	v5 =	vadd.s32 v2, v5;
	_ =	sdelay $0x4  }
0x61d: {  	[tilespmem:s31], [sflag:$0x5] =	stream.indirect_vreg.gather [hbm4b:s1+s3], $0x80, v5, vm0, $0xb8;
	[tilespmem:$0x1C400] =	vst v63  }
0x61e: {  	v4 =	vperm.xlane v4, v3  }
0x61f: {  	[tilespmem:s0], [sflag:$0x5] =	stream.indirect_vreg.gather [hbm4b:s7+s3], $0x80, v5, vm0, $0xb8;
	[tilespmem:$0x1C400] =	vst v63  }
0x620: {  	v4 =	vadd.s32 v2, v4  }
0x621: {  	[tilespmem:s2], [sflag:$0x5] =	stream.indirect_vreg.gather [hbm4b:s8+s3], $0x80, v5, vm0, $0xb8;
	[tilespmem:$0x1C400] =	vst v63  }
0x622: {  	_ = 	snop  }
0x623: {  	[tilespmem:s4], [sflag:$0x5] =	stream.indirect_vreg.gather [hbm4b:s9+s3], $0x80, v5, vm0, $0xb8;
	[tilespmem:$0x1C400] =	vst v63  }
0x624: {  	_ = 	snop  }
0x625: {  	[tilespmem:s6], [sflag:$0x5] =	stream.indirect_vreg.gather [hbm4b:s1+s3], $0x80, v4, vm0, $0xb8;
	[tilespmem:$0x1C400] =	vst v63  }
0x626: {  	_ = 	snop  }
0x627: {  	[tilespmem:s10], [sflag:$0x5] =	stream.indirect_vreg.gather [hbm4b:s7+s3], $0x80, v4, vm0, $0xb8;
	[tilespmem:$0x1C400] =	vst v63  }
0x628: {  	_ = 	snop  }
0x629: {  	[tilespmem:s13], [sflag:$0x5] =	stream.indirect_vreg.gather [hbm4b:s8+s3], $0x80, v4, vm0, $0xb8;
	[tilespmem:$0x1C400] =	vst v63  }
0x62a: {  	_ = 	snop  }
0x62b: {  	[tilespmem:s14], [sflag:$0x5] =	stream.indirect_vreg.gather [hbm4b:s9+s3], $0x80, v4, vm0, $0xb8;
	[tilespmem:$0x1C400] =	vst v63  }
0x62c: {  	_ =	swait.ge [sflag:s25], $0x8000  }
0x62d: {  	[sflag:s25] =	ssyncset.done $0x0  }
.Ltmp55:
0x62e: {  	s20 =	rddreg [dreg:$0x1c];
	[sflag:s25] =	ssyncadd.s32 $0xFFFF8000;
	(pc) =	sbr.rel .LBB2_83-.Ltmp55, $4  }
0x62f: {  	[hbm4b:s20+s3] =	stream.linear.scatter [tilespmem:s18], [sflag:$0x7], $0x8000, $0x38;
	[tilespmem:$0x1C400] =	vst v63  }
0x630: {  	_ =	swait.ge [sflag:s24], $0x8000  }
0x631: {  	[sflag:s24] =	ssyncset.done $0x0  }
0x632: {  	[sflag:s24] =	ssyncadd.s32 $0xFFFF8000  }
.LBB2_81:
0x633: {  	s20 =	rddreg [dreg:$0x1c]  }
0x634: {  	[hbm4b:s20+s3] =	stream.linear.scatter [tilespmem:s22], [sflag:$0x3], $0x8000, $0x38;
	[tilespmem:$0x1C400] =	vst v63  }
.LBB2_83:
0x635: {  	v4 =	vld [tilespmem:$0x4380]  }
0x636: {  	v5 =	vld [tilespmem:$0x4080]  }
0x637: {  	v6 =	vld [tilespmem:$0x4390]  }
0x638: {  	v7 =	vld [tilespmem:$0x4090];
	_ =	sdelay $0x4  }
0x639: {  	vm1 =	vne.s32 v4, v5;
	vm2 =	vne.s32 v6, v7  }
0x63a: {  	v5 =	vsel vm1, $0x1, v0;
	v6 =	vsel vm2, $0x1, v0  }
0x63b: {  	v5 =	vadd.s32 v5, v6  }
0x63c: {  	(xrf0) =	vadd.scan.msk.s32 $0xffff, v5;
	_ =	sdelay $0x5  }
0x63d: {  	v5, _, _ =	vpop (xrf0)  }
0x63e: {  	(v2sf) =	vpush v5, $0xF;
	_ =	sdelay $0xe  }
0x63f: {  	s20 =	spop (v2sf)  }
0x640: {  	p1 =	sne.s32 s20, $0x0  }
.Ltmp56:
0x641: {  	_ = 	snop;
	(pc) =	sbr.rel @!p1 .LBB2_84-.Ltmp56, $1  }
0x642: {  	_ =	sdelay $0x3  }
0x643: {  	v5 =	vshll.u32 v4, $0x3  }
0x644: {  	v4 =	vand.u32 $0x7, v4;
	v5 =	vand.u32 $0xFFFFFFC0, v5  }
0x645: {  	v4 =	vor.u32 v4, v5  }
0x646: {  	v5 =	vperm.xlane v4, v1;
	_ =	sdelay $0x1  }
0x647: {  	v5 =	vadd.s32 v2, v5;
	_ =	sdelay $0x4  }
0x648: {  	[tilespmem:s18], [sflag:$0x5] =	stream.indirect_vreg.gather [hbm4b:s1+s3], $0x80, v5, vm0, $0xb8;
	[tilespmem:$0x1C400] =	vst v63  }
0x649: {  	s11 =	simm.s32 $0x14C00;
	v4 =	vperm.xlane v4, v3  }
0x64a: {  	[tilespmem:s11], [sflag:$0x5] =	stream.indirect_vreg.gather [hbm4b:s7+s3], $0x80, v5, vm0, $0xb8;
	[tilespmem:$0x1C400] =	vst v63  }
0x64b: {  	s21 =	simm.s32 $0x15400;
	v4 =	vadd.s32 v2, v4  }
0x64c: {  	[tilespmem:s21], [sflag:$0x5] =	stream.indirect_vreg.gather [hbm4b:s8+s3], $0x80, v5, vm0, $0xb8;
	[tilespmem:$0x1C400] =	vst v63  }
0x64d: {  	s21 =	simm.s32 $0x15C00  }
0x64e: {  	[tilespmem:s21], [sflag:$0x5] =	stream.indirect_vreg.gather [hbm4b:s9+s3], $0x80, v5, vm0, $0xb8;
	[tilespmem:$0x1C400] =	vst v63  }
0x64f: {  	s21 =	simm.s32 $0x16400  }
0x650: {  	[tilespmem:s21], [sflag:$0x5] =	stream.indirect_vreg.gather [hbm4b:s1+s3], $0x80, v4, vm0, $0xb8;
	[tilespmem:$0x1C400] =	vst v63  }
0x651: {  	_ = 	snop  }
0x652: {  	[tilespmem:s28], [sflag:$0x5] =	stream.indirect_vreg.gather [hbm4b:s7+s3], $0x80, v4, vm0, $0xb8;
	[tilespmem:$0x1C400] =	vst v63  }
0x653: {  	_ = 	snop  }
0x654: {  	[tilespmem:s29], [sflag:$0x5] =	stream.indirect_vreg.gather [hbm4b:s8+s3], $0x80, v4, vm0, $0xb8;
	[tilespmem:$0x1C400] =	vst v63  }
0x655: {  	_ = 	snop  }
0x656: {  	[tilespmem:s30], [sflag:$0x5] =	stream.indirect_vreg.gather [hbm4b:s9+s3], $0x80, v4, vm0, $0xb8;
	[tilespmem:$0x1C400] =	vst v63  }
0x657: {  	v4 =	vld [tilespmem:$0x4390];
	_ =	sdelay $0x4  }
0x658: {  	v5 =	vshll.u32 v4, $0x3  }
0x659: {  	v4 =	vand.u32 $0x7, v4;
	v5 =	vand.u32 $0xFFFFFFC0, v5  }
0x65a: {  	v4 =	vor.u32 v4, v5  }
0x65b: {  	v5 =	vperm.xlane v4, v1;
	_ =	sdelay $0x1  }
0x65c: {  	v5 =	vadd.s32 v2, v5;
	_ =	sdelay $0x4  }
0x65d: {  	[tilespmem:s31], [sflag:$0x5] =	stream.indirect_vreg.gather [hbm4b:s1+s3], $0x80, v5, vm0, $0xb8;
	[tilespmem:$0x1C400] =	vst v63  }
0x65e: {  	v4 =	vperm.xlane v4, v3  }
0x65f: {  	[tilespmem:s0], [sflag:$0x5] =	stream.indirect_vreg.gather [hbm4b:s7+s3], $0x80, v5, vm0, $0xb8;
	[tilespmem:$0x1C400] =	vst v63  }
0x660: {  	v4 =	vadd.s32 v2, v4  }
0x661: {  	[tilespmem:s2], [sflag:$0x5] =	stream.indirect_vreg.gather [hbm4b:s8+s3], $0x80, v5, vm0, $0xb8;
	[tilespmem:$0x1C400] =	vst v63  }
0x662: {  	_ = 	snop  }
0x663: {  	[tilespmem:s4], [sflag:$0x5] =	stream.indirect_vreg.gather [hbm4b:s9+s3], $0x80, v5, vm0, $0xb8;
	[tilespmem:$0x1C400] =	vst v63  }
0x664: {  	_ = 	snop  }
0x665: {  	[tilespmem:s6], [sflag:$0x5] =	stream.indirect_vreg.gather [hbm4b:s1+s3], $0x80, v4, vm0, $0xb8;
	[tilespmem:$0x1C400] =	vst v63  }
0x666: {  	_ = 	snop  }
0x667: {  	[tilespmem:s10], [sflag:$0x5] =	stream.indirect_vreg.gather [hbm4b:s7+s3], $0x80, v4, vm0, $0xb8;
	[tilespmem:$0x1C400] =	vst v63  }
0x668: {  	_ = 	snop  }
0x669: {  	[tilespmem:s13], [sflag:$0x5] =	stream.indirect_vreg.gather [hbm4b:s8+s3], $0x80, v4, vm0, $0xb8;
	[tilespmem:$0x1C400] =	vst v63  }
0x66a: {  	_ = 	snop  }
0x66b: {  	[tilespmem:s14], [sflag:$0x5] =	stream.indirect_vreg.gather [hbm4b:s9+s3], $0x80, v4, vm0, $0xb8;
	[tilespmem:$0x1C400] =	vst v63  }
0x66c: {  	_ =	swait.ge [sflag:s25], $0x8000  }
0x66d: {  	[sflag:s25] =	ssyncset.done $0x0  }
.Ltmp57:
0x66e: {  	s21 =	rddreg [dreg:$0x1d];
	[sflag:s25] =	ssyncadd.s32 $0xFFFF8000;
	(pc) =	sbr.rel .LBB2_86-.Ltmp57, $4  }
0x66f: {  	[hbm4b:s21+s3] =	stream.linear.scatter [tilespmem:s18], [sflag:$0x7], $0x8000, $0x38;
	[tilespmem:$0x1C400] =	vst v63  }
0x670: {  	_ =	swait.ge [sflag:s24], $0x8000  }
0x671: {  	[sflag:s24] =	ssyncset.done $0x0  }
0x672: {  	[sflag:s24] =	ssyncadd.s32 $0xFFFF8000  }
.LBB2_84:
0x673: {  	s21 =	rddreg [dreg:$0x1d]  }
0x674: {  	[hbm4b:s21+s3] =	stream.linear.scatter [tilespmem:s22], [sflag:$0x3], $0x8000, $0x38;
	[tilespmem:$0x1C400] =	vst v63  }
.LBB2_86:
0x675: {  	p1 =	seq.s32 s19, $0x0;
	s19 =	simm.s32 $0x1  }
0x676: {  	s19 =	simm.s32 @!p1 $0x0;
	p1 =	seq.s32 s20, $0x0;
	s20 =	simm.s32 $0x1  }
0x677: {  	s15 =	sadd.s32 s19, s15;
	s20 =	simm.s32 @!p1 $0x0  }
0x678: {  	s15 =	sadd.s32 s20, s15  }
0x679: {  	s11 =	simm.s32 $0x2;
	p1 =	sne.s32 s15, $0x1  }
.Ltmp58:
0x67a: {  	_ =	swait.ge [sflag:s11], $0x8000;
	(pc) =	sbr.rel @!p1 .LBB2_88-.Ltmp58, $4  }
0x67b: {  	[sflag:s11] =	ssyncset.done $0x0  }
0x67c: {  	[sflag:s11] =	ssyncadd.s32 $0xFFFF8000  }
0x67d: {  	_ =	swait.ge [sflag:s16], $0x8000  }
0x67e: {  	s15 =	sadd.s32 $0xFFFFFFFF, s15;
	[sflag:s16] =	ssyncset.done $0x0  }
.LBB2_87:
0x67f: {  	p1 =	sne.s32 s15, $0x1;
	s15 =	sadd.s32 $0xFFFFFFFF, s15;
	[sflag:s16] =	ssyncadd.s32 $0xFFFF8000  }
.Ltmp59:
0x680: {  	(pc) =	sbr.rel @p1 .LBB2_87-.Ltmp59, $3  }
0x681: {  	_ =	sdelay $0x1  }
0x682: {  	_ =	swait.ge [sflag:s16], $0x8000  }
0x683: {  	[sflag:s16] =	ssyncset.done $0x0  }
.LBB2_88:
0x684: {  	[sflag:s16] =	ssyncadd.s32 $0xFFFF8000  }
0x685: {  	v4 =	vld [tilespmem:$0x40C0];
	_ =	sdelay $0x4  }
0x686: {  	v5 =	vshll.u32 v4, $0x3  }
0x687: {  	v4 =	vand.u32 $0x7, v4;
	v5 =	vand.u32 $0xFFFFFFC0, v5  }
0x688: {  	v4 =	vor.u32 v4, v5  }
0x689: {  	v5 =	vperm.xlane v4, v1;
	_ =	sdelay $0x1  }
0x68a: {  	v5 =	vadd.s32 v2, v5;
	_ =	sdelay $0x4  }
0x68b: {  	[tilespmem:s22], [sflag:$0x1] =	stream.indirect_vreg.gather [hbm4b:s1+s3], $0x80, v5, vm0, $0xb8;
	[tilespmem:$0x1C400] =	vst v63  }
0x68c: {  	v4 =	vperm.xlane v4, v3  }
0x68d: {  	[tilespmem:s23], [sflag:$0x1] =	stream.indirect_vreg.gather [hbm4b:s7+s3], $0x80, v5, vm0, $0xb8;
	[tilespmem:$0x1C400] =	vst v63  }
0x68e: {  	s15 =	simm.s32 $0x5400;
	v4 =	vadd.s32 v2, v4  }
0x68f: {  	[tilespmem:s15], [sflag:$0x1] =	stream.indirect_vreg.gather [hbm4b:s8+s3], $0x80, v5, vm0, $0xb8;
	[tilespmem:$0x1C400] =	vst v63  }
0x690: {  	s23 =	simm.s32 $0x5C00  }
0x691: {  	[tilespmem:s23], [sflag:$0x1] =	stream.indirect_vreg.gather [hbm4b:s9+s3], $0x80, v5, vm0, $0xb8;
	[tilespmem:$0x1C400] =	vst v63  }
0x692: {  	s11 =	simm.s32 $0x6400  }
0x693: {  	[tilespmem:s11], [sflag:$0x1] =	stream.indirect_vreg.gather [hbm4b:s1+s3], $0x80, v4, vm0, $0xb8;
	[tilespmem:$0x1C400] =	vst v63  }
0x694: {  	s19 =	simm.s32 $0x6C00  }
0x695: {  	[tilespmem:s19], [sflag:$0x1] =	stream.indirect_vreg.gather [hbm4b:s7+s3], $0x80, v4, vm0, $0xb8;
	[tilespmem:$0x1C400] =	vst v63  }
0x696: {  	s20 =	simm.s32 $0x7400  }
0x697: {  	[tilespmem:s20], [sflag:$0x1] =	stream.indirect_vreg.gather [hbm4b:s8+s3], $0x80, v4, vm0, $0xb8;
	[tilespmem:$0x1C400] =	vst v63  }
0x698: {  	s21 =	simm.s32 $0x7C00  }
0x699: {  	[tilespmem:s21], [sflag:$0x1] =	stream.indirect_vreg.gather [hbm4b:s9+s3], $0x80, v4, vm0, $0xb8;
	[tilespmem:$0x1C400] =	vst v63  }
0x69a: {  	v4 =	vld [tilespmem:$0x40D0];
	_ =	sdelay $0x4  }
0x69b: {  	v5 =	vshll.u32 v4, $0x3  }
0x69c: {  	v4 =	vand.u32 $0x7, v4;
	v5 =	vand.u32 $0xFFFFFFC0, v5  }
0x69d: {  	v4 =	vor.u32 v4, v5  }
0x69e: {  	v5 =	vperm.xlane v4, v1;
	_ =	sdelay $0x1  }
0x69f: {  	v5 =	vadd.s32 v2, v5;
	_ =	sdelay $0x3  }
0x6a0: {  	s23 =	simm.s32 $0x8400  }
0x6a1: {  	[tilespmem:s23], [sflag:$0x1] =	stream.indirect_vreg.gather [hbm4b:s1+s3], $0x80, v5, vm0, $0xb8;
	[tilespmem:$0x1C400] =	vst v63  }
0x6a2: {  	s11 =	simm.s32 $0x8C00;
	v4 =	vperm.xlane v4, v3  }
0x6a3: {  	[tilespmem:s11], [sflag:$0x1] =	stream.indirect_vreg.gather [hbm4b:s7+s3], $0x80, v5, vm0, $0xb8;
	[tilespmem:$0x1C400] =	vst v63  }
0x6a4: {  	s19 =	simm.s32 $0x9400;
	v4 =	vadd.s32 v2, v4  }
0x6a5: {  	[tilespmem:s19], [sflag:$0x1] =	stream.indirect_vreg.gather [hbm4b:s8+s3], $0x80, v5, vm0, $0xb8;
	[tilespmem:$0x1C400] =	vst v63  }
0x6a6: {  	s20 =	simm.s32 $0x9C00  }
0x6a7: {  	[tilespmem:s20], [sflag:$0x1] =	stream.indirect_vreg.gather [hbm4b:s9+s3], $0x80, v5, vm0, $0xb8;
	[tilespmem:$0x1C400] =	vst v63  }
0x6a8: {  	s21 =	simm.s32 $0xA400  }
0x6a9: {  	[tilespmem:s21], [sflag:$0x1] =	stream.indirect_vreg.gather [hbm4b:s1+s3], $0x80, v4, vm0, $0xb8;
	[tilespmem:$0x1C400] =	vst v63  }
0x6aa: {  	s23 =	simm.s32 $0xAC00  }
0x6ab: {  	[tilespmem:s23], [sflag:$0x1] =	stream.indirect_vreg.gather [hbm4b:s7+s3], $0x80, v4, vm0, $0xb8;
	[tilespmem:$0x1C400] =	vst v63  }
0x6ac: {  	s11 =	simm.s32 $0xB400  }
0x6ad: {  	[tilespmem:s11], [sflag:$0x1] =	stream.indirect_vreg.gather [hbm4b:s8+s3], $0x80, v4, vm0, $0xb8;
	[tilespmem:$0x1C400] =	vst v63  }
0x6ae: {  	s19 =	simm.s32 $0xBC00  }
0x6af: {  	[tilespmem:s19], [sflag:$0x1] =	stream.indirect_vreg.gather [hbm4b:s9+s3], $0x80, v4, vm0, $0xb8;
	[tilespmem:$0x1C400] =	vst v63  }
0x6b0: {  	s20 =	rddreg [dreg:$0x1e];
	s23 =	simm.s32 $0xC400  }
0x6b1: {  	[hbm4b:s20+s3] =	stream.linear.scatter [tilespmem:s23], [sflag:$0x4], $0x8000, $0x38;
	[tilespmem:$0x1C400] =	vst v63  }
0x6b2: {  	v4 =	vld [tilespmem:$0x41A0]  }
0x6b3: {  	v5 =	vld [tilespmem:$0x40A0]  }
0x6b4: {  	v6 =	vld [tilespmem:$0x41B0]  }
0x6b5: {  	v7 =	vld [tilespmem:$0x40B0];
	_ =	sdelay $0x4  }
0x6b6: {  	vm1 =	vne.s32 v4, v5;
	vm2 =	vne.s32 v6, v7  }
0x6b7: {  	v5 =	vsel vm1, $0x1, v0;
	v6 =	vsel vm2, $0x1, v0  }
0x6b8: {  	v5 =	vadd.s32 v5, v6  }
0x6b9: {  	(xrf0) =	vadd.scan.msk.s32 $0xffff, v5;
	_ =	sdelay $0x5  }
0x6ba: {  	v5, _, _ =	vpop (xrf0)  }
0x6bb: {  	(v2sf) =	vpush v5, $0xF;
	_ =	sdelay $0xe  }
0x6bc: {  	s21 =	spop (v2sf)  }
0x6bd: {  	p1 =	sne.s32 s21, $0x0  }
.Ltmp60:
0x6be: {  	_ = 	snop;
	(pc) =	sbr.rel @!p1 .LBB2_89-.Ltmp60, $1  }
0x6bf: {  	_ =	sdelay $0x3  }
0x6c0: {  	v5 =	vshll.u32 v4, $0x3  }
0x6c1: {  	v4 =	vand.u32 $0x7, v4;
	v5 =	vand.u32 $0xFFFFFFC0, v5  }
0x6c2: {  	v4 =	vor.u32 v4, v5  }
0x6c3: {  	v5 =	vperm.xlane v4, v1;
	_ =	sdelay $0x1  }
0x6c4: {  	v5 =	vadd.s32 v2, v5;
	_ =	sdelay $0x4  }
0x6c5: {  	[tilespmem:s18], [sflag:$0x5] =	stream.indirect_vreg.gather [hbm4b:s1+s3], $0x80, v5, vm0, $0xb8;
	[tilespmem:$0x1C400] =	vst v63  }
0x6c6: {  	s11 =	simm.s32 $0x14C00;
	v4 =	vperm.xlane v4, v3  }
0x6c7: {  	[tilespmem:s11], [sflag:$0x5] =	stream.indirect_vreg.gather [hbm4b:s7+s3], $0x80, v5, vm0, $0xb8;
	[tilespmem:$0x1C400] =	vst v63  }
0x6c8: {  	s19 =	simm.s32 $0x15400;
	v4 =	vadd.s32 v2, v4  }
0x6c9: {  	[tilespmem:s19], [sflag:$0x5] =	stream.indirect_vreg.gather [hbm4b:s8+s3], $0x80, v5, vm0, $0xb8;
	[tilespmem:$0x1C400] =	vst v63  }
0x6ca: {  	s20 =	simm.s32 $0x15C00  }
0x6cb: {  	[tilespmem:s20], [sflag:$0x5] =	stream.indirect_vreg.gather [hbm4b:s9+s3], $0x80, v5, vm0, $0xb8;
	[tilespmem:$0x1C400] =	vst v63  }
0x6cc: {  	s21 =	simm.s32 $0x16400  }
0x6cd: {  	[tilespmem:s21], [sflag:$0x5] =	stream.indirect_vreg.gather [hbm4b:s1+s3], $0x80, v4, vm0, $0xb8;
	[tilespmem:$0x1C400] =	vst v63  }
0x6ce: {  	_ = 	snop  }
0x6cf: {  	[tilespmem:s28], [sflag:$0x5] =	stream.indirect_vreg.gather [hbm4b:s7+s3], $0x80, v4, vm0, $0xb8;
	[tilespmem:$0x1C400] =	vst v63  }
0x6d0: {  	_ = 	snop  }
0x6d1: {  	[tilespmem:s29], [sflag:$0x5] =	stream.indirect_vreg.gather [hbm4b:s8+s3], $0x80, v4, vm0, $0xb8;
	[tilespmem:$0x1C400] =	vst v63  }
0x6d2: {  	_ = 	snop  }
0x6d3: {  	[tilespmem:s30], [sflag:$0x5] =	stream.indirect_vreg.gather [hbm4b:s9+s3], $0x80, v4, vm0, $0xb8;
	[tilespmem:$0x1C400] =	vst v63  }
0x6d4: {  	v4 =	vld [tilespmem:$0x41B0];
	_ =	sdelay $0x4  }
0x6d5: {  	v5 =	vshll.u32 v4, $0x3  }
0x6d6: {  	v4 =	vand.u32 $0x7, v4;
	v5 =	vand.u32 $0xFFFFFFC0, v5  }
0x6d7: {  	v4 =	vor.u32 v4, v5  }
0x6d8: {  	v5 =	vperm.xlane v4, v1;
	_ =	sdelay $0x1  }
0x6d9: {  	v5 =	vadd.s32 v2, v5;
	_ =	sdelay $0x4  }
0x6da: {  	[tilespmem:s31], [sflag:$0x5] =	stream.indirect_vreg.gather [hbm4b:s1+s3], $0x80, v5, vm0, $0xb8;
	[tilespmem:$0x1C400] =	vst v63  }
0x6db: {  	v4 =	vperm.xlane v4, v3  }
0x6dc: {  	[tilespmem:s0], [sflag:$0x5] =	stream.indirect_vreg.gather [hbm4b:s7+s3], $0x80, v5, vm0, $0xb8;
	[tilespmem:$0x1C400] =	vst v63  }
0x6dd: {  	v4 =	vadd.s32 v2, v4  }
0x6de: {  	[tilespmem:s2], [sflag:$0x5] =	stream.indirect_vreg.gather [hbm4b:s8+s3], $0x80, v5, vm0, $0xb8;
	[tilespmem:$0x1C400] =	vst v63  }
0x6df: {  	_ = 	snop  }
0x6e0: {  	[tilespmem:s4], [sflag:$0x5] =	stream.indirect_vreg.gather [hbm4b:s9+s3], $0x80, v5, vm0, $0xb8;
	[tilespmem:$0x1C400] =	vst v63  }
0x6e1: {  	_ = 	snop  }
0x6e2: {  	[tilespmem:s6], [sflag:$0x5] =	stream.indirect_vreg.gather [hbm4b:s1+s3], $0x80, v4, vm0, $0xb8;
	[tilespmem:$0x1C400] =	vst v63  }
0x6e3: {  	_ = 	snop  }
0x6e4: {  	[tilespmem:s10], [sflag:$0x5] =	stream.indirect_vreg.gather [hbm4b:s7+s3], $0x80, v4, vm0, $0xb8;
	[tilespmem:$0x1C400] =	vst v63  }
0x6e5: {  	_ = 	snop  }
0x6e6: {  	[tilespmem:s13], [sflag:$0x5] =	stream.indirect_vreg.gather [hbm4b:s8+s3], $0x80, v4, vm0, $0xb8;
	[tilespmem:$0x1C400] =	vst v63  }
0x6e7: {  	_ = 	snop  }
0x6e8: {  	[tilespmem:s14], [sflag:$0x5] =	stream.indirect_vreg.gather [hbm4b:s9+s3], $0x80, v4, vm0, $0xb8;
	[tilespmem:$0x1C400] =	vst v63  }
0x6e9: {  	_ =	swait.ge [sflag:s25], $0x8000  }
0x6ea: {  	[sflag:s25] =	ssyncset.done $0x0  }
.Ltmp61:
0x6eb: {  	s15 =	rddreg [dreg:$0x1f];
	[sflag:s25] =	ssyncadd.s32 $0xFFFF8000;
	(pc) =	sbr.rel .LBB2_91-.Ltmp61, $4  }
0x6ec: {  	[hbm4b:s15+s3] =	stream.linear.scatter [tilespmem:s18], [sflag:$0x7], $0x8000, $0x38;
	[tilespmem:$0x1C400] =	vst v63  }
0x6ed: {  	_ =	swait.ge [sflag:s24], $0x8000  }
0x6ee: {  	[sflag:s24] =	ssyncset.done $0x0  }
0x6ef: {  	s15 =	simm.s32 $0x1;
	[sflag:s24] =	ssyncadd.s32 $0xFFFF8000  }
.LBB2_89:
0x6f0: {  	s15 =	rddreg [dreg:$0x1f]  }
0x6f1: {  	[hbm4b:s15+s3] =	stream.linear.scatter [tilespmem:s23], [sflag:$0x4], $0x8000, $0x38;
	[tilespmem:$0x1C400] =	vst v63  }
0x6f2: {  	s15 =	simm.s32 $0x2  }
.LBB2_91:
0x6f3: {  	v4 =	vld [tilespmem:$0x42A0]  }
0x6f4: {  	v5 =	vld [tilespmem:$0x40A0]  }
0x6f5: {  	v6 =	vld [tilespmem:$0x42B0]  }
0x6f6: {  	v7 =	vld [tilespmem:$0x40B0];
	_ =	sdelay $0x4  }
0x6f7: {  	vm1 =	vne.s32 v4, v5;
	vm2 =	vne.s32 v6, v7  }
0x6f8: {  	v5 =	vsel vm1, $0x1, v0;
	v6 =	vsel vm2, $0x1, v0  }
0x6f9: {  	v5 =	vadd.s32 v5, v6  }
0x6fa: {  	(xrf0) =	vadd.scan.msk.s32 $0xffff, v5;
	_ =	sdelay $0x5  }
0x6fb: {  	v5, _, _ =	vpop (xrf0)  }
0x6fc: {  	(v2sf) =	vpush v5, $0xF;
	_ =	sdelay $0xe  }
0x6fd: {  	s19 =	spop (v2sf)  }
0x6fe: {  	p1 =	sne.s32 s19, $0x0  }
.Ltmp62:
0x6ff: {  	_ = 	snop;
	(pc) =	sbr.rel @!p1 .LBB2_92-.Ltmp62, $1  }
0x700: {  	_ =	sdelay $0x3  }
0x701: {  	v5 =	vshll.u32 v4, $0x3  }
0x702: {  	v4 =	vand.u32 $0x7, v4;
	v5 =	vand.u32 $0xFFFFFFC0, v5  }
0x703: {  	v4 =	vor.u32 v4, v5  }
0x704: {  	v5 =	vperm.xlane v4, v1;
	_ =	sdelay $0x1  }
0x705: {  	v5 =	vadd.s32 v2, v5;
	_ =	sdelay $0x4  }
0x706: {  	[tilespmem:s18], [sflag:$0x5] =	stream.indirect_vreg.gather [hbm4b:s1+s3], $0x80, v5, vm0, $0xb8;
	[tilespmem:$0x1C400] =	vst v63  }
0x707: {  	s11 =	simm.s32 $0x14C00;
	v4 =	vperm.xlane v4, v3  }
0x708: {  	[tilespmem:s11], [sflag:$0x5] =	stream.indirect_vreg.gather [hbm4b:s7+s3], $0x80, v5, vm0, $0xb8;
	[tilespmem:$0x1C400] =	vst v63  }
0x709: {  	s21 =	simm.s32 $0x15400;
	v4 =	vadd.s32 v2, v4  }
0x70a: {  	[tilespmem:s21], [sflag:$0x5] =	stream.indirect_vreg.gather [hbm4b:s8+s3], $0x80, v5, vm0, $0xb8;
	[tilespmem:$0x1C400] =	vst v63  }
0x70b: {  	s20 =	simm.s32 $0x15C00  }
0x70c: {  	[tilespmem:s20], [sflag:$0x5] =	stream.indirect_vreg.gather [hbm4b:s9+s3], $0x80, v5, vm0, $0xb8;
	[tilespmem:$0x1C400] =	vst v63  }
0x70d: {  	s21 =	simm.s32 $0x16400  }
0x70e: {  	[tilespmem:s21], [sflag:$0x5] =	stream.indirect_vreg.gather [hbm4b:s1+s3], $0x80, v4, vm0, $0xb8;
	[tilespmem:$0x1C400] =	vst v63  }
0x70f: {  	_ = 	snop  }
0x710: {  	[tilespmem:s28], [sflag:$0x5] =	stream.indirect_vreg.gather [hbm4b:s7+s3], $0x80, v4, vm0, $0xb8;
	[tilespmem:$0x1C400] =	vst v63  }
0x711: {  	_ = 	snop  }
0x712: {  	[tilespmem:s29], [sflag:$0x5] =	stream.indirect_vreg.gather [hbm4b:s8+s3], $0x80, v4, vm0, $0xb8;
	[tilespmem:$0x1C400] =	vst v63  }
0x713: {  	_ = 	snop  }
0x714: {  	[tilespmem:s30], [sflag:$0x5] =	stream.indirect_vreg.gather [hbm4b:s9+s3], $0x80, v4, vm0, $0xb8;
	[tilespmem:$0x1C400] =	vst v63  }
0x715: {  	v4 =	vld [tilespmem:$0x42B0];
	_ =	sdelay $0x4  }
0x716: {  	v5 =	vshll.u32 v4, $0x3  }
0x717: {  	v4 =	vand.u32 $0x7, v4;
	v5 =	vand.u32 $0xFFFFFFC0, v5  }
0x718: {  	v4 =	vor.u32 v4, v5  }
0x719: {  	v5 =	vperm.xlane v4, v1;
	_ =	sdelay $0x1  }
0x71a: {  	v5 =	vadd.s32 v2, v5;
	_ =	sdelay $0x4  }
0x71b: {  	[tilespmem:s31], [sflag:$0x5] =	stream.indirect_vreg.gather [hbm4b:s1+s3], $0x80, v5, vm0, $0xb8;
	[tilespmem:$0x1C400] =	vst v63  }
0x71c: {  	v4 =	vperm.xlane v4, v3  }
0x71d: {  	[tilespmem:s0], [sflag:$0x5] =	stream.indirect_vreg.gather [hbm4b:s7+s3], $0x80, v5, vm0, $0xb8;
	[tilespmem:$0x1C400] =	vst v63  }
0x71e: {  	v4 =	vadd.s32 v2, v4  }
0x71f: {  	[tilespmem:s2], [sflag:$0x5] =	stream.indirect_vreg.gather [hbm4b:s8+s3], $0x80, v5, vm0, $0xb8;
	[tilespmem:$0x1C400] =	vst v63  }
0x720: {  	_ = 	snop  }
0x721: {  	[tilespmem:s4], [sflag:$0x5] =	stream.indirect_vreg.gather [hbm4b:s9+s3], $0x80, v5, vm0, $0xb8;
	[tilespmem:$0x1C400] =	vst v63  }
0x722: {  	_ = 	snop  }
0x723: {  	[tilespmem:s6], [sflag:$0x5] =	stream.indirect_vreg.gather [hbm4b:s1+s3], $0x80, v4, vm0, $0xb8;
	[tilespmem:$0x1C400] =	vst v63  }
0x724: {  	_ = 	snop  }
0x725: {  	[tilespmem:s10], [sflag:$0x5] =	stream.indirect_vreg.gather [hbm4b:s7+s3], $0x80, v4, vm0, $0xb8;
	[tilespmem:$0x1C400] =	vst v63  }
0x726: {  	_ = 	snop  }
0x727: {  	[tilespmem:s13], [sflag:$0x5] =	stream.indirect_vreg.gather [hbm4b:s8+s3], $0x80, v4, vm0, $0xb8;
	[tilespmem:$0x1C400] =	vst v63  }
0x728: {  	_ = 	snop  }
0x729: {  	[tilespmem:s14], [sflag:$0x5] =	stream.indirect_vreg.gather [hbm4b:s9+s3], $0x80, v4, vm0, $0xb8;
	[tilespmem:$0x1C400] =	vst v63  }
0x72a: {  	_ =	swait.ge [sflag:s25], $0x8000  }
0x72b: {  	s20 =	sld [smem:$0x7F4]  }
0x72c: {  	[sflag:s25] =	ssyncset.done $0x0  }
.Ltmp63:
0x72d: {  	[sflag:s25] =	ssyncadd.s32 $0xFFFF8000;
	(pc) =	sbr.rel .LBB2_94-.Ltmp63, $4  }
0x72e: {  	[hbm4b:s20+s3] =	stream.linear.scatter [tilespmem:s18], [sflag:$0x7], $0x8000, $0x38;
	[tilespmem:$0x1C400] =	vst v63  }
0x72f: {  	_ =	swait.ge [sflag:s24], $0x8000  }
0x730: {  	[sflag:s24] =	ssyncset.done $0x0  }
0x731: {  	[sflag:s24] =	ssyncadd.s32 $0xFFFF8000  }
.LBB2_92:
0x732: {  	s20 =	sld [smem:$0x7F4];
	_ =	sdelay $0x2  }
0x733: {  	[hbm4b:s20+s3] =	stream.linear.scatter [tilespmem:s23], [sflag:$0x4], $0x8000, $0x38;
	[tilespmem:$0x1C400] =	vst v63  }
.LBB2_94:
0x734: {  	v4 =	vld [tilespmem:$0x43A0]  }
0x735: {  	v5 =	vld [tilespmem:$0x40A0]  }
0x736: {  	v6 =	vld [tilespmem:$0x43B0]  }
0x737: {  	v7 =	vld [tilespmem:$0x40B0];
	_ =	sdelay $0x4  }
0x738: {  	vm1 =	vne.s32 v4, v5;
	vm2 =	vne.s32 v6, v7  }
0x739: {  	v5 =	vsel vm1, $0x1, v0;
	v6 =	vsel vm2, $0x1, v0  }
0x73a: {  	v5 =	vadd.s32 v5, v6  }
0x73b: {  	(xrf0) =	vadd.scan.msk.s32 $0xffff, v5;
	_ =	sdelay $0x5  }
0x73c: {  	v5, _, _ =	vpop (xrf0)  }
0x73d: {  	(v2sf) =	vpush v5, $0xF;
	_ =	sdelay $0xe  }
0x73e: {  	s20 =	spop (v2sf)  }
0x73f: {  	p1 =	sne.s32 s20, $0x0  }
.Ltmp64:
0x740: {  	_ = 	snop;
	(pc) =	sbr.rel @!p1 .LBB2_95-.Ltmp64, $1  }
0x741: {  	_ =	sdelay $0x3  }
0x742: {  	v5 =	vshll.u32 v4, $0x3  }
0x743: {  	v4 =	vand.u32 $0x7, v4;
	v5 =	vand.u32 $0xFFFFFFC0, v5  }
0x744: {  	v4 =	vor.u32 v4, v5  }
0x745: {  	v5 =	vperm.xlane v4, v1;
	_ =	sdelay $0x1  }
0x746: {  	v5 =	vadd.s32 v2, v5;
	_ =	sdelay $0x4  }
0x747: {  	[tilespmem:s18], [sflag:$0x5] =	stream.indirect_vreg.gather [hbm4b:s1+s3], $0x80, v5, vm0, $0xb8;
	[tilespmem:$0x1C400] =	vst v63  }
0x748: {  	s11 =	simm.s32 $0x14C00;
	v4 =	vperm.xlane v4, v3  }
0x749: {  	[tilespmem:s11], [sflag:$0x5] =	stream.indirect_vreg.gather [hbm4b:s7+s3], $0x80, v5, vm0, $0xb8;
	[tilespmem:$0x1C400] =	vst v63  }
0x74a: {  	s21 =	simm.s32 $0x15400;
	v4 =	vadd.s32 v2, v4  }
0x74b: {  	[tilespmem:s21], [sflag:$0x5] =	stream.indirect_vreg.gather [hbm4b:s8+s3], $0x80, v5, vm0, $0xb8;
	[tilespmem:$0x1C400] =	vst v63  }
0x74c: {  	s21 =	simm.s32 $0x15C00  }
0x74d: {  	[tilespmem:s21], [sflag:$0x5] =	stream.indirect_vreg.gather [hbm4b:s9+s3], $0x80, v5, vm0, $0xb8;
	[tilespmem:$0x1C400] =	vst v63  }
0x74e: {  	s21 =	simm.s32 $0x16400  }
0x74f: {  	[tilespmem:s21], [sflag:$0x5] =	stream.indirect_vreg.gather [hbm4b:s1+s3], $0x80, v4, vm0, $0xb8;
	[tilespmem:$0x1C400] =	vst v63  }
0x750: {  	_ = 	snop  }
0x751: {  	[tilespmem:s28], [sflag:$0x5] =	stream.indirect_vreg.gather [hbm4b:s7+s3], $0x80, v4, vm0, $0xb8;
	[tilespmem:$0x1C400] =	vst v63  }
0x752: {  	_ = 	snop  }
0x753: {  	[tilespmem:s29], [sflag:$0x5] =	stream.indirect_vreg.gather [hbm4b:s8+s3], $0x80, v4, vm0, $0xb8;
	[tilespmem:$0x1C400] =	vst v63  }
0x754: {  	_ = 	snop  }
0x755: {  	[tilespmem:s30], [sflag:$0x5] =	stream.indirect_vreg.gather [hbm4b:s9+s3], $0x80, v4, vm0, $0xb8;
	[tilespmem:$0x1C400] =	vst v63  }
0x756: {  	v4 =	vld [tilespmem:$0x43B0];
	_ =	sdelay $0x4  }
0x757: {  	v5 =	vshll.u32 v4, $0x3  }
0x758: {  	v4 =	vand.u32 $0x7, v4;
	v5 =	vand.u32 $0xFFFFFFC0, v5  }
0x759: {  	v4 =	vor.u32 v4, v5  }
0x75a: {  	v5 =	vperm.xlane v4, v1;
	_ =	sdelay $0x1  }
0x75b: {  	v5 =	vadd.s32 v2, v5;
	_ =	sdelay $0x4  }
0x75c: {  	[tilespmem:s31], [sflag:$0x5] =	stream.indirect_vreg.gather [hbm4b:s1+s3], $0x80, v5, vm0, $0xb8;
	[tilespmem:$0x1C400] =	vst v63  }
0x75d: {  	v4 =	vperm.xlane v4, v3  }
0x75e: {  	[tilespmem:s0], [sflag:$0x5] =	stream.indirect_vreg.gather [hbm4b:s7+s3], $0x80, v5, vm0, $0xb8;
	[tilespmem:$0x1C400] =	vst v63  }
0x75f: {  	v4 =	vadd.s32 v2, v4  }
0x760: {  	[tilespmem:s2], [sflag:$0x5] =	stream.indirect_vreg.gather [hbm4b:s8+s3], $0x80, v5, vm0, $0xb8;
	[tilespmem:$0x1C400] =	vst v63  }
0x761: {  	_ = 	snop  }
0x762: {  	[tilespmem:s4], [sflag:$0x5] =	stream.indirect_vreg.gather [hbm4b:s9+s3], $0x80, v5, vm0, $0xb8;
	[tilespmem:$0x1C400] =	vst v63  }
0x763: {  	_ = 	snop  }
0x764: {  	[tilespmem:s6], [sflag:$0x5] =	stream.indirect_vreg.gather [hbm4b:s1+s3], $0x80, v4, vm0, $0xb8;
	[tilespmem:$0x1C400] =	vst v63  }
0x765: {  	_ = 	snop  }
0x766: {  	[tilespmem:s10], [sflag:$0x5] =	stream.indirect_vreg.gather [hbm4b:s7+s3], $0x80, v4, vm0, $0xb8;
	[tilespmem:$0x1C400] =	vst v63  }
0x767: {  	_ = 	snop  }
0x768: {  	[tilespmem:s13], [sflag:$0x5] =	stream.indirect_vreg.gather [hbm4b:s8+s3], $0x80, v4, vm0, $0xb8;
	[tilespmem:$0x1C400] =	vst v63  }
0x769: {  	_ = 	snop  }
0x76a: {  	[tilespmem:s14], [sflag:$0x5] =	stream.indirect_vreg.gather [hbm4b:s9+s3], $0x80, v4, vm0, $0xb8;
	[tilespmem:$0x1C400] =	vst v63  }
0x76b: {  	_ =	swait.ge [sflag:s25], $0x8000  }
0x76c: {  	s21 =	sld [smem:$0x7F5]  }
0x76d: {  	[sflag:s25] =	ssyncset.done $0x0  }
.Ltmp65:
0x76e: {  	[sflag:s25] =	ssyncadd.s32 $0xFFFF8000;
	(pc) =	sbr.rel .LBB2_97-.Ltmp65, $4  }
0x76f: {  	[hbm4b:s21+s3] =	stream.linear.scatter [tilespmem:s18], [sflag:$0x7], $0x8000, $0x38;
	[tilespmem:$0x1C400] =	vst v63  }
0x770: {  	_ =	swait.ge [sflag:s24], $0x8000  }
0x771: {  	[sflag:s24] =	ssyncset.done $0x0  }
0x772: {  	[sflag:s24] =	ssyncadd.s32 $0xFFFF8000  }
.LBB2_95:
0x773: {  	s21 =	sld [smem:$0x7F5];
	_ =	sdelay $0x2  }
0x774: {  	[hbm4b:s21+s3] =	stream.linear.scatter [tilespmem:s23], [sflag:$0x4], $0x8000, $0x38;
	[tilespmem:$0x1C400] =	vst v63  }
.LBB2_97:
0x775: {  	p1 =	seq.s32 s19, $0x0;
	s19 =	simm.s32 $0x1  }
0x776: {  	s19 =	simm.s32 @!p1 $0x0;
	p1 =	seq.s32 s20, $0x0;
	s20 =	simm.s32 $0x1  }
0x777: {  	s15 =	sadd.s32 s19, s15;
	s20 =	simm.s32 @!p1 $0x0  }
0x778: {  	s15 =	sadd.s32 s20, s15  }
0x779: {  	p1 =	sne.s32 s15, $0x1  }
.Ltmp66:
0x77a: {  	_ =	swait.ge [sflag:s26], $0x8000;
	(pc) =	sbr.rel @!p1 .LBB2_99-.Ltmp66, $4  }
0x77b: {  	[sflag:s26] =	ssyncset.done $0x0  }
0x77c: {  	[sflag:s26] =	ssyncadd.s32 $0xFFFF8000  }
0x77d: {  	_ =	swait.ge [sflag:s17], $0x8000  }
0x77e: {  	s15 =	sadd.s32 $0xFFFFFFFF, s15;
	[sflag:s17] =	ssyncset.done $0x0  }
.LBB2_98:
0x77f: {  	p1 =	sne.s32 s15, $0x1;
	s15 =	sadd.s32 $0xFFFFFFFF, s15;
	[sflag:s17] =	ssyncadd.s32 $0xFFFF8000  }
.Ltmp67:
0x780: {  	(pc) =	sbr.rel @p1 .LBB2_98-.Ltmp67, $3  }
0x781: {  	_ =	sdelay $0x1  }
0x782: {  	_ =	swait.ge [sflag:s17], $0x8000  }
0x783: {  	[sflag:s17] =	ssyncset.done $0x0  }
.LBB2_99:
0x784: {  	[sflag:s17] =	ssyncadd.s32 $0xFFFF8000  }
0x785: {  	v4 =	vld [tilespmem:$0x40E0];
	_ =	sdelay $0x4  }
0x786: {  	v5 =	vshll.u32 v4, $0x3  }
0x787: {  	v4 =	vand.u32 $0x7, v4;
	v5 =	vand.u32 $0xFFFFFFC0, v5  }
0x788: {  	v4 =	vor.u32 v4, v5  }
0x789: {  	v5 =	vperm.xlane v4, v1;
	_ =	sdelay $0x1  }
0x78a: {  	v5 =	vadd.s32 v2, v5;
	_ =	sdelay $0x4  }
0x78b: {  	[tilespmem:s23], [sflag:$0x2] =	stream.indirect_vreg.gather [hbm4b:s1+s3], $0x80, v5, vm0, $0xb8;
	[tilespmem:$0x1C400] =	vst v63  }
0x78c: {  	s11 =	simm.s32 $0xCC00;
	v4 =	vperm.xlane v4, v3  }
0x78d: {  	[tilespmem:s11], [sflag:$0x2] =	stream.indirect_vreg.gather [hbm4b:s7+s3], $0x80, v5, vm0, $0xb8;
	[tilespmem:$0x1C400] =	vst v63  }
0x78e: {  	s15 =	simm.s32 $0xD400;
	v4 =	vadd.s32 v2, v4  }
0x78f: {  	[tilespmem:s15], [sflag:$0x2] =	stream.indirect_vreg.gather [hbm4b:s8+s3], $0x80, v5, vm0, $0xb8;
	[tilespmem:$0x1C400] =	vst v63  }
0x790: {  	s19 =	simm.s32 $0xDC00  }
0x791: {  	[tilespmem:s19], [sflag:$0x2] =	stream.indirect_vreg.gather [hbm4b:s9+s3], $0x80, v5, vm0, $0xb8;
	[tilespmem:$0x1C400] =	vst v63  }
0x792: {  	s20 =	simm.s32 $0xE400  }
0x793: {  	[tilespmem:s20], [sflag:$0x2] =	stream.indirect_vreg.gather [hbm4b:s1+s3], $0x80, v4, vm0, $0xb8;
	[tilespmem:$0x1C400] =	vst v63  }
0x794: {  	s21 =	simm.s32 $0xEC00  }
0x795: {  	[tilespmem:s21], [sflag:$0x2] =	stream.indirect_vreg.gather [hbm4b:s7+s3], $0x80, v4, vm0, $0xb8;
	[tilespmem:$0x1C400] =	vst v63  }
0x796: {  	s26 =	simm.s32 $0xF400  }
0x797: {  	[tilespmem:s26], [sflag:$0x2] =	stream.indirect_vreg.gather [hbm4b:s8+s3], $0x80, v4, vm0, $0xb8;
	[tilespmem:$0x1C400] =	vst v63  }
0x798: {  	s15 =	simm.s32 $0xFC00  }
0x799: {  	[tilespmem:s15], [sflag:$0x2] =	stream.indirect_vreg.gather [hbm4b:s9+s3], $0x80, v4, vm0, $0xb8;
	[tilespmem:$0x1C400] =	vst v63  }
0x79a: {  	v4 =	vld [tilespmem:$0x40F0];
	_ =	sdelay $0x4  }
0x79b: {  	v5 =	vshll.u32 v4, $0x3  }
0x79c: {  	v4 =	vand.u32 $0x7, v4;
	v5 =	vand.u32 $0xFFFFFFC0, v5  }
0x79d: {  	v4 =	vor.u32 v4, v5  }
0x79e: {  	v5 =	vperm.xlane v4, v1;
	_ =	sdelay $0x1  }
0x79f: {  	v5 =	vadd.s32 v2, v5;
	_ =	sdelay $0x3  }
0x7a0: {  	s19 =	simm.s32 $0x10400  }
0x7a1: {  	[tilespmem:s19], [sflag:$0x2] =	stream.indirect_vreg.gather [hbm4b:s1+s3], $0x80, v5, vm0, $0xb8;
	[tilespmem:$0x1C400] =	vst v63  }
0x7a2: {  	s20 =	simm.s32 $0x10C00;
	v4 =	vperm.xlane v4, v3  }
0x7a3: {  	[tilespmem:s20], [sflag:$0x2] =	stream.indirect_vreg.gather [hbm4b:s7+s3], $0x80, v5, vm0, $0xb8;
	[tilespmem:$0x1C400] =	vst v63  }
0x7a4: {  	s21 =	simm.s32 $0x11400;
	v4 =	vadd.s32 v2, v4  }
0x7a5: {  	[tilespmem:s21], [sflag:$0x2] =	stream.indirect_vreg.gather [hbm4b:s8+s3], $0x80, v5, vm0, $0xb8;
	[tilespmem:$0x1C400] =	vst v63  }
0x7a6: {  	s26 =	simm.s32 $0x11C00  }
0x7a7: {  	[tilespmem:s26], [sflag:$0x2] =	stream.indirect_vreg.gather [hbm4b:s9+s3], $0x80, v5, vm0, $0xb8;
	[tilespmem:$0x1C400] =	vst v63  }
0x7a8: {  	s15 =	simm.s32 $0x12400  }
0x7a9: {  	[tilespmem:s15], [sflag:$0x2] =	stream.indirect_vreg.gather [hbm4b:s1+s3], $0x80, v4, vm0, $0xb8;
	[tilespmem:$0x1C400] =	vst v63  }
0x7aa: {  	s19 =	simm.s32 $0x12C00  }
0x7ab: {  	[tilespmem:s19], [sflag:$0x2] =	stream.indirect_vreg.gather [hbm4b:s7+s3], $0x80, v4, vm0, $0xb8;
	[tilespmem:$0x1C400] =	vst v63  }
0x7ac: {  	s20 =	simm.s32 $0x13400  }
0x7ad: {  	[tilespmem:s20], [sflag:$0x2] =	stream.indirect_vreg.gather [hbm4b:s8+s3], $0x80, v4, vm0, $0xb8;
	[tilespmem:$0x1C400] =	vst v63  }
0x7ae: {  	s21 =	simm.s32 $0x13C00;
	s15 =	sld [smem:$0x7F6]  }
0x7af: {  	[tilespmem:s21], [sflag:$0x2] =	stream.indirect_vreg.gather [hbm4b:s9+s3], $0x80, v4, vm0, $0xb8;
	[tilespmem:$0x1C400] =	vst v63  }
0x7b0: {  	_ = 	snop  }
0x7b1: {  	[hbm4b:s15+s3] =	stream.linear.scatter [tilespmem:s22], [sflag:$0x3], $0x8000, $0x38;
	[tilespmem:$0x1C400] =	vst v63  }
0x7b2: {  	v4 =	vld [tilespmem:$0x41C0]  }
0x7b3: {  	v5 =	vld [tilespmem:$0x40C0]  }
0x7b4: {  	v6 =	vld [tilespmem:$0x41D0]  }
0x7b5: {  	v7 =	vld [tilespmem:$0x40D0];
	_ =	sdelay $0x4  }
0x7b6: {  	vm1 =	vne.s32 v4, v5;
	vm2 =	vne.s32 v6, v7  }
0x7b7: {  	v5 =	vsel vm1, $0x1, v0;
	v6 =	vsel vm2, $0x1, v0  }
0x7b8: {  	v5 =	vadd.s32 v5, v6  }
0x7b9: {  	(xrf0) =	vadd.scan.msk.s32 $0xffff, v5;
	_ =	sdelay $0x5  }
0x7ba: {  	v5, _, _ =	vpop (xrf0)  }
0x7bb: {  	(v2sf) =	vpush v5, $0xF;
	_ =	sdelay $0xe  }
0x7bc: {  	s26 =	spop (v2sf)  }
0x7bd: {  	p1 =	sne.s32 s26, $0x0  }
.Ltmp68:
0x7be: {  	_ = 	snop;
	(pc) =	sbr.rel @!p1 .LBB2_100-.Ltmp68, $1  }
0x7bf: {  	_ =	sdelay $0x3  }
0x7c0: {  	v5 =	vshll.u32 v4, $0x3  }
0x7c1: {  	v4 =	vand.u32 $0x7, v4;
	v5 =	vand.u32 $0xFFFFFFC0, v5  }
0x7c2: {  	v4 =	vor.u32 v4, v5  }
0x7c3: {  	v5 =	vperm.xlane v4, v1;
	_ =	sdelay $0x1  }
0x7c4: {  	v5 =	vadd.s32 v2, v5;
	_ =	sdelay $0x4  }
0x7c5: {  	[tilespmem:s18], [sflag:$0x5] =	stream.indirect_vreg.gather [hbm4b:s1+s3], $0x80, v5, vm0, $0xb8;
	[tilespmem:$0x1C400] =	vst v63  }
0x7c6: {  	s11 =	simm.s32 $0x14C00;
	v4 =	vperm.xlane v4, v3  }
0x7c7: {  	[tilespmem:s11], [sflag:$0x5] =	stream.indirect_vreg.gather [hbm4b:s7+s3], $0x80, v5, vm0, $0xb8;
	[tilespmem:$0x1C400] =	vst v63  }
0x7c8: {  	s20 =	simm.s32 $0x15400;
	v4 =	vadd.s32 v2, v4  }
0x7c9: {  	[tilespmem:s20], [sflag:$0x5] =	stream.indirect_vreg.gather [hbm4b:s8+s3], $0x80, v5, vm0, $0xb8;
	[tilespmem:$0x1C400] =	vst v63  }
0x7ca: {  	s21 =	simm.s32 $0x15C00  }
0x7cb: {  	[tilespmem:s21], [sflag:$0x5] =	stream.indirect_vreg.gather [hbm4b:s9+s3], $0x80, v5, vm0, $0xb8;
	[tilespmem:$0x1C400] =	vst v63  }
0x7cc: {  	s26 =	simm.s32 $0x16400  }
0x7cd: {  	[tilespmem:s26], [sflag:$0x5] =	stream.indirect_vreg.gather [hbm4b:s1+s3], $0x80, v4, vm0, $0xb8;
	[tilespmem:$0x1C400] =	vst v63  }
0x7ce: {  	_ = 	snop  }
0x7cf: {  	[tilespmem:s28], [sflag:$0x5] =	stream.indirect_vreg.gather [hbm4b:s7+s3], $0x80, v4, vm0, $0xb8;
	[tilespmem:$0x1C400] =	vst v63  }
0x7d0: {  	_ = 	snop  }
0x7d1: {  	[tilespmem:s29], [sflag:$0x5] =	stream.indirect_vreg.gather [hbm4b:s8+s3], $0x80, v4, vm0, $0xb8;
	[tilespmem:$0x1C400] =	vst v63  }
0x7d2: {  	_ = 	snop  }
0x7d3: {  	[tilespmem:s30], [sflag:$0x5] =	stream.indirect_vreg.gather [hbm4b:s9+s3], $0x80, v4, vm0, $0xb8;
	[tilespmem:$0x1C400] =	vst v63  }
0x7d4: {  	v4 =	vld [tilespmem:$0x41D0];
	_ =	sdelay $0x4  }
0x7d5: {  	v5 =	vshll.u32 v4, $0x3  }
0x7d6: {  	v4 =	vand.u32 $0x7, v4;
	v5 =	vand.u32 $0xFFFFFFC0, v5  }
0x7d7: {  	v4 =	vor.u32 v4, v5  }
0x7d8: {  	v5 =	vperm.xlane v4, v1;
	_ =	sdelay $0x1  }
0x7d9: {  	v5 =	vadd.s32 v2, v5;
	_ =	sdelay $0x4  }
0x7da: {  	[tilespmem:s31], [sflag:$0x5] =	stream.indirect_vreg.gather [hbm4b:s1+s3], $0x80, v5, vm0, $0xb8;
	[tilespmem:$0x1C400] =	vst v63  }
0x7db: {  	v4 =	vperm.xlane v4, v3  }
0x7dc: {  	[tilespmem:s0], [sflag:$0x5] =	stream.indirect_vreg.gather [hbm4b:s7+s3], $0x80, v5, vm0, $0xb8;
	[tilespmem:$0x1C400] =	vst v63  }
0x7dd: {  	v4 =	vadd.s32 v2, v4  }
0x7de: {  	[tilespmem:s2], [sflag:$0x5] =	stream.indirect_vreg.gather [hbm4b:s8+s3], $0x80, v5, vm0, $0xb8;
	[tilespmem:$0x1C400] =	vst v63  }
0x7df: {  	_ = 	snop  }
0x7e0: {  	[tilespmem:s4], [sflag:$0x5] =	stream.indirect_vreg.gather [hbm4b:s9+s3], $0x80, v5, vm0, $0xb8;
	[tilespmem:$0x1C400] =	vst v63  }
0x7e1: {  	_ = 	snop  }
0x7e2: {  	[tilespmem:s6], [sflag:$0x5] =	stream.indirect_vreg.gather [hbm4b:s1+s3], $0x80, v4, vm0, $0xb8;
	[tilespmem:$0x1C400] =	vst v63  }
0x7e3: {  	_ = 	snop  }
0x7e4: {  	[tilespmem:s10], [sflag:$0x5] =	stream.indirect_vreg.gather [hbm4b:s7+s3], $0x80, v4, vm0, $0xb8;
	[tilespmem:$0x1C400] =	vst v63  }
0x7e5: {  	_ = 	snop  }
0x7e6: {  	[tilespmem:s13], [sflag:$0x5] =	stream.indirect_vreg.gather [hbm4b:s8+s3], $0x80, v4, vm0, $0xb8;
	[tilespmem:$0x1C400] =	vst v63  }
0x7e7: {  	_ = 	snop  }
0x7e8: {  	[tilespmem:s14], [sflag:$0x5] =	stream.indirect_vreg.gather [hbm4b:s9+s3], $0x80, v4, vm0, $0xb8;
	[tilespmem:$0x1C400] =	vst v63  }
0x7e9: {  	_ =	swait.ge [sflag:s25], $0x8000  }
0x7ea: {  	s15 =	sld [smem:$0x7F7]  }
0x7eb: {  	[sflag:s25] =	ssyncset.done $0x0  }
.Ltmp69:
0x7ec: {  	[sflag:s25] =	ssyncadd.s32 $0xFFFF8000;
	(pc) =	sbr.rel .LBB2_102-.Ltmp69, $4  }
0x7ed: {  	[hbm4b:s15+s3] =	stream.linear.scatter [tilespmem:s18], [sflag:$0x7], $0x8000, $0x38;
	[tilespmem:$0x1C400] =	vst v63  }
0x7ee: {  	_ =	swait.ge [sflag:s24], $0x8000  }
0x7ef: {  	[sflag:s24] =	ssyncset.done $0x0  }
0x7f0: {  	s15 =	simm.s32 $0x1;
	[sflag:s24] =	ssyncadd.s32 $0xFFFF8000  }
.LBB2_100:
0x7f1: {  	s15 =	sld [smem:$0x7F7];
	_ =	sdelay $0x2  }
0x7f2: {  	[hbm4b:s15+s3] =	stream.linear.scatter [tilespmem:s22], [sflag:$0x3], $0x8000, $0x38;
	[tilespmem:$0x1C400] =	vst v63  }
0x7f3: {  	s15 =	simm.s32 $0x2  }
.LBB2_102:
0x7f4: {  	v4 =	vld [tilespmem:$0x42C0]  }
0x7f5: {  	v5 =	vld [tilespmem:$0x40C0]  }
0x7f6: {  	v6 =	vld [tilespmem:$0x42D0]  }
0x7f7: {  	v7 =	vld [tilespmem:$0x40D0];
	_ =	sdelay $0x4  }
0x7f8: {  	vm1 =	vne.s32 v4, v5;
	vm2 =	vne.s32 v6, v7  }
0x7f9: {  	v5 =	vsel vm1, $0x1, v0;
	v6 =	vsel vm2, $0x1, v0  }
0x7fa: {  	v5 =	vadd.s32 v5, v6  }
0x7fb: {  	(xrf0) =	vadd.scan.msk.s32 $0xffff, v5;
	_ =	sdelay $0x5  }
0x7fc: {  	v5, _, _ =	vpop (xrf0)  }
0x7fd: {  	(v2sf) =	vpush v5, $0xF;
	_ =	sdelay $0xe  }
0x7fe: {  	s26 =	spop (v2sf)  }
0x7ff: {  	p1 =	sne.s32 s26, $0x0  }
.Ltmp70:
0x800: {  	_ = 	snop;
	(pc) =	sbr.rel @!p1 .LBB2_103-.Ltmp70, $1  }
0x801: {  	_ =	sdelay $0x3  }
0x802: {  	v5 =	vshll.u32 v4, $0x3  }
0x803: {  	v4 =	vand.u32 $0x7, v4;
	v5 =	vand.u32 $0xFFFFFFC0, v5  }
0x804: {  	v4 =	vor.u32 v4, v5  }
0x805: {  	v5 =	vperm.xlane v4, v1;
	_ =	sdelay $0x1  }
0x806: {  	v5 =	vadd.s32 v2, v5;
	_ =	sdelay $0x4  }
0x807: {  	[tilespmem:s18], [sflag:$0x5] =	stream.indirect_vreg.gather [hbm4b:s1+s3], $0x80, v5, vm0, $0xb8;
	[tilespmem:$0x1C400] =	vst v63  }
0x808: {  	s11 =	simm.s32 $0x14C00;
	v4 =	vperm.xlane v4, v3  }
0x809: {  	[tilespmem:s11], [sflag:$0x5] =	stream.indirect_vreg.gather [hbm4b:s7+s3], $0x80, v5, vm0, $0xb8;
	[tilespmem:$0x1C400] =	vst v63  }
0x80a: {  	s19 =	simm.s32 $0x15400;
	v4 =	vadd.s32 v2, v4  }
0x80b: {  	[tilespmem:s19], [sflag:$0x5] =	stream.indirect_vreg.gather [hbm4b:s8+s3], $0x80, v5, vm0, $0xb8;
	[tilespmem:$0x1C400] =	vst v63  }
0x80c: {  	s20 =	simm.s32 $0x15C00  }
0x80d: {  	[tilespmem:s20], [sflag:$0x5] =	stream.indirect_vreg.gather [hbm4b:s9+s3], $0x80, v5, vm0, $0xb8;
	[tilespmem:$0x1C400] =	vst v63  }
0x80e: {  	s21 =	simm.s32 $0x16400  }
0x80f: {  	[tilespmem:s21], [sflag:$0x5] =	stream.indirect_vreg.gather [hbm4b:s1+s3], $0x80, v4, vm0, $0xb8;
	[tilespmem:$0x1C400] =	vst v63  }
0x810: {  	_ = 	snop  }
0x811: {  	[tilespmem:s28], [sflag:$0x5] =	stream.indirect_vreg.gather [hbm4b:s7+s3], $0x80, v4, vm0, $0xb8;
	[tilespmem:$0x1C400] =	vst v63  }
0x812: {  	_ = 	snop  }
0x813: {  	[tilespmem:s29], [sflag:$0x5] =	stream.indirect_vreg.gather [hbm4b:s8+s3], $0x80, v4, vm0, $0xb8;
	[tilespmem:$0x1C400] =	vst v63  }
0x814: {  	_ = 	snop  }
0x815: {  	[tilespmem:s30], [sflag:$0x5] =	stream.indirect_vreg.gather [hbm4b:s9+s3], $0x80, v4, vm0, $0xb8;
	[tilespmem:$0x1C400] =	vst v63  }
0x816: {  	v4 =	vld [tilespmem:$0x42D0];
	_ =	sdelay $0x4  }
0x817: {  	v5 =	vshll.u32 v4, $0x3  }
0x818: {  	v4 =	vand.u32 $0x7, v4;
	v5 =	vand.u32 $0xFFFFFFC0, v5  }
0x819: {  	v4 =	vor.u32 v4, v5  }
0x81a: {  	v5 =	vperm.xlane v4, v1;
	_ =	sdelay $0x1  }
0x81b: {  	v5 =	vadd.s32 v2, v5;
	_ =	sdelay $0x4  }
0x81c: {  	[tilespmem:s31], [sflag:$0x5] =	stream.indirect_vreg.gather [hbm4b:s1+s3], $0x80, v5, vm0, $0xb8;
	[tilespmem:$0x1C400] =	vst v63  }
0x81d: {  	v4 =	vperm.xlane v4, v3  }
0x81e: {  	[tilespmem:s0], [sflag:$0x5] =	stream.indirect_vreg.gather [hbm4b:s7+s3], $0x80, v5, vm0, $0xb8;
	[tilespmem:$0x1C400] =	vst v63  }
0x81f: {  	v4 =	vadd.s32 v2, v4  }
0x820: {  	[tilespmem:s2], [sflag:$0x5] =	stream.indirect_vreg.gather [hbm4b:s8+s3], $0x80, v5, vm0, $0xb8;
	[tilespmem:$0x1C400] =	vst v63  }
0x821: {  	_ = 	snop  }
0x822: {  	[tilespmem:s4], [sflag:$0x5] =	stream.indirect_vreg.gather [hbm4b:s9+s3], $0x80, v5, vm0, $0xb8;
	[tilespmem:$0x1C400] =	vst v63  }
0x823: {  	_ = 	snop  }
0x824: {  	[tilespmem:s6], [sflag:$0x5] =	stream.indirect_vreg.gather [hbm4b:s1+s3], $0x80, v4, vm0, $0xb8;
	[tilespmem:$0x1C400] =	vst v63  }
0x825: {  	_ = 	snop  }
0x826: {  	[tilespmem:s10], [sflag:$0x5] =	stream.indirect_vreg.gather [hbm4b:s7+s3], $0x80, v4, vm0, $0xb8;
	[tilespmem:$0x1C400] =	vst v63  }
0x827: {  	_ = 	snop  }
0x828: {  	[tilespmem:s13], [sflag:$0x5] =	stream.indirect_vreg.gather [hbm4b:s8+s3], $0x80, v4, vm0, $0xb8;
	[tilespmem:$0x1C400] =	vst v63  }
0x829: {  	_ = 	snop  }
0x82a: {  	[tilespmem:s14], [sflag:$0x5] =	stream.indirect_vreg.gather [hbm4b:s9+s3], $0x80, v4, vm0, $0xb8;
	[tilespmem:$0x1C400] =	vst v63  }
0x82b: {  	_ =	swait.ge [sflag:s25], $0x8000  }
0x82c: {  	s19 =	sld [smem:$0x7F8]  }
0x82d: {  	[sflag:s25] =	ssyncset.done $0x0  }
.Ltmp71:
0x82e: {  	[sflag:s25] =	ssyncadd.s32 $0xFFFF8000;
	(pc) =	sbr.rel .LBB2_105-.Ltmp71, $4  }
0x82f: {  	[hbm4b:s19+s3] =	stream.linear.scatter [tilespmem:s18], [sflag:$0x7], $0x8000, $0x38;
	[tilespmem:$0x1C400] =	vst v63  }
0x830: {  	_ =	swait.ge [sflag:s24], $0x8000  }
0x831: {  	[sflag:s24] =	ssyncset.done $0x0  }
0x832: {  	[sflag:s24] =	ssyncadd.s32 $0xFFFF8000  }
.LBB2_103:
0x833: {  	s19 =	sld [smem:$0x7F8];
	_ =	sdelay $0x2  }
0x834: {  	[hbm4b:s19+s3] =	stream.linear.scatter [tilespmem:s22], [sflag:$0x3], $0x8000, $0x38;
	[tilespmem:$0x1C400] =	vst v63  }
.LBB2_105:
0x835: {  	v4 =	vld [tilespmem:$0x43C0]  }
0x836: {  	v5 =	vld [tilespmem:$0x40C0]  }
0x837: {  	v6 =	vld [tilespmem:$0x43D0]  }
0x838: {  	v7 =	vld [tilespmem:$0x40D0];
	_ =	sdelay $0x4  }
0x839: {  	vm1 =	vne.s32 v4, v5;
	vm2 =	vne.s32 v6, v7  }
0x83a: {  	v5 =	vsel vm1, $0x1, v0;
	v6 =	vsel vm2, $0x1, v0  }
0x83b: {  	v5 =	vadd.s32 v5, v6  }
0x83c: {  	(xrf0) =	vadd.scan.msk.s32 $0xffff, v5;
	_ =	sdelay $0x5  }
0x83d: {  	v5, _, _ =	vpop (xrf0)  }
0x83e: {  	(v2sf) =	vpush v5, $0xF;
	_ =	sdelay $0xe  }
0x83f: {  	s20 =	spop (v2sf)  }
0x840: {  	p1 =	sne.s32 s20, $0x0  }
.Ltmp72:
0x841: {  	_ = 	snop;
	(pc) =	sbr.rel @!p1 .LBB2_106-.Ltmp72, $1  }
0x842: {  	_ =	sdelay $0x3  }
0x843: {  	v5 =	vshll.u32 v4, $0x3  }
0x844: {  	v4 =	vand.u32 $0x7, v4;
	v5 =	vand.u32 $0xFFFFFFC0, v5  }
0x845: {  	v4 =	vor.u32 v4, v5  }
0x846: {  	v5 =	vperm.xlane v4, v1;
	_ =	sdelay $0x1  }
0x847: {  	v5 =	vadd.s32 v2, v5;
	_ =	sdelay $0x4  }
0x848: {  	[tilespmem:s18], [sflag:$0x5] =	stream.indirect_vreg.gather [hbm4b:s1+s3], $0x80, v5, vm0, $0xb8;
	[tilespmem:$0x1C400] =	vst v63  }
0x849: {  	s11 =	simm.s32 $0x14C00;
	v4 =	vperm.xlane v4, v3  }
0x84a: {  	[tilespmem:s11], [sflag:$0x5] =	stream.indirect_vreg.gather [hbm4b:s7+s3], $0x80, v5, vm0, $0xb8;
	[tilespmem:$0x1C400] =	vst v63  }
0x84b: {  	s19 =	simm.s32 $0x15400;
	v4 =	vadd.s32 v2, v4  }
0x84c: {  	[tilespmem:s19], [sflag:$0x5] =	stream.indirect_vreg.gather [hbm4b:s8+s3], $0x80, v5, vm0, $0xb8;
	[tilespmem:$0x1C400] =	vst v63  }
0x84d: {  	s21 =	simm.s32 $0x15C00  }
0x84e: {  	[tilespmem:s21], [sflag:$0x5] =	stream.indirect_vreg.gather [hbm4b:s9+s3], $0x80, v5, vm0, $0xb8;
	[tilespmem:$0x1C400] =	vst v63  }
0x84f: {  	s22 =	simm.s32 $0x16400  }
0x850: {  	[tilespmem:s22], [sflag:$0x5] =	stream.indirect_vreg.gather [hbm4b:s1+s3], $0x80, v4, vm0, $0xb8;
	[tilespmem:$0x1C400] =	vst v63  }
0x851: {  	_ = 	snop  }
0x852: {  	[tilespmem:s28], [sflag:$0x5] =	stream.indirect_vreg.gather [hbm4b:s7+s3], $0x80, v4, vm0, $0xb8;
	[tilespmem:$0x1C400] =	vst v63  }
0x853: {  	_ = 	snop  }
0x854: {  	[tilespmem:s29], [sflag:$0x5] =	stream.indirect_vreg.gather [hbm4b:s8+s3], $0x80, v4, vm0, $0xb8;
	[tilespmem:$0x1C400] =	vst v63  }
0x855: {  	_ = 	snop  }
0x856: {  	[tilespmem:s30], [sflag:$0x5] =	stream.indirect_vreg.gather [hbm4b:s9+s3], $0x80, v4, vm0, $0xb8;
	[tilespmem:$0x1C400] =	vst v63  }
0x857: {  	v4 =	vld [tilespmem:$0x43D0];
	_ =	sdelay $0x4  }
0x858: {  	v5 =	vshll.u32 v4, $0x3  }
0x859: {  	v4 =	vand.u32 $0x7, v4;
	v5 =	vand.u32 $0xFFFFFFC0, v5  }
0x85a: {  	v4 =	vor.u32 v4, v5  }
0x85b: {  	v5 =	vperm.xlane v4, v1;
	_ =	sdelay $0x1  }
0x85c: {  	v5 =	vadd.s32 v2, v5;
	_ =	sdelay $0x4  }
0x85d: {  	[tilespmem:s31], [sflag:$0x5] =	stream.indirect_vreg.gather [hbm4b:s1+s3], $0x80, v5, vm0, $0xb8;
	[tilespmem:$0x1C400] =	vst v63  }
0x85e: {  	v4 =	vperm.xlane v4, v3  }
0x85f: {  	[tilespmem:s0], [sflag:$0x5] =	stream.indirect_vreg.gather [hbm4b:s7+s3], $0x80, v5, vm0, $0xb8;
	[tilespmem:$0x1C400] =	vst v63  }
0x860: {  	v4 =	vadd.s32 v2, v4  }
0x861: {  	[tilespmem:s2], [sflag:$0x5] =	stream.indirect_vreg.gather [hbm4b:s8+s3], $0x80, v5, vm0, $0xb8;
	[tilespmem:$0x1C400] =	vst v63  }
0x862: {  	_ = 	snop  }
0x863: {  	[tilespmem:s4], [sflag:$0x5] =	stream.indirect_vreg.gather [hbm4b:s9+s3], $0x80, v5, vm0, $0xb8;
	[tilespmem:$0x1C400] =	vst v63  }
0x864: {  	_ = 	snop  }
0x865: {  	[tilespmem:s6], [sflag:$0x5] =	stream.indirect_vreg.gather [hbm4b:s1+s3], $0x80, v4, vm0, $0xb8;
	[tilespmem:$0x1C400] =	vst v63  }
0x866: {  	_ = 	snop  }
0x867: {  	[tilespmem:s10], [sflag:$0x5] =	stream.indirect_vreg.gather [hbm4b:s7+s3], $0x80, v4, vm0, $0xb8;
	[tilespmem:$0x1C400] =	vst v63  }
0x868: {  	_ = 	snop  }
0x869: {  	[tilespmem:s13], [sflag:$0x5] =	stream.indirect_vreg.gather [hbm4b:s8+s3], $0x80, v4, vm0, $0xb8;
	[tilespmem:$0x1C400] =	vst v63  }
0x86a: {  	_ = 	snop  }
0x86b: {  	[tilespmem:s14], [sflag:$0x5] =	stream.indirect_vreg.gather [hbm4b:s9+s3], $0x80, v4, vm0, $0xb8;
	[tilespmem:$0x1C400] =	vst v63  }
0x86c: {  	_ =	swait.ge [sflag:s25], $0x8000  }
0x86d: {  	s19 =	sld [smem:$0x7F9]  }
0x86e: {  	[sflag:s25] =	ssyncset.done $0x0  }
.Ltmp73:
0x86f: {  	[sflag:s25] =	ssyncadd.s32 $0xFFFF8000;
	(pc) =	sbr.rel .LBB2_108-.Ltmp73, $4  }
0x870: {  	[hbm4b:s19+s3] =	stream.linear.scatter [tilespmem:s18], [sflag:$0x7], $0x8000, $0x38;
	[tilespmem:$0x1C400] =	vst v63  }
0x871: {  	_ =	swait.ge [sflag:s24], $0x8000  }
0x872: {  	[sflag:s24] =	ssyncset.done $0x0  }
0x873: {  	[sflag:s24] =	ssyncadd.s32 $0xFFFF8000  }
.LBB2_106:
0x874: {  	s19 =	sld [smem:$0x7F9];
	_ =	sdelay $0x2  }
0x875: {  	[hbm4b:s19+s3] =	stream.linear.scatter [tilespmem:s22], [sflag:$0x3], $0x8000, $0x38;
	[tilespmem:$0x1C400] =	vst v63  }
.LBB2_108:
0x876: {  	s11 =	simm.s32 $0x2  }
0x877: {  	_ =	swait.ge [sflag:s11], $0x8000  }
0x878: {  	s19 =	sld [smem:$0x7FA]  }
0x879: {  	[sflag:s11] =	ssyncset.done $0x0  }
0x87a: {  	[sflag:s11] =	ssyncadd.s32 $0xFFFF8000  }
0x87b: {  	[hbm4b:s19+s3] =	stream.linear.scatter [tilespmem:s23], [sflag:$0x4], $0x8000, $0x38;
	[tilespmem:$0x1C400] =	vst v63  }
0x87c: {  	v4 =	vld [tilespmem:$0x41E0]  }
0x87d: {  	v5 =	vld [tilespmem:$0x40E0]  }
0x87e: {  	v6 =	vld [tilespmem:$0x41F0]  }
0x87f: {  	v7 =	vld [tilespmem:$0x40F0];
	_ =	sdelay $0x4  }
0x880: {  	vm1 =	vne.s32 v4, v5;
	vm2 =	vne.s32 v6, v7  }
0x881: {  	v5 =	vsel vm1, $0x1, v0;
	v6 =	vsel vm2, $0x1, v0  }
0x882: {  	v5 =	vadd.s32 v5, v6  }
0x883: {  	(xrf0) =	vadd.scan.msk.s32 $0xffff, v5;
	_ =	sdelay $0x5  }
0x884: {  	v5, _, _ =	vpop (xrf0)  }
0x885: {  	(v2sf) =	vpush v5, $0xF;
	_ =	sdelay $0xe  }
0x886: {  	s22 =	spop (v2sf)  }
0x887: {  	p1 =	sne.s32 s22, $0x0  }
.Ltmp74:
0x888: {  	_ = 	snop;
	(pc) =	sbr.rel @!p1 .LBB2_109-.Ltmp74, $1  }
0x889: {  	_ =	sdelay $0x3  }
0x88a: {  	v5 =	vshll.u32 v4, $0x3  }
0x88b: {  	v4 =	vand.u32 $0x7, v4;
	v5 =	vand.u32 $0xFFFFFFC0, v5  }
0x88c: {  	v4 =	vor.u32 v4, v5  }
0x88d: {  	v5 =	vperm.xlane v4, v1;
	_ =	sdelay $0x1  }
0x88e: {  	v5 =	vadd.s32 v2, v5;
	_ =	sdelay $0x4  }
0x88f: {  	[tilespmem:s18], [sflag:$0x5] =	stream.indirect_vreg.gather [hbm4b:s1+s3], $0x80, v5, vm0, $0xb8;
	[tilespmem:$0x1C400] =	vst v63  }
0x890: {  	s11 =	simm.s32 $0x14C00;
	v4 =	vperm.xlane v4, v3  }
0x891: {  	[tilespmem:s11], [sflag:$0x5] =	stream.indirect_vreg.gather [hbm4b:s7+s3], $0x80, v5, vm0, $0xb8;
	[tilespmem:$0x1C400] =	vst v63  }
0x892: {  	s19 =	simm.s32 $0x15400;
	v4 =	vadd.s32 v2, v4  }
0x893: {  	[tilespmem:s19], [sflag:$0x5] =	stream.indirect_vreg.gather [hbm4b:s8+s3], $0x80, v5, vm0, $0xb8;
	[tilespmem:$0x1C400] =	vst v63  }
0x894: {  	s21 =	simm.s32 $0x15C00  }
0x895: {  	[tilespmem:s21], [sflag:$0x5] =	stream.indirect_vreg.gather [hbm4b:s9+s3], $0x80, v5, vm0, $0xb8;
	[tilespmem:$0x1C400] =	vst v63  }
0x896: {  	s22 =	simm.s32 $0x16400  }
0x897: {  	[tilespmem:s22], [sflag:$0x5] =	stream.indirect_vreg.gather [hbm4b:s1+s3], $0x80, v4, vm0, $0xb8;
	[tilespmem:$0x1C400] =	vst v63  }
0x898: {  	_ = 	snop  }
0x899: {  	[tilespmem:s28], [sflag:$0x5] =	stream.indirect_vreg.gather [hbm4b:s7+s3], $0x80, v4, vm0, $0xb8;
	[tilespmem:$0x1C400] =	vst v63  }
0x89a: {  	_ = 	snop  }
0x89b: {  	[tilespmem:s29], [sflag:$0x5] =	stream.indirect_vreg.gather [hbm4b:s8+s3], $0x80, v4, vm0, $0xb8;
	[tilespmem:$0x1C400] =	vst v63  }
0x89c: {  	_ = 	snop  }
0x89d: {  	[tilespmem:s30], [sflag:$0x5] =	stream.indirect_vreg.gather [hbm4b:s9+s3], $0x80, v4, vm0, $0xb8;
	[tilespmem:$0x1C400] =	vst v63  }
0x89e: {  	v4 =	vld [tilespmem:$0x41F0];
	_ =	sdelay $0x4  }
0x89f: {  	v5 =	vshll.u32 v4, $0x3  }
0x8a0: {  	v4 =	vand.u32 $0x7, v4;
	v5 =	vand.u32 $0xFFFFFFC0, v5  }
0x8a1: {  	v4 =	vor.u32 v4, v5  }
0x8a2: {  	v5 =	vperm.xlane v4, v1;
	_ =	sdelay $0x1  }
0x8a3: {  	v5 =	vadd.s32 v2, v5;
	_ =	sdelay $0x4  }
0x8a4: {  	[tilespmem:s31], [sflag:$0x5] =	stream.indirect_vreg.gather [hbm4b:s1+s3], $0x80, v5, vm0, $0xb8;
	[tilespmem:$0x1C400] =	vst v63  }
0x8a5: {  	v4 =	vperm.xlane v4, v3  }
0x8a6: {  	[tilespmem:s0], [sflag:$0x5] =	stream.indirect_vreg.gather [hbm4b:s7+s3], $0x80, v5, vm0, $0xb8;
	[tilespmem:$0x1C400] =	vst v63  }
0x8a7: {  	v4 =	vadd.s32 v2, v4  }
0x8a8: {  	[tilespmem:s2], [sflag:$0x5] =	stream.indirect_vreg.gather [hbm4b:s8+s3], $0x80, v5, vm0, $0xb8;
	[tilespmem:$0x1C400] =	vst v63  }
0x8a9: {  	_ = 	snop  }
0x8aa: {  	[tilespmem:s4], [sflag:$0x5] =	stream.indirect_vreg.gather [hbm4b:s9+s3], $0x80, v5, vm0, $0xb8;
	[tilespmem:$0x1C400] =	vst v63  }
0x8ab: {  	_ = 	snop  }
0x8ac: {  	[tilespmem:s6], [sflag:$0x5] =	stream.indirect_vreg.gather [hbm4b:s1+s3], $0x80, v4, vm0, $0xb8;
	[tilespmem:$0x1C400] =	vst v63  }
0x8ad: {  	_ = 	snop  }
0x8ae: {  	[tilespmem:s10], [sflag:$0x5] =	stream.indirect_vreg.gather [hbm4b:s7+s3], $0x80, v4, vm0, $0xb8;
	[tilespmem:$0x1C400] =	vst v63  }
0x8af: {  	_ = 	snop  }
0x8b0: {  	[tilespmem:s13], [sflag:$0x5] =	stream.indirect_vreg.gather [hbm4b:s8+s3], $0x80, v4, vm0, $0xb8;
	[tilespmem:$0x1C400] =	vst v63  }
0x8b1: {  	_ = 	snop  }
0x8b2: {  	[tilespmem:s14], [sflag:$0x5] =	stream.indirect_vreg.gather [hbm4b:s9+s3], $0x80, v4, vm0, $0xb8;
	[tilespmem:$0x1C400] =	vst v63  }
0x8b3: {  	_ =	swait.ge [sflag:s25], $0x8000  }
0x8b4: {  	s19 =	sld [smem:$0x7FB]  }
0x8b5: {  	[sflag:s25] =	ssyncset.done $0x0  }
.Ltmp75:
0x8b6: {  	[sflag:s25] =	ssyncadd.s32 $0xFFFF8000;
	(pc) =	sbr.rel .LBB2_111-.Ltmp75, $4  }
0x8b7: {  	[hbm4b:s19+s3] =	stream.linear.scatter [tilespmem:s18], [sflag:$0x7], $0x8000, $0x38;
	[tilespmem:$0x1C400] =	vst v63  }
0x8b8: {  	_ =	swait.ge [sflag:s24], $0x8000  }
0x8b9: {  	[sflag:s24] =	ssyncset.done $0x0  }
0x8ba: {  	s19 =	simm.s32 $0x1;
	[sflag:s24] =	ssyncadd.s32 $0xFFFF8000  }
.LBB2_109:
0x8bb: {  	s19 =	sld [smem:$0x7FB];
	_ =	sdelay $0x2  }
0x8bc: {  	[hbm4b:s19+s3] =	stream.linear.scatter [tilespmem:s23], [sflag:$0x4], $0x8000, $0x38;
	[tilespmem:$0x1C400] =	vst v63  }
0x8bd: {  	s19 =	simm.s32 $0x2  }
.LBB2_111:
0x8be: {  	v4 =	vld [tilespmem:$0x42E0]  }
0x8bf: {  	v5 =	vld [tilespmem:$0x40E0]  }
0x8c0: {  	v6 =	vld [tilespmem:$0x42F0]  }
0x8c1: {  	v7 =	vld [tilespmem:$0x40F0];
	_ =	sdelay $0x4  }
0x8c2: {  	vm1 =	vne.s32 v4, v5;
	vm2 =	vne.s32 v6, v7  }
0x8c3: {  	v5 =	vsel vm1, $0x1, v0;
	v6 =	vsel vm2, $0x1, v0  }
0x8c4: {  	v5 =	vadd.s32 v5, v6  }
0x8c5: {  	(xrf0) =	vadd.scan.msk.s32 $0xffff, v5;
	_ =	sdelay $0x5  }
0x8c6: {  	v5, _, _ =	vpop (xrf0)  }
0x8c7: {  	(v2sf) =	vpush v5, $0xF;
	_ =	sdelay $0xe  }
0x8c8: {  	s21 =	spop (v2sf)  }
0x8c9: {  	p1 =	sne.s32 s21, $0x0  }
.Ltmp76:
0x8ca: {  	_ = 	snop;
	(pc) =	sbr.rel @!p1 .LBB2_112-.Ltmp76, $1  }
0x8cb: {  	_ =	sdelay $0x3  }
0x8cc: {  	v5 =	vshll.u32 v4, $0x3  }
0x8cd: {  	v4 =	vand.u32 $0x7, v4;
	v5 =	vand.u32 $0xFFFFFFC0, v5  }
0x8ce: {  	v4 =	vor.u32 v4, v5  }
0x8cf: {  	v5 =	vperm.xlane v4, v1;
	_ =	sdelay $0x1  }
0x8d0: {  	v5 =	vadd.s32 v2, v5;
	_ =	sdelay $0x4  }
0x8d1: {  	[tilespmem:s18], [sflag:$0x5] =	stream.indirect_vreg.gather [hbm4b:s1+s3], $0x80, v5, vm0, $0xb8;
	[tilespmem:$0x1C400] =	vst v63  }
0x8d2: {  	s11 =	simm.s32 $0x14C00;
	v4 =	vperm.xlane v4, v3  }
0x8d3: {  	[tilespmem:s11], [sflag:$0x5] =	stream.indirect_vreg.gather [hbm4b:s7+s3], $0x80, v5, vm0, $0xb8;
	[tilespmem:$0x1C400] =	vst v63  }
0x8d4: {  	s23 =	simm.s32 $0x15400;
	v4 =	vadd.s32 v2, v4  }
0x8d5: {  	[tilespmem:s23], [sflag:$0x5] =	stream.indirect_vreg.gather [hbm4b:s8+s3], $0x80, v5, vm0, $0xb8;
	[tilespmem:$0x1C400] =	vst v63  }
0x8d6: {  	s22 =	simm.s32 $0x15C00  }
0x8d7: {  	[tilespmem:s22], [sflag:$0x5] =	stream.indirect_vreg.gather [hbm4b:s9+s3], $0x80, v5, vm0, $0xb8;
	[tilespmem:$0x1C400] =	vst v63  }
0x8d8: {  	s23 =	simm.s32 $0x16400  }
0x8d9: {  	[tilespmem:s23], [sflag:$0x5] =	stream.indirect_vreg.gather [hbm4b:s1+s3], $0x80, v4, vm0, $0xb8;
	[tilespmem:$0x1C400] =	vst v63  }
0x8da: {  	_ = 	snop  }
0x8db: {  	[tilespmem:s28], [sflag:$0x5] =	stream.indirect_vreg.gather [hbm4b:s7+s3], $0x80, v4, vm0, $0xb8;
	[tilespmem:$0x1C400] =	vst v63  }
0x8dc: {  	_ = 	snop  }
0x8dd: {  	[tilespmem:s29], [sflag:$0x5] =	stream.indirect_vreg.gather [hbm4b:s8+s3], $0x80, v4, vm0, $0xb8;
	[tilespmem:$0x1C400] =	vst v63  }
0x8de: {  	_ = 	snop  }
0x8df: {  	[tilespmem:s30], [sflag:$0x5] =	stream.indirect_vreg.gather [hbm4b:s9+s3], $0x80, v4, vm0, $0xb8;
	[tilespmem:$0x1C400] =	vst v63  }
0x8e0: {  	v4 =	vld [tilespmem:$0x42F0];
	_ =	sdelay $0x4  }
0x8e1: {  	v5 =	vshll.u32 v4, $0x3  }
0x8e2: {  	v4 =	vand.u32 $0x7, v4;
	v5 =	vand.u32 $0xFFFFFFC0, v5  }
0x8e3: {  	v4 =	vor.u32 v4, v5  }
0x8e4: {  	v5 =	vperm.xlane v4, v1;
	_ =	sdelay $0x1  }
0x8e5: {  	v5 =	vadd.s32 v2, v5;
	_ =	sdelay $0x4  }
0x8e6: {  	[tilespmem:s31], [sflag:$0x5] =	stream.indirect_vreg.gather [hbm4b:s1+s3], $0x80, v5, vm0, $0xb8;
	[tilespmem:$0x1C400] =	vst v63  }
0x8e7: {  	v4 =	vperm.xlane v4, v3  }
0x8e8: {  	[tilespmem:s0], [sflag:$0x5] =	stream.indirect_vreg.gather [hbm4b:s7+s3], $0x80, v5, vm0, $0xb8;
	[tilespmem:$0x1C400] =	vst v63  }
0x8e9: {  	v4 =	vadd.s32 v2, v4  }
0x8ea: {  	[tilespmem:s2], [sflag:$0x5] =	stream.indirect_vreg.gather [hbm4b:s8+s3], $0x80, v5, vm0, $0xb8;
	[tilespmem:$0x1C400] =	vst v63  }
0x8eb: {  	_ = 	snop  }
0x8ec: {  	[tilespmem:s4], [sflag:$0x5] =	stream.indirect_vreg.gather [hbm4b:s9+s3], $0x80, v5, vm0, $0xb8;
	[tilespmem:$0x1C400] =	vst v63  }
0x8ed: {  	_ = 	snop  }
0x8ee: {  	[tilespmem:s6], [sflag:$0x5] =	stream.indirect_vreg.gather [hbm4b:s1+s3], $0x80, v4, vm0, $0xb8;
	[tilespmem:$0x1C400] =	vst v63  }
0x8ef: {  	_ = 	snop  }
0x8f0: {  	[tilespmem:s10], [sflag:$0x5] =	stream.indirect_vreg.gather [hbm4b:s7+s3], $0x80, v4, vm0, $0xb8;
	[tilespmem:$0x1C400] =	vst v63  }
0x8f1: {  	_ = 	snop  }
0x8f2: {  	[tilespmem:s13], [sflag:$0x5] =	stream.indirect_vreg.gather [hbm4b:s8+s3], $0x80, v4, vm0, $0xb8;
	[tilespmem:$0x1C400] =	vst v63  }
0x8f3: {  	_ = 	snop  }
0x8f4: {  	[tilespmem:s14], [sflag:$0x5] =	stream.indirect_vreg.gather [hbm4b:s9+s3], $0x80, v4, vm0, $0xb8;
	[tilespmem:$0x1C400] =	vst v63  }
0x8f5: {  	_ =	swait.ge [sflag:s25], $0x8000  }
0x8f6: {  	s22 =	sld [smem:$0x7FC]  }
0x8f7: {  	[sflag:s25] =	ssyncset.done $0x0  }
.Ltmp77:
0x8f8: {  	[sflag:s25] =	ssyncadd.s32 $0xFFFF8000;
	(pc) =	sbr.rel .LBB2_114-.Ltmp77, $4  }
0x8f9: {  	[hbm4b:s22+s3] =	stream.linear.scatter [tilespmem:s18], [sflag:$0x7], $0x8000, $0x38;
	[tilespmem:$0x1C400] =	vst v63  }
0x8fa: {  	_ =	swait.ge [sflag:s24], $0x8000  }
0x8fb: {  	[sflag:s24] =	ssyncset.done $0x0  }
0x8fc: {  	[sflag:s24] =	ssyncadd.s32 $0xFFFF8000  }
.LBB2_112:
0x8fd: {  	s22 =	sld [smem:$0x7FC];
	_ =	sdelay $0x2  }
0x8fe: {  	[hbm4b:s22+s3] =	stream.linear.scatter [tilespmem:s23], [sflag:$0x4], $0x8000, $0x38;
	[tilespmem:$0x1C400] =	vst v63  }
.LBB2_114:
0x8ff: {  	v4 =	vld [tilespmem:$0x43E0]  }
0x900: {  	v5 =	vld [tilespmem:$0x40E0]  }
0x901: {  	v6 =	vld [tilespmem:$0x43F0]  }
0x902: {  	v7 =	vld [tilespmem:$0x40F0];
	_ =	sdelay $0x4  }
0x903: {  	vm1 =	vne.s32 v4, v5;
	vm2 =	vne.s32 v6, v7  }
0x904: {  	v5 =	vsel vm1, $0x1, v0;
	v6 =	vsel vm2, $0x1, v0  }
0x905: {  	v5 =	vadd.s32 v5, v6  }
0x906: {  	(xrf0) =	vadd.scan.msk.s32 $0xffff, v5;
	_ =	sdelay $0x5  }
0x907: {  	v5, _, _ =	vpop (xrf0)  }
0x908: {  	(v2sf) =	vpush v5, $0xF;
	_ =	sdelay $0xe  }
0x909: {  	s22 =	spop (v2sf)  }
0x90a: {  	p1 =	sne.s32 s22, $0x0  }
.Ltmp78:
0x90b: {  	_ = 	snop;
	(pc) =	sbr.rel @!p1 .LBB2_115-.Ltmp78, $1  }
0x90c: {  	_ =	sdelay $0x3  }
0x90d: {  	v5 =	vshll.u32 v4, $0x3  }
0x90e: {  	v4 =	vand.u32 $0x7, v4;
	v5 =	vand.u32 $0xFFFFFFC0, v5  }
0x90f: {  	v4 =	vor.u32 v4, v5  }
0x910: {  	v5 =	vperm.xlane v4, v1;
	_ =	sdelay $0x1  }
0x911: {  	v5 =	vadd.s32 v2, v5;
	_ =	sdelay $0x4  }
0x912: {  	[tilespmem:s18], [sflag:$0x5] =	stream.indirect_vreg.gather [hbm4b:s1+s3], $0x80, v5, vm0, $0xb8;
	[tilespmem:$0x1C400] =	vst v63  }
0x913: {  	s11 =	simm.s32 $0x14C00;
	v4 =	vperm.xlane v4, v3  }
0x914: {  	[tilespmem:s11], [sflag:$0x5] =	stream.indirect_vreg.gather [hbm4b:s7+s3], $0x80, v5, vm0, $0xb8;
	[tilespmem:$0x1C400] =	vst v63  }
0x915: {  	s23 =	simm.s32 $0x15400;
	v4 =	vadd.s32 v2, v4  }
0x916: {  	[tilespmem:s23], [sflag:$0x5] =	stream.indirect_vreg.gather [hbm4b:s8+s3], $0x80, v5, vm0, $0xb8;
	[tilespmem:$0x1C400] =	vst v63  }
0x917: {  	s23 =	simm.s32 $0x15C00  }
0x918: {  	[tilespmem:s23], [sflag:$0x5] =	stream.indirect_vreg.gather [hbm4b:s9+s3], $0x80, v5, vm0, $0xb8;
	[tilespmem:$0x1C400] =	vst v63  }
0x919: {  	s23 =	simm.s32 $0x16400  }
0x91a: {  	[tilespmem:s23], [sflag:$0x5] =	stream.indirect_vreg.gather [hbm4b:s1+s3], $0x80, v4, vm0, $0xb8;
	[tilespmem:$0x1C400] =	vst v63  }
0x91b: {  	_ = 	snop  }
0x91c: {  	[tilespmem:s28], [sflag:$0x5] =	stream.indirect_vreg.gather [hbm4b:s7+s3], $0x80, v4, vm0, $0xb8;
	[tilespmem:$0x1C400] =	vst v63  }
0x91d: {  	_ = 	snop  }
0x91e: {  	[tilespmem:s29], [sflag:$0x5] =	stream.indirect_vreg.gather [hbm4b:s8+s3], $0x80, v4, vm0, $0xb8;
	[tilespmem:$0x1C400] =	vst v63  }
0x91f: {  	_ = 	snop  }
0x920: {  	[tilespmem:s30], [sflag:$0x5] =	stream.indirect_vreg.gather [hbm4b:s9+s3], $0x80, v4, vm0, $0xb8;
	[tilespmem:$0x1C400] =	vst v63  }
0x921: {  	v4 =	vld [tilespmem:$0x43F0];
	_ =	sdelay $0x4  }
0x922: {  	v5 =	vshll.u32 v4, $0x3  }
0x923: {  	v4 =	vand.u32 $0x7, v4;
	v5 =	vand.u32 $0xFFFFFFC0, v5  }
0x924: {  	v4 =	vor.u32 v4, v5  }
0x925: {  	v5 =	vperm.xlane v4, v1;
	_ =	sdelay $0x1  }
0x926: {  	v5 =	vadd.s32 v2, v5;
	_ =	sdelay $0x4  }
0x927: {  	[tilespmem:s31], [sflag:$0x5] =	stream.indirect_vreg.gather [hbm4b:s1+s3], $0x80, v5, vm0, $0xb8;
	[tilespmem:$0x1C400] =	vst v63  }
0x928: {  	v4 =	vperm.xlane v4, v3  }
0x929: {  	[tilespmem:s0], [sflag:$0x5] =	stream.indirect_vreg.gather [hbm4b:s7+s3], $0x80, v5, vm0, $0xb8;
	[tilespmem:$0x1C400] =	vst v63  }
0x92a: {  	v4 =	vadd.s32 v2, v4  }
0x92b: {  	[tilespmem:s2], [sflag:$0x5] =	stream.indirect_vreg.gather [hbm4b:s8+s3], $0x80, v5, vm0, $0xb8;
	[tilespmem:$0x1C400] =	vst v63  }
0x92c: {  	_ = 	snop  }
0x92d: {  	[tilespmem:s4], [sflag:$0x5] =	stream.indirect_vreg.gather [hbm4b:s9+s3], $0x80, v5, vm0, $0xb8;
	[tilespmem:$0x1C400] =	vst v63  }
0x92e: {  	_ = 	snop  }
0x92f: {  	[tilespmem:s6], [sflag:$0x5] =	stream.indirect_vreg.gather [hbm4b:s1+s3], $0x80, v4, vm0, $0xb8;
	[tilespmem:$0x1C400] =	vst v63  }
0x930: {  	_ = 	snop  }
0x931: {  	[tilespmem:s10], [sflag:$0x5] =	stream.indirect_vreg.gather [hbm4b:s7+s3], $0x80, v4, vm0, $0xb8;
	[tilespmem:$0x1C400] =	vst v63  }
0x932: {  	_ = 	snop  }
0x933: {  	[tilespmem:s13], [sflag:$0x5] =	stream.indirect_vreg.gather [hbm4b:s8+s3], $0x80, v4, vm0, $0xb8;
	[tilespmem:$0x1C400] =	vst v63  }
0x934: {  	_ = 	snop  }
0x935: {  	[tilespmem:s14], [sflag:$0x5] =	stream.indirect_vreg.gather [hbm4b:s9+s3], $0x80, v4, vm0, $0xb8;
	[tilespmem:$0x1C400] =	vst v63  }
0x936: {  	_ =	swait.ge [sflag:s25], $0x8000  }
0x937: {  	s23 =	sld [smem:$0x7FD]  }
0x938: {  	[sflag:s25] =	ssyncset.done $0x0  }
.Ltmp79:
0x939: {  	[sflag:s25] =	ssyncadd.s32 $0xFFFF8000;
	(pc) =	sbr.rel .LBB2_117-.Ltmp79, $4  }
0x93a: {  	[hbm4b:s23+s3] =	stream.linear.scatter [tilespmem:s18], [sflag:$0x7], $0x8000, $0x38;
	[tilespmem:$0x1C400] =	vst v63  }
0x93b: {  	_ =	swait.ge [sflag:s24], $0x8000  }
0x93c: {  	[sflag:s24] =	ssyncset.done $0x0  }
0x93d: {  	[sflag:s24] =	ssyncadd.s32 $0xFFFF8000  }
.LBB2_115:
0x93e: {  	s23 =	sld [smem:$0x7FD];
	_ =	sdelay $0x1  }
0x93f: {  	s11 =	simm.s32 $0xC400  }
0x940: {  	[hbm4b:s23+s3] =	stream.linear.scatter [tilespmem:s11], [sflag:$0x4], $0x8000, $0x38;
	[tilespmem:$0x1C400] =	vst v63  }
.LBB2_117:
0x941: {  	p1 =	seq.s32 s26, $0x0;
	s23 =	simm.s32 $0x1  }
0x942: {  	s23 =	simm.s32 @!p1 $0x0;
	p1 =	seq.s32 s20, $0x0;
	s20 =	simm.s32 $0x1  }
0x943: {  	s15 =	sadd.s32 s23, s15;
	s20 =	simm.s32 @!p1 $0x0  }
0x944: {  	p1 =	seq.s32 s21, $0x0;
	s20 =	sadd.s32 s20, s15;
	s15 =	simm.s32 $0x1  }
0x945: {  	s15 =	simm.s32 @!p1 $0x0;
	p1 =	sne.s32 s20, $0x1  }
.Ltmp80:
0x946: {  	_ = 	snop;
	(pc) =	sbr.rel @!p1 .LBB2_119-.Ltmp80, $4  }
0x947: {  	_ = 	snop  }
0x948: {  	_ =	swait.ge [sflag:s16], $0x8000  }
0x949: {  	[sflag:s16] =	ssyncset.done $0x0  }
0x94a: {  	s11 =	sld [smem:$0x7F3];
	s15 =	sadd.s32 s15, s19;
	s19 =	sadd.s32 $0xFFFFFFFF, s20  }
.LBB2_118:
0x94b: {  	p1 =	sne.s32 s19, $0x1;
	s19 =	sadd.s32 $0xFFFFFFFF, s19;
	[sflag:s16] =	ssyncadd.s32 $0xFFFF8000  }
.Ltmp81:
0x94c: {  	(pc) =	sbr.rel @p1 .LBB2_118-.Ltmp81, $3  }
0x94d: {  	_ =	sdelay $0x1  }
0x94e: {  	_ =	swait.ge [sflag:s16], $0x8000  }
0x94f: {  	[sflag:s16] =	ssyncset.done $0x0  }
.LBB2_119:
0x950: {  	p1 =	seq.s32 s22, $0x0;
	s19 =	simm.s32 $0x1  }
0x951: {  	s19 =	simm.s32 @!p1 $0x0  }
0x952: {  	s15 =	sadd.s32 s19, s15  }
0x953: {  	p1 =	sne.s32 s15, $0x1  }
.Ltmp82:
0x954: {  	_ = 	snop;
	(pc) =	sbr.rel @!p1 .LBB2_121-.Ltmp82, $4  }
0x955: {  	_ = 	snop  }
0x956: {  	[sflag:s16] =	ssyncadd.s32 $0xFFFF8000  }
0x957: {  	s23 =	simm.s32 $0x4400;
	_ =	swait.ge [sflag:s17], $0x8000  }
0x958: {  	s26 =	simm.s32 $0x4C00;
	[sflag:s17] =	ssyncset.done $0x0;
	s15 =	sadd.s32 $0xFFFFFFFF, s15  }
.LBB2_120:
0x959: {  	p1 =	sne.s32 s15, $0x1;
	s15 =	sadd.s32 $0xFFFFFFFF, s15;
	[sflag:s17] =	ssyncadd.s32 $0xFFFF8000  }
.Ltmp83:
0x95a: {  	(pc) =	sbr.rel @p1 .LBB2_120-.Ltmp83, $3  }
0x95b: {  	_ =	sdelay $0x1  }
0x95c: {  	_ =	swait.ge [sflag:s17], $0x8000  }
0x95d: {  	[sflag:s17] =	ssyncset.done $0x0  }
.LBB2_121:
0x95e: {  	s11 =	sadd.s32 $0x1, s11;
	s15 =	rddreg [dreg:$0x13]  }
0x95f: {  	p1 =	sne.s32 s11, s15  }
.Ltmp84:
0x960: {  	_ = 	snop;
	(pc) =	sbr.rel @p1 .LBB2_1-.Ltmp84, $4  }
.Ltmp85:
0x961: {  	_ = 	snop;
	(pc) =	sbr.rel @!p1 .LBB2_122-.Ltmp85, $4  }
0x962: {  	_ = 	snop  }
0x963: {  	_ = 	snop  }
0x964: {  	[sflag:s17] =	ssyncadd.s32 $0xFFFF8000  }
0x965: {  	_ = 	snop  }
.LBB2_3:
.Ltmp86:
0x966: {  	(pc) =	sbr.rel .LBB2_6-.Ltmp86, $2  }
0x967: {  	_ =	sdelay $0x2  }
0x968: {  	_ = 	snop  }
.LBB2_11:
.Ltmp87:
0x969: {  	(pc) =	sbr.rel .LBB2_14-.Ltmp87, $2  }
0x96a: {  	_ =	sdelay $0x2  }
0x96b: {  	_ = 	snop  }
.LBB2_19:
.Ltmp88:
0x96c: {  	(pc) =	sbr.rel .LBB2_22-.Ltmp88, $2  }
0x96d: {  	_ =	sdelay $0x2  }
0x96e: {  	_ = 	snop  }
.LBB2_27:
.Ltmp89:
0x96f: {  	(pc) =	sbr.rel .LBB2_30-.Ltmp89, $2  }
0x970: {  	_ =	sdelay $0x2  }
0x971: {  	_ = 	snop  }
.LBB2_122:
0x972: {  	_ =	sfence.sel $0x180000  }
0x973: {  	[bflag:$0x0] =	sbarrier.arrive $0xFFFF  }
0x974: {  	_ =	strace $0x90000047  }
0x975: {  	s0 =	stileid.u32;
	[bflag:$0x2] =	sbarrier.arrive $0xFFFF  }
0x976: {  	p0 =	sne.s32 s0, $0x0;
	s0 =	rddreg [dreg:$0x3]  }
0x977: {  	s0 =	sadd.s32 @!p0 $0x100000, s0  }
0x978: {  	[sflag:s0] =	ssyncadd.tile.s32 @!p0 $0x1;
	_ =	shalt  }
.Lfunc_end2:
_tile_overlayer_lowered:
.L_overlay_start_2:
0x979: {  	(tag) =	ssettag $0x2  }
0x97a: {  	s0 =	rddreg [dreg:$0x0];
	s2 =	stileid.u32  }
0x97b: {  	s1 =	rddreg [dreg:$0x1];
	p0 =	sne.s32 s2, $0x0  }
0x97c: {  	s3 =	rddreg [dreg:$0x2];
	[bflag:$0x3] =	sbarrier.arrive $0xFFFF;
	s2 =	simm.s32 @!p0 $0x1C07  }
0x97d: {  	[timem:s3], [sflag:s2] =	dma.local @!p0 [hbm:s0], s1  }
0x97e: {  	s0 =	simm.s32 @!p0 $0x7  }
0x97f: {  	_ =	swait.ge @!p0 [sflag:s0], s1  }
0x980: {  	s1 =	ssub.s32 @!p0 $0x0, s1;
	[sflag:s0] =	ssyncset.done @!p0 $0x0  }
0x981: {  	[sflag:s0] =	ssyncadd.s32 @!p0 s1  }
0x982: {  	[bflag:$0x3] =	sbarrier.arrive $0xFFFF  }
0x983: {  	_ =	shalt  }

</sc_bundles>
